<compile_context>
chip_gen: v7x
topology: tpu7x:2x2x1
jax: 0.10.2.dev20260603
libtpu: 0.0.44.dev20260713+nightly
codegen_flags: <defaults>
</compile_context>

<pallas_src>
import functools

import jax
import jax.numpy as jnp
from jax import lax
from jax.experimental import pallas as pl
from jax.experimental.pallas import tpu as pltpu
from jax.experimental.pallas import tpu_sc as plsc

NC = 2
NS = 16
NW = NC * NS
CHUNK = 128
BN = 5000


def _sc_deg(dst4, n_nodes, e_pad):
    epw = e_pad // NW
    nch = epw // CHUNK
    depth = 8
    per_tile = ((n_nodes + 8 + NS * 128 - 1) // (NS * 128)) * 128
    acc_n = per_tile * NS
    mesh = plsc.VectorSubcoreMesh(core_axis_name="c", subcore_axis_name="s")

    @functools.partial(
        pl.kernel,
        mesh=mesh,
        out_type=jax.ShapeDtypeStruct((NC, 1, acc_n), jnp.float32),
        scratch_types=[
            pltpu.VMEM((nch, 1, CHUNK), jnp.int32),
            pltpu.VMEM((CHUNK,), jnp.float32),
            pltpu.VMEM((per_tile,), jnp.float32),
            pltpu.VMEM_SHARED((acc_n,), jnp.float32),
            pltpu.SemaphoreType.DMA,
        ],
    )
    def deg_kernel(dst_hbm, out_hbm, dsts, onesv, zb, acc, ssem):
        c = lax.axis_index("c")
        s = lax.axis_index("s")
        wid = s * NC + c
        pltpu.sync_copy(dst_hbm.at[wid], dsts)
        for k in range(CHUNK // 16):
            onesv[pl.ds(k * 16, 16)] = jnp.ones((16,), jnp.float32)

        def zfill(i, carry):
            zb[pl.ds(i * 16, 16)] = jnp.zeros((16,), jnp.float32)
            return carry

        lax.fori_loop(0, per_tile // 16, zfill, 0)
        pltpu.sync_copy(zb, acc.at[pl.ds(s * per_tile, per_tile)])
        plsc.subcore_barrier()

        for b in range(depth):
            pltpu.async_copy(onesv, acc.at[dsts.at[b, 0]], ssem, add=True)

        def body(j, carry):
            @pl.when(j + depth < nch)
            def _():
                pltpu.async_copy(onesv, acc.at[dsts.at[j + depth, 0]], ssem,
                                 add=True)

            pltpu.make_async_copy(onesv, acc.at[dsts.at[0, 0]], ssem).wait()
            return carry

        lax.fori_loop(0, nch, body, 0)
        plsc.subcore_barrier()
        pltpu.sync_copy(acc.at[pl.ds(s * per_tile, per_tile)],
                        out_hbm.at[c, 0, pl.ds(s * per_tile, per_tile)])

    return deg_kernel(dst4)


def _sc_agg(g, zeros_blk, src4, dst4, n_nodes, d, e_pad):
    epw = e_pad // NW
    nch = epw // CHUNK
    nblk = nch // 2
    rpt_a = ((n_nodes + NS - 1) // NS + 7) // 8 * 8
    rpt_l = n_nodes - (NS - 1) * rpt_a
    mesh = plsc.VectorSubcoreMesh(core_axis_name="c", subcore_axis_name="s")

    @functools.partial(
        pl.kernel,
        mesh=mesh,
        out_type=jax.ShapeDtypeStruct((NC, n_nodes, d), jnp.float32),
        scratch_types=[
            pltpu.VMEM((nblk, 1, CHUNK), jnp.int32),
            pltpu.VMEM((nblk, 1, CHUNK), jnp.int32),
            pltpu.VMEM((CHUNK, d), jnp.float32),
            pltpu.VMEM((CHUNK, d), jnp.float32),
            pltpu.VMEM_SHARED((n_nodes + 8, d), jnp.float32),
            pltpu.SemaphoreType.DMA,
            pltpu.SemaphoreType.DMA,
            pltpu.SemaphoreType.DMA,
        ],
    )
    def agg_kernel(g_hbm, z_hbm, src_hbm, dst_hbm, out_hbm,
                   srcs, dsts, rows0, rows1, acc, gsem0, gsem1, isem):
        c = lax.axis_index("c")
        s = lax.axis_index("s")
        wid = s * NC + c

        def init_spans(go):
            @pl.when(s < NS - 1)
            def _():
                go(z_hbm, acc.at[pl.ds(s * rpt_a, rpt_a)])

            @pl.when(s == NS - 1)
            def _():
                go(z_hbm.at[pl.ds(0, rpt_l)],
                   acc.at[pl.ds((NS - 1) * rpt_a, rpt_l)])

        init_spans(lambda a, b: pltpu.async_copy(a, b, isem))
        pltpu.sync_copy(src_hbm.at[wid, pl.ds(0, nblk)], srcs)
        pltpu.sync_copy(dst_hbm.at[wid, pl.ds(0, nblk)], dsts)
        pltpu.async_copy(g_hbm.at[srcs.at[0, 0]], rows0, gsem0)
        init_spans(lambda a, b: pltpu.make_async_copy(a, b, isem).wait())
        plsc.subcore_barrier()

        def inner(jj, carry2):
            j0 = 2 * jj
            j1 = j0 + 1
            pltpu.async_copy(g_hbm.at[srcs.at[j1, 0]], rows1, gsem1)
            pltpu.make_async_copy(g_hbm.at[pl.ds(0, CHUNK)], rows0,
                                  gsem0).wait()
            pltpu.sync_copy(rows0, acc.at[dsts.at[j0, 0]], add=True)

            @pl.when(j1 + 1 < nblk)
            def _():
                pltpu.async_copy(g_hbm.at[srcs.at[j1 + 1, 0]], rows0, gsem0)

            pltpu.make_async_copy(g_hbm.at[pl.ds(0, CHUNK)], rows1,
                                  gsem1).wait()
            pltpu.sync_copy(rows1, acc.at[dsts.at[j1, 0]], add=True)
            return carry2

        for k in range(nch // nblk):
            if k > 0:
                pltpu.sync_copy(src_hbm.at[wid, pl.ds(k * nblk, nblk)], srcs)
                pltpu.sync_copy(dst_hbm.at[wid, pl.ds(k * nblk, nblk)], dsts)
                pltpu.async_copy(g_hbm.at[srcs.at[0, 0]], rows0, gsem0)
            lax.fori_loop(0, nblk // 2, inner, 0)
        plsc.subcore_barrier()

        @pl.when(s < NS - 1)
        def _():
            pltpu.sync_copy(acc.at[pl.ds(s * rpt_a, rpt_a)],
                            out_hbm.at[c, pl.ds(s * rpt_a, rpt_a)])

        @pl.when(s == NS - 1)
        def _():
            pltpu.sync_copy(acc.at[pl.ds((NS - 1) * rpt_a, rpt_l)],
                            out_hbm.at[c, pl.ds((NS - 1) * rpt_a, rpt_l)])

    return agg_kernel(g, zeros_blk, src4, dst4)


def _tc_h0(x, w_in_t, b_in):
    n, d = x.shape

    def body(x_ref, wi_ref, bi_ref, h0_ref):
        h0_ref[...] = jnp.dot(x_ref[...], wi_ref[...],
                              preferred_element_type=jnp.float32) + bi_ref[...]

    return pl.pallas_call(
        body,
        grid=(n // BN,),
        in_specs=[
            pl.BlockSpec((BN, d), lambda i: (i, 0)),
            pl.BlockSpec((d, d), lambda i: (0, 0)),
            pl.BlockSpec((1, d), lambda i: (0, 0)),
        ],
        out_specs=pl.BlockSpec((BN, d), lambda i: (i, 0)),
        out_shape=jax.ShapeDtypeStruct((n, d), jnp.float32),
    )(x, w_in_t, b_in)


def _tc_g0(h0, w0_t, degp):
    n, d = h0.shape

    def body(h0_ref, w0_ref, dg_ref, dinv_ref, g0_ref):
        deg = dg_ref[0] + dg_ref[1] + 1.0
        dinv = lax.rsqrt(jnp.maximum(deg, 1e-12))
        dinv_ref[...] = dinv
        g0_ref[...] = jnp.dot(h0_ref[...], w0_ref[...],
                              preferred_element_type=jnp.float32) * dinv

    return pl.pallas_call(
        body,
        grid=(n // BN,),
        in_specs=[
            pl.BlockSpec((BN, d), lambda i: (i, 0)),
            pl.BlockSpec((d, d), lambda i: (0, 0)),
            pl.BlockSpec((2, BN, 1), lambda i: (0, i, 0)),
        ],
        out_specs=[
            pl.BlockSpec((BN, 1), lambda i: (i, 0)),
            pl.BlockSpec((BN, d), lambda i: (i, 0)),
        ],
        out_shape=[
            jax.ShapeDtypeStruct((n, 1), jnp.float32),
            jax.ShapeDtypeStruct((n, d), jnp.float32),
        ],
    )(h0, w0_t, degp)


def _tc_layer(p, g, dinv, b, h_prev, w_next_t):
    n, d = h_prev.shape

    def body(p_ref, g_ref, dinv_ref, b_ref, h_ref, wn_ref, hn_ref, gn_ref):
        dinv = dinv_ref[...]
        hn = jnp.tanh(dinv * (p_ref[0] + p_ref[1] + g_ref[...])
                      + b_ref[...]) + h_ref[...]
        hn_ref[...] = hn
        gn_ref[...] = jnp.dot(hn, wn_ref[...],
                              preferred_element_type=jnp.float32) * dinv

    return pl.pallas_call(
        body,
        grid=(n // BN,),
        in_specs=[
            pl.BlockSpec((2, BN, d), lambda i: (0, i, 0)),
            pl.BlockSpec((BN, d), lambda i: (i, 0)),
            pl.BlockSpec((BN, 1), lambda i: (i, 0)),
            pl.BlockSpec((1, d), lambda i: (0, 0)),
            pl.BlockSpec((BN, d), lambda i: (i, 0)),
            pl.BlockSpec((d, d), lambda i: (0, 0)),
        ],
        out_specs=[
            pl.BlockSpec((BN, d), lambda i: (i, 0)),
            pl.BlockSpec((BN, d), lambda i: (i, 0)),
        ],
        out_shape=[
            jax.ShapeDtypeStruct((n, d), jnp.float32),
            jax.ShapeDtypeStruct((n, d), jnp.float32),
        ],
    )(p, g, dinv, b, h_prev, w_next_t)


def _tc_final(p, g, dinv, b, h_prev, w_out_t, b_out):
    n, d = h_prev.shape

    def body(p_ref, g_ref, dinv_ref, b_ref, h_ref, wo_ref, bo_ref, o_ref):
        hn = (jnp.tanh(dinv_ref[...] * (p_ref[0] + p_ref[1] + g_ref[...])
                       + b_ref[...]) + h_ref[...])
        o = jnp.dot(hn, wo_ref[...],
                    preferred_element_type=jnp.float32) + bo_ref[...]
        sh = o - jnp.max(o, axis=1, keepdims=True)
        o_ref[...] = sh - jnp.log(jnp.sum(jnp.exp(sh), axis=1, keepdims=True))

    return pl.pallas_call(
        body,
        grid=(n // BN,),
        in_specs=[
            pl.BlockSpec((2, BN, d), lambda i: (0, i, 0)),
            pl.BlockSpec((BN, d), lambda i: (i, 0)),
            pl.BlockSpec((BN, 1), lambda i: (i, 0)),
            pl.BlockSpec((1, d), lambda i: (0, 0)),
            pl.BlockSpec((BN, d), lambda i: (i, 0)),
            pl.BlockSpec((d, d), lambda i: (0, 0)),
            pl.BlockSpec((1, d), lambda i: (0, 0)),
        ],
        out_specs=pl.BlockSpec((BN, d), lambda i: (i, 0)),
        out_shape=jax.ShapeDtypeStruct((n, d), jnp.float32),
    )(p, g, dinv, b, h_prev, w_out_t, b_out)


def kernel(x, edge_index, W_in, b_in, W_convs, b_convs, W_out, b_out):
    n, d = x.shape
    e = edge_index.shape[1]
    num_layers = W_convs.shape[0]

    src = edge_index[0]
    dst = edge_index[1]
    e_pad = ((e + NW * CHUNK * 2 - 1) // (NW * CHUNK * 2)) * (NW * CHUNK * 2)
    npad = e_pad - e
    pad_ids = jnp.arange(npad, dtype=jnp.int32)
    src_p = jnp.concatenate([src, pad_ids % 64])
    dst_p = jnp.concatenate([dst, n + (pad_ids % 8)])
    nch = e_pad // NW // CHUNK
    src4 = src_p.reshape(NW, nch, 1, CHUNK)
    dst4 = dst_p.reshape(NW, nch, 1, CHUNK)

    rpt_a = ((n + NS - 1) // NS + 7) // 8 * 8
    zeros_blk = jnp.zeros((rpt_a, d), jnp.float32)
    b_in2 = b_in.reshape(1, d)
    b_out2 = b_out.reshape(1, d)

    deg_raw = _sc_deg(dst4, n, e_pad)
    degp = deg_raw[:, 0, :n].reshape(2, n, 1)

    h = _tc_h0(x, W_in.T, b_in2)
    dinv, g = _tc_g0(h, W_convs[0].T, degp)
    for i in range(num_layers):
        p = _sc_agg(g, zeros_blk, src4, dst4, n, d, e_pad)
        b_i = b_convs[i].reshape(1, d)
        if i + 1 < num_layers:
            h, g = _tc_layer(p, g, dinv, b_i, h, W_convs[i + 1].T)
        else:
            return _tc_final(p, g, dinv, b_i, h, W_out.T, b_out2)

# --- scband reference (transcript-rebuilt; emitter-appended) ---
"""Pipeline reference for scband-my-res-gcn-27247272526304 (READ-ONLY COPY).

The authoritative reference and input builder live on the scoring server;
editing this copy changes nothing except your own understanding.
"""

import jax, jax.numpy as jnp
import numpy as np

N = 10000
E = 320000
D = 128
L = 4


def setup_inputs(seed: int = 0) -> dict:
    key = jax.random.key(seed)
    ks = jax.random.split(key, 9)
    x = jax.random.normal(ks[0], (N, D), dtype=jnp.float32)
    edge_index = jax.random.randint(ks[1], (2, E), 0, N, dtype=jnp.int32)
    s = 1.0 / np.sqrt(D)
    W_in = jax.random.uniform(ks[2], (D, D), jnp.float32, -s, s)
    b_in = jax.random.uniform(ks[3], (D,), jnp.float32, -s, s)
    W_convs = jax.random.uniform(ks[4], (L, D, D), jnp.float32, -s, s)
    b_convs = jax.random.uniform(ks[5], (L, D), jnp.float32, -s, s)
    W_out = jax.random.uniform(ks[6], (D, D), jnp.float32, -s, s)
    b_out = jax.random.uniform(ks[7], (D,), jnp.float32, -s, s)
    return {"x": x, "edge_index": edge_index, "W_in": W_in, "b_in": b_in,
            "W_convs": W_convs, "b_convs": b_convs, "W_out": W_out, "b_out": b_out}


def _gcn_layer(x, W, b, src2, dst2, norm):
    # GCNConv: linear transform, then symmetric-normalized aggregation with self-loops, then bias
    h = x @ W.T
    msg = h[src2] * norm[:, None]
    out = jax.ops.segment_sum(msg, dst2, num_segments=N)
    return out + b


def reference(x, edge_index, W_in, b_in, W_convs, b_convs, W_out, b_out):
    src = edge_index[0]
    dst = edge_index[1]
    loop = jnp.arange(N, dtype=src.dtype)
    src2 = jnp.concatenate([src, loop])
    dst2 = jnp.concatenate([dst, loop])
    deg = jax.ops.segment_sum(jnp.ones_like(dst2, jnp.float32), dst2, num_segments=N)
    dinv = jax.lax.rsqrt(jnp.maximum(deg, 1e-12))
    norm = dinv[src2] * dinv[dst2]

    h = x @ W_in.T + b_in
    last = h
    for i in range(L):
        h = _gcn_layer(h, W_convs[i], b_convs[i], src2, dst2, norm)
        h = jnp.tanh(h)
        # dropout p=0.0 / eval mode -> identity
        h = h + last
        last = h
    out = h @ W_out.T + b_out
    return jax.nn.log_softmax(out, axis=1)

if __name__ == "__main__":
    import jax
    _d = setup_inputs()
    print(jax.jit(kernel)(*tuple(_d.values())))

</pallas_src>

<mosaic_0001>
#map = affine_map<(d0, d1) -> (0, 0, 0, 0)>
#map1 = affine_map<(d0, d1) -> (0, 0, 0)>
module attributes {stable_mosaic.version = 14 : i64} {
  func.func @deg_kernel(%arg0: i32, %arg1: i32, %arg2: memref<32x80x1x128xi32, #tpu.memory_space<hbm>>, %arg3: memref<2x1x10240xf32, #tpu.memory_space<hbm>>, %arg4: memref<80x1x128xi32, #tpu.memory_space<vmem>>, %arg5: memref<128xf32, #tpu.memory_space<vmem>>, %arg6: memref<640xf32, #tpu.memory_space<vmem>>, %arg7: memref<10240xf32, #tpu.memory_space<vmem_shared>>, %arg8: memref<!tpu.dma_semaphore, #tpu.memory_space<semaphore_mem>>) attributes {dimension_semantics = [#tpu.dimension_semantics<core_parallel>, #tpu.dimension_semantics<subcore_parallel>], iteration_bounds = array<i64: 2, 16>, scalar_prefetch = 0 : i64, scratch_operands = 5 : i64, tpu.core_type = #tpu.core_type<sc_vector_subcore>, window_params = [{transform_indices = #map}, {transform_indices = #map1}]} {
    %mul3A = arith.constant 2 : i32
    %mul3A_0 = arith.muli %arg1, %mul3A : i32
    %add3A = arith.addi %mul3A_0, %arg0 : i32
    "tpu.region"() ({
      %run_scoped3A_120 = tpu.sem_alloc : memref<!tpu.dma_semaphore, #tpu.memory_space<semaphore_mem>>
      %dma_start3A_121 = arith.constant 0 : i32
      %dma_start3A_122 = arith.constant 0 : i32
      %dma_start3A_123 = arith.constant 0 : i32
      %dma_start3A_124 = tpu.memref_slice %arg2[%add3A, %dma_start3A_121, %dma_start3A_122, %dma_start3A_123] : memref<32x80x1x128xi32, #tpu.memory_space<hbm>> -> memref<1x80x1x128xi32, #tpu.memory_space<hbm>>
      %dma_start3A_125 = tpu.memref_squeeze %dma_start3A_124 : memref<1x80x1x128xi32, #tpu.memory_space<hbm>> -> memref<80x1x128xi32, #tpu.memory_space<hbm>>
      %dma_start3A_126 = arith.constant 0 : i32
      %dma_start3A_127 = arith.constant 0 : i32
      %dma_start3A_128 = arith.constant 0 : i32
      %dma_start3A_129 = tpu.memref_slice %arg2[%add3A, %dma_start3A_126, %dma_start3A_127, %dma_start3A_128] : memref<32x80x1x128xi32, #tpu.memory_space<hbm>> -> memref<1x80x1x128xi32, #tpu.memory_space<hbm>>
      %dma_start3A_130 = tpu.memref_squeeze %dma_start3A_129 : memref<1x80x1x128xi32, #tpu.memory_space<hbm>> -> memref<80x1x128xi32, #tpu.memory_space<hbm>>
      tpu.enqueue_dma source(%dma_start3A_130 : memref<80x1x128xi32, #tpu.memory_space<hbm>>) target(%arg4 : memref<80x1x128xi32, #tpu.memory_space<vmem>>) target_semaphore(%run_scoped3A_120 : memref<!tpu.dma_semaphore, #tpu.memory_space<semaphore_mem>>)
      %dma_wait3A = arith.constant 0 : i32
      %dma_wait3A_131 = arith.constant 0 : i32
      %dma_wait3A_132 = arith.constant 0 : i32
      %dma_wait3A_133 = tpu.memref_slice %arg2[%add3A, %dma_wait3A, %dma_wait3A_131, %dma_wait3A_132] : memref<32x80x1x128xi32, #tpu.memory_space<hbm>> -> memref<1x80x1x128xi32, #tpu.memory_space<hbm>>
      %dma_wait3A_134 = tpu.memref_squeeze %dma_wait3A_133 : memref<1x80x1x128xi32, #tpu.memory_space<hbm>> -> memref<80x1x128xi32, #tpu.memory_space<hbm>>
      %dma_wait3A_135 = arith.constant 0 : i32
      %dma_wait3A_136 = arith.constant 0 : i32
      %dma_wait3A_137 = arith.constant 0 : i32
      %dma_wait3A_138 = tpu.memref_slice %arg2[%add3A, %dma_wait3A_135, %dma_wait3A_136, %dma_wait3A_137] : memref<32x80x1x128xi32, #tpu.memory_space<hbm>> -> memref<1x80x1x128xi32, #tpu.memory_space<hbm>>
      %dma_wait3A_139 = tpu.memref_squeeze %dma_wait3A_138 : memref<1x80x1x128xi32, #tpu.memory_space<hbm>> -> memref<80x1x128xi32, #tpu.memory_space<hbm>>
      tpu.wait_dma2 semaphore(%run_scoped3A_120 : memref<!tpu.dma_semaphore, #tpu.memory_space<semaphore_mem>>) src(%dma_wait3A_139 : memref<80x1x128xi32, #tpu.memory_space<hbm>>) dst(%arg4 : memref<80x1x128xi32, #tpu.memory_space<vmem>>)
      tpu.yield
    }) : () -> ()
    %broadcast_in_dim3A = arith.constant 1.000000e+00 : f32
    %broadcast_in_dim3A_1 = vector.broadcast %broadcast_in_dim3A : f32 to vector<16xf32>
    %swap3A = arith.constant 0 : index
    %swap3A_2 = tpu.vector_load %arg5[%swap3A] {strides = array<i32>} : memref<128xf32, #tpu.memory_space<vmem>>, vector<16xf32>,
    %swap3A_3 = vector.shape_cast %swap3A_2 : vector<16xf32> to vector<16xf32>
    %swap3A_4 = vector.shape_cast %broadcast_in_dim3A_1 : vector<16xf32> to vector<16xf32>
    tpu.vector_store %arg5[%swap3A], %swap3A_4 {strides = array<i32>} : memref<128xf32, #tpu.memory_space<vmem>>, vector<16xf32>,
    %broadcast_in_dim3A_5 = arith.constant 1.000000e+00 : f32
    %broadcast_in_dim3A_6 = vector.broadcast %broadcast_in_dim3A_5 : f32 to vector<16xf32>
    %swap3A_7 = arith.constant 16 : index
    %swap3A_8 = tpu.vector_load %arg5[%swap3A_7] {strides = array<i32>} : memref<128xf32, #tpu.memory_space<vmem>>, vector<16xf32>,
    %swap3A_9 = vector.shape_cast %swap3A_8 : vector<16xf32> to vector<16xf32>
    %swap3A_10 = vector.shape_cast %broadcast_in_dim3A_6 : vector<16xf32> to vector<16xf32>
    tpu.vector_store %arg5[%swap3A_7], %swap3A_10 {strides = array<i32>} : memref<128xf32, #tpu.memory_space<vmem>>, vector<16xf32>,
    %broadcast_in_dim3A_11 = arith.constant 1.000000e+00 : f32
    %broadcast_in_dim3A_12 = vector.broadcast %broadcast_in_dim3A_11 : f32 to vector<16xf32>
    %swap3A_13 = arith.constant 32 : index
    %swap3A_14 = tpu.vector_load %arg5[%swap3A_13] {strides = array<i32>} : memref<128xf32, #tpu.memory_space<vmem>>, vector<16xf32>,
    %swap3A_15 = vector.shape_cast %swap3A_14 : vector<16xf32> to vector<16xf32>
    %swap3A_16 = vector.shape_cast %broadcast_in_dim3A_12 : vector<16xf32> to vector<16xf32>
    tpu.vector_store %arg5[%swap3A_13], %swap3A_16 {strides = array<i32>} : memref<128xf32, #tpu.memory_space<vmem>>, vector<16xf32>,
    %broadcast_in_dim3A_17 = arith.constant 1.000000e+00 : f32
    %broadcast_in_dim3A_18 = vector.broadcast %broadcast_in_dim3A_17 : f32 to vector<16xf32>
    %swap3A_19 = arith.constant 48 : index
    %swap3A_20 = tpu.vector_load %arg5[%swap3A_19] {strides = array<i32>} : memref<128xf32, #tpu.memory_space<vmem>>, vector<16xf32>,
    %swap3A_21 = vector.shape_cast %swap3A_20 : vector<16xf32> to vector<16xf32>
    %swap3A_22 = vector.shape_cast %broadcast_in_dim3A_18 : vector<16xf32> to vector<16xf32>
    tpu.vector_store %arg5[%swap3A_19], %swap3A_22 {strides = array<i32>} : memref<128xf32, #tpu.memory_space<vmem>>, vector<16xf32>,
    %broadcast_in_dim3A_23 = arith.constant 1.000000e+00 : f32
    %broadcast_in_dim3A_24 = vector.broadcast %broadcast_in_dim3A_23 : f32 to vector<16xf32>
    %swap3A_25 = arith.constant 64 : index
    %swap3A_26 = tpu.vector_load %arg5[%swap3A_25] {strides = array<i32>} : memref<128xf32, #tpu.memory_space<vmem>>, vector<16xf32>,
    %swap3A_27 = vector.shape_cast %swap3A_26 : vector<16xf32> to vector<16xf32>
    %swap3A_28 = vector.shape_cast %broadcast_in_dim3A_24 : vector<16xf32> to vector<16xf32>
    tpu.vector_store %arg5[%swap3A_25], %swap3A_28 {strides = array<i32>} : memref<128xf32, #tpu.memory_space<vmem>>, vector<16xf32>,
    %broadcast_in_dim3A_29 = arith.constant 1.000000e+00 : f32
    %broadcast_in_dim3A_30 = vector.broadcast %broadcast_in_dim3A_29 : f32 to vector<16xf32>
    %swap3A_31 = arith.constant 80 : index
    %swap3A_32 = tpu.vector_load %arg5[%swap3A_31] {strides = array<i32>} : memref<128xf32, #tpu.memory_space<vmem>>, vector<16xf32>,
    %swap3A_33 = vector.shape_cast %swap3A_32 : vector<16xf32> to vector<16xf32>
    %swap3A_34 = vector.shape_cast %broadcast_in_dim3A_30 : vector<16xf32> to vector<16xf32>
    tpu.vector_store %arg5[%swap3A_31], %swap3A_34 {strides = array<i32>} : memref<128xf32, #tpu.memory_space<vmem>>, vector<16xf32>,
    %broadcast_in_dim3A_35 = arith.constant 1.000000e+00 : f32
    %broadcast_in_dim3A_36 = vector.broadcast %broadcast_in_dim3A_35 : f32 to vector<16xf32>
    %swap3A_37 = arith.constant 96 : index
    %swap3A_38 = tpu.vector_load %arg5[%swap3A_37] {strides = array<i32>} : memref<128xf32, #tpu.memory_space<vmem>>, vector<16xf32>,
    %swap3A_39 = vector.shape_cast %swap3A_38 : vector<16xf32> to vector<16xf32>
    %swap3A_40 = vector.shape_cast %broadcast_in_dim3A_36 : vector<16xf32> to vector<16xf32>
    tpu.vector_store %arg5[%swap3A_37], %swap3A_40 {strides = array<i32>} : memref<128xf32, #tpu.memory_space<vmem>>, vector<16xf32>,
    %broadcast_in_dim3A_41 = arith.constant 1.000000e+00 : f32
    %broadcast_in_dim3A_42 = vector.broadcast %broadcast_in_dim3A_41 : f32 to vector<16xf32>
    %swap3A_43 = arith.constant 112 : index
    %swap3A_44 = tpu.vector_load %arg5[%swap3A_43] {strides = array<i32>} : memref<128xf32, #tpu.memory_space<vmem>>, vector<16xf32>,
    %swap3A_45 = vector.shape_cast %swap3A_44 : vector<16xf32> to vector<16xf32>
    %swap3A_46 = vector.shape_cast %broadcast_in_dim3A_42 : vector<16xf32> to vector<16xf32>
    tpu.vector_store %arg5[%swap3A_43], %swap3A_46 {strides = array<i32>} : memref<128xf32, #tpu.memory_space<vmem>>, vector<16xf32>,
    %scan3A = arith.constant 0 : i32
    %scan3A_47 = arith.constant 0 : i32
    %scan3A_48 = arith.constant 40 : i32
    %scan3A_49 = arith.addi %scan3A_47, %scan3A_48 : i32
    %scan3A_50 = arith.constant 1 : i32
    scf.for %scan3A_120 = %scan3A_47 to %scan3A_49 step %scan3A_50  : i32 {
      %broadcast_in_dim3A_121 = arith.constant 0.000000e+00 : f32
      %broadcast_in_dim3A_122 = vector.broadcast %broadcast_in_dim3A_121 : f32 to vector<16xf32>
      %mul3A_123 = arith.constant 16 : i32
      %mul3A_124 = arith.muli %scan3A_120, %mul3A_123 : i32
      %swap3A_125 = arith.index_cast %mul3A_124 : i32 to index
      %swap3A_126 = tpu.vector_load %arg6[%swap3A_125] {strides = array<i32>} : memref<640xf32, #tpu.memory_space<vmem>>, vector<16xf32>,
      %swap3A_127 = vector.shape_cast %swap3A_126 : vector<16xf32> to vector<16xf32>
      %swap3A_128 = vector.shape_cast %broadcast_in_dim3A_122 : vector<16xf32> to vector<16xf32>
      tpu.vector_store %arg6[%swap3A_125], %swap3A_128 {strides = array<i32>} : memref<640xf32, #tpu.memory_space<vmem>>, vector<16xf32>,
    }
    %scan3A_51 = arith.constant 40 : i32
    %mul3A_52 = arith.constant 640 : i32
    %mul3A_53 = arith.muli %arg1, %mul3A_52 : i32
    "tpu.region"() ({
      %run_scoped3A_120 = tpu.sem_alloc : memref<!tpu.dma_semaphore, #tpu.memory_space<semaphore_mem>>
      %dma_start3A_121 = tpu.memref_slice %arg7[%mul3A_53] : memref<10240xf32, #tpu.memory_space<vmem_shared>> -> memref<640xf32, #tpu.memory_space<vmem_shared>>
      %dma_start3A_122 = tpu.memref_slice %arg7[%mul3A_53] : memref<10240xf32, #tpu.memory_space<vmem_shared>> -> memref<640xf32, #tpu.memory_space<vmem_shared>>
      tpu.enqueue_dma source(%arg6 : memref<640xf32, #tpu.memory_space<vmem>>) target(%dma_start3A_122 : memref<640xf32, #tpu.memory_space<vmem_shared>>) target_semaphore(%run_scoped3A_120 : memref<!tpu.dma_semaphore, #tpu.memory_space<semaphore_mem>>)
      %dma_wait3A = tpu.memref_slice %arg7[%mul3A_53] : memref<10240xf32, #tpu.memory_space<vmem_shared>> -> memref<640xf32, #tpu.memory_space<vmem_shared>>
      %dma_wait3A_123 = tpu.memref_slice %arg7[%mul3A_53] : memref<10240xf32, #tpu.memory_space<vmem_shared>> -> memref<640xf32, #tpu.memory_space<vmem_shared>>
      tpu.wait_dma2 semaphore(%run_scoped3A_120 : memref<!tpu.dma_semaphore, #tpu.memory_space<semaphore_mem>>) src(%arg6 : memref<640xf32, #tpu.memory_space<vmem>>) dst(%dma_wait3A_123 : memref<640xf32, #tpu.memory_space<vmem_shared>>)
      tpu.yield
    }) : () -> ()
    %barrier3A = arith.constant 0 : index
    tpu.barrier barrier_id(%barrier3A)
    %dma_start3A = arith.constant 0 : i32
    %dma_start3A_54 = arith.constant 0 : i32
    %dma_start3A_55 = arith.constant 0 : i32
    %dma_start3A_56 = tpu.memref_slice %arg4[%dma_start3A, %dma_start3A_54, %dma_start3A_55] : memref<80x1x128xi32, #tpu.memory_space<vmem>> -> memref<1x1x128xi32, #tpu.memory_space<vmem>>
    %dma_start3A_57 = tpu.memref_squeeze %dma_start3A_56 : memref<1x1x128xi32, #tpu.memory_space<vmem>> -> memref<128xi32, #tpu.memory_space<vmem>>
    %dma_start3A_58 = arith.constant 0 : i32
    %dma_start3A_59 = tpu.memref_slice %arg7[%dma_start3A_58] : memref<10240xf32, #tpu.memory_space<vmem_shared>> -> memref<10240xf32, #tpu.memory_space<vmem_shared>>
    tpu.enqueue_indirect_dma source(%arg5 : memref<128xf32, #tpu.memory_space<vmem>>) target(%dma_start3A_59 : memref<10240xf32, #tpu.memory_space<vmem_shared>>) offsets(%dma_start3A_57 : memref<128xi32, #tpu.memory_space<vmem>>) semaphore(%arg8 : memref<!tpu.dma_semaphore, #tpu.memory_space<semaphore_mem>>) {add = true}
    %dma_start3A_60 = arith.constant 1 : i32
    %dma_start3A_61 = arith.constant 0 : i32
    %dma_start3A_62 = arith.constant 0 : i32
    %dma_start3A_63 = tpu.memref_slice %arg4[%dma_start3A_60, %dma_start3A_61, %dma_start3A_62] : memref<80x1x128xi32, #tpu.memory_space<vmem>> -> memref<1x1x128xi32, #tpu.memory_space<vmem>>
    %dma_start3A_64 = tpu.memref_squeeze %dma_start3A_63 : memref<1x1x128xi32, #tpu.memory_space<vmem>> -> memref<128xi32, #tpu.memory_space<vmem>>
    %dma_start3A_65 = arith.constant 0 : i32
    %dma_start3A_66 = tpu.memref_slice %arg7[%dma_start3A_65] : memref<10240xf32, #tpu.memory_space<vmem_shared>> -> memref<10240xf32, #tpu.memory_space<vmem_shared>>
    tpu.enqueue_indirect_dma source(%arg5 : memref<128xf32, #tpu.memory_space<vmem>>) target(%dma_start3A_66 : memref<10240xf32, #tpu.memory_space<vmem_shared>>) offsets(%dma_start3A_64 : memref<128xi32, #tpu.memory_space<vmem>>) semaphore(%arg8 : memref<!tpu.dma_semaphore, #tpu.memory_space<semaphore_mem>>) {add = true}
    %dma_start3A_67 = arith.constant 2 : i32
    %dma_start3A_68 = arith.constant 0 : i32
    %dma_start3A_69 = arith.constant 0 : i32
    %dma_start3A_70 = tpu.memref_slice %arg4[%dma_start3A_67, %dma_start3A_68, %dma_start3A_69] : memref<80x1x128xi32, #tpu.memory_space<vmem>> -> memref<1x1x128xi32, #tpu.memory_space<vmem>>
    %dma_start3A_71 = tpu.memref_squeeze %dma_start3A_70 : memref<1x1x128xi32, #tpu.memory_space<vmem>> -> memref<128xi32, #tpu.memory_space<vmem>>
    %dma_start3A_72 = arith.constant 0 : i32
    %dma_start3A_73 = tpu.memref_slice %arg7[%dma_start3A_72] : memref<10240xf32, #tpu.memory_space<vmem_shared>> -> memref<10240xf32, #tpu.memory_space<vmem_shared>>
    tpu.enqueue_indirect_dma source(%arg5 : memref<128xf32, #tpu.memory_space<vmem>>) target(%dma_start3A_73 : memref<10240xf32, #tpu.memory_space<vmem_shared>>) offsets(%dma_start3A_71 : memref<128xi32, #tpu.memory_space<vmem>>) semaphore(%arg8 : memref<!tpu.dma_semaphore, #tpu.memory_space<semaphore_mem>>) {add = true}
    %dma_start3A_74 = arith.constant 3 : i32
    %dma_start3A_75 = arith.constant 0 : i32
    %dma_start3A_76 = arith.constant 0 : i32
    %dma_start3A_77 = tpu.memref_slice %arg4[%dma_start3A_74, %dma_start3A_75, %dma_start3A_76] : memref<80x1x128xi32, #tpu.memory_space<vmem>> -> memref<1x1x128xi32, #tpu.memory_space<vmem>>
    %dma_start3A_78 = tpu.memref_squeeze %dma_start3A_77 : memref<1x1x128xi32, #tpu.memory_space<vmem>> -> memref<128xi32, #tpu.memory_space<vmem>>
    %dma_start3A_79 = arith.constant 0 : i32
    %dma_start3A_80 = tpu.memref_slice %arg7[%dma_start3A_79] : memref<10240xf32, #tpu.memory_space<vmem_shared>> -> memref<10240xf32, #tpu.memory_space<vmem_shared>>
    tpu.enqueue_indirect_dma source(%arg5 : memref<128xf32, #tpu.memory_space<vmem>>) target(%dma_start3A_80 : memref<10240xf32, #tpu.memory_space<vmem_shared>>) offsets(%dma_start3A_78 : memref<128xi32, #tpu.memory_space<vmem>>) semaphore(%arg8 : memref<!tpu.dma_semaphore, #tpu.memory_space<semaphore_mem>>) {add = true}
    %dma_start3A_81 = arith.constant 4 : i32
    %dma_start3A_82 = arith.constant 0 : i32
    %dma_start3A_83 = arith.constant 0 : i32
    %dma_start3A_84 = tpu.memref_slice %arg4[%dma_start3A_81, %dma_start3A_82, %dma_start3A_83] : memref<80x1x128xi32, #tpu.memory_space<vmem>> -> memref<1x1x128xi32, #tpu.memory_space<vmem>>
    %dma_start3A_85 = tpu.memref_squeeze %dma_start3A_84 : memref<1x1x128xi32, #tpu.memory_space<vmem>> -> memref<128xi32, #tpu.memory_space<vmem>>
    %dma_start3A_86 = arith.constant 0 : i32
    %dma_start3A_87 = tpu.memref_slice %arg7[%dma_start3A_86] : memref<10240xf32, #tpu.memory_space<vmem_shared>> -> memref<10240xf32, #tpu.memory_space<vmem_shared>>
    tpu.enqueue_indirect_dma source(%arg5 : memref<128xf32, #tpu.memory_space<vmem>>) target(%dma_start3A_87 : memref<10240xf32, #tpu.memory_space<vmem_shared>>) offsets(%dma_start3A_85 : memref<128xi32, #tpu.memory_space<vmem>>) semaphore(%arg8 : memref<!tpu.dma_semaphore, #tpu.memory_space<semaphore_mem>>) {add = true}
    %dma_start3A_88 = arith.constant 5 : i32
    %dma_start3A_89 = arith.constant 0 : i32
    %dma_start3A_90 = arith.constant 0 : i32
    %dma_start3A_91 = tpu.memref_slice %arg4[%dma_start3A_88, %dma_start3A_89, %dma_start3A_90] : memref<80x1x128xi32, #tpu.memory_space<vmem>> -> memref<1x1x128xi32, #tpu.memory_space<vmem>>
    %dma_start3A_92 = tpu.memref_squeeze %dma_start3A_91 : memref<1x1x128xi32, #tpu.memory_space<vmem>> -> memref<128xi32, #tpu.memory_space<vmem>>
    %dma_start3A_93 = arith.constant 0 : i32
    %dma_start3A_94 = tpu.memref_slice %arg7[%dma_start3A_93] : memref<10240xf32, #tpu.memory_space<vmem_shared>> -> memref<10240xf32, #tpu.memory_space<vmem_shared>>
    tpu.enqueue_indirect_dma source(%arg5 : memref<128xf32, #tpu.memory_space<vmem>>) target(%dma_start3A_94 : memref<10240xf32, #tpu.memory_space<vmem_shared>>) offsets(%dma_start3A_92 : memref<128xi32, #tpu.memory_space<vmem>>) semaphore(%arg8 : memref<!tpu.dma_semaphore, #tpu.memory_space<semaphore_mem>>) {add = true}
    %dma_start3A_95 = arith.constant 6 : i32
    %dma_start3A_96 = arith.constant 0 : i32
    %dma_start3A_97 = arith.constant 0 : i32
    %dma_start3A_98 = tpu.memref_slice %arg4[%dma_start3A_95, %dma_start3A_96, %dma_start3A_97] : memref<80x1x128xi32, #tpu.memory_space<vmem>> -> memref<1x1x128xi32, #tpu.memory_space<vmem>>
    %dma_start3A_99 = tpu.memref_squeeze %dma_start3A_98 : memref<1x1x128xi32, #tpu.memory_space<vmem>> -> memref<128xi32, #tpu.memory_space<vmem>>
    %dma_start3A_100 = arith.constant 0 : i32
    %dma_start3A_101 = tpu.memref_slice %arg7[%dma_start3A_100] : memref<10240xf32, #tpu.memory_space<vmem_shared>> -> memref<10240xf32, #tpu.memory_space<vmem_shared>>
    tpu.enqueue_indirect_dma source(%arg5 : memref<128xf32, #tpu.memory_space<vmem>>) target(%dma_start3A_101 : memref<10240xf32, #tpu.memory_space<vmem_shared>>) offsets(%dma_start3A_99 : memref<128xi32, #tpu.memory_space<vmem>>) semaphore(%arg8 : memref<!tpu.dma_semaphore, #tpu.memory_space<semaphore_mem>>) {add = true}
    %dma_start3A_102 = arith.constant 7 : i32
    %dma_start3A_103 = arith.constant 0 : i32
    %dma_start3A_104 = arith.constant 0 : i32
    %dma_start3A_105 = tpu.memref_slice %arg4[%dma_start3A_102, %dma_start3A_103, %dma_start3A_104] : memref<80x1x128xi32, #tpu.memory_space<vmem>> -> memref<1x1x128xi32, #tpu.memory_space<vmem>>
    %dma_start3A_106 = tpu.memref_squeeze %dma_start3A_105 : memref<1x1x128xi32, #tpu.memory_space<vmem>> -> memref<128xi32, #tpu.memory_space<vmem>>
    %dma_start3A_107 = arith.constant 0 : i32
    %dma_start3A_108 = tpu.memref_slice %arg7[%dma_start3A_107] : memref<10240xf32, #tpu.memory_space<vmem_shared>> -> memref<10240xf32, #tpu.memory_space<vmem_shared>>
    tpu.enqueue_indirect_dma source(%arg5 : memref<128xf32, #tpu.memory_space<vmem>>) target(%dma_start3A_108 : memref<10240xf32, #tpu.memory_space<vmem_shared>>) offsets(%dma_start3A_106 : memref<128xi32, #tpu.memory_space<vmem>>) semaphore(%arg8 : memref<!tpu.dma_semaphore, #tpu.memory_space<semaphore_mem>>) {add = true}
    %scan3A_109 = arith.constant 0 : i32
    %scan3A_110 = arith.constant 0 : i32
    %scan3A_111 = arith.constant 80 : i32
    %scan3A_112 = arith.addi %scan3A_110, %scan3A_111 : i32
    %scan3A_113 = arith.constant 1 : i32
    scf.for %scan3A_120 = %scan3A_110 to %scan3A_112 step %scan3A_113  : i32 {
      %add3A_121 = arith.constant 8 : i32
      %add3A_122 = arith.addi %scan3A_120, %add3A_121 : i32
      %lt3A = arith.constant 80 : i32
      %lt3A_123 = arith.cmpi slt, %add3A_122, %lt3A : i32
      %convert_element_type3A = arith.extui %lt3A_123 : i1 to i32
      %cond3A = arith.constant 0 : i32
      %cond3A_124 = arith.cmpi ne, %convert_element_type3A, %cond3A : i32
      scf.if %cond3A_124 {
        %add3A_131 = arith.constant 8 : i32
        %add3A_132 = arith.addi %scan3A_120, %add3A_131 : i32
        %dma_start3A_133 = arith.constant 0 : i32
        %dma_start3A_134 = arith.constant 0 : i32
        %dma_start3A_135 = tpu.memref_slice %arg4[%add3A_132, %dma_start3A_133, %dma_start3A_134] : memref<80x1x128xi32, #tpu.memory_space<vmem>> -> memref<1x1x128xi32, #tpu.memory_space<vmem>>
        %dma_start3A_136 = tpu.memref_squeeze %dma_start3A_135 : memref<1x1x128xi32, #tpu.memory_space<vmem>> -> memref<128xi32, #tpu.memory_space<vmem>>
        %dma_start3A_137 = arith.constant 0 : i32
        %dma_start3A_138 = tpu.memref_slice %arg7[%dma_start3A_137] : memref<10240xf32, #tpu.memory_space<vmem_shared>> -> memref<10240xf32, #tpu.memory_space<vmem_shared>>
        tpu.enqueue_indirect_dma source(%arg5 : memref<128xf32, #tpu.memory_space<vmem>>) target(%dma_start3A_138 : memref<10240xf32, #tpu.memory_space<vmem_shared>>) offsets(%dma_start3A_136 : memref<128xi32, #tpu.memory_space<vmem>>) semaphore(%arg8 : memref<!tpu.dma_semaphore, #tpu.memory_space<semaphore_mem>>) {add = true}
      } else {
      }
      %dma_wait3A = arith.constant 0 : i32
      %dma_wait3A_125 = arith.constant 0 : i32
      %dma_wait3A_126 = arith.constant 0 : i32
      %dma_wait3A_127 = tpu.memref_slice %arg4[%dma_wait3A, %dma_wait3A_125, %dma_wait3A_126] : memref<80x1x128xi32, #tpu.memory_space<vmem>> -> memref<1x1x128xi32, #tpu.memory_space<vmem>>
      %dma_wait3A_128 = tpu.memref_squeeze %dma_wait3A_127 : memref<1x1x128xi32, #tpu.memory_space<vmem>> -> memref<128xi32, #tpu.memory_space<vmem>>
      %dma_wait3A_129 = arith.constant 0 : i32
      %dma_wait3A_130 = tpu.memref_slice %arg7[%dma_wait3A_129] : memref<10240xf32, #tpu.memory_space<vmem_shared>> -> memref<10240xf32, #tpu.memory_space<vmem_shared>>
      tpu.wait_indirect_dma semaphore(%arg8 : memref<!tpu.dma_semaphore, #tpu.memory_space<semaphore_mem>>) src(%arg5 : memref<128xf32, #tpu.memory_space<vmem>>) dst(%dma_wait3A_130 : memref<10240xf32, #tpu.memory_space<vmem_shared>>)
    }
    %scan3A_114 = arith.constant 80 : i32
    %barrier3A_115 = arith.constant 0 : index
    tpu.barrier barrier_id(%barrier3A_115)
    %mul3A_116 = arith.constant 640 : i32
    %mul3A_117 = arith.muli %arg1, %mul3A_116 : i32
    %mul3A_118 = arith.constant 640 : i32
    %mul3A_119 = arith.muli %arg1, %mul3A_118 : i32
    %run_scoped3A = arith.constant 0 : i32
    "tpu.region"() ({
      %run_scoped3A_120 = tpu.sem_alloc : memref<!tpu.dma_semaphore, #tpu.memory_space<semaphore_mem>>
      %dma_start3A_121 = tpu.memref_slice %arg3[%arg0, %run_scoped3A, %mul3A_119] : memref<2x1x10240xf32, #tpu.memory_space<hbm>> -> memref<1x1x640xf32, #tpu.memory_space<hbm>>
      %dma_start3A_122 = tpu.memref_squeeze %dma_start3A_121 : memref<1x1x640xf32, #tpu.memory_space<hbm>> -> memref<640xf32, #tpu.memory_space<hbm>>
      %dma_start3A_123 = tpu.memref_slice %arg7[%mul3A_117] : memref<10240xf32, #tpu.memory_space<vmem_shared>> -> memref<640xf32, #tpu.memory_space<vmem_shared>>
      tpu.enqueue_dma source(%dma_start3A_123 : memref<640xf32, #tpu.memory_space<vmem_shared>>) target(%dma_start3A_122 : memref<640xf32, #tpu.memory_space<hbm>>) target_semaphore(%run_scoped3A_120 : memref<!tpu.dma_semaphore, #tpu.memory_space<semaphore_mem>>)
      %dma_wait3A = tpu.memref_slice %arg3[%arg0, %run_scoped3A, %mul3A_119] : memref<2x1x10240xf32, #tpu.memory_space<hbm>> -> memref<1x1x640xf32, #tpu.memory_space<hbm>>
      %dma_wait3A_124 = tpu.memref_squeeze %dma_wait3A : memref<1x1x640xf32, #tpu.memory_space<hbm>> -> memref<640xf32, #tpu.memory_space<hbm>>
      %dma_wait3A_125 = tpu.memref_slice %arg7[%mul3A_117] : memref<10240xf32, #tpu.memory_space<vmem_shared>> -> memref<640xf32, #tpu.memory_space<vmem_shared>>
      tpu.wait_dma2 semaphore(%run_scoped3A_120 : memref<!tpu.dma_semaphore, #tpu.memory_space<semaphore_mem>>) src(%dma_wait3A_125 : memref<640xf32, #tpu.memory_space<vmem_shared>>) dst(%dma_wait3A_124 : memref<640xf32, #tpu.memory_space<hbm>>)
      tpu.yield
    }) : () -> ()
    return
  }
}

#map = affine_map<(d0, d1) -> (0, 0)>
#map1 = affine_map<(d0, d1) -> (0, 0, 0, 0)>
#map2 = affine_map<(d0, d1) -> (0, 0, 0)>
module attributes {stable_mosaic.version = 14 : i64} {
  func.func @agg_kernel(%arg0: i32, %arg1: i32, %arg2: memref<10000x128xf32, #tpu.memory_space<hbm>>, %arg3: memref<632x128xf32, #tpu.memory_space<hbm>>, %arg4: memref<32x80x1x128xi32, #tpu.memory_space<hbm>>, %arg5: memref<32x80x1x128xi32, #tpu.memory_space<hbm>>, %arg6: memref<2x10000x128xf32, #tpu.memory_space<hbm>>, %arg7: memref<40x1x128xi32, #tpu.memory_space<vmem>>, %arg8: memref<40x1x128xi32, #tpu.memory_space<vmem>>, %arg9: memref<128x128xf32, #tpu.memory_space<vmem>>, %arg10: memref<128x128xf32, #tpu.memory_space<vmem>>, %arg11: memref<10008x128xf32, #tpu.memory_space<vmem_shared>>, %arg12: memref<!tpu.dma_semaphore, #tpu.memory_space<semaphore_mem>>, %arg13: memref<!tpu.dma_semaphore, #tpu.memory_space<semaphore_mem>>, %arg14: memref<!tpu.dma_semaphore, #tpu.memory_space<semaphore_mem>>) attributes {dimension_semantics = [#tpu.dimension_semantics<core_parallel>, #tpu.dimension_semantics<subcore_parallel>], iteration_bounds = array<i64: 2, 16>, scalar_prefetch = 0 : i64, scratch_operands = 8 : i64, tpu.core_type = #tpu.core_type<sc_vector_subcore>, window_params = [{transform_indices = #map}, {transform_indices = #map}, {transform_indices = #map1}, {transform_indices = #map1}, {transform_indices = #map2}]} {
    %mul3A = arith.constant 2 : i32
    %mul3A_0 = arith.muli %arg1, %mul3A : i32
    %add3A = arith.addi %mul3A_0, %arg0 : i32
    %lt3A = arith.constant 15 : i32
    %lt3A_1 = arith.cmpi slt, %arg1, %lt3A : i32
    %convert_element_type3A = arith.extui %lt3A_1 : i1 to i32
    %cond3A = arith.constant 0 : i32
    %cond3A_2 = arith.cmpi ne, %convert_element_type3A, %cond3A : i32
    scf.if %cond3A_2 {
      %mul3A_54 = arith.constant 632 : i32
      %mul3A_55 = arith.muli %arg1, %mul3A_54 : i32
      %dma_start3A_56 = arith.constant 0 : i32
      %dma_start3A_57 = tpu.memref_slice %arg11[%mul3A_55, %dma_start3A_56] : memref<10008x128xf32, #tpu.memory_space<vmem_shared>> -> memref<632x128xf32, #tpu.memory_space<vmem_shared>>
      tpu.enqueue_dma source(%arg3 : memref<632x128xf32, #tpu.memory_space<hbm>>) target(%dma_start3A_57 : memref<632x128xf32, #tpu.memory_space<vmem_shared>>) target_semaphore(%arg14 : memref<!tpu.dma_semaphore, #tpu.memory_space<semaphore_mem>>)
    } else {
    }
    %eq3A = arith.constant 15 : i32
    %eq3A_3 = arith.cmpi eq, %arg1, %eq3A : i32
    %convert_element_type3A_4 = arith.extui %eq3A_3 : i1 to i32
    %cond3A_5 = arith.constant 0 : i32
    %cond3A_6 = arith.cmpi ne, %convert_element_type3A_4, %cond3A_5 : i32
    scf.if %cond3A_6 {
      %dma_start3A_54 = arith.constant 9480 : i32
      %dma_start3A_55 = arith.constant 0 : i32
      %dma_start3A_56 = tpu.memref_slice %arg11[%dma_start3A_54, %dma_start3A_55] : memref<10008x128xf32, #tpu.memory_space<vmem_shared>> -> memref<520x128xf32, #tpu.memory_space<vmem_shared>>
      %dma_start3A_57 = arith.constant 0 : i32
      %dma_start3A_58 = arith.constant 0 : i32
      %dma_start3A_59 = tpu.memref_slice %arg3[%dma_start3A_57, %dma_start3A_58] : memref<632x128xf32, #tpu.memory_space<hbm>> -> memref<520x128xf32, #tpu.memory_space<hbm>>
      tpu.enqueue_dma source(%dma_start3A_59 : memref<520x128xf32, #tpu.memory_space<hbm>>) target(%dma_start3A_56 : memref<520x128xf32, #tpu.memory_space<vmem_shared>>) target_semaphore(%arg14 : memref<!tpu.dma_semaphore, #tpu.memory_space<semaphore_mem>>)
    } else {
    }
    "tpu.region"() ({
      %run_scoped3A = tpu.sem_alloc : memref<!tpu.dma_semaphore, #tpu.memory_space<semaphore_mem>>
      %dma_start3A_54 = arith.constant 0 : i32
      %dma_start3A_55 = arith.constant 0 : i32
      %dma_start3A_56 = arith.constant 0 : i32
      %dma_start3A_57 = tpu.memref_slice %arg4[%add3A, %dma_start3A_54, %dma_start3A_55, %dma_start3A_56] : memref<32x80x1x128xi32, #tpu.memory_space<hbm>> -> memref<1x40x1x128xi32, #tpu.memory_space<hbm>>
      %dma_start3A_58 = tpu.memref_squeeze %dma_start3A_57 : memref<1x40x1x128xi32, #tpu.memory_space<hbm>> -> memref<40x1x128xi32, #tpu.memory_space<hbm>>
      %dma_start3A_59 = arith.constant 0 : i32
      %dma_start3A_60 = arith.constant 0 : i32
      %dma_start3A_61 = arith.constant 0 : i32
      %dma_start3A_62 = tpu.memref_slice %arg4[%add3A, %dma_start3A_59, %dma_start3A_60, %dma_start3A_61] : memref<32x80x1x128xi32, #tpu.memory_space<hbm>> -> memref<1x40x1x128xi32, #tpu.memory_space<hbm>>
      %dma_start3A_63 = tpu.memref_squeeze %dma_start3A_62 : memref<1x40x1x128xi32, #tpu.memory_space<hbm>> -> memref<40x1x128xi32, #tpu.memory_space<hbm>>
      tpu.enqueue_dma source(%dma_start3A_63 : memref<40x1x128xi32, #tpu.memory_space<hbm>>) target(%arg7 : memref<40x1x128xi32, #tpu.memory_space<vmem>>) target_semaphore(%run_scoped3A : memref<!tpu.dma_semaphore, #tpu.memory_space<semaphore_mem>>)
      %dma_wait3A = arith.constant 0 : i32
      %dma_wait3A_64 = arith.constant 0 : i32
      %dma_wait3A_65 = arith.constant 0 : i32
      %dma_wait3A_66 = tpu.memref_slice %arg4[%add3A, %dma_wait3A, %dma_wait3A_64, %dma_wait3A_65] : memref<32x80x1x128xi32, #tpu.memory_space<hbm>> -> memref<1x40x1x128xi32, #tpu.memory_space<hbm>>
      %dma_wait3A_67 = tpu.memref_squeeze %dma_wait3A_66 : memref<1x40x1x128xi32, #tpu.memory_space<hbm>> -> memref<40x1x128xi32, #tpu.memory_space<hbm>>
      %dma_wait3A_68 = arith.constant 0 : i32
      %dma_wait3A_69 = arith.constant 0 : i32
      %dma_wait3A_70 = arith.constant 0 : i32
      %dma_wait3A_71 = tpu.memref_slice %arg4[%add3A, %dma_wait3A_68, %dma_wait3A_69, %dma_wait3A_70] : memref<32x80x1x128xi32, #tpu.memory_space<hbm>> -> memref<1x40x1x128xi32, #tpu.memory_space<hbm>>
      %dma_wait3A_72 = tpu.memref_squeeze %dma_wait3A_71 : memref<1x40x1x128xi32, #tpu.memory_space<hbm>> -> memref<40x1x128xi32, #tpu.memory_space<hbm>>
      tpu.wait_dma2 semaphore(%run_scoped3A : memref<!tpu.dma_semaphore, #tpu.memory_space<semaphore_mem>>) src(%dma_wait3A_72 : memref<40x1x128xi32, #tpu.memory_space<hbm>>) dst(%arg7 : memref<40x1x128xi32, #tpu.memory_space<vmem>>)
      tpu.yield
    }) : () -> ()
    "tpu.region"() ({
      %run_scoped3A = tpu.sem_alloc : memref<!tpu.dma_semaphore, #tpu.memory_space<semaphore_mem>>
      %dma_start3A_54 = arith.constant 0 : i32
      %dma_start3A_55 = arith.constant 0 : i32
      %dma_start3A_56 = arith.constant 0 : i32
      %dma_start3A_57 = tpu.memref_slice %arg5[%add3A, %dma_start3A_54, %dma_start3A_55, %dma_start3A_56] : memref<32x80x1x128xi32, #tpu.memory_space<hbm>> -> memref<1x40x1x128xi32, #tpu.memory_space<hbm>>
      %dma_start3A_58 = tpu.memref_squeeze %dma_start3A_57 : memref<1x40x1x128xi32, #tpu.memory_space<hbm>> -> memref<40x1x128xi32, #tpu.memory_space<hbm>>
      %dma_start3A_59 = arith.constant 0 : i32
      %dma_start3A_60 = arith.constant 0 : i32
      %dma_start3A_61 = arith.constant 0 : i32
      %dma_start3A_62 = tpu.memref_slice %arg5[%add3A, %dma_start3A_59, %dma_start3A_60, %dma_start3A_61] : memref<32x80x1x128xi32, #tpu.memory_space<hbm>> -> memref<1x40x1x128xi32, #tpu.memory_space<hbm>>
      %dma_start3A_63 = tpu.memref_squeeze %dma_start3A_62 : memref<1x40x1x128xi32, #tpu.memory_space<hbm>> -> memref<40x1x128xi32, #tpu.memory_space<hbm>>
      tpu.enqueue_dma source(%dma_start3A_63 : memref<40x1x128xi32, #tpu.memory_space<hbm>>) target(%arg8 : memref<40x1x128xi32, #tpu.memory_space<vmem>>) target_semaphore(%run_scoped3A : memref<!tpu.dma_semaphore, #tpu.memory_space<semaphore_mem>>)
      %dma_wait3A = arith.constant 0 : i32
      %dma_wait3A_64 = arith.constant 0 : i32
      %dma_wait3A_65 = arith.constant 0 : i32
      %dma_wait3A_66 = tpu.memref_slice %arg5[%add3A, %dma_wait3A, %dma_wait3A_64, %dma_wait3A_65] : memref<32x80x1x128xi32, #tpu.memory_space<hbm>> -> memref<1x40x1x128xi32, #tpu.memory_space<hbm>>
      %dma_wait3A_67 = tpu.memref_squeeze %dma_wait3A_66 : memref<1x40x1x128xi32, #tpu.memory_space<hbm>> -> memref<40x1x128xi32, #tpu.memory_space<hbm>>
      %dma_wait3A_68 = arith.constant 0 : i32
      %dma_wait3A_69 = arith.constant 0 : i32
      %dma_wait3A_70 = arith.constant 0 : i32
      %dma_wait3A_71 = tpu.memref_slice %arg5[%add3A, %dma_wait3A_68, %dma_wait3A_69, %dma_wait3A_70] : memref<32x80x1x128xi32, #tpu.memory_space<hbm>> -> memref<1x40x1x128xi32, #tpu.memory_space<hbm>>
      %dma_wait3A_72 = tpu.memref_squeeze %dma_wait3A_71 : memref<1x40x1x128xi32, #tpu.memory_space<hbm>> -> memref<40x1x128xi32, #tpu.memory_space<hbm>>
      tpu.wait_dma2 semaphore(%run_scoped3A : memref<!tpu.dma_semaphore, #tpu.memory_space<semaphore_mem>>) src(%dma_wait3A_72 : memref<40x1x128xi32, #tpu.memory_space<hbm>>) dst(%arg8 : memref<40x1x128xi32, #tpu.memory_space<vmem>>)
      tpu.yield
    }) : () -> ()
    %dma_start3A = arith.constant 0 : i32
    %dma_start3A_7 = arith.constant 0 : i32
    %dma_start3A_8 = arith.constant 0 : i32
    %dma_start3A_9 = tpu.memref_slice %arg7[%dma_start3A, %dma_start3A_7, %dma_start3A_8] : memref<40x1x128xi32, #tpu.memory_space<vmem>> -> memref<1x1x128xi32, #tpu.memory_space<vmem>>
    %dma_start3A_10 = tpu.memref_squeeze %dma_start3A_9 : memref<1x1x128xi32, #tpu.memory_space<vmem>> -> memref<128xi32, #tpu.memory_space<vmem>>
    %dma_start3A_11 = arith.constant 0 : i32
    %dma_start3A_12 = arith.constant 0 : i32
    %dma_start3A_13 = tpu.memref_slice %arg2[%dma_start3A_11, %dma_start3A_12] : memref<10000x128xf32, #tpu.memory_space<hbm>> -> memref<10000x128xf32, #tpu.memory_space<hbm>>
    tpu.enqueue_indirect_dma source(%dma_start3A_13 : memref<10000x128xf32, #tpu.memory_space<hbm>>) target(%arg9 : memref<128x128xf32, #tpu.memory_space<vmem>>) offsets(%dma_start3A_10 : memref<128xi32, #tpu.memory_space<vmem>>) semaphore(%arg12 : memref<!tpu.dma_semaphore, #tpu.memory_space<semaphore_mem>>)
    %lt3A_14 = arith.constant 15 : i32
    %lt3A_15 = arith.cmpi slt, %arg1, %lt3A_14 : i32
    %convert_element_type3A_16 = arith.extui %lt3A_15 : i1 to i32
    %cond3A_17 = arith.constant 0 : i32
    %cond3A_18 = arith.cmpi ne, %convert_element_type3A_16, %cond3A_17 : i32
    scf.if %cond3A_18 {
      %mul3A_54 = arith.constant 632 : i32
      %mul3A_55 = arith.muli %arg1, %mul3A_54 : i32
      %dma_wait3A = arith.constant 0 : i32
      %dma_wait3A_56 = tpu.memref_slice %arg11[%mul3A_55, %dma_wait3A] : memref<10008x128xf32, #tpu.memory_space<vmem_shared>> -> memref<632x128xf32, #tpu.memory_space<vmem_shared>>
      tpu.wait_dma2 semaphore(%arg14 : memref<!tpu.dma_semaphore, #tpu.memory_space<semaphore_mem>>) src(%arg3 : memref<632x128xf32, #tpu.memory_space<hbm>>) dst(%dma_wait3A_56 : memref<632x128xf32, #tpu.memory_space<vmem_shared>>)
    } else {
    }
    %eq3A_19 = arith.constant 15 : i32
    %eq3A_20 = arith.cmpi eq, %arg1, %eq3A_19 : i32
    %convert_element_type3A_21 = arith.extui %eq3A_20 : i1 to i32
    %cond3A_22 = arith.constant 0 : i32
    %cond3A_23 = arith.cmpi ne, %convert_element_type3A_21, %cond3A_22 : i32
    scf.if %cond3A_23 {
      %dma_wait3A = arith.constant 9480 : i32
      %dma_wait3A_54 = arith.constant 0 : i32
      %dma_wait3A_55 = tpu.memref_slice %arg11[%dma_wait3A, %dma_wait3A_54] : memref<10008x128xf32, #tpu.memory_space<vmem_shared>> -> memref<520x128xf32, #tpu.memory_space<vmem_shared>>
      %dma_wait3A_56 = arith.constant 0 : i32
      %dma_wait3A_57 = arith.constant 0 : i32
      %dma_wait3A_58 = tpu.memref_slice %arg3[%dma_wait3A_56, %dma_wait3A_57] : memref<632x128xf32, #tpu.memory_space<hbm>> -> memref<520x128xf32, #tpu.memory_space<hbm>>
      tpu.wait_dma2 semaphore(%arg14 : memref<!tpu.dma_semaphore, #tpu.memory_space<semaphore_mem>>) src(%dma_wait3A_58 : memref<520x128xf32, #tpu.memory_space<hbm>>) dst(%dma_wait3A_55 : memref<520x128xf32, #tpu.memory_space<vmem_shared>>)
    } else {
    }
    %barrier3A = arith.constant 0 : index
    tpu.barrier barrier_id(%barrier3A)
    %scan3A = arith.constant 0 : i32
    %scan3A_24 = arith.constant 0 : i32
    %scan3A_25 = arith.constant 20 : i32
    %scan3A_26 = arith.addi %scan3A_24, %scan3A_25 : i32
    %scan3A_27 = arith.constant 1 : i32
    scf.for %scan3A_54 = %scan3A_24 to %scan3A_26 step %scan3A_27  : i32 {
      %mul3A_55 = arith.constant 2 : i32
      %mul3A_56 = arith.muli %mul3A_55, %scan3A_54 : i32
      %add3A_57 = arith.constant 1 : i32
      %add3A_58 = arith.addi %mul3A_56, %add3A_57 : i32
      %dma_start3A_59 = arith.constant 0 : i32
      %dma_start3A_60 = arith.constant 0 : i32
      %dma_start3A_61 = tpu.memref_slice %arg7[%add3A_58, %dma_start3A_59, %dma_start3A_60] : memref<40x1x128xi32, #tpu.memory_space<vmem>> -> memref<1x1x128xi32, #tpu.memory_space<vmem>>
      %dma_start3A_62 = tpu.memref_squeeze %dma_start3A_61 : memref<1x1x128xi32, #tpu.memory_space<vmem>> -> memref<128xi32, #tpu.memory_space<vmem>>
      %dma_start3A_63 = arith.constant 0 : i32
      %dma_start3A_64 = arith.constant 0 : i32
      %dma_start3A_65 = tpu.memref_slice %arg2[%dma_start3A_63, %dma_start3A_64] : memref<10000x128xf32, #tpu.memory_space<hbm>> -> memref<10000x128xf32, #tpu.memory_space<hbm>>
      tpu.enqueue_indirect_dma source(%dma_start3A_65 : memref<10000x128xf32, #tpu.memory_space<hbm>>) target(%arg10 : memref<128x128xf32, #tpu.memory_space<vmem>>) offsets(%dma_start3A_62 : memref<128xi32, #tpu.memory_space<vmem>>) semaphore(%arg13 : memref<!tpu.dma_semaphore, #tpu.memory_space<semaphore_mem>>)
      %dma_wait3A = arith.constant 0 : i32
      %dma_wait3A_66 = arith.constant 0 : i32
      %dma_wait3A_67 = tpu.memref_slice %arg2[%dma_wait3A, %dma_wait3A_66] : memref<10000x128xf32, #tpu.memory_space<hbm>> -> memref<128x128xf32, #tpu.memory_space<hbm>>
      %dma_wait3A_68 = arith.constant 0 : i32
      %dma_wait3A_69 = arith.constant 0 : i32
      %dma_wait3A_70 = tpu.memref_slice %arg2[%dma_wait3A_68, %dma_wait3A_69] : memref<10000x128xf32, #tpu.memory_space<hbm>> -> memref<128x128xf32, #tpu.memory_space<hbm>>
      tpu.wait_dma2 semaphore(%arg12 : memref<!tpu.dma_semaphore, #tpu.memory_space<semaphore_mem>>) src(%dma_wait3A_70 : memref<128x128xf32, #tpu.memory_space<hbm>>) dst(%arg9 : memref<128x128xf32, #tpu.memory_space<vmem>>)
      %run_scoped3A = arith.constant 0 : i32
      "tpu.region"() ({
        %run_scoped3A_85 = tpu.sem_alloc : memref<!tpu.dma_semaphore, #tpu.memory_space<semaphore_mem>>
        %dma_start3A_86 = arith.constant 0 : i32
        %dma_start3A_87 = tpu.memref_slice %arg8[%mul3A_56, %run_scoped3A, %dma_start3A_86] : memref<40x1x128xi32, #tpu.memory_space<vmem>> -> memref<1x1x128xi32, #tpu.memory_space<vmem>>
        %dma_start3A_88 = tpu.memref_squeeze %dma_start3A_87 : memref<1x1x128xi32, #tpu.memory_space<vmem>> -> memref<128xi32, #tpu.memory_space<vmem>>
        %dma_start3A_89 = arith.constant 0 : i32
        %dma_start3A_90 = arith.constant 0 : i32
        %dma_start3A_91 = tpu.memref_slice %arg11[%dma_start3A_89, %dma_start3A_90] : memref<10008x128xf32, #tpu.memory_space<vmem_shared>> -> memref<10008x128xf32, #tpu.memory_space<vmem_shared>>
        tpu.enqueue_indirect_dma source(%arg9 : memref<128x128xf32, #tpu.memory_space<vmem>>) target(%dma_start3A_91 : memref<10008x128xf32, #tpu.memory_space<vmem_shared>>) offsets(%dma_start3A_88 : memref<128xi32, #tpu.memory_space<vmem>>) semaphore(%run_scoped3A_85 : memref<!tpu.dma_semaphore, #tpu.memory_space<semaphore_mem>>) {add = true}
        %dma_wait3A_92 = arith.constant 0 : i32
        %dma_wait3A_93 = tpu.memref_slice %arg8[%mul3A_56, %run_scoped3A, %dma_wait3A_92] : memref<40x1x128xi32, #tpu.memory_space<vmem>> -> memref<1x1x128xi32, #tpu.memory_space<vmem>>
        %dma_wait3A_94 = tpu.memref_squeeze %dma_wait3A_93 : memref<1x1x128xi32, #tpu.memory_space<vmem>> -> memref<128xi32, #tpu.memory_space<vmem>>
        %dma_wait3A_95 = arith.constant 0 : i32
        %dma_wait3A_96 = arith.constant 0 : i32
        %dma_wait3A_97 = tpu.memref_slice %arg11[%dma_wait3A_95, %dma_wait3A_96] : memref<10008x128xf32, #tpu.memory_space<vmem_shared>> -> memref<10008x128xf32, #tpu.memory_space<vmem_shared>>
        tpu.wait_indirect_dma semaphore(%run_scoped3A_85 : memref<!tpu.dma_semaphore, #tpu.memory_space<semaphore_mem>>) src(%arg9 : memref<128x128xf32, #tpu.memory_space<vmem>>) dst(%dma_wait3A_97 : memref<10008x128xf32, #tpu.memory_space<vmem_shared>>)
        tpu.yield
      }) : () -> ()
      %add3A_71 = arith.constant 1 : i32
      %add3A_72 = arith.addi %add3A_58, %add3A_71 : i32
      %lt3A_73 = arith.constant 40 : i32
      %lt3A_74 = arith.cmpi slt, %add3A_72, %lt3A_73 : i32
      %convert_element_type3A_75 = arith.extui %lt3A_74 : i1 to i32
      %cond3A_76 = arith.constant 0 : i32
      %cond3A_77 = arith.cmpi ne, %convert_element_type3A_75, %cond3A_76 : i32
      scf.if %cond3A_77 {
        %add3A_85 = arith.constant 1 : i32
        %add3A_86 = arith.addi %add3A_58, %add3A_85 : i32
        %dma_start3A_87 = arith.constant 0 : i32
        %dma_start3A_88 = arith.constant 0 : i32
        %dma_start3A_89 = tpu.memref_slice %arg7[%add3A_86, %dma_start3A_87, %dma_start3A_88] : memref<40x1x128xi32, #tpu.memory_space<vmem>> -> memref<1x1x128xi32, #tpu.memory_space<vmem>>
        %dma_start3A_90 = tpu.memref_squeeze %dma_start3A_89 : memref<1x1x128xi32, #tpu.memory_space<vmem>> -> memref<128xi32, #tpu.memory_space<vmem>>
        %dma_start3A_91 = arith.constant 0 : i32
        %dma_start3A_92 = arith.constant 0 : i32
        %dma_start3A_93 = tpu.memref_slice %arg2[%dma_start3A_91, %dma_start3A_92] : memref<10000x128xf32, #tpu.memory_space<hbm>> -> memref<10000x128xf32, #tpu.memory_space<hbm>>
        tpu.enqueue_indirect_dma source(%dma_start3A_93 : memref<10000x128xf32, #tpu.memory_space<hbm>>) target(%arg9 : memref<128x128xf32, #tpu.memory_space<vmem>>) offsets(%dma_start3A_90 : memref<128xi32, #tpu.memory_space<vmem>>) semaphore(%arg12 : memref<!tpu.dma_semaphore, #tpu.memory_space<semaphore_mem>>)
      } else {
      }
      %dma_wait3A_78 = arith.constant 0 : i32
      %dma_wait3A_79 = arith.constant 0 : i32
      %dma_wait3A_80 = tpu.memref_slice %arg2[%dma_wait3A_78, %dma_wait3A_79] : memref<10000x128xf32, #tpu.memory_space<hbm>> -> memref<128x128xf32, #tpu.memory_space<hbm>>
      %dma_wait3A_81 = arith.constant 0 : i32
      %dma_wait3A_82 = arith.constant 0 : i32
      %dma_wait3A_83 = tpu.memref_slice %arg2[%dma_wait3A_81, %dma_wait3A_82] : memref<10000x128xf32, #tpu.memory_space<hbm>> -> memref<128x128xf32, #tpu.memory_space<hbm>>
      tpu.wait_dma2 semaphore(%arg13 : memref<!tpu.dma_semaphore, #tpu.memory_space<semaphore_mem>>) src(%dma_wait3A_83 : memref<128x128xf32, #tpu.memory_space<hbm>>) dst(%arg10 : memref<128x128xf32, #tpu.memory_space<vmem>>)
      %run_scoped3A_84 = arith.constant 0 : i32
      "tpu.region"() ({
        %run_scoped3A_85 = tpu.sem_alloc : memref<!tpu.dma_semaphore, #tpu.memory_space<semaphore_mem>>
        %dma_start3A_86 = arith.constant 0 : i32
        %dma_start3A_87 = tpu.memref_slice %arg8[%add3A_58, %run_scoped3A_84, %dma_start3A_86] : memref<40x1x128xi32, #tpu.memory_space<vmem>> -> memref<1x1x128xi32, #tpu.memory_space<vmem>>
        %dma_start3A_88 = tpu.memref_squeeze %dma_start3A_87 : memref<1x1x128xi32, #tpu.memory_space<vmem>> -> memref<128xi32, #tpu.memory_space<vmem>>
        %dma_start3A_89 = arith.constant 0 : i32
        %dma_start3A_90 = arith.constant 0 : i32
        %dma_start3A_91 = tpu.memref_slice %arg11[%dma_start3A_89, %dma_start3A_90] : memref<10008x128xf32, #tpu.memory_space<vmem_shared>> -> memref<10008x128xf32, #tpu.memory_space<vmem_shared>>
        tpu.enqueue_indirect_dma source(%arg10 : memref<128x128xf32, #tpu.memory_space<vmem>>) target(%dma_start3A_91 : memref<10008x128xf32, #tpu.memory_space<vmem_shared>>) offsets(%dma_start3A_88 : memref<128xi32, #tpu.memory_space<vmem>>) semaphore(%run_scoped3A_85 : memref<!tpu.dma_semaphore, #tpu.memory_space<semaphore_mem>>) {add = true}
        %dma_wait3A_92 = arith.constant 0 : i32
        %dma_wait3A_93 = tpu.memref_slice %arg8[%add3A_58, %run_scoped3A_84, %dma_wait3A_92] : memref<40x1x128xi32, #tpu.memory_space<vmem>> -> memref<1x1x128xi32, #tpu.memory_space<vmem>>
        %dma_wait3A_94 = tpu.memref_squeeze %dma_wait3A_93 : memref<1x1x128xi32, #tpu.memory_space<vmem>> -> memref<128xi32, #tpu.memory_space<vmem>>
        %dma_wait3A_95 = arith.constant 0 : i32
        %dma_wait3A_96 = arith.constant 0 : i32
        %dma_wait3A_97 = tpu.memref_slice %arg11[%dma_wait3A_95, %dma_wait3A_96] : memref<10008x128xf32, #tpu.memory_space<vmem_shared>> -> memref<10008x128xf32, #tpu.memory_space<vmem_shared>>
        tpu.wait_indirect_dma semaphore(%run_scoped3A_85 : memref<!tpu.dma_semaphore, #tpu.memory_space<semaphore_mem>>) src(%arg10 : memref<128x128xf32, #tpu.memory_space<vmem>>) dst(%dma_wait3A_97 : memref<10008x128xf32, #tpu.memory_space<vmem_shared>>)
        tpu.yield
      }) : () -> ()
    }
    %scan3A_28 = arith.constant 20 : i32
    "tpu.region"() ({
      %run_scoped3A = tpu.sem_alloc : memref<!tpu.dma_semaphore, #tpu.memory_space<semaphore_mem>>
      %dma_start3A_54 = arith.constant 40 : i32
      %dma_start3A_55 = arith.constant 0 : i32
      %dma_start3A_56 = arith.constant 0 : i32
      %dma_start3A_57 = tpu.memref_slice %arg4[%add3A, %dma_start3A_54, %dma_start3A_55, %dma_start3A_56] : memref<32x80x1x128xi32, #tpu.memory_space<hbm>> -> memref<1x40x1x128xi32, #tpu.memory_space<hbm>>
      %dma_start3A_58 = tpu.memref_squeeze %dma_start3A_57 : memref<1x40x1x128xi32, #tpu.memory_space<hbm>> -> memref<40x1x128xi32, #tpu.memory_space<hbm>>
      %dma_start3A_59 = arith.constant 40 : i32
      %dma_start3A_60 = arith.constant 0 : i32
      %dma_start3A_61 = arith.constant 0 : i32
      %dma_start3A_62 = tpu.memref_slice %arg4[%add3A, %dma_start3A_59, %dma_start3A_60, %dma_start3A_61] : memref<32x80x1x128xi32, #tpu.memory_space<hbm>> -> memref<1x40x1x128xi32, #tpu.memory_space<hbm>>
      %dma_start3A_63 = tpu.memref_squeeze %dma_start3A_62 : memref<1x40x1x128xi32, #tpu.memory_space<hbm>> -> memref<40x1x128xi32, #tpu.memory_space<hbm>>
      tpu.enqueue_dma source(%dma_start3A_63 : memref<40x1x128xi32, #tpu.memory_space<hbm>>) target(%arg7 : memref<40x1x128xi32, #tpu.memory_space<vmem>>) target_semaphore(%run_scoped3A : memref<!tpu.dma_semaphore, #tpu.memory_space<semaphore_mem>>)
      %dma_wait3A = arith.constant 40 : i32
      %dma_wait3A_64 = arith.constant 0 : i32
      %dma_wait3A_65 = arith.constant 0 : i32
      %dma_wait3A_66 = tpu.memref_slice %arg4[%add3A, %dma_wait3A, %dma_wait3A_64, %dma_wait3A_65] : memref<32x80x1x128xi32, #tpu.memory_space<hbm>> -> memref<1x40x1x128xi32, #tpu.memory_space<hbm>>
      %dma_wait3A_67 = tpu.memref_squeeze %dma_wait3A_66 : memref<1x40x1x128xi32, #tpu.memory_space<hbm>> -> memref<40x1x128xi32, #tpu.memory_space<hbm>>
      %dma_wait3A_68 = arith.constant 40 : i32
      %dma_wait3A_69 = arith.constant 0 : i32
      %dma_wait3A_70 = arith.constant 0 : i32
      %dma_wait3A_71 = tpu.memref_slice %arg4[%add3A, %dma_wait3A_68, %dma_wait3A_69, %dma_wait3A_70] : memref<32x80x1x128xi32, #tpu.memory_space<hbm>> -> memref<1x40x1x128xi32, #tpu.memory_space<hbm>>
      %dma_wait3A_72 = tpu.memref_squeeze %dma_wait3A_71 : memref<1x40x1x128xi32, #tpu.memory_space<hbm>> -> memref<40x1x128xi32, #tpu.memory_space<hbm>>
      tpu.wait_dma2 semaphore(%run_scoped3A : memref<!tpu.dma_semaphore, #tpu.memory_space<semaphore_mem>>) src(%dma_wait3A_72 : memref<40x1x128xi32, #tpu.memory_space<hbm>>) dst(%arg7 : memref<40x1x128xi32, #tpu.memory_space<vmem>>)
      tpu.yield
    }) : () -> ()
    "tpu.region"() ({
      %run_scoped3A = tpu.sem_alloc : memref<!tpu.dma_semaphore, #tpu.memory_space<semaphore_mem>>
      %dma_start3A_54 = arith.constant 40 : i32
      %dma_start3A_55 = arith.constant 0 : i32
      %dma_start3A_56 = arith.constant 0 : i32
      %dma_start3A_57 = tpu.memref_slice %arg5[%add3A, %dma_start3A_54, %dma_start3A_55, %dma_start3A_56] : memref<32x80x1x128xi32, #tpu.memory_space<hbm>> -> memref<1x40x1x128xi32, #tpu.memory_space<hbm>>
      %dma_start3A_58 = tpu.memref_squeeze %dma_start3A_57 : memref<1x40x1x128xi32, #tpu.memory_space<hbm>> -> memref<40x1x128xi32, #tpu.memory_space<hbm>>
      %dma_start3A_59 = arith.constant 40 : i32
      %dma_start3A_60 = arith.constant 0 : i32
      %dma_start3A_61 = arith.constant 0 : i32
      %dma_start3A_62 = tpu.memref_slice %arg5[%add3A, %dma_start3A_59, %dma_start3A_60, %dma_start3A_61] : memref<32x80x1x128xi32, #tpu.memory_space<hbm>> -> memref<1x40x1x128xi32, #tpu.memory_space<hbm>>
      %dma_start3A_63 = tpu.memref_squeeze %dma_start3A_62 : memref<1x40x1x128xi32, #tpu.memory_space<hbm>> -> memref<40x1x128xi32, #tpu.memory_space<hbm>>
      tpu.enqueue_dma source(%dma_start3A_63 : memref<40x1x128xi32, #tpu.memory_space<hbm>>) target(%arg8 : memref<40x1x128xi32, #tpu.memory_space<vmem>>) target_semaphore(%run_scoped3A : memref<!tpu.dma_semaphore, #tpu.memory_space<semaphore_mem>>)
      %dma_wait3A = arith.constant 40 : i32
      %dma_wait3A_64 = arith.constant 0 : i32
      %dma_wait3A_65 = arith.constant 0 : i32
      %dma_wait3A_66 = tpu.memref_slice %arg5[%add3A, %dma_wait3A, %dma_wait3A_64, %dma_wait3A_65] : memref<32x80x1x128xi32, #tpu.memory_space<hbm>> -> memref<1x40x1x128xi32, #tpu.memory_space<hbm>>
      %dma_wait3A_67 = tpu.memref_squeeze %dma_wait3A_66 : memref<1x40x1x128xi32, #tpu.memory_space<hbm>> -> memref<40x1x128xi32, #tpu.memory_space<hbm>>
      %dma_wait3A_68 = arith.constant 40 : i32
      %dma_wait3A_69 = arith.constant 0 : i32
      %dma_wait3A_70 = arith.constant 0 : i32
      %dma_wait3A_71 = tpu.memref_slice %arg5[%add3A, %dma_wait3A_68, %dma_wait3A_69, %dma_wait3A_70] : memref<32x80x1x128xi32, #tpu.memory_space<hbm>> -> memref<1x40x1x128xi32, #tpu.memory_space<hbm>>
      %dma_wait3A_72 = tpu.memref_squeeze %dma_wait3A_71 : memref<1x40x1x128xi32, #tpu.memory_space<hbm>> -> memref<40x1x128xi32, #tpu.memory_space<hbm>>
      tpu.wait_dma2 semaphore(%run_scoped3A : memref<!tpu.dma_semaphore, #tpu.memory_space<semaphore_mem>>) src(%dma_wait3A_72 : memref<40x1x128xi32, #tpu.memory_space<hbm>>) dst(%arg8 : memref<40x1x128xi32, #tpu.memory_space<vmem>>)
      tpu.yield
    }) : () -> ()
    %dma_start3A_29 = arith.constant 0 : i32
    %dma_start3A_30 = arith.constant 0 : i32
    %dma_start3A_31 = arith.constant 0 : i32
    %dma_start3A_32 = tpu.memref_slice %arg7[%dma_start3A_29, %dma_start3A_30, %dma_start3A_31] : memref<40x1x128xi32, #tpu.memory_space<vmem>> -> memref<1x1x128xi32, #tpu.memory_space<vmem>>
    %dma_start3A_33 = tpu.memref_squeeze %dma_start3A_32 : memref<1x1x128xi32, #tpu.memory_space<vmem>> -> memref<128xi32, #tpu.memory_space<vmem>>
    %dma_start3A_34 = arith.constant 0 : i32
    %dma_start3A_35 = arith.constant 0 : i32
    %dma_start3A_36 = tpu.memref_slice %arg2[%dma_start3A_34, %dma_start3A_35] : memref<10000x128xf32, #tpu.memory_space<hbm>> -> memref<10000x128xf32, #tpu.memory_space<hbm>>
    tpu.enqueue_indirect_dma source(%dma_start3A_36 : memref<10000x128xf32, #tpu.memory_space<hbm>>) target(%arg9 : memref<128x128xf32, #tpu.memory_space<vmem>>) offsets(%dma_start3A_33 : memref<128xi32, #tpu.memory_space<vmem>>) semaphore(%arg12 : memref<!tpu.dma_semaphore, #tpu.memory_space<semaphore_mem>>)
    %scan3A_37 = arith.constant 0 : i32
    %scan3A_38 = arith.constant 0 : i32
    %scan3A_39 = arith.constant 20 : i32
    %scan3A_40 = arith.addi %scan3A_38, %scan3A_39 : i32
    %scan3A_41 = arith.constant 1 : i32
    scf.for %scan3A_54 = %scan3A_38 to %scan3A_40 step %scan3A_41  : i32 {
      %mul3A_55 = arith.constant 2 : i32
      %mul3A_56 = arith.muli %mul3A_55, %scan3A_54 : i32
      %add3A_57 = arith.constant 1 : i32
      %add3A_58 = arith.addi %mul3A_56, %add3A_57 : i32
      %dma_start3A_59 = arith.constant 0 : i32
      %dma_start3A_60 = arith.constant 0 : i32
      %dma_start3A_61 = tpu.memref_slice %arg7[%add3A_58, %dma_start3A_59, %dma_start3A_60] : memref<40x1x128xi32, #tpu.memory_space<vmem>> -> memref<1x1x128xi32, #tpu.memory_space<vmem>>
      %dma_start3A_62 = tpu.memref_squeeze %dma_start3A_61 : memref<1x1x128xi32, #tpu.memory_space<vmem>> -> memref<128xi32, #tpu.memory_space<vmem>>
      %dma_start3A_63 = arith.constant 0 : i32
      %dma_start3A_64 = arith.constant 0 : i32
      %dma_start3A_65 = tpu.memref_slice %arg2[%dma_start3A_63, %dma_start3A_64] : memref<10000x128xf32, #tpu.memory_space<hbm>> -> memref<10000x128xf32, #tpu.memory_space<hbm>>
      tpu.enqueue_indirect_dma source(%dma_start3A_65 : memref<10000x128xf32, #tpu.memory_space<hbm>>) target(%arg10 : memref<128x128xf32, #tpu.memory_space<vmem>>) offsets(%dma_start3A_62 : memref<128xi32, #tpu.memory_space<vmem>>) semaphore(%arg13 : memref<!tpu.dma_semaphore, #tpu.memory_space<semaphore_mem>>)
      %dma_wait3A = arith.constant 0 : i32
      %dma_wait3A_66 = arith.constant 0 : i32
      %dma_wait3A_67 = tpu.memref_slice %arg2[%dma_wait3A, %dma_wait3A_66] : memref<10000x128xf32, #tpu.memory_space<hbm>> -> memref<128x128xf32, #tpu.memory_space<hbm>>
      %dma_wait3A_68 = arith.constant 0 : i32
      %dma_wait3A_69 = arith.constant 0 : i32
      %dma_wait3A_70 = tpu.memref_slice %arg2[%dma_wait3A_68, %dma_wait3A_69] : memref<10000x128xf32, #tpu.memory_space<hbm>> -> memref<128x128xf32, #tpu.memory_space<hbm>>
      tpu.wait_dma2 semaphore(%arg12 : memref<!tpu.dma_semaphore, #tpu.memory_space<semaphore_mem>>) src(%dma_wait3A_70 : memref<128x128xf32, #tpu.memory_space<hbm>>) dst(%arg9 : memref<128x128xf32, #tpu.memory_space<vmem>>)
      %run_scoped3A = arith.constant 0 : i32
      "tpu.region"() ({
        %run_scoped3A_85 = tpu.sem_alloc : memref<!tpu.dma_semaphore, #tpu.memory_space<semaphore_mem>>
        %dma_start3A_86 = arith.constant 0 : i32
        %dma_start3A_87 = tpu.memref_slice %arg8[%mul3A_56, %run_scoped3A, %dma_start3A_86] : memref<40x1x128xi32, #tpu.memory_space<vmem>> -> memref<1x1x128xi32, #tpu.memory_space<vmem>>
        %dma_start3A_88 = tpu.memref_squeeze %dma_start3A_87 : memref<1x1x128xi32, #tpu.memory_space<vmem>> -> memref<128xi32, #tpu.memory_space<vmem>>
        %dma_start3A_89 = arith.constant 0 : i32
        %dma_start3A_90 = arith.constant 0 : i32
        %dma_start3A_91 = tpu.memref_slice %arg11[%dma_start3A_89, %dma_start3A_90] : memref<10008x128xf32, #tpu.memory_space<vmem_shared>> -> memref<10008x128xf32, #tpu.memory_space<vmem_shared>>
        tpu.enqueue_indirect_dma source(%arg9 : memref<128x128xf32, #tpu.memory_space<vmem>>) target(%dma_start3A_91 : memref<10008x128xf32, #tpu.memory_space<vmem_shared>>) offsets(%dma_start3A_88 : memref<128xi32, #tpu.memory_space<vmem>>) semaphore(%run_scoped3A_85 : memref<!tpu.dma_semaphore, #tpu.memory_space<semaphore_mem>>) {add = true}
        %dma_wait3A_92 = arith.constant 0 : i32
        %dma_wait3A_93 = tpu.memref_slice %arg8[%mul3A_56, %run_scoped3A, %dma_wait3A_92] : memref<40x1x128xi32, #tpu.memory_space<vmem>> -> memref<1x1x128xi32, #tpu.memory_space<vmem>>
        %dma_wait3A_94 = tpu.memref_squeeze %dma_wait3A_93 : memref<1x1x128xi32, #tpu.memory_space<vmem>> -> memref<128xi32, #tpu.memory_space<vmem>>
        %dma_wait3A_95 = arith.constant 0 : i32
        %dma_wait3A_96 = arith.constant 0 : i32
        %dma_wait3A_97 = tpu.memref_slice %arg11[%dma_wait3A_95, %dma_wait3A_96] : memref<10008x128xf32, #tpu.memory_space<vmem_shared>> -> memref<10008x128xf32, #tpu.memory_space<vmem_shared>>
        tpu.wait_indirect_dma semaphore(%run_scoped3A_85 : memref<!tpu.dma_semaphore, #tpu.memory_space<semaphore_mem>>) src(%arg9 : memref<128x128xf32, #tpu.memory_space<vmem>>) dst(%dma_wait3A_97 : memref<10008x128xf32, #tpu.memory_space<vmem_shared>>)
        tpu.yield
      }) : () -> ()
      %add3A_71 = arith.constant 1 : i32
      %add3A_72 = arith.addi %add3A_58, %add3A_71 : i32
      %lt3A_73 = arith.constant 40 : i32
      %lt3A_74 = arith.cmpi slt, %add3A_72, %lt3A_73 : i32
      %convert_element_type3A_75 = arith.extui %lt3A_74 : i1 to i32
      %cond3A_76 = arith.constant 0 : i32
      %cond3A_77 = arith.cmpi ne, %convert_element_type3A_75, %cond3A_76 : i32
      scf.if %cond3A_77 {
        %add3A_85 = arith.constant 1 : i32
        %add3A_86 = arith.addi %add3A_58, %add3A_85 : i32
        %dma_start3A_87 = arith.constant 0 : i32
        %dma_start3A_88 = arith.constant 0 : i32
        %dma_start3A_89 = tpu.memref_slice %arg7[%add3A_86, %dma_start3A_87, %dma_start3A_88] : memref<40x1x128xi32, #tpu.memory_space<vmem>> -> memref<1x1x128xi32, #tpu.memory_space<vmem>>
        %dma_start3A_90 = tpu.memref_squeeze %dma_start3A_89 : memref<1x1x128xi32, #tpu.memory_space<vmem>> -> memref<128xi32, #tpu.memory_space<vmem>>
        %dma_start3A_91 = arith.constant 0 : i32
        %dma_start3A_92 = arith.constant 0 : i32
        %dma_start3A_93 = tpu.memref_slice %arg2[%dma_start3A_91, %dma_start3A_92] : memref<10000x128xf32, #tpu.memory_space<hbm>> -> memref<10000x128xf32, #tpu.memory_space<hbm>>
        tpu.enqueue_indirect_dma source(%dma_start3A_93 : memref<10000x128xf32, #tpu.memory_space<hbm>>) target(%arg9 : memref<128x128xf32, #tpu.memory_space<vmem>>) offsets(%dma_start3A_90 : memref<128xi32, #tpu.memory_space<vmem>>) semaphore(%arg12 : memref<!tpu.dma_semaphore, #tpu.memory_space<semaphore_mem>>)
      } else {
      }
      %dma_wait3A_78 = arith.constant 0 : i32
      %dma_wait3A_79 = arith.constant 0 : i32
      %dma_wait3A_80 = tpu.memref_slice %arg2[%dma_wait3A_78, %dma_wait3A_79] : memref<10000x128xf32, #tpu.memory_space<hbm>> -> memref<128x128xf32, #tpu.memory_space<hbm>>
      %dma_wait3A_81 = arith.constant 0 : i32
      %dma_wait3A_82 = arith.constant 0 : i32
      %dma_wait3A_83 = tpu.memref_slice %arg2[%dma_wait3A_81, %dma_wait3A_82] : memref<10000x128xf32, #tpu.memory_space<hbm>> -> memref<128x128xf32, #tpu.memory_space<hbm>>
      tpu.wait_dma2 semaphore(%arg13 : memref<!tpu.dma_semaphore, #tpu.memory_space<semaphore_mem>>) src(%dma_wait3A_83 : memref<128x128xf32, #tpu.memory_space<hbm>>) dst(%arg10 : memref<128x128xf32, #tpu.memory_space<vmem>>)
      %run_scoped3A_84 = arith.constant 0 : i32
      "tpu.region"() ({
        %run_scoped3A_85 = tpu.sem_alloc : memref<!tpu.dma_semaphore, #tpu.memory_space<semaphore_mem>>
        %dma_start3A_86 = arith.constant 0 : i32
        %dma_start3A_87 = tpu.memref_slice %arg8[%add3A_58, %run_scoped3A_84, %dma_start3A_86] : memref<40x1x128xi32, #tpu.memory_space<vmem>> -> memref<1x1x128xi32, #tpu.memory_space<vmem>>
        %dma_start3A_88 = tpu.memref_squeeze %dma_start3A_87 : memref<1x1x128xi32, #tpu.memory_space<vmem>> -> memref<128xi32, #tpu.memory_space<vmem>>
        %dma_start3A_89 = arith.constant 0 : i32
        %dma_start3A_90 = arith.constant 0 : i32
        %dma_start3A_91 = tpu.memref_slice %arg11[%dma_start3A_89, %dma_start3A_90] : memref<10008x128xf32, #tpu.memory_space<vmem_shared>> -> memref<10008x128xf32, #tpu.memory_space<vmem_shared>>
        tpu.enqueue_indirect_dma source(%arg10 : memref<128x128xf32, #tpu.memory_space<vmem>>) target(%dma_start3A_91 : memref<10008x128xf32, #tpu.memory_space<vmem_shared>>) offsets(%dma_start3A_88 : memref<128xi32, #tpu.memory_space<vmem>>) semaphore(%run_scoped3A_85 : memref<!tpu.dma_semaphore, #tpu.memory_space<semaphore_mem>>) {add = true}
        %dma_wait3A_92 = arith.constant 0 : i32
        %dma_wait3A_93 = tpu.memref_slice %arg8[%add3A_58, %run_scoped3A_84, %dma_wait3A_92] : memref<40x1x128xi32, #tpu.memory_space<vmem>> -> memref<1x1x128xi32, #tpu.memory_space<vmem>>
        %dma_wait3A_94 = tpu.memref_squeeze %dma_wait3A_93 : memref<1x1x128xi32, #tpu.memory_space<vmem>> -> memref<128xi32, #tpu.memory_space<vmem>>
        %dma_wait3A_95 = arith.constant 0 : i32
        %dma_wait3A_96 = arith.constant 0 : i32
        %dma_wait3A_97 = tpu.memref_slice %arg11[%dma_wait3A_95, %dma_wait3A_96] : memref<10008x128xf32, #tpu.memory_space<vmem_shared>> -> memref<10008x128xf32, #tpu.memory_space<vmem_shared>>
        tpu.wait_indirect_dma semaphore(%run_scoped3A_85 : memref<!tpu.dma_semaphore, #tpu.memory_space<semaphore_mem>>) src(%arg10 : memref<128x128xf32, #tpu.memory_space<vmem>>) dst(%dma_wait3A_97 : memref<10008x128xf32, #tpu.memory_space<vmem_shared>>)
        tpu.yield
      }) : () -> ()
    }
    %scan3A_42 = arith.constant 20 : i32
    %barrier3A_43 = arith.constant 0 : index
    tpu.barrier barrier_id(%barrier3A_43)
    %lt3A_44 = arith.constant 15 : i32
    %lt3A_45 = arith.cmpi slt, %arg1, %lt3A_44 : i32
    %convert_element_type3A_46 = arith.extui %lt3A_45 : i1 to i32
    %cond3A_47 = arith.constant 0 : i32
    %cond3A_48 = arith.cmpi ne, %convert_element_type3A_46, %cond3A_47 : i32
    scf.if %cond3A_48 {
      %mul3A_54 = arith.constant 632 : i32
      %mul3A_55 = arith.muli %arg1, %mul3A_54 : i32
      %mul3A_56 = arith.constant 632 : i32
      %mul3A_57 = arith.muli %arg1, %mul3A_56 : i32
      "tpu.region"() ({
        %run_scoped3A = tpu.sem_alloc : memref<!tpu.dma_semaphore, #tpu.memory_space<semaphore_mem>>
        %dma_start3A_58 = arith.constant 0 : i32
        %dma_start3A_59 = tpu.memref_slice %arg6[%arg0, %mul3A_57, %dma_start3A_58] : memref<2x10000x128xf32, #tpu.memory_space<hbm>> -> memref<1x632x128xf32, #tpu.memory_space<hbm>>
        %dma_start3A_60 = tpu.memref_squeeze %dma_start3A_59 : memref<1x632x128xf32, #tpu.memory_space<hbm>> -> memref<632x128xf32, #tpu.memory_space<hbm>>
        %dma_start3A_61 = arith.constant 0 : i32
        %dma_start3A_62 = tpu.memref_slice %arg11[%mul3A_55, %dma_start3A_61] : memref<10008x128xf32, #tpu.memory_space<vmem_shared>> -> memref<632x128xf32, #tpu.memory_space<vmem_shared>>
        tpu.enqueue_dma source(%dma_start3A_62 : memref<632x128xf32, #tpu.memory_space<vmem_shared>>) target(%dma_start3A_60 : memref<632x128xf32, #tpu.memory_space<hbm>>) target_semaphore(%run_scoped3A : memref<!tpu.dma_semaphore, #tpu.memory_space<semaphore_mem>>)
        %dma_wait3A = arith.constant 0 : i32
        %dma_wait3A_63 = tpu.memref_slice %arg6[%arg0, %mul3A_57, %dma_wait3A] : memref<2x10000x128xf32, #tpu.memory_space<hbm>> -> memref<1x632x128xf32, #tpu.memory_space<hbm>>
        %dma_wait3A_64 = tpu.memref_squeeze %dma_wait3A_63 : memref<1x632x128xf32, #tpu.memory_space<hbm>> -> memref<632x128xf32, #tpu.memory_space<hbm>>
        %dma_wait3A_65 = arith.constant 0 : i32
        %dma_wait3A_66 = tpu.memref_slice %arg11[%mul3A_55, %dma_wait3A_65] : memref<10008x128xf32, #tpu.memory_space<vmem_shared>> -> memref<632x128xf32, #tpu.memory_space<vmem_shared>>
        tpu.wait_dma2 semaphore(%run_scoped3A : memref<!tpu.dma_semaphore, #tpu.memory_space<semaphore_mem>>) src(%dma_wait3A_66 : memref<632x128xf32, #tpu.memory_space<vmem_shared>>) dst(%dma_wait3A_64 : memref<632x128xf32, #tpu.memory_space<hbm>>)
        tpu.yield
      }) : () -> ()
    } else {
    }
    %eq3A_49 = arith.constant 15 : i32
    %eq3A_50 = arith.cmpi eq, %arg1, %eq3A_49 : i32
    %convert_element_type3A_51 = arith.extui %eq3A_50 : i1 to i32
    %cond3A_52 = arith.constant 0 : i32
    %cond3A_53 = arith.cmpi ne, %convert_element_type3A_51, %cond3A_52 : i32
    scf.if %cond3A_53 {
      "tpu.region"() ({
        %run_scoped3A = tpu.sem_alloc : memref<!tpu.dma_semaphore, #tpu.memory_space<semaphore_mem>>
        %dma_start3A_54 = arith.constant 9480 : i32
        %dma_start3A_55 = arith.constant 0 : i32
        %dma_start3A_56 = tpu.memref_slice %arg6[%arg0, %dma_start3A_54, %dma_start3A_55] : memref<2x10000x128xf32, #tpu.memory_space<hbm>> -> memref<1x520x128xf32, #tpu.memory_space<hbm>>
        %dma_start3A_57 = tpu.memref_squeeze %dma_start3A_56 : memref<1x520x128xf32, #tpu.memory_space<hbm>> -> memref<520x128xf32, #tpu.memory_space<hbm>>
        %dma_start3A_58 = arith.constant 9480 : i32
        %dma_start3A_59 = arith.constant 0 : i32
        %dma_start3A_60 = tpu.memref_slice %arg11[%dma_start3A_58, %dma_start3A_59] : memref<10008x128xf32, #tpu.memory_space<vmem_shared>> -> memref<520x128xf32, #tpu.memory_space<vmem_shared>>
        tpu.enqueue_dma source(%dma_start3A_60 : memref<520x128xf32, #tpu.memory_space<vmem_shared>>) target(%dma_start3A_57 : memref<520x128xf32, #tpu.memory_space<hbm>>) target_semaphore(%run_scoped3A : memref<!tpu.dma_semaphore, #tpu.memory_space<semaphore_mem>>)
        %dma_wait3A = arith.constant 9480 : i32
        %dma_wait3A_61 = arith.constant 0 : i32
        %dma_wait3A_62 = tpu.memref_slice %arg6[%arg0, %dma_wait3A, %dma_wait3A_61] : memref<2x10000x128xf32, #tpu.memory_space<hbm>> -> memref<1x520x128xf32, #tpu.memory_space<hbm>>
        %dma_wait3A_63 = tpu.memref_squeeze %dma_wait3A_62 : memref<1x520x128xf32, #tpu.memory_space<hbm>> -> memref<520x128xf32, #tpu.memory_space<hbm>>
        %dma_wait3A_64 = arith.constant 9480 : i32
        %dma_wait3A_65 = arith.constant 0 : i32
        %dma_wait3A_66 = tpu.memref_slice %arg11[%dma_wait3A_64, %dma_wait3A_65] : memref<10008x128xf32, #tpu.memory_space<vmem_shared>> -> memref<520x128xf32, #tpu.memory_space<vmem_shared>>
        tpu.wait_dma2 semaphore(%run_scoped3A : memref<!tpu.dma_semaphore, #tpu.memory_space<semaphore_mem>>) src(%dma_wait3A_66 : memref<520x128xf32, #tpu.memory_space<vmem_shared>>) dst(%dma_wait3A_63 : memref<520x128xf32, #tpu.memory_space<hbm>>)
        tpu.yield
      }) : () -> ()
    } else {
    }
    return
  }
}

#map = affine_map<(d0, d1) -> (0, 0)>
#map1 = affine_map<(d0, d1) -> (0, 0, 0, 0)>
#map2 = affine_map<(d0, d1) -> (0, 0, 0)>
module attributes {stable_mosaic.version = 14 : i64} {
  func.func @agg_kernel(%arg0: i32, %arg1: i32, %arg2: memref<10000x128xf32, #tpu.memory_space<hbm>>, %arg3: memref<632x128xf32, #tpu.memory_space<hbm>>, %arg4: memref<32x80x1x128xi32, #tpu.memory_space<hbm>>, %arg5: memref<32x80x1x128xi32, #tpu.memory_space<hbm>>, %arg6: memref<2x10000x128xf32, #tpu.memory_space<hbm>>, %arg7: memref<40x1x128xi32, #tpu.memory_space<vmem>>, %arg8: memref<40x1x128xi32, #tpu.memory_space<vmem>>, %arg9: memref<128x128xf32, #tpu.memory_space<vmem>>, %arg10: memref<128x128xf32, #tpu.memory_space<vmem>>, %arg11: memref<10008x128xf32, #tpu.memory_space<vmem_shared>>, %arg12: memref<!tpu.dma_semaphore, #tpu.memory_space<semaphore_mem>>, %arg13: memref<!tpu.dma_semaphore, #tpu.memory_space<semaphore_mem>>, %arg14: memref<!tpu.dma_semaphore, #tpu.memory_space<semaphore_mem>>) attributes {dimension_semantics = [#tpu.dimension_semantics<core_parallel>, #tpu.dimension_semantics<subcore_parallel>], iteration_bounds = array<i64: 2, 16>, scalar_prefetch = 0 : i64, scratch_operands = 8 : i64, tpu.core_type = #tpu.core_type<sc_vector_subcore>, window_params = [{transform_indices = #map}, {transform_indices = #map}, {transform_indices = #map1}, {transform_indices = #map1}, {transform_indices = #map2}]} {
    %mul3A = arith.constant 2 : i32
    %mul3A_0 = arith.muli %arg1, %mul3A : i32
    %add3A = arith.addi %mul3A_0, %arg0 : i32
    %lt3A = arith.constant 15 : i32
    %lt3A_1 = arith.cmpi slt, %arg1, %lt3A : i32
    %convert_element_type3A = arith.extui %lt3A_1 : i1 to i32
    %cond3A = arith.constant 0 : i32
    %cond3A_2 = arith.cmpi ne, %convert_element_type3A, %cond3A : i32
    scf.if %cond3A_2 {
      %mul3A_54 = arith.constant 632 : i32
      %mul3A_55 = arith.muli %arg1, %mul3A_54 : i32
      %dma_start3A_56 = arith.constant 0 : i32
      %dma_start3A_57 = tpu.memref_slice %arg11[%mul3A_55, %dma_start3A_56] : memref<10008x128xf32, #tpu.memory_space<vmem_shared>> -> memref<632x128xf32, #tpu.memory_space<vmem_shared>>
      tpu.enqueue_dma source(%arg3 : memref<632x128xf32, #tpu.memory_space<hbm>>) target(%dma_start3A_57 : memref<632x128xf32, #tpu.memory_space<vmem_shared>>) target_semaphore(%arg14 : memref<!tpu.dma_semaphore, #tpu.memory_space<semaphore_mem>>)
    } else {
    }
    %eq3A = arith.constant 15 : i32
    %eq3A_3 = arith.cmpi eq, %arg1, %eq3A : i32
    %convert_element_type3A_4 = arith.extui %eq3A_3 : i1 to i32
    %cond3A_5 = arith.constant 0 : i32
    %cond3A_6 = arith.cmpi ne, %convert_element_type3A_4, %cond3A_5 : i32
    scf.if %cond3A_6 {
      %dma_start3A_54 = arith.constant 9480 : i32
      %dma_start3A_55 = arith.constant 0 : i32
      %dma_start3A_56 = tpu.memref_slice %arg11[%dma_start3A_54, %dma_start3A_55] : memref<10008x128xf32, #tpu.memory_space<vmem_shared>> -> memref<520x128xf32, #tpu.memory_space<vmem_shared>>
      %dma_start3A_57 = arith.constant 0 : i32
      %dma_start3A_58 = arith.constant 0 : i32
      %dma_start3A_59 = tpu.memref_slice %arg3[%dma_start3A_57, %dma_start3A_58] : memref<632x128xf32, #tpu.memory_space<hbm>> -> memref<520x128xf32, #tpu.memory_space<hbm>>
      tpu.enqueue_dma source(%dma_start3A_59 : memref<520x128xf32, #tpu.memory_space<hbm>>) target(%dma_start3A_56 : memref<520x128xf32, #tpu.memory_space<vmem_shared>>) target_semaphore(%arg14 : memref<!tpu.dma_semaphore, #tpu.memory_space<semaphore_mem>>)
    } else {
    }
    "tpu.region"() ({
      %run_scoped3A = tpu.sem_alloc : memref<!tpu.dma_semaphore, #tpu.memory_space<semaphore_mem>>
      %dma_start3A_54 = arith.constant 0 : i32
      %dma_start3A_55 = arith.constant 0 : i32
      %dma_start3A_56 = arith.constant 0 : i32
      %dma_start3A_57 = tpu.memref_slice %arg4[%add3A, %dma_start3A_54, %dma_start3A_55, %dma_start3A_56] : memref<32x80x1x128xi32, #tpu.memory_space<hbm>> -> memref<1x40x1x128xi32, #tpu.memory_space<hbm>>
      %dma_start3A_58 = tpu.memref_squeeze %dma_start3A_57 : memref<1x40x1x128xi32, #tpu.memory_space<hbm>> -> memref<40x1x128xi32, #tpu.memory_space<hbm>>
      %dma_start3A_59 = arith.constant 0 : i32
      %dma_start3A_60 = arith.constant 0 : i32
      %dma_start3A_61 = arith.constant 0 : i32
      %dma_start3A_62 = tpu.memref_slice %arg4[%add3A, %dma_start3A_59, %dma_start3A_60, %dma_start3A_61] : memref<32x80x1x128xi32, #tpu.memory_space<hbm>> -> memref<1x40x1x128xi32, #tpu.memory_space<hbm>>
      %dma_start3A_63 = tpu.memref_squeeze %dma_start3A_62 : memref<1x40x1x128xi32, #tpu.memory_space<hbm>> -> memref<40x1x128xi32, #tpu.memory_space<hbm>>
      tpu.enqueue_dma source(%dma_start3A_63 : memref<40x1x128xi32, #tpu.memory_space<hbm>>) target(%arg7 : memref<40x1x128xi32, #tpu.memory_space<vmem>>) target_semaphore(%run_scoped3A : memref<!tpu.dma_semaphore, #tpu.memory_space<semaphore_mem>>)
      %dma_wait3A = arith.constant 0 : i32
      %dma_wait3A_64 = arith.constant 0 : i32
      %dma_wait3A_65 = arith.constant 0 : i32
      %dma_wait3A_66 = tpu.memref_slice %arg4[%add3A, %dma_wait3A, %dma_wait3A_64, %dma_wait3A_65] : memref<32x80x1x128xi32, #tpu.memory_space<hbm>> -> memref<1x40x1x128xi32, #tpu.memory_space<hbm>>
      %dma_wait3A_67 = tpu.memref_squeeze %dma_wait3A_66 : memref<1x40x1x128xi32, #tpu.memory_space<hbm>> -> memref<40x1x128xi32, #tpu.memory_space<hbm>>
      %dma_wait3A_68 = arith.constant 0 : i32
      %dma_wait3A_69 = arith.constant 0 : i32
      %dma_wait3A_70 = arith.constant 0 : i32
      %dma_wait3A_71 = tpu.memref_slice %arg4[%add3A, %dma_wait3A_68, %dma_wait3A_69, %dma_wait3A_70] : memref<32x80x1x128xi32, #tpu.memory_space<hbm>> -> memref<1x40x1x128xi32, #tpu.memory_space<hbm>>
      %dma_wait3A_72 = tpu.memref_squeeze %dma_wait3A_71 : memref<1x40x1x128xi32, #tpu.memory_space<hbm>> -> memref<40x1x128xi32, #tpu.memory_space<hbm>>
      tpu.wait_dma2 semaphore(%run_scoped3A : memref<!tpu.dma_semaphore, #tpu.memory_space<semaphore_mem>>) src(%dma_wait3A_72 : memref<40x1x128xi32, #tpu.memory_space<hbm>>) dst(%arg7 : memref<40x1x128xi32, #tpu.memory_space<vmem>>)
      tpu.yield
    }) : () -> ()
    "tpu.region"() ({
      %run_scoped3A = tpu.sem_alloc : memref<!tpu.dma_semaphore, #tpu.memory_space<semaphore_mem>>
      %dma_start3A_54 = arith.constant 0 : i32
      %dma_start3A_55 = arith.constant 0 : i32
      %dma_start3A_56 = arith.constant 0 : i32
      %dma_start3A_57 = tpu.memref_slice %arg5[%add3A, %dma_start3A_54, %dma_start3A_55, %dma_start3A_56] : memref<32x80x1x128xi32, #tpu.memory_space<hbm>> -> memref<1x40x1x128xi32, #tpu.memory_space<hbm>>
      %dma_start3A_58 = tpu.memref_squeeze %dma_start3A_57 : memref<1x40x1x128xi32, #tpu.memory_space<hbm>> -> memref<40x1x128xi32, #tpu.memory_space<hbm>>
      %dma_start3A_59 = arith.constant 0 : i32
      %dma_start3A_60 = arith.constant 0 : i32
      %dma_start3A_61 = arith.constant 0 : i32
      %dma_start3A_62 = tpu.memref_slice %arg5[%add3A, %dma_start3A_59, %dma_start3A_60, %dma_start3A_61] : memref<32x80x1x128xi32, #tpu.memory_space<hbm>> -> memref<1x40x1x128xi32, #tpu.memory_space<hbm>>
      %dma_start3A_63 = tpu.memref_squeeze %dma_start3A_62 : memref<1x40x1x128xi32, #tpu.memory_space<hbm>> -> memref<40x1x128xi32, #tpu.memory_space<hbm>>
      tpu.enqueue_dma source(%dma_start3A_63 : memref<40x1x128xi32, #tpu.memory_space<hbm>>) target(%arg8 : memref<40x1x128xi32, #tpu.memory_space<vmem>>) target_semaphore(%run_scoped3A : memref<!tpu.dma_semaphore, #tpu.memory_space<semaphore_mem>>)
      %dma_wait3A = arith.constant 0 : i32
      %dma_wait3A_64 = arith.constant 0 : i32
      %dma_wait3A_65 = arith.constant 0 : i32
      %dma_wait3A_66 = tpu.memref_slice %arg5[%add3A, %dma_wait3A, %dma_wait3A_64, %dma_wait3A_65] : memref<32x80x1x128xi32, #tpu.memory_space<hbm>> -> memref<1x40x1x128xi32, #tpu.memory_space<hbm>>
      %dma_wait3A_67 = tpu.memref_squeeze %dma_wait3A_66 : memref<1x40x1x128xi32, #tpu.memory_space<hbm>> -> memref<40x1x128xi32, #tpu.memory_space<hbm>>
      %dma_wait3A_68 = arith.constant 0 : i32
      %dma_wait3A_69 = arith.constant 0 : i32
      %dma_wait3A_70 = arith.constant 0 : i32
      %dma_wait3A_71 = tpu.memref_slice %arg5[%add3A, %dma_wait3A_68, %dma_wait3A_69, %dma_wait3A_70] : memref<32x80x1x128xi32, #tpu.memory_space<hbm>> -> memref<1x40x1x128xi32, #tpu.memory_space<hbm>>
      %dma_wait3A_72 = tpu.memref_squeeze %dma_wait3A_71 : memref<1x40x1x128xi32, #tpu.memory_space<hbm>> -> memref<40x1x128xi32, #tpu.memory_space<hbm>>
      tpu.wait_dma2 semaphore(%run_scoped3A : memref<!tpu.dma_semaphore, #tpu.memory_space<semaphore_mem>>) src(%dma_wait3A_72 : memref<40x1x128xi32, #tpu.memory_space<hbm>>) dst(%arg8 : memref<40x1x128xi32, #tpu.memory_space<vmem>>)
      tpu.yield
    }) : () -> ()
    %dma_start3A = arith.constant 0 : i32
    %dma_start3A_7 = arith.constant 0 : i32
    %dma_start3A_8 = arith.constant 0 : i32
    %dma_start3A_9 = tpu.memref_slice %arg7[%dma_start3A, %dma_start3A_7, %dma_start3A_8] : memref<40x1x128xi32, #tpu.memory_space<vmem>> -> memref<1x1x128xi32, #tpu.memory_space<vmem>>
    %dma_start3A_10 = tpu.memref_squeeze %dma_start3A_9 : memref<1x1x128xi32, #tpu.memory_space<vmem>> -> memref<128xi32, #tpu.memory_space<vmem>>
    %dma_start3A_11 = arith.constant 0 : i32
    %dma_start3A_12 = arith.constant 0 : i32
    %dma_start3A_13 = tpu.memref_slice %arg2[%dma_start3A_11, %dma_start3A_12] : memref<10000x128xf32, #tpu.memory_space<hbm>> -> memref<10000x128xf32, #tpu.memory_space<hbm>>
    tpu.enqueue_indirect_dma source(%dma_start3A_13 : memref<10000x128xf32, #tpu.memory_space<hbm>>) target(%arg9 : memref<128x128xf32, #tpu.memory_space<vmem>>) offsets(%dma_start3A_10 : memref<128xi32, #tpu.memory_space<vmem>>) semaphore(%arg12 : memref<!tpu.dma_semaphore, #tpu.memory_space<semaphore_mem>>)
    %lt3A_14 = arith.constant 15 : i32
    %lt3A_15 = arith.cmpi slt, %arg1, %lt3A_14 : i32
    %convert_element_type3A_16 = arith.extui %lt3A_15 : i1 to i32
    %cond3A_17 = arith.constant 0 : i32
    %cond3A_18 = arith.cmpi ne, %convert_element_type3A_16, %cond3A_17 : i32
    scf.if %cond3A_18 {
      %mul3A_54 = arith.constant 632 : i32
      %mul3A_55 = arith.muli %arg1, %mul3A_54 : i32
      %dma_wait3A = arith.constant 0 : i32
      %dma_wait3A_56 = tpu.memref_slice %arg11[%mul3A_55, %dma_wait3A] : memref<10008x128xf32, #tpu.memory_space<vmem_shared>> -> memref<632x128xf32, #tpu.memory_space<vmem_shared>>
      tpu.wait_dma2 semaphore(%arg14 : memref<!tpu.dma_semaphore, #tpu.memory_space<semaphore_mem>>) src(%arg3 : memref<632x128xf32, #tpu.memory_space<hbm>>) dst(%dma_wait3A_56 : memref<632x128xf32, #tpu.memory_space<vmem_shared>>)
    } else {
    }
    %eq3A_19 = arith.constant 15 : i32
    %eq3A_20 = arith.cmpi eq, %arg1, %eq3A_19 : i32
    %convert_element_type3A_21 = arith.extui %eq3A_20 : i1 to i32
    %cond3A_22 = arith.constant 0 : i32
    %cond3A_23 = arith.cmpi ne, %convert_element_type3A_21, %cond3A_22 : i32
    scf.if %cond3A_23 {
      %dma_wait3A = arith.constant 9480 : i32
      %dma_wait3A_54 = arith.constant 0 : i32
      %dma_wait3A_55 = tpu.memref_slice %arg11[%dma_wait3A, %dma_wait3A_54] : memref<10008x128xf32, #tpu.memory_space<vmem_shared>> -> memref<520x128xf32, #tpu.memory_space<vmem_shared>>
      %dma_wait3A_56 = arith.constant 0 : i32
      %dma_wait3A_57 = arith.constant 0 : i32
      %dma_wait3A_58 = tpu.memref_slice %arg3[%dma_wait3A_56, %dma_wait3A_57] : memref<632x128xf32, #tpu.memory_space<hbm>> -> memref<520x128xf32, #tpu.memory_space<hbm>>
      tpu.wait_dma2 semaphore(%arg14 : memref<!tpu.dma_semaphore, #tpu.memory_space<semaphore_mem>>) src(%dma_wait3A_58 : memref<520x128xf32, #tpu.memory_space<hbm>>) dst(%dma_wait3A_55 : memref<520x128xf32, #tpu.memory_space<vmem_shared>>)
    } else {
    }
    %barrier3A = arith.constant 0 : index
    tpu.barrier barrier_id(%barrier3A)
    %scan3A = arith.constant 0 : i32
    %scan3A_24 = arith.constant 0 : i32
    %scan3A_25 = arith.constant 20 : i32
    %scan3A_26 = arith.addi %scan3A_24, %scan3A_25 : i32
    %scan3A_27 = arith.constant 1 : i32
    scf.for %scan3A_54 = %scan3A_24 to %scan3A_26 step %scan3A_27  : i32 {
      %mul3A_55 = arith.constant 2 : i32
      %mul3A_56 = arith.muli %mul3A_55, %scan3A_54 : i32
      %add3A_57 = arith.constant 1 : i32
      %add3A_58 = arith.addi %mul3A_56, %add3A_57 : i32
      %dma_start3A_59 = arith.constant 0 : i32
      %dma_start3A_60 = arith.constant 0 : i32
      %dma_start3A_61 = tpu.memref_slice %arg7[%add3A_58, %dma_start3A_59, %dma_start3A_60] : memref<40x1x128xi32, #tpu.memory_space<vmem>> -> memref<1x1x128xi32, #tpu.memory_space<vmem>>
      %dma_start3A_62 = tpu.memref_squeeze %dma_start3A_61 : memref<1x1x128xi32, #tpu.memory_space<vmem>> -> memref<128xi32, #tpu.memory_space<vmem>>
      %dma_start3A_63 = arith.constant 0 : i32
      %dma_start3A_64 = arith.constant 0 : i32
      %dma_start3A_65 = tpu.memref_slice %arg2[%dma_start3A_63, %dma_start3A_64] : memref<10000x128xf32, #tpu.memory_space<hbm>> -> memref<10000x128xf32, #tpu.memory_space<hbm>>
      tpu.enqueue_indirect_dma source(%dma_start3A_65 : memref<10000x128xf32, #tpu.memory_space<hbm>>) target(%arg10 : memref<128x128xf32, #tpu.memory_space<vmem>>) offsets(%dma_start3A_62 : memref<128xi32, #tpu.memory_space<vmem>>) semaphore(%arg13 : memref<!tpu.dma_semaphore, #tpu.memory_space<semaphore_mem>>)
      %dma_wait3A = arith.constant 0 : i32
      %dma_wait3A_66 = arith.constant 0 : i32
      %dma_wait3A_67 = tpu.memref_slice %arg2[%dma_wait3A, %dma_wait3A_66] : memref<10000x128xf32, #tpu.memory_space<hbm>> -> memref<128x128xf32, #tpu.memory_space<hbm>>
      %dma_wait3A_68 = arith.constant 0 : i32
      %dma_wait3A_69 = arith.constant 0 : i32
      %dma_wait3A_70 = tpu.memref_slice %arg2[%dma_wait3A_68, %dma_wait3A_69] : memref<10000x128xf32, #tpu.memory_space<hbm>> -> memref<128x128xf32, #tpu.memory_space<hbm>>
      tpu.wait_dma2 semaphore(%arg12 : memref<!tpu.dma_semaphore, #tpu.memory_space<semaphore_mem>>) src(%dma_wait3A_70 : memref<128x128xf32, #tpu.memory_space<hbm>>) dst(%arg9 : memref<128x128xf32, #tpu.memory_space<vmem>>)
      %run_scoped3A = arith.constant 0 : i32
      "tpu.region"() ({
        %run_scoped3A_85 = tpu.sem_alloc : memref<!tpu.dma_semaphore, #tpu.memory_space<semaphore_mem>>
        %dma_start3A_86 = arith.constant 0 : i32
        %dma_start3A_87 = tpu.memref_slice %arg8[%mul3A_56, %run_scoped3A, %dma_start3A_86] : memref<40x1x128xi32, #tpu.memory_space<vmem>> -> memref<1x1x128xi32, #tpu.memory_space<vmem>>
        %dma_start3A_88 = tpu.memref_squeeze %dma_start3A_87 : memref<1x1x128xi32, #tpu.memory_space<vmem>> -> memref<128xi32, #tpu.memory_space<vmem>>
        %dma_start3A_89 = arith.constant 0 : i32
        %dma_start3A_90 = arith.constant 0 : i32
        %dma_start3A_91 = tpu.memref_slice %arg11[%dma_start3A_89, %dma_start3A_90] : memref<10008x128xf32, #tpu.memory_space<vmem_shared>> -> memref<10008x128xf32, #tpu.memory_space<vmem_shared>>
        tpu.enqueue_indirect_dma source(%arg9 : memref<128x128xf32, #tpu.memory_space<vmem>>) target(%dma_start3A_91 : memref<10008x128xf32, #tpu.memory_space<vmem_shared>>) offsets(%dma_start3A_88 : memref<128xi32, #tpu.memory_space<vmem>>) semaphore(%run_scoped3A_85 : memref<!tpu.dma_semaphore, #tpu.memory_space<semaphore_mem>>) {add = true}
        %dma_wait3A_92 = arith.constant 0 : i32
        %dma_wait3A_93 = tpu.memref_slice %arg8[%mul3A_56, %run_scoped3A, %dma_wait3A_92] : memref<40x1x128xi32, #tpu.memory_space<vmem>> -> memref<1x1x128xi32, #tpu.memory_space<vmem>>
        %dma_wait3A_94 = tpu.memref_squeeze %dma_wait3A_93 : memref<1x1x128xi32, #tpu.memory_space<vmem>> -> memref<128xi32, #tpu.memory_space<vmem>>
        %dma_wait3A_95 = arith.constant 0 : i32
        %dma_wait3A_96 = arith.constant 0 : i32
        %dma_wait3A_97 = tpu.memref_slice %arg11[%dma_wait3A_95, %dma_wait3A_96] : memref<10008x128xf32, #tpu.memory_space<vmem_shared>> -> memref<10008x128xf32, #tpu.memory_space<vmem_shared>>
        tpu.wait_indirect_dma semaphore(%run_scoped3A_85 : memref<!tpu.dma_semaphore, #tpu.memory_space<semaphore_mem>>) src(%arg9 : memref<128x128xf32, #tpu.memory_space<vmem>>) dst(%dma_wait3A_97 : memref<10008x128xf32, #tpu.memory_space<vmem_shared>>)
        tpu.yield
      }) : () -> ()
      %add3A_71 = arith.constant 1 : i32
      %add3A_72 = arith.addi %add3A_58, %add3A_71 : i32
      %lt3A_73 = arith.constant 40 : i32
      %lt3A_74 = arith.cmpi slt, %add3A_72, %lt3A_73 : i32
      %convert_element_type3A_75 = arith.extui %lt3A_74 : i1 to i32
      %cond3A_76 = arith.constant 0 : i32
      %cond3A_77 = arith.cmpi ne, %convert_element_type3A_75, %cond3A_76 : i32
      scf.if %cond3A_77 {
        %add3A_85 = arith.constant 1 : i32
        %add3A_86 = arith.addi %add3A_58, %add3A_85 : i32
        %dma_start3A_87 = arith.constant 0 : i32
        %dma_start3A_88 = arith.constant 0 : i32
        %dma_start3A_89 = tpu.memref_slice %arg7[%add3A_86, %dma_start3A_87, %dma_start3A_88] : memref<40x1x128xi32, #tpu.memory_space<vmem>> -> memref<1x1x128xi32, #tpu.memory_space<vmem>>
        %dma_start3A_90 = tpu.memref_squeeze %dma_start3A_89 : memref<1x1x128xi32, #tpu.memory_space<vmem>> -> memref<128xi32, #tpu.memory_space<vmem>>
        %dma_start3A_91 = arith.constant 0 : i32
        %dma_start3A_92 = arith.constant 0 : i32
        %dma_start3A_93 = tpu.memref_slice %arg2[%dma_start3A_91, %dma_start3A_92] : memref<10000x128xf32, #tpu.memory_space<hbm>> -> memref<10000x128xf32, #tpu.memory_space<hbm>>
        tpu.enqueue_indirect_dma source(%dma_start3A_93 : memref<10000x128xf32, #tpu.memory_space<hbm>>) target(%arg9 : memref<128x128xf32, #tpu.memory_space<vmem>>) offsets(%dma_start3A_90 : memref<128xi32, #tpu.memory_space<vmem>>) semaphore(%arg12 : memref<!tpu.dma_semaphore, #tpu.memory_space<semaphore_mem>>)
      } else {
      }
      %dma_wait3A_78 = arith.constant 0 : i32
      %dma_wait3A_79 = arith.constant 0 : i32
      %dma_wait3A_80 = tpu.memref_slice %arg2[%dma_wait3A_78, %dma_wait3A_79] : memref<10000x128xf32, #tpu.memory_space<hbm>> -> memref<128x128xf32, #tpu.memory_space<hbm>>
      %dma_wait3A_81 = arith.constant 0 : i32
      %dma_wait3A_82 = arith.constant 0 : i32
      %dma_wait3A_83 = tpu.memref_slice %arg2[%dma_wait3A_81, %dma_wait3A_82] : memref<10000x128xf32, #tpu.memory_space<hbm>> -> memref<128x128xf32, #tpu.memory_space<hbm>>
      tpu.wait_dma2 semaphore(%arg13 : memref<!tpu.dma_semaphore, #tpu.memory_space<semaphore_mem>>) src(%dma_wait3A_83 : memref<128x128xf32, #tpu.memory_space<hbm>>) dst(%arg10 : memref<128x128xf32, #tpu.memory_space<vmem>>)
      %run_scoped3A_84 = arith.constant 0 : i32
      "tpu.region"() ({
        %run_scoped3A_85 = tpu.sem_alloc : memref<!tpu.dma_semaphore, #tpu.memory_space<semaphore_mem>>
        %dma_start3A_86 = arith.constant 0 : i32
        %dma_start3A_87 = tpu.memref_slice %arg8[%add3A_58, %run_scoped3A_84, %dma_start3A_86] : memref<40x1x128xi32, #tpu.memory_space<vmem>> -> memref<1x1x128xi32, #tpu.memory_space<vmem>>
        %dma_start3A_88 = tpu.memref_squeeze %dma_start3A_87 : memref<1x1x128xi32, #tpu.memory_space<vmem>> -> memref<128xi32, #tpu.memory_space<vmem>>
        %dma_start3A_89 = arith.constant 0 : i32
        %dma_start3A_90 = arith.constant 0 : i32
        %dma_start3A_91 = tpu.memref_slice %arg11[%dma_start3A_89, %dma_start3A_90] : memref<10008x128xf32, #tpu.memory_space<vmem_shared>> -> memref<10008x128xf32, #tpu.memory_space<vmem_shared>>
        tpu.enqueue_indirect_dma source(%arg10 : memref<128x128xf32, #tpu.memory_space<vmem>>) target(%dma_start3A_91 : memref<10008x128xf32, #tpu.memory_space<vmem_shared>>) offsets(%dma_start3A_88 : memref<128xi32, #tpu.memory_space<vmem>>) semaphore(%run_scoped3A_85 : memref<!tpu.dma_semaphore, #tpu.memory_space<semaphore_mem>>) {add = true}
        %dma_wait3A_92 = arith.constant 0 : i32
        %dma_wait3A_93 = tpu.memref_slice %arg8[%add3A_58, %run_scoped3A_84, %dma_wait3A_92] : memref<40x1x128xi32, #tpu.memory_space<vmem>> -> memref<1x1x128xi32, #tpu.memory_space<vmem>>
        %dma_wait3A_94 = tpu.memref_squeeze %dma_wait3A_93 : memref<1x1x128xi32, #tpu.memory_space<vmem>> -> memref<128xi32, #tpu.memory_space<vmem>>
        %dma_wait3A_95 = arith.constant 0 : i32
        %dma_wait3A_96 = arith.constant 0 : i32
        %dma_wait3A_97 = tpu.memref_slice %arg11[%dma_wait3A_95, %dma_wait3A_96] : memref<10008x128xf32, #tpu.memory_space<vmem_shared>> -> memref<10008x128xf32, #tpu.memory_space<vmem_shared>>
        tpu.wait_indirect_dma semaphore(%run_scoped3A_85 : memref<!tpu.dma_semaphore, #tpu.memory_space<semaphore_mem>>) src(%arg10 : memref<128x128xf32, #tpu.memory_space<vmem>>) dst(%dma_wait3A_97 : memref<10008x128xf32, #tpu.memory_space<vmem_shared>>)
        tpu.yield
      }) : () -> ()
    }
    %scan3A_28 = arith.constant 20 : i32
    "tpu.region"() ({
      %run_scoped3A = tpu.sem_alloc : memref<!tpu.dma_semaphore, #tpu.memory_space<semaphore_mem>>
      %dma_start3A_54 = arith.constant 40 : i32
      %dma_start3A_55 = arith.constant 0 : i32
      %dma_start3A_56 = arith.constant 0 : i32
      %dma_start3A_57 = tpu.memref_slice %arg4[%add3A, %dma_start3A_54, %dma_start3A_55, %dma_start3A_56] : memref<32x80x1x128xi32, #tpu.memory_space<hbm>> -> memref<1x40x1x128xi32, #tpu.memory_space<hbm>>
      %dma_start3A_58 = tpu.memref_squeeze %dma_start3A_57 : memref<1x40x1x128xi32, #tpu.memory_space<hbm>> -> memref<40x1x128xi32, #tpu.memory_space<hbm>>
      %dma_start3A_59 = arith.constant 40 : i32
      %dma_start3A_60 = arith.constant 0 : i32
      %dma_start3A_61 = arith.constant 0 : i32
      %dma_start3A_62 = tpu.memref_slice %arg4[%add3A, %dma_start3A_59, %dma_start3A_60, %dma_start3A_61] : memref<32x80x1x128xi32, #tpu.memory_space<hbm>> -> memref<1x40x1x128xi32, #tpu.memory_space<hbm>>
      %dma_start3A_63 = tpu.memref_squeeze %dma_start3A_62 : memref<1x40x1x128xi32, #tpu.memory_space<hbm>> -> memref<40x1x128xi32, #tpu.memory_space<hbm>>
      tpu.enqueue_dma source(%dma_start3A_63 : memref<40x1x128xi32, #tpu.memory_space<hbm>>) target(%arg7 : memref<40x1x128xi32, #tpu.memory_space<vmem>>) target_semaphore(%run_scoped3A : memref<!tpu.dma_semaphore, #tpu.memory_space<semaphore_mem>>)
      %dma_wait3A = arith.constant 40 : i32
      %dma_wait3A_64 = arith.constant 0 : i32
      %dma_wait3A_65 = arith.constant 0 : i32
      %dma_wait3A_66 = tpu.memref_slice %arg4[%add3A, %dma_wait3A, %dma_wait3A_64, %dma_wait3A_65] : memref<32x80x1x128xi32, #tpu.memory_space<hbm>> -> memref<1x40x1x128xi32, #tpu.memory_space<hbm>>
      %dma_wait3A_67 = tpu.memref_squeeze %dma_wait3A_66 : memref<1x40x1x128xi32, #tpu.memory_space<hbm>> -> memref<40x1x128xi32, #tpu.memory_space<hbm>>
      %dma_wait3A_68 = arith.constant 40 : i32
      %dma_wait3A_69 = arith.constant 0 : i32
      %dma_wait3A_70 = arith.constant 0 : i32
      %dma_wait3A_71 = tpu.memref_slice %arg4[%add3A, %dma_wait3A_68, %dma_wait3A_69, %dma_wait3A_70] : memref<32x80x1x128xi32, #tpu.memory_space<hbm>> -> memref<1x40x1x128xi32, #tpu.memory_space<hbm>>
      %dma_wait3A_72 = tpu.memref_squeeze %dma_wait3A_71 : memref<1x40x1x128xi32, #tpu.memory_space<hbm>> -> memref<40x1x128xi32, #tpu.memory_space<hbm>>
      tpu.wait_dma2 semaphore(%run_scoped3A : memref<!tpu.dma_semaphore, #tpu.memory_space<semaphore_mem>>) src(%dma_wait3A_72 : memref<40x1x128xi32, #tpu.memory_space<hbm>>) dst(%arg7 : memref<40x1x128xi32, #tpu.memory_space<vmem>>)
      tpu.yield
    }) : () -> ()
    "tpu.region"() ({
      %run_scoped3A = tpu.sem_alloc : memref<!tpu.dma_semaphore, #tpu.memory_space<semaphore_mem>>
      %dma_start3A_54 = arith.constant 40 : i32
      %dma_start3A_55 = arith.constant 0 : i32
      %dma_start3A_56 = arith.constant 0 : i32
      %dma_start3A_57 = tpu.memref_slice %arg5[%add3A, %dma_start3A_54, %dma_start3A_55, %dma_start3A_56] : memref<32x80x1x128xi32, #tpu.memory_space<hbm>> -> memref<1x40x1x128xi32, #tpu.memory_space<hbm>>
      %dma_start3A_58 = tpu.memref_squeeze %dma_start3A_57 : memref<1x40x1x128xi32, #tpu.memory_space<hbm>> -> memref<40x1x128xi32, #tpu.memory_space<hbm>>
      %dma_start3A_59 = arith.constant 40 : i32
      %dma_start3A_60 = arith.constant 0 : i32
      %dma_start3A_61 = arith.constant 0 : i32
      %dma_start3A_62 = tpu.memref_slice %arg5[%add3A, %dma_start3A_59, %dma_start3A_60, %dma_start3A_61] : memref<32x80x1x128xi32, #tpu.memory_space<hbm>> -> memref<1x40x1x128xi32, #tpu.memory_space<hbm>>
      %dma_start3A_63 = tpu.memref_squeeze %dma_start3A_62 : memref<1x40x1x128xi32, #tpu.memory_space<hbm>> -> memref<40x1x128xi32, #tpu.memory_space<hbm>>
      tpu.enqueue_dma source(%dma_start3A_63 : memref<40x1x128xi32, #tpu.memory_space<hbm>>) target(%arg8 : memref<40x1x128xi32, #tpu.memory_space<vmem>>) target_semaphore(%run_scoped3A : memref<!tpu.dma_semaphore, #tpu.memory_space<semaphore_mem>>)
      %dma_wait3A = arith.constant 40 : i32
      %dma_wait3A_64 = arith.constant 0 : i32
      %dma_wait3A_65 = arith.constant 0 : i32
      %dma_wait3A_66 = tpu.memref_slice %arg5[%add3A, %dma_wait3A, %dma_wait3A_64, %dma_wait3A_65] : memref<32x80x1x128xi32, #tpu.memory_space<hbm>> -> memref<1x40x1x128xi32, #tpu.memory_space<hbm>>
      %dma_wait3A_67 = tpu.memref_squeeze %dma_wait3A_66 : memref<1x40x1x128xi32, #tpu.memory_space<hbm>> -> memref<40x1x128xi32, #tpu.memory_space<hbm>>
      %dma_wait3A_68 = arith.constant 40 : i32
      %dma_wait3A_69 = arith.constant 0 : i32
      %dma_wait3A_70 = arith.constant 0 : i32
      %dma_wait3A_71 = tpu.memref_slice %arg5[%add3A, %dma_wait3A_68, %dma_wait3A_69, %dma_wait3A_70] : memref<32x80x1x128xi32, #tpu.memory_space<hbm>> -> memref<1x40x1x128xi32, #tpu.memory_space<hbm>>
      %dma_wait3A_72 = tpu.memref_squeeze %dma_wait3A_71 : memref<1x40x1x128xi32, #tpu.memory_space<hbm>> -> memref<40x1x128xi32, #tpu.memory_space<hbm>>
      tpu.wait_dma2 semaphore(%run_scoped3A : memref<!tpu.dma_semaphore, #tpu.memory_space<semaphore_mem>>) src(%dma_wait3A_72 : memref<40x1x128xi32, #tpu.memory_space<hbm>>) dst(%arg8 : memref<40x1x128xi32, #tpu.memory_space<vmem>>)
      tpu.yield
    }) : () -> ()
    %dma_start3A_29 = arith.constant 0 : i32
    %dma_start3A_30 = arith.constant 0 : i32
    %dma_start3A_31 = arith.constant 0 : i32
    %dma_start3A_32 = tpu.memref_slice %arg7[%dma_start3A_29, %dma_start3A_30, %dma_start3A_31] : memref<40x1x128xi32, #tpu.memory_space<vmem>> -> memref<1x1x128xi32, #tpu.memory_space<vmem>>
    %dma_start3A_33 = tpu.memref_squeeze %dma_start3A_32 : memref<1x1x128xi32, #tpu.memory_space<vmem>> -> memref<128xi32, #tpu.memory_space<vmem>>
    %dma_start3A_34 = arith.constant 0 : i32
    %dma_start3A_35 = arith.constant 0 : i32
    %dma_start3A_36 = tpu.memref_slice %arg2[%dma_start3A_34, %dma_start3A_35] : memref<10000x128xf32, #tpu.memory_space<hbm>> -> memref<10000x128xf32, #tpu.memory_space<hbm>>
    tpu.enqueue_indirect_dma source(%dma_start3A_36 : memref<10000x128xf32, #tpu.memory_space<hbm>>) target(%arg9 : memref<128x128xf32, #tpu.memory_space<vmem>>) offsets(%dma_start3A_33 : memref<128xi32, #tpu.memory_space<vmem>>) semaphore(%arg12 : memref<!tpu.dma_semaphore, #tpu.memory_space<semaphore_mem>>)
    %scan3A_37 = arith.constant 0 : i32
    %scan3A_38 = arith.constant 0 : i32
    %scan3A_39 = arith.constant 20 : i32
    %scan3A_40 = arith.addi %scan3A_38, %scan3A_39 : i32
    %scan3A_41 = arith.constant 1 : i32
    scf.for %scan3A_54 = %scan3A_38 to %scan3A_40 step %scan3A_41  : i32 {
      %mul3A_55 = arith.constant 2 : i32
      %mul3A_56 = arith.muli %mul3A_55, %scan3A_54 : i32
      %add3A_57 = arith.constant 1 : i32
      %add3A_58 = arith.addi %mul3A_56, %add3A_57 : i32
      %dma_start3A_59 = arith.constant 0 : i32
      %dma_start3A_60 = arith.constant 0 : i32
      %dma_start3A_61 = tpu.memref_slice %arg7[%add3A_58, %dma_start3A_59, %dma_start3A_60] : memref<40x1x128xi32, #tpu.memory_space<vmem>> -> memref<1x1x128xi32, #tpu.memory_space<vmem>>
      %dma_start3A_62 = tpu.memref_squeeze %dma_start3A_61 : memref<1x1x128xi32, #tpu.memory_space<vmem>> -> memref<128xi32, #tpu.memory_space<vmem>>
      %dma_start3A_63 = arith.constant 0 : i32
      %dma_start3A_64 = arith.constant 0 : i32
      %dma_start3A_65 = tpu.memref_slice %arg2[%dma_start3A_63, %dma_start3A_64] : memref<10000x128xf32, #tpu.memory_space<hbm>> -> memref<10000x128xf32, #tpu.memory_space<hbm>>
      tpu.enqueue_indirect_dma source(%dma_start3A_65 : memref<10000x128xf32, #tpu.memory_space<hbm>>) target(%arg10 : memref<128x128xf32, #tpu.memory_space<vmem>>) offsets(%dma_start3A_62 : memref<128xi32, #tpu.memory_space<vmem>>) semaphore(%arg13 : memref<!tpu.dma_semaphore, #tpu.memory_space<semaphore_mem>>)
      %dma_wait3A = arith.constant 0 : i32
      %dma_wait3A_66 = arith.constant 0 : i32
      %dma_wait3A_67 = tpu.memref_slice %arg2[%dma_wait3A, %dma_wait3A_66] : memref<10000x128xf32, #tpu.memory_space<hbm>> -> memref<128x128xf32, #tpu.memory_space<hbm>>
      %dma_wait3A_68 = arith.constant 0 : i32
      %dma_wait3A_69 = arith.constant 0 : i32
      %dma_wait3A_70 = tpu.memref_slice %arg2[%dma_wait3A_68, %dma_wait3A_69] : memref<10000x128xf32, #tpu.memory_space<hbm>> -> memref<128x128xf32, #tpu.memory_space<hbm>>
      tpu.wait_dma2 semaphore(%arg12 : memref<!tpu.dma_semaphore, #tpu.memory_space<semaphore_mem>>) src(%dma_wait3A_70 : memref<128x128xf32, #tpu.memory_space<hbm>>) dst(%arg9 : memref<128x128xf32, #tpu.memory_space<vmem>>)
      %run_scoped3A = arith.constant 0 : i32
      "tpu.region"() ({
        %run_scoped3A_85 = tpu.sem_alloc : memref<!tpu.dma_semaphore, #tpu.memory_space<semaphore_mem>>
        %dma_start3A_86 = arith.constant 0 : i32
        %dma_start3A_87 = tpu.memref_slice %arg8[%mul3A_56, %run_scoped3A, %dma_start3A_86] : memref<40x1x128xi32, #tpu.memory_space<vmem>> -> memref<1x1x128xi32, #tpu.memory_space<vmem>>
        %dma_start3A_88 = tpu.memref_squeeze %dma_start3A_87 : memref<1x1x128xi32, #tpu.memory_space<vmem>> -> memref<128xi32, #tpu.memory_space<vmem>>
        %dma_start3A_89 = arith.constant 0 : i32
        %dma_start3A_90 = arith.constant 0 : i32
        %dma_start3A_91 = tpu.memref_slice %arg11[%dma_start3A_89, %dma_start3A_90] : memref<10008x128xf32, #tpu.memory_space<vmem_shared>> -> memref<10008x128xf32, #tpu.memory_space<vmem_shared>>
        tpu.enqueue_indirect_dma source(%arg9 : memref<128x128xf32, #tpu.memory_space<vmem>>) target(%dma_start3A_91 : memref<10008x128xf32, #tpu.memory_space<vmem_shared>>) offsets(%dma_start3A_88 : memref<128xi32, #tpu.memory_space<vmem>>) semaphore(%run_scoped3A_85 : memref<!tpu.dma_semaphore, #tpu.memory_space<semaphore_mem>>) {add = true}
        %dma_wait3A_92 = arith.constant 0 : i32
        %dma_wait3A_93 = tpu.memref_slice %arg8[%mul3A_56, %run_scoped3A, %dma_wait3A_92] : memref<40x1x128xi32, #tpu.memory_space<vmem>> -> memref<1x1x128xi32, #tpu.memory_space<vmem>>
        %dma_wait3A_94 = tpu.memref_squeeze %dma_wait3A_93 : memref<1x1x128xi32, #tpu.memory_space<vmem>> -> memref<128xi32, #tpu.memory_space<vmem>>
        %dma_wait3A_95 = arith.constant 0 : i32
        %dma_wait3A_96 = arith.constant 0 : i32
        %dma_wait3A_97 = tpu.memref_slice %arg11[%dma_wait3A_95, %dma_wait3A_96] : memref<10008x128xf32, #tpu.memory_space<vmem_shared>> -> memref<10008x128xf32, #tpu.memory_space<vmem_shared>>
        tpu.wait_indirect_dma semaphore(%run_scoped3A_85 : memref<!tpu.dma_semaphore, #tpu.memory_space<semaphore_mem>>) src(%arg9 : memref<128x128xf32, #tpu.memory_space<vmem>>) dst(%dma_wait3A_97 : memref<10008x128xf32, #tpu.memory_space<vmem_shared>>)
        tpu.yield
      }) : () -> ()
      %add3A_71 = arith.constant 1 : i32
      %add3A_72 = arith.addi %add3A_58, %add3A_71 : i32
      %lt3A_73 = arith.constant 40 : i32
      %lt3A_74 = arith.cmpi slt, %add3A_72, %lt3A_73 : i32
      %convert_element_type3A_75 = arith.extui %lt3A_74 : i1 to i32
      %cond3A_76 = arith.constant 0 : i32
      %cond3A_77 = arith.cmpi ne, %convert_element_type3A_75, %cond3A_76 : i32
      scf.if %cond3A_77 {
        %add3A_85 = arith.constant 1 : i32
        %add3A_86 = arith.addi %add3A_58, %add3A_85 : i32
        %dma_start3A_87 = arith.constant 0 : i32
        %dma_start3A_88 = arith.constant 0 : i32
        %dma_start3A_89 = tpu.memref_slice %arg7[%add3A_86, %dma_start3A_87, %dma_start3A_88] : memref<40x1x128xi32, #tpu.memory_space<vmem>> -> memref<1x1x128xi32, #tpu.memory_space<vmem>>
        %dma_start3A_90 = tpu.memref_squeeze %dma_start3A_89 : memref<1x1x128xi32, #tpu.memory_space<vmem>> -> memref<128xi32, #tpu.memory_space<vmem>>
        %dma_start3A_91 = arith.constant 0 : i32
        %dma_start3A_92 = arith.constant 0 : i32
        %dma_start3A_93 = tpu.memref_slice %arg2[%dma_start3A_91, %dma_start3A_92] : memref<10000x128xf32, #tpu.memory_space<hbm>> -> memref<10000x128xf32, #tpu.memory_space<hbm>>
        tpu.enqueue_indirect_dma source(%dma_start3A_93 : memref<10000x128xf32, #tpu.memory_space<hbm>>) target(%arg9 : memref<128x128xf32, #tpu.memory_space<vmem>>) offsets(%dma_start3A_90 : memref<128xi32, #tpu.memory_space<vmem>>) semaphore(%arg12 : memref<!tpu.dma_semaphore, #tpu.memory_space<semaphore_mem>>)
      } else {
      }
      %dma_wait3A_78 = arith.constant 0 : i32
      %dma_wait3A_79 = arith.constant 0 : i32
      %dma_wait3A_80 = tpu.memref_slice %arg2[%dma_wait3A_78, %dma_wait3A_79] : memref<10000x128xf32, #tpu.memory_space<hbm>> -> memref<128x128xf32, #tpu.memory_space<hbm>>
      %dma_wait3A_81 = arith.constant 0 : i32
      %dma_wait3A_82 = arith.constant 0 : i32
      %dma_wait3A_83 = tpu.memref_slice %arg2[%dma_wait3A_81, %dma_wait3A_82] : memref<10000x128xf32, #tpu.memory_space<hbm>> -> memref<128x128xf32, #tpu.memory_space<hbm>>
      tpu.wait_dma2 semaphore(%arg13 : memref<!tpu.dma_semaphore, #tpu.memory_space<semaphore_mem>>) src(%dma_wait3A_83 : memref<128x128xf32, #tpu.memory_space<hbm>>) dst(%arg10 : memref<128x128xf32, #tpu.memory_space<vmem>>)
      %run_scoped3A_84 = arith.constant 0 : i32
      "tpu.region"() ({
        %run_scoped3A_85 = tpu.sem_alloc : memref<!tpu.dma_semaphore, #tpu.memory_space<semaphore_mem>>
        %dma_start3A_86 = arith.constant 0 : i32
        %dma_start3A_87 = tpu.memref_slice %arg8[%add3A_58, %run_scoped3A_84, %dma_start3A_86] : memref<40x1x128xi32, #tpu.memory_space<vmem>> -> memref<1x1x128xi32, #tpu.memory_space<vmem>>
        %dma_start3A_88 = tpu.memref_squeeze %dma_start3A_87 : memref<1x1x128xi32, #tpu.memory_space<vmem>> -> memref<128xi32, #tpu.memory_space<vmem>>
        %dma_start3A_89 = arith.constant 0 : i32
        %dma_start3A_90 = arith.constant 0 : i32
        %dma_start3A_91 = tpu.memref_slice %arg11[%dma_start3A_89, %dma_start3A_90] : memref<10008x128xf32, #tpu.memory_space<vmem_shared>> -> memref<10008x128xf32, #tpu.memory_space<vmem_shared>>
        tpu.enqueue_indirect_dma source(%arg10 : memref<128x128xf32, #tpu.memory_space<vmem>>) target(%dma_start3A_91 : memref<10008x128xf32, #tpu.memory_space<vmem_shared>>) offsets(%dma_start3A_88 : memref<128xi32, #tpu.memory_space<vmem>>) semaphore(%run_scoped3A_85 : memref<!tpu.dma_semaphore, #tpu.memory_space<semaphore_mem>>) {add = true}
        %dma_wait3A_92 = arith.constant 0 : i32
        %dma_wait3A_93 = tpu.memref_slice %arg8[%add3A_58, %run_scoped3A_84, %dma_wait3A_92] : memref<40x1x128xi32, #tpu.memory_space<vmem>> -> memref<1x1x128xi32, #tpu.memory_space<vmem>>
        %dma_wait3A_94 = tpu.memref_squeeze %dma_wait3A_93 : memref<1x1x128xi32, #tpu.memory_space<vmem>> -> memref<128xi32, #tpu.memory_space<vmem>>
        %dma_wait3A_95 = arith.constant 0 : i32
        %dma_wait3A_96 = arith.constant 0 : i32
        %dma_wait3A_97 = tpu.memref_slice %arg11[%dma_wait3A_95, %dma_wait3A_96] : memref<10008x128xf32, #tpu.memory_space<vmem_shared>> -> memref<10008x128xf32, #tpu.memory_space<vmem_shared>>
        tpu.wait_indirect_dma semaphore(%run_scoped3A_85 : memref<!tpu.dma_semaphore, #tpu.memory_space<semaphore_mem>>) src(%arg10 : memref<128x128xf32, #tpu.memory_space<vmem>>) dst(%dma_wait3A_97 : memref<10008x128xf32, #tpu.memory_space<vmem_shared>>)
        tpu.yield
      }) : () -> ()
    }
    %scan3A_42 = arith.constant 20 : i32
    %barrier3A_43 = arith.constant 0 : index
    tpu.barrier barrier_id(%barrier3A_43)
    %lt3A_44 = arith.constant 15 : i32
    %lt3A_45 = arith.cmpi slt, %arg1, %lt3A_44 : i32
    %convert_element_type3A_46 = arith.extui %lt3A_45 : i1 to i32
    %cond3A_47 = arith.constant 0 : i32
    %cond3A_48 = arith.cmpi ne, %convert_element_type3A_46, %cond3A_47 : i32
    scf.if %cond3A_48 {
      %mul3A_54 = arith.constant 632 : i32
      %mul3A_55 = arith.muli %arg1, %mul3A_54 : i32
      %mul3A_56 = arith.constant 632 : i32
      %mul3A_57 = arith.muli %arg1, %mul3A_56 : i32
      "tpu.region"() ({
        %run_scoped3A = tpu.sem_alloc : memref<!tpu.dma_semaphore, #tpu.memory_space<semaphore_mem>>
        %dma_start3A_58 = arith.constant 0 : i32
        %dma_start3A_59 = tpu.memref_slice %arg6[%arg0, %mul3A_57, %dma_start3A_58] : memref<2x10000x128xf32, #tpu.memory_space<hbm>> -> memref<1x632x128xf32, #tpu.memory_space<hbm>>
        %dma_start3A_60 = tpu.memref_squeeze %dma_start3A_59 : memref<1x632x128xf32, #tpu.memory_space<hbm>> -> memref<632x128xf32, #tpu.memory_space<hbm>>
        %dma_start3A_61 = arith.constant 0 : i32
        %dma_start3A_62 = tpu.memref_slice %arg11[%mul3A_55, %dma_start3A_61] : memref<10008x128xf32, #tpu.memory_space<vmem_shared>> -> memref<632x128xf32, #tpu.memory_space<vmem_shared>>
        tpu.enqueue_dma source(%dma_start3A_62 : memref<632x128xf32, #tpu.memory_space<vmem_shared>>) target(%dma_start3A_60 : memref<632x128xf32, #tpu.memory_space<hbm>>) target_semaphore(%run_scoped3A : memref<!tpu.dma_semaphore, #tpu.memory_space<semaphore_mem>>)
        %dma_wait3A = arith.constant 0 : i32
        %dma_wait3A_63 = tpu.memref_slice %arg6[%arg0, %mul3A_57, %dma_wait3A] : memref<2x10000x128xf32, #tpu.memory_space<hbm>> -> memref<1x632x128xf32, #tpu.memory_space<hbm>>
        %dma_wait3A_64 = tpu.memref_squeeze %dma_wait3A_63 : memref<1x632x128xf32, #tpu.memory_space<hbm>> -> memref<632x128xf32, #tpu.memory_space<hbm>>
        %dma_wait3A_65 = arith.constant 0 : i32
        %dma_wait3A_66 = tpu.memref_slice %arg11[%mul3A_55, %dma_wait3A_65] : memref<10008x128xf32, #tpu.memory_space<vmem_shared>> -> memref<632x128xf32, #tpu.memory_space<vmem_shared>>
        tpu.wait_dma2 semaphore(%run_scoped3A : memref<!tpu.dma_semaphore, #tpu.memory_space<semaphore_mem>>) src(%dma_wait3A_66 : memref<632x128xf32, #tpu.memory_space<vmem_shared>>) dst(%dma_wait3A_64 : memref<632x128xf32, #tpu.memory_space<hbm>>)
        tpu.yield
      }) : () -> ()
    } else {
    }
    %eq3A_49 = arith.constant 15 : i32
    %eq3A_50 = arith.cmpi eq, %arg1, %eq3A_49 : i32
    %convert_element_type3A_51 = arith.extui %eq3A_50 : i1 to i32
    %cond3A_52 = arith.constant 0 : i32
    %cond3A_53 = arith.cmpi ne, %convert_element_type3A_51, %cond3A_52 : i32
    scf.if %cond3A_53 {
      "tpu.region"() ({
        %run_scoped3A = tpu.sem_alloc : memref<!tpu.dma_semaphore, #tpu.memory_space<semaphore_mem>>
        %dma_start3A_54 = arith.constant 9480 : i32
        %dma_start3A_55 = arith.constant 0 : i32
        %dma_start3A_56 = tpu.memref_slice %arg6[%arg0, %dma_start3A_54, %dma_start3A_55] : memref<2x10000x128xf32, #tpu.memory_space<hbm>> -> memref<1x520x128xf32, #tpu.memory_space<hbm>>
        %dma_start3A_57 = tpu.memref_squeeze %dma_start3A_56 : memref<1x520x128xf32, #tpu.memory_space<hbm>> -> memref<520x128xf32, #tpu.memory_space<hbm>>
        %dma_start3A_58 = arith.constant 9480 : i32
        %dma_start3A_59 = arith.constant 0 : i32
        %dma_start3A_60 = tpu.memref_slice %arg11[%dma_start3A_58, %dma_start3A_59] : memref<10008x128xf32, #tpu.memory_space<vmem_shared>> -> memref<520x128xf32, #tpu.memory_space<vmem_shared>>
        tpu.enqueue_dma source(%dma_start3A_60 : memref<520x128xf32, #tpu.memory_space<vmem_shared>>) target(%dma_start3A_57 : memref<520x128xf32, #tpu.memory_space<hbm>>) target_semaphore(%run_scoped3A : memref<!tpu.dma_semaphore, #tpu.memory_space<semaphore_mem>>)
        %dma_wait3A = arith.constant 9480 : i32
        %dma_wait3A_61 = arith.constant 0 : i32
        %dma_wait3A_62 = tpu.memref_slice %arg6[%arg0, %dma_wait3A, %dma_wait3A_61] : memref<2x10000x128xf32, #tpu.memory_space<hbm>> -> memref<1x520x128xf32, #tpu.memory_space<hbm>>
        %dma_wait3A_63 = tpu.memref_squeeze %dma_wait3A_62 : memref<1x520x128xf32, #tpu.memory_space<hbm>> -> memref<520x128xf32, #tpu.memory_space<hbm>>
        %dma_wait3A_64 = arith.constant 9480 : i32
        %dma_wait3A_65 = arith.constant 0 : i32
        %dma_wait3A_66 = tpu.memref_slice %arg11[%dma_wait3A_64, %dma_wait3A_65] : memref<10008x128xf32, #tpu.memory_space<vmem_shared>> -> memref<520x128xf32, #tpu.memory_space<vmem_shared>>
        tpu.wait_dma2 semaphore(%run_scoped3A : memref<!tpu.dma_semaphore, #tpu.memory_space<semaphore_mem>>) src(%dma_wait3A_66 : memref<520x128xf32, #tpu.memory_space<vmem_shared>>) dst(%dma_wait3A_63 : memref<520x128xf32, #tpu.memory_space<hbm>>)
        tpu.yield
      }) : () -> ()
    } else {
    }
    return
  }
}

#map = affine_map<(d0, d1) -> (0, 0)>
#map1 = affine_map<(d0, d1) -> (0, 0, 0, 0)>
#map2 = affine_map<(d0, d1) -> (0, 0, 0)>
module attributes {stable_mosaic.version = 14 : i64} {
  func.func @agg_kernel(%arg0: i32, %arg1: i32, %arg2: memref<10000x128xf32, #tpu.memory_space<hbm>>, %arg3: memref<632x128xf32, #tpu.memory_space<hbm>>, %arg4: memref<32x80x1x128xi32, #tpu.memory_space<hbm>>, %arg5: memref<32x80x1x128xi32, #tpu.memory_space<hbm>>, %arg6: memref<2x10000x128xf32, #tpu.memory_space<hbm>>, %arg7: memref<40x1x128xi32, #tpu.memory_space<vmem>>, %arg8: memref<40x1x128xi32, #tpu.memory_space<vmem>>, %arg9: memref<128x128xf32, #tpu.memory_space<vmem>>, %arg10: memref<128x128xf32, #tpu.memory_space<vmem>>, %arg11: memref<10008x128xf32, #tpu.memory_space<vmem_shared>>, %arg12: memref<!tpu.dma_semaphore, #tpu.memory_space<semaphore_mem>>, %arg13: memref<!tpu.dma_semaphore, #tpu.memory_space<semaphore_mem>>, %arg14: memref<!tpu.dma_semaphore, #tpu.memory_space<semaphore_mem>>) attributes {dimension_semantics = [#tpu.dimension_semantics<core_parallel>, #tpu.dimension_semantics<subcore_parallel>], iteration_bounds = array<i64: 2, 16>, scalar_prefetch = 0 : i64, scratch_operands = 8 : i64, tpu.core_type = #tpu.core_type<sc_vector_subcore>, window_params = [{transform_indices = #map}, {transform_indices = #map}, {transform_indices = #map1}, {transform_indices = #map1}, {transform_indices = #map2}]} {
    %mul3A = arith.constant 2 : i32
    %mul3A_0 = arith.muli %arg1, %mul3A : i32
    %add3A = arith.addi %mul3A_0, %arg0 : i32
    %lt3A = arith.constant 15 : i32
    %lt3A_1 = arith.cmpi slt, %arg1, %lt3A : i32
    %convert_element_type3A = arith.extui %lt3A_1 : i1 to i32
    %cond3A = arith.constant 0 : i32
    %cond3A_2 = arith.cmpi ne, %convert_element_type3A, %cond3A : i32
    scf.if %cond3A_2 {
      %mul3A_54 = arith.constant 632 : i32
      %mul3A_55 = arith.muli %arg1, %mul3A_54 : i32
      %dma_start3A_56 = arith.constant 0 : i32
      %dma_start3A_57 = tpu.memref_slice %arg11[%mul3A_55, %dma_start3A_56] : memref<10008x128xf32, #tpu.memory_space<vmem_shared>> -> memref<632x128xf32, #tpu.memory_space<vmem_shared>>
      tpu.enqueue_dma source(%arg3 : memref<632x128xf32, #tpu.memory_space<hbm>>) target(%dma_start3A_57 : memref<632x128xf32, #tpu.memory_space<vmem_shared>>) target_semaphore(%arg14 : memref<!tpu.dma_semaphore, #tpu.memory_space<semaphore_mem>>)
    } else {
    }
    %eq3A = arith.constant 15 : i32
    %eq3A_3 = arith.cmpi eq, %arg1, %eq3A : i32
    %convert_element_type3A_4 = arith.extui %eq3A_3 : i1 to i32
    %cond3A_5 = arith.constant 0 : i32
    %cond3A_6 = arith.cmpi ne, %convert_element_type3A_4, %cond3A_5 : i32
    scf.if %cond3A_6 {
      %dma_start3A_54 = arith.constant 9480 : i32
      %dma_start3A_55 = arith.constant 0 : i32
      %dma_start3A_56 = tpu.memref_slice %arg11[%dma_start3A_54, %dma_start3A_55] : memref<10008x128xf32, #tpu.memory_space<vmem_shared>> -> memref<520x128xf32, #tpu.memory_space<vmem_shared>>
      %dma_start3A_57 = arith.constant 0 : i32
      %dma_start3A_58 = arith.constant 0 : i32
      %dma_start3A_59 = tpu.memref_slice %arg3[%dma_start3A_57, %dma_start3A_58] : memref<632x128xf32, #tpu.memory_space<hbm>> -> memref<520x128xf32, #tpu.memory_space<hbm>>
      tpu.enqueue_dma source(%dma_start3A_59 : memref<520x128xf32, #tpu.memory_space<hbm>>) target(%dma_start3A_56 : memref<520x128xf32, #tpu.memory_space<vmem_shared>>) target_semaphore(%arg14 : memref<!tpu.dma_semaphore, #tpu.memory_space<semaphore_mem>>)
    } else {
    }
    "tpu.region"() ({
      %run_scoped3A = tpu.sem_alloc : memref<!tpu.dma_semaphore, #tpu.memory_space<semaphore_mem>>
      %dma_start3A_54 = arith.constant 0 : i32
      %dma_start3A_55 = arith.constant 0 : i32
      %dma_start3A_56 = arith.constant 0 : i32
      %dma_start3A_57 = tpu.memref_slice %arg4[%add3A, %dma_start3A_54, %dma_start3A_55, %dma_start3A_56] : memref<32x80x1x128xi32, #tpu.memory_space<hbm>> -> memref<1x40x1x128xi32, #tpu.memory_space<hbm>>
      %dma_start3A_58 = tpu.memref_squeeze %dma_start3A_57 : memref<1x40x1x128xi32, #tpu.memory_space<hbm>> -> memref<40x1x128xi32, #tpu.memory_space<hbm>>
      %dma_start3A_59 = arith.constant 0 : i32
      %dma_start3A_60 = arith.constant 0 : i32
      %dma_start3A_61 = arith.constant 0 : i32
      %dma_start3A_62 = tpu.memref_slice %arg4[%add3A, %dma_start3A_59, %dma_start3A_60, %dma_start3A_61] : memref<32x80x1x128xi32, #tpu.memory_space<hbm>> -> memref<1x40x1x128xi32, #tpu.memory_space<hbm>>
      %dma_start3A_63 = tpu.memref_squeeze %dma_start3A_62 : memref<1x40x1x128xi32, #tpu.memory_space<hbm>> -> memref<40x1x128xi32, #tpu.memory_space<hbm>>
      tpu.enqueue_dma source(%dma_start3A_63 : memref<40x1x128xi32, #tpu.memory_space<hbm>>) target(%arg7 : memref<40x1x128xi32, #tpu.memory_space<vmem>>) target_semaphore(%run_scoped3A : memref<!tpu.dma_semaphore, #tpu.memory_space<semaphore_mem>>)
      %dma_wait3A = arith.constant 0 : i32
      %dma_wait3A_64 = arith.constant 0 : i32
      %dma_wait3A_65 = arith.constant 0 : i32
      %dma_wait3A_66 = tpu.memref_slice %arg4[%add3A, %dma_wait3A, %dma_wait3A_64, %dma_wait3A_65] : memref<32x80x1x128xi32, #tpu.memory_space<hbm>> -> memref<1x40x1x128xi32, #tpu.memory_space<hbm>>
      %dma_wait3A_67 = tpu.memref_squeeze %dma_wait3A_66 : memref<1x40x1x128xi32, #tpu.memory_space<hbm>> -> memref<40x1x128xi32, #tpu.memory_space<hbm>>
      %dma_wait3A_68 = arith.constant 0 : i32
      %dma_wait3A_69 = arith.constant 0 : i32
      %dma_wait3A_70 = arith.constant 0 : i32
      %dma_wait3A_71 = tpu.memref_slice %arg4[%add3A, %dma_wait3A_68, %dma_wait3A_69, %dma_wait3A_70] : memref<32x80x1x128xi32, #tpu.memory_space<hbm>> -> memref<1x40x1x128xi32, #tpu.memory_space<hbm>>
      %dma_wait3A_72 = tpu.memref_squeeze %dma_wait3A_71 : memref<1x40x1x128xi32, #tpu.memory_space<hbm>> -> memref<40x1x128xi32, #tpu.memory_space<hbm>>
      tpu.wait_dma2 semaphore(%run_scoped3A : memref<!tpu.dma_semaphore, #tpu.memory_space<semaphore_mem>>) src(%dma_wait3A_72 : memref<40x1x128xi32, #tpu.memory_space<hbm>>) dst(%arg7 : memref<40x1x128xi32, #tpu.memory_space<vmem>>)
      tpu.yield
    }) : () -> ()
    "tpu.region"() ({
      %run_scoped3A = tpu.sem_alloc : memref<!tpu.dma_semaphore, #tpu.memory_space<semaphore_mem>>
      %dma_start3A_54 = arith.constant 0 : i32
      %dma_start3A_55 = arith.constant 0 : i32
      %dma_start3A_56 = arith.constant 0 : i32
      %dma_start3A_57 = tpu.memref_slice %arg5[%add3A, %dma_start3A_54, %dma_start3A_55, %dma_start3A_56] : memref<32x80x1x128xi32, #tpu.memory_space<hbm>> -> memref<1x40x1x128xi32, #tpu.memory_space<hbm>>
      %dma_start3A_58 = tpu.memref_squeeze %dma_start3A_57 : memref<1x40x1x128xi32, #tpu.memory_space<hbm>> -> memref<40x1x128xi32, #tpu.memory_space<hbm>>
      %dma_start3A_59 = arith.constant 0 : i32
      %dma_start3A_60 = arith.constant 0 : i32
      %dma_start3A_61 = arith.constant 0 : i32
      %dma_start3A_62 = tpu.memref_slice %arg5[%add3A, %dma_start3A_59, %dma_start3A_60, %dma_start3A_61] : memref<32x80x1x128xi32, #tpu.memory_space<hbm>> -> memref<1x40x1x128xi32, #tpu.memory_space<hbm>>
      %dma_start3A_63 = tpu.memref_squeeze %dma_start3A_62 : memref<1x40x1x128xi32, #tpu.memory_space<hbm>> -> memref<40x1x128xi32, #tpu.memory_space<hbm>>
      tpu.enqueue_dma source(%dma_start3A_63 : memref<40x1x128xi32, #tpu.memory_space<hbm>>) target(%arg8 : memref<40x1x128xi32, #tpu.memory_space<vmem>>) target_semaphore(%run_scoped3A : memref<!tpu.dma_semaphore, #tpu.memory_space<semaphore_mem>>)
      %dma_wait3A = arith.constant 0 : i32
      %dma_wait3A_64 = arith.constant 0 : i32
      %dma_wait3A_65 = arith.constant 0 : i32
      %dma_wait3A_66 = tpu.memref_slice %arg5[%add3A, %dma_wait3A, %dma_wait3A_64, %dma_wait3A_65] : memref<32x80x1x128xi32, #tpu.memory_space<hbm>> -> memref<1x40x1x128xi32, #tpu.memory_space<hbm>>
      %dma_wait3A_67 = tpu.memref_squeeze %dma_wait3A_66 : memref<1x40x1x128xi32, #tpu.memory_space<hbm>> -> memref<40x1x128xi32, #tpu.memory_space<hbm>>
      %dma_wait3A_68 = arith.constant 0 : i32
      %dma_wait3A_69 = arith.constant 0 : i32
      %dma_wait3A_70 = arith.constant 0 : i32
      %dma_wait3A_71 = tpu.memref_slice %arg5[%add3A, %dma_wait3A_68, %dma_wait3A_69, %dma_wait3A_70] : memref<32x80x1x128xi32, #tpu.memory_space<hbm>> -> memref<1x40x1x128xi32, #tpu.memory_space<hbm>>
      %dma_wait3A_72 = tpu.memref_squeeze %dma_wait3A_71 : memref<1x40x1x128xi32, #tpu.memory_space<hbm>> -> memref<40x1x128xi32, #tpu.memory_space<hbm>>
      tpu.wait_dma2 semaphore(%run_scoped3A : memref<!tpu.dma_semaphore, #tpu.memory_space<semaphore_mem>>) src(%dma_wait3A_72 : memref<40x1x128xi32, #tpu.memory_space<hbm>>) dst(%arg8 : memref<40x1x128xi32, #tpu.memory_space<vmem>>)
      tpu.yield
    }) : () -> ()
    %dma_start3A = arith.constant 0 : i32
    %dma_start3A_7 = arith.constant 0 : i32
    %dma_start3A_8 = arith.constant 0 : i32
    %dma_start3A_9 = tpu.memref_slice %arg7[%dma_start3A, %dma_start3A_7, %dma_start3A_8] : memref<40x1x128xi32, #tpu.memory_space<vmem>> -> memref<1x1x128xi32, #tpu.memory_space<vmem>>
    %dma_start3A_10 = tpu.memref_squeeze %dma_start3A_9 : memref<1x1x128xi32, #tpu.memory_space<vmem>> -> memref<128xi32, #tpu.memory_space<vmem>>
    %dma_start3A_11 = arith.constant 0 : i32
    %dma_start3A_12 = arith.constant 0 : i32
    %dma_start3A_13 = tpu.memref_slice %arg2[%dma_start3A_11, %dma_start3A_12] : memref<10000x128xf32, #tpu.memory_space<hbm>> -> memref<10000x128xf32, #tpu.memory_space<hbm>>
    tpu.enqueue_indirect_dma source(%dma_start3A_13 : memref<10000x128xf32, #tpu.memory_space<hbm>>) target(%arg9 : memref<128x128xf32, #tpu.memory_space<vmem>>) offsets(%dma_start3A_10 : memref<128xi32, #tpu.memory_space<vmem>>) semaphore(%arg12 : memref<!tpu.dma_semaphore, #tpu.memory_space<semaphore_mem>>)
    %lt3A_14 = arith.constant 15 : i32
    %lt3A_15 = arith.cmpi slt, %arg1, %lt3A_14 : i32
    %convert_element_type3A_16 = arith.extui %lt3A_15 : i1 to i32
    %cond3A_17 = arith.constant 0 : i32
    %cond3A_18 = arith.cmpi ne, %convert_element_type3A_16, %cond3A_17 : i32
    scf.if %cond3A_18 {
      %mul3A_54 = arith.constant 632 : i32
      %mul3A_55 = arith.muli %arg1, %mul3A_54 : i32
      %dma_wait3A = arith.constant 0 : i32
      %dma_wait3A_56 = tpu.memref_slice %arg11[%mul3A_55, %dma_wait3A] : memref<10008x128xf32, #tpu.memory_space<vmem_shared>> -> memref<632x128xf32, #tpu.memory_space<vmem_shared>>
      tpu.wait_dma2 semaphore(%arg14 : memref<!tpu.dma_semaphore, #tpu.memory_space<semaphore_mem>>) src(%arg3 : memref<632x128xf32, #tpu.memory_space<hbm>>) dst(%dma_wait3A_56 : memref<632x128xf32, #tpu.memory_space<vmem_shared>>)
    } else {
    }
    %eq3A_19 = arith.constant 15 : i32
    %eq3A_20 = arith.cmpi eq, %arg1, %eq3A_19 : i32
    %convert_element_type3A_21 = arith.extui %eq3A_20 : i1 to i32
    %cond3A_22 = arith.constant 0 : i32
    %cond3A_23 = arith.cmpi ne, %convert_element_type3A_21, %cond3A_22 : i32
    scf.if %cond3A_23 {
      %dma_wait3A = arith.constant 9480 : i32
      %dma_wait3A_54 = arith.constant 0 : i32
      %dma_wait3A_55 = tpu.memref_slice %arg11[%dma_wait3A, %dma_wait3A_54] : memref<10008x128xf32, #tpu.memory_space<vmem_shared>> -> memref<520x128xf32, #tpu.memory_space<vmem_shared>>
      %dma_wait3A_56 = arith.constant 0 : i32
      %dma_wait3A_57 = arith.constant 0 : i32
      %dma_wait3A_58 = tpu.memref_slice %arg3[%dma_wait3A_56, %dma_wait3A_57] : memref<632x128xf32, #tpu.memory_space<hbm>> -> memref<520x128xf32, #tpu.memory_space<hbm>>
      tpu.wait_dma2 semaphore(%arg14 : memref<!tpu.dma_semaphore, #tpu.memory_space<semaphore_mem>>) src(%dma_wait3A_58 : memref<520x128xf32, #tpu.memory_space<hbm>>) dst(%dma_wait3A_55 : memref<520x128xf32, #tpu.memory_space<vmem_shared>>)
    } else {
    }
    %barrier3A = arith.constant 0 : index
    tpu.barrier barrier_id(%barrier3A)
    %scan3A = arith.constant 0 : i32
    %scan3A_24 = arith.constant 0 : i32
    %scan3A_25 = arith.constant 20 : i32
    %scan3A_26 = arith.addi %scan3A_24, %scan3A_25 : i32
    %scan3A_27 = arith.constant 1 : i32
    scf.for %scan3A_54 = %scan3A_24 to %scan3A_26 step %scan3A_27  : i32 {
      %mul3A_55 = arith.constant 2 : i32
      %mul3A_56 = arith.muli %mul3A_55, %scan3A_54 : i32
      %add3A_57 = arith.constant 1 : i32
      %add3A_58 = arith.addi %mul3A_56, %add3A_57 : i32
      %dma_start3A_59 = arith.constant 0 : i32
      %dma_start3A_60 = arith.constant 0 : i32
      %dma_start3A_61 = tpu.memref_slice %arg7[%add3A_58, %dma_start3A_59, %dma_start3A_60] : memref<40x1x128xi32, #tpu.memory_space<vmem>> -> memref<1x1x128xi32, #tpu.memory_space<vmem>>
      %dma_start3A_62 = tpu.memref_squeeze %dma_start3A_61 : memref<1x1x128xi32, #tpu.memory_space<vmem>> -> memref<128xi32, #tpu.memory_space<vmem>>
      %dma_start3A_63 = arith.constant 0 : i32
      %dma_start3A_64 = arith.constant 0 : i32
      %dma_start3A_65 = tpu.memref_slice %arg2[%dma_start3A_63, %dma_start3A_64] : memref<10000x128xf32, #tpu.memory_space<hbm>> -> memref<10000x128xf32, #tpu.memory_space<hbm>>
      tpu.enqueue_indirect_dma source(%dma_start3A_65 : memref<10000x128xf32, #tpu.memory_space<hbm>>) target(%arg10 : memref<128x128xf32, #tpu.memory_space<vmem>>) offsets(%dma_start3A_62 : memref<128xi32, #tpu.memory_space<vmem>>) semaphore(%arg13 : memref<!tpu.dma_semaphore, #tpu.memory_space<semaphore_mem>>)
      %dma_wait3A = arith.constant 0 : i32
      %dma_wait3A_66 = arith.constant 0 : i32
      %dma_wait3A_67 = tpu.memref_slice %arg2[%dma_wait3A, %dma_wait3A_66] : memref<10000x128xf32, #tpu.memory_space<hbm>> -> memref<128x128xf32, #tpu.memory_space<hbm>>
      %dma_wait3A_68 = arith.constant 0 : i32
      %dma_wait3A_69 = arith.constant 0 : i32
      %dma_wait3A_70 = tpu.memref_slice %arg2[%dma_wait3A_68, %dma_wait3A_69] : memref<10000x128xf32, #tpu.memory_space<hbm>> -> memref<128x128xf32, #tpu.memory_space<hbm>>
      tpu.wait_dma2 semaphore(%arg12 : memref<!tpu.dma_semaphore, #tpu.memory_space<semaphore_mem>>) src(%dma_wait3A_70 : memref<128x128xf32, #tpu.memory_space<hbm>>) dst(%arg9 : memref<128x128xf32, #tpu.memory_space<vmem>>)
      %run_scoped3A = arith.constant 0 : i32
      "tpu.region"() ({
        %run_scoped3A_85 = tpu.sem_alloc : memref<!tpu.dma_semaphore, #tpu.memory_space<semaphore_mem>>
        %dma_start3A_86 = arith.constant 0 : i32
        %dma_start3A_87 = tpu.memref_slice %arg8[%mul3A_56, %run_scoped3A, %dma_start3A_86] : memref<40x1x128xi32, #tpu.memory_space<vmem>> -> memref<1x1x128xi32, #tpu.memory_space<vmem>>
        %dma_start3A_88 = tpu.memref_squeeze %dma_start3A_87 : memref<1x1x128xi32, #tpu.memory_space<vmem>> -> memref<128xi32, #tpu.memory_space<vmem>>
        %dma_start3A_89 = arith.constant 0 : i32
        %dma_start3A_90 = arith.constant 0 : i32
        %dma_start3A_91 = tpu.memref_slice %arg11[%dma_start3A_89, %dma_start3A_90] : memref<10008x128xf32, #tpu.memory_space<vmem_shared>> -> memref<10008x128xf32, #tpu.memory_space<vmem_shared>>
        tpu.enqueue_indirect_dma source(%arg9 : memref<128x128xf32, #tpu.memory_space<vmem>>) target(%dma_start3A_91 : memref<10008x128xf32, #tpu.memory_space<vmem_shared>>) offsets(%dma_start3A_88 : memref<128xi32, #tpu.memory_space<vmem>>) semaphore(%run_scoped3A_85 : memref<!tpu.dma_semaphore, #tpu.memory_space<semaphore_mem>>) {add = true}
        %dma_wait3A_92 = arith.constant 0 : i32
        %dma_wait3A_93 = tpu.memref_slice %arg8[%mul3A_56, %run_scoped3A, %dma_wait3A_92] : memref<40x1x128xi32, #tpu.memory_space<vmem>> -> memref<1x1x128xi32, #tpu.memory_space<vmem>>
        %dma_wait3A_94 = tpu.memref_squeeze %dma_wait3A_93 : memref<1x1x128xi32, #tpu.memory_space<vmem>> -> memref<128xi32, #tpu.memory_space<vmem>>
        %dma_wait3A_95 = arith.constant 0 : i32
        %dma_wait3A_96 = arith.constant 0 : i32
        %dma_wait3A_97 = tpu.memref_slice %arg11[%dma_wait3A_95, %dma_wait3A_96] : memref<10008x128xf32, #tpu.memory_space<vmem_shared>> -> memref<10008x128xf32, #tpu.memory_space<vmem_shared>>
        tpu.wait_indirect_dma semaphore(%run_scoped3A_85 : memref<!tpu.dma_semaphore, #tpu.memory_space<semaphore_mem>>) src(%arg9 : memref<128x128xf32, #tpu.memory_space<vmem>>) dst(%dma_wait3A_97 : memref<10008x128xf32, #tpu.memory_space<vmem_shared>>)
        tpu.yield
      }) : () -> ()
      %add3A_71 = arith.constant 1 : i32
      %add3A_72 = arith.addi %add3A_58, %add3A_71 : i32
      %lt3A_73 = arith.constant 40 : i32
      %lt3A_74 = arith.cmpi slt, %add3A_72, %lt3A_73 : i32
      %convert_element_type3A_75 = arith.extui %lt3A_74 : i1 to i32
      %cond3A_76 = arith.constant 0 : i32
      %cond3A_77 = arith.cmpi ne, %convert_element_type3A_75, %cond3A_76 : i32
      scf.if %cond3A_77 {
        %add3A_85 = arith.constant 1 : i32
        %add3A_86 = arith.addi %add3A_58, %add3A_85 : i32
        %dma_start3A_87 = arith.constant 0 : i32
        %dma_start3A_88 = arith.constant 0 : i32
        %dma_start3A_89 = tpu.memref_slice %arg7[%add3A_86, %dma_start3A_87, %dma_start3A_88] : memref<40x1x128xi32, #tpu.memory_space<vmem>> -> memref<1x1x128xi32, #tpu.memory_space<vmem>>
        %dma_start3A_90 = tpu.memref_squeeze %dma_start3A_89 : memref<1x1x128xi32, #tpu.memory_space<vmem>> -> memref<128xi32, #tpu.memory_space<vmem>>
        %dma_start3A_91 = arith.constant 0 : i32
        %dma_start3A_92 = arith.constant 0 : i32
        %dma_start3A_93 = tpu.memref_slice %arg2[%dma_start3A_91, %dma_start3A_92] : memref<10000x128xf32, #tpu.memory_space<hbm>> -> memref<10000x128xf32, #tpu.memory_space<hbm>>
        tpu.enqueue_indirect_dma source(%dma_start3A_93 : memref<10000x128xf32, #tpu.memory_space<hbm>>) target(%arg9 : memref<128x128xf32, #tpu.memory_space<vmem>>) offsets(%dma_start3A_90 : memref<128xi32, #tpu.memory_space<vmem>>) semaphore(%arg12 : memref<!tpu.dma_semaphore, #tpu.memory_space<semaphore_mem>>)
      } else {
      }
      %dma_wait3A_78 = arith.constant 0 : i32
      %dma_wait3A_79 = arith.constant 0 : i32
      %dma_wait3A_80 = tpu.memref_slice %arg2[%dma_wait3A_78, %dma_wait3A_79] : memref<10000x128xf32, #tpu.memory_space<hbm>> -> memref<128x128xf32, #tpu.memory_space<hbm>>
      %dma_wait3A_81 = arith.constant 0 : i32
      %dma_wait3A_82 = arith.constant 0 : i32
      %dma_wait3A_83 = tpu.memref_slice %arg2[%dma_wait3A_81, %dma_wait3A_82] : memref<10000x128xf32, #tpu.memory_space<hbm>> -> memref<128x128xf32, #tpu.memory_space<hbm>>
      tpu.wait_dma2 semaphore(%arg13 : memref<!tpu.dma_semaphore, #tpu.memory_space<semaphore_mem>>) src(%dma_wait3A_83 : memref<128x128xf32, #tpu.memory_space<hbm>>) dst(%arg10 : memref<128x128xf32, #tpu.memory_space<vmem>>)
      %run_scoped3A_84 = arith.constant 0 : i32
      "tpu.region"() ({
        %run_scoped3A_85 = tpu.sem_alloc : memref<!tpu.dma_semaphore, #tpu.memory_space<semaphore_mem>>
        %dma_start3A_86 = arith.constant 0 : i32
        %dma_start3A_87 = tpu.memref_slice %arg8[%add3A_58, %run_scoped3A_84, %dma_start3A_86] : memref<40x1x128xi32, #tpu.memory_space<vmem>> -> memref<1x1x128xi32, #tpu.memory_space<vmem>>
        %dma_start3A_88 = tpu.memref_squeeze %dma_start3A_87 : memref<1x1x128xi32, #tpu.memory_space<vmem>> -> memref<128xi32, #tpu.memory_space<vmem>>
        %dma_start3A_89 = arith.constant 0 : i32
        %dma_start3A_90 = arith.constant 0 : i32
        %dma_start3A_91 = tpu.memref_slice %arg11[%dma_start3A_89, %dma_start3A_90] : memref<10008x128xf32, #tpu.memory_space<vmem_shared>> -> memref<10008x128xf32, #tpu.memory_space<vmem_shared>>
        tpu.enqueue_indirect_dma source(%arg10 : memref<128x128xf32, #tpu.memory_space<vmem>>) target(%dma_start3A_91 : memref<10008x128xf32, #tpu.memory_space<vmem_shared>>) offsets(%dma_start3A_88 : memref<128xi32, #tpu.memory_space<vmem>>) semaphore(%run_scoped3A_85 : memref<!tpu.dma_semaphore, #tpu.memory_space<semaphore_mem>>) {add = true}
        %dma_wait3A_92 = arith.constant 0 : i32
        %dma_wait3A_93 = tpu.memref_slice %arg8[%add3A_58, %run_scoped3A_84, %dma_wait3A_92] : memref<40x1x128xi32, #tpu.memory_space<vmem>> -> memref<1x1x128xi32, #tpu.memory_space<vmem>>
        %dma_wait3A_94 = tpu.memref_squeeze %dma_wait3A_93 : memref<1x1x128xi32, #tpu.memory_space<vmem>> -> memref<128xi32, #tpu.memory_space<vmem>>
        %dma_wait3A_95 = arith.constant 0 : i32
        %dma_wait3A_96 = arith.constant 0 : i32
        %dma_wait3A_97 = tpu.memref_slice %arg11[%dma_wait3A_95, %dma_wait3A_96] : memref<10008x128xf32, #tpu.memory_space<vmem_shared>> -> memref<10008x128xf32, #tpu.memory_space<vmem_shared>>
        tpu.wait_indirect_dma semaphore(%run_scoped3A_85 : memref<!tpu.dma_semaphore, #tpu.memory_space<semaphore_mem>>) src(%arg10 : memref<128x128xf32, #tpu.memory_space<vmem>>) dst(%dma_wait3A_97 : memref<10008x128xf32, #tpu.memory_space<vmem_shared>>)
        tpu.yield
      }) : () -> ()
    }
    %scan3A_28 = arith.constant 20 : i32
    "tpu.region"() ({
      %run_scoped3A = tpu.sem_alloc : memref<!tpu.dma_semaphore, #tpu.memory_space<semaphore_mem>>
      %dma_start3A_54 = arith.constant 40 : i32
      %dma_start3A_55 = arith.constant 0 : i32
      %dma_start3A_56 = arith.constant 0 : i32
      %dma_start3A_57 = tpu.memref_slice %arg4[%add3A, %dma_start3A_54, %dma_start3A_55, %dma_start3A_56] : memref<32x80x1x128xi32, #tpu.memory_space<hbm>> -> memref<1x40x1x128xi32, #tpu.memory_space<hbm>>
      %dma_start3A_58 = tpu.memref_squeeze %dma_start3A_57 : memref<1x40x1x128xi32, #tpu.memory_space<hbm>> -> memref<40x1x128xi32, #tpu.memory_space<hbm>>
      %dma_start3A_59 = arith.constant 40 : i32
      %dma_start3A_60 = arith.constant 0 : i32
      %dma_start3A_61 = arith.constant 0 : i32
      %dma_start3A_62 = tpu.memref_slice %arg4[%add3A, %dma_start3A_59, %dma_start3A_60, %dma_start3A_61] : memref<32x80x1x128xi32, #tpu.memory_space<hbm>> -> memref<1x40x1x128xi32, #tpu.memory_space<hbm>>
      %dma_start3A_63 = tpu.memref_squeeze %dma_start3A_62 : memref<1x40x1x128xi32, #tpu.memory_space<hbm>> -> memref<40x1x128xi32, #tpu.memory_space<hbm>>
      tpu.enqueue_dma source(%dma_start3A_63 : memref<40x1x128xi32, #tpu.memory_space<hbm>>) target(%arg7 : memref<40x1x128xi32, #tpu.memory_space<vmem>>) target_semaphore(%run_scoped3A : memref<!tpu.dma_semaphore, #tpu.memory_space<semaphore_mem>>)
      %dma_wait3A = arith.constant 40 : i32
      %dma_wait3A_64 = arith.constant 0 : i32
      %dma_wait3A_65 = arith.constant 0 : i32
      %dma_wait3A_66 = tpu.memref_slice %arg4[%add3A, %dma_wait3A, %dma_wait3A_64, %dma_wait3A_65] : memref<32x80x1x128xi32, #tpu.memory_space<hbm>> -> memref<1x40x1x128xi32, #tpu.memory_space<hbm>>
      %dma_wait3A_67 = tpu.memref_squeeze %dma_wait3A_66 : memref<1x40x1x128xi32, #tpu.memory_space<hbm>> -> memref<40x1x128xi32, #tpu.memory_space<hbm>>
      %dma_wait3A_68 = arith.constant 40 : i32
      %dma_wait3A_69 = arith.constant 0 : i32
      %dma_wait3A_70 = arith.constant 0 : i32
      %dma_wait3A_71 = tpu.memref_slice %arg4[%add3A, %dma_wait3A_68, %dma_wait3A_69, %dma_wait3A_70] : memref<32x80x1x128xi32, #tpu.memory_space<hbm>> -> memref<1x40x1x128xi32, #tpu.memory_space<hbm>>
      %dma_wait3A_72 = tpu.memref_squeeze %dma_wait3A_71 : memref<1x40x1x128xi32, #tpu.memory_space<hbm>> -> memref<40x1x128xi32, #tpu.memory_space<hbm>>
      tpu.wait_dma2 semaphore(%run_scoped3A : memref<!tpu.dma_semaphore, #tpu.memory_space<semaphore_mem>>) src(%dma_wait3A_72 : memref<40x1x128xi32, #tpu.memory_space<hbm>>) dst(%arg7 : memref<40x1x128xi32, #tpu.memory_space<vmem>>)
      tpu.yield
    }) : () -> ()
    "tpu.region"() ({
      %run_scoped3A = tpu.sem_alloc : memref<!tpu.dma_semaphore, #tpu.memory_space<semaphore_mem>>
      %dma_start3A_54 = arith.constant 40 : i32
      %dma_start3A_55 = arith.constant 0 : i32
      %dma_start3A_56 = arith.constant 0 : i32
      %dma_start3A_57 = tpu.memref_slice %arg5[%add3A, %dma_start3A_54, %dma_start3A_55, %dma_start3A_56] : memref<32x80x1x128xi32, #tpu.memory_space<hbm>> -> memref<1x40x1x128xi32, #tpu.memory_space<hbm>>
      %dma_start3A_58 = tpu.memref_squeeze %dma_start3A_57 : memref<1x40x1x128xi32, #tpu.memory_space<hbm>> -> memref<40x1x128xi32, #tpu.memory_space<hbm>>
      %dma_start3A_59 = arith.constant 40 : i32
      %dma_start3A_60 = arith.constant 0 : i32
      %dma_start3A_61 = arith.constant 0 : i32
      %dma_start3A_62 = tpu.memref_slice %arg5[%add3A, %dma_start3A_59, %dma_start3A_60, %dma_start3A_61] : memref<32x80x1x128xi32, #tpu.memory_space<hbm>> -> memref<1x40x1x128xi32, #tpu.memory_space<hbm>>
      %dma_start3A_63 = tpu.memref_squeeze %dma_start3A_62 : memref<1x40x1x128xi32, #tpu.memory_space<hbm>> -> memref<40x1x128xi32, #tpu.memory_space<hbm>>
      tpu.enqueue_dma source(%dma_start3A_63 : memref<40x1x128xi32, #tpu.memory_space<hbm>>) target(%arg8 : memref<40x1x128xi32, #tpu.memory_space<vmem>>) target_semaphore(%run_scoped3A : memref<!tpu.dma_semaphore, #tpu.memory_space<semaphore_mem>>)
      %dma_wait3A = arith.constant 40 : i32
      %dma_wait3A_64 = arith.constant 0 : i32
      %dma_wait3A_65 = arith.constant 0 : i32
      %dma_wait3A_66 = tpu.memref_slice %arg5[%add3A, %dma_wait3A, %dma_wait3A_64, %dma_wait3A_65] : memref<32x80x1x128xi32, #tpu.memory_space<hbm>> -> memref<1x40x1x128xi32, #tpu.memory_space<hbm>>
      %dma_wait3A_67 = tpu.memref_squeeze %dma_wait3A_66 : memref<1x40x1x128xi32, #tpu.memory_space<hbm>> -> memref<40x1x128xi32, #tpu.memory_space<hbm>>
      %dma_wait3A_68 = arith.constant 40 : i32
      %dma_wait3A_69 = arith.constant 0 : i32
      %dma_wait3A_70 = arith.constant 0 : i32
      %dma_wait3A_71 = tpu.memref_slice %arg5[%add3A, %dma_wait3A_68, %dma_wait3A_69, %dma_wait3A_70] : memref<32x80x1x128xi32, #tpu.memory_space<hbm>> -> memref<1x40x1x128xi32, #tpu.memory_space<hbm>>
      %dma_wait3A_72 = tpu.memref_squeeze %dma_wait3A_71 : memref<1x40x1x128xi32, #tpu.memory_space<hbm>> -> memref<40x1x128xi32, #tpu.memory_space<hbm>>
      tpu.wait_dma2 semaphore(%run_scoped3A : memref<!tpu.dma_semaphore, #tpu.memory_space<semaphore_mem>>) src(%dma_wait3A_72 : memref<40x1x128xi32, #tpu.memory_space<hbm>>) dst(%arg8 : memref<40x1x128xi32, #tpu.memory_space<vmem>>)
      tpu.yield
    }) : () -> ()
    %dma_start3A_29 = arith.constant 0 : i32
    %dma_start3A_30 = arith.constant 0 : i32
    %dma_start3A_31 = arith.constant 0 : i32
    %dma_start3A_32 = tpu.memref_slice %arg7[%dma_start3A_29, %dma_start3A_30, %dma_start3A_31] : memref<40x1x128xi32, #tpu.memory_space<vmem>> -> memref<1x1x128xi32, #tpu.memory_space<vmem>>
    %dma_start3A_33 = tpu.memref_squeeze %dma_start3A_32 : memref<1x1x128xi32, #tpu.memory_space<vmem>> -> memref<128xi32, #tpu.memory_space<vmem>>
    %dma_start3A_34 = arith.constant 0 : i32
    %dma_start3A_35 = arith.constant 0 : i32
    %dma_start3A_36 = tpu.memref_slice %arg2[%dma_start3A_34, %dma_start3A_35] : memref<10000x128xf32, #tpu.memory_space<hbm>> -> memref<10000x128xf32, #tpu.memory_space<hbm>>
    tpu.enqueue_indirect_dma source(%dma_start3A_36 : memref<10000x128xf32, #tpu.memory_space<hbm>>) target(%arg9 : memref<128x128xf32, #tpu.memory_space<vmem>>) offsets(%dma_start3A_33 : memref<128xi32, #tpu.memory_space<vmem>>) semaphore(%arg12 : memref<!tpu.dma_semaphore, #tpu.memory_space<semaphore_mem>>)
    %scan3A_37 = arith.constant 0 : i32
    %scan3A_38 = arith.constant 0 : i32
    %scan3A_39 = arith.constant 20 : i32
    %scan3A_40 = arith.addi %scan3A_38, %scan3A_39 : i32
    %scan3A_41 = arith.constant 1 : i32
    scf.for %scan3A_54 = %scan3A_38 to %scan3A_40 step %scan3A_41  : i32 {
      %mul3A_55 = arith.constant 2 : i32
      %mul3A_56 = arith.muli %mul3A_55, %scan3A_54 : i32
      %add3A_57 = arith.constant 1 : i32
      %add3A_58 = arith.addi %mul3A_56, %add3A_57 : i32
      %dma_start3A_59 = arith.constant 0 : i32
      %dma_start3A_60 = arith.constant 0 : i32
      %dma_start3A_61 = tpu.memref_slice %arg7[%add3A_58, %dma_start3A_59, %dma_start3A_60] : memref<40x1x128xi32, #tpu.memory_space<vmem>> -> memref<1x1x128xi32, #tpu.memory_space<vmem>>
      %dma_start3A_62 = tpu.memref_squeeze %dma_start3A_61 : memref<1x1x128xi32, #tpu.memory_space<vmem>> -> memref<128xi32, #tpu.memory_space<vmem>>
      %dma_start3A_63 = arith.constant 0 : i32
      %dma_start3A_64 = arith.constant 0 : i32
      %dma_start3A_65 = tpu.memref_slice %arg2[%dma_start3A_63, %dma_start3A_64] : memref<10000x128xf32, #tpu.memory_space<hbm>> -> memref<10000x128xf32, #tpu.memory_space<hbm>>
      tpu.enqueue_indirect_dma source(%dma_start3A_65 : memref<10000x128xf32, #tpu.memory_space<hbm>>) target(%arg10 : memref<128x128xf32, #tpu.memory_space<vmem>>) offsets(%dma_start3A_62 : memref<128xi32, #tpu.memory_space<vmem>>) semaphore(%arg13 : memref<!tpu.dma_semaphore, #tpu.memory_space<semaphore_mem>>)
      %dma_wait3A = arith.constant 0 : i32
      %dma_wait3A_66 = arith.constant 0 : i32
      %dma_wait3A_67 = tpu.memref_slice %arg2[%dma_wait3A, %dma_wait3A_66] : memref<10000x128xf32, #tpu.memory_space<hbm>> -> memref<128x128xf32, #tpu.memory_space<hbm>>
      %dma_wait3A_68 = arith.constant 0 : i32
      %dma_wait3A_69 = arith.constant 0 : i32
      %dma_wait3A_70 = tpu.memref_slice %arg2[%dma_wait3A_68, %dma_wait3A_69] : memref<10000x128xf32, #tpu.memory_space<hbm>> -> memref<128x128xf32, #tpu.memory_space<hbm>>
      tpu.wait_dma2 semaphore(%arg12 : memref<!tpu.dma_semaphore, #tpu.memory_space<semaphore_mem>>) src(%dma_wait3A_70 : memref<128x128xf32, #tpu.memory_space<hbm>>) dst(%arg9 : memref<128x128xf32, #tpu.memory_space<vmem>>)
      %run_scoped3A = arith.constant 0 : i32
      "tpu.region"() ({
        %run_scoped3A_85 = tpu.sem_alloc : memref<!tpu.dma_semaphore, #tpu.memory_space<semaphore_mem>>
        %dma_start3A_86 = arith.constant 0 : i32
        %dma_start3A_87 = tpu.memref_slice %arg8[%mul3A_56, %run_scoped3A, %dma_start3A_86] : memref<40x1x128xi32, #tpu.memory_space<vmem>> -> memref<1x1x128xi32, #tpu.memory_space<vmem>>
        %dma_start3A_88 = tpu.memref_squeeze %dma_start3A_87 : memref<1x1x128xi32, #tpu.memory_space<vmem>> -> memref<128xi32, #tpu.memory_space<vmem>>
        %dma_start3A_89 = arith.constant 0 : i32
        %dma_start3A_90 = arith.constant 0 : i32
        %dma_start3A_91 = tpu.memref_slice %arg11[%dma_start3A_89, %dma_start3A_90] : memref<10008x128xf32, #tpu.memory_space<vmem_shared>> -> memref<10008x128xf32, #tpu.memory_space<vmem_shared>>
        tpu.enqueue_indirect_dma source(%arg9 : memref<128x128xf32, #tpu.memory_space<vmem>>) target(%dma_start3A_91 : memref<10008x128xf32, #tpu.memory_space<vmem_shared>>) offsets(%dma_start3A_88 : memref<128xi32, #tpu.memory_space<vmem>>) semaphore(%run_scoped3A_85 : memref<!tpu.dma_semaphore, #tpu.memory_space<semaphore_mem>>) {add = true}
        %dma_wait3A_92 = arith.constant 0 : i32
        %dma_wait3A_93 = tpu.memref_slice %arg8[%mul3A_56, %run_scoped3A, %dma_wait3A_92] : memref<40x1x128xi32, #tpu.memory_space<vmem>> -> memref<1x1x128xi32, #tpu.memory_space<vmem>>
        %dma_wait3A_94 = tpu.memref_squeeze %dma_wait3A_93 : memref<1x1x128xi32, #tpu.memory_space<vmem>> -> memref<128xi32, #tpu.memory_space<vmem>>
        %dma_wait3A_95 = arith.constant 0 : i32
        %dma_wait3A_96 = arith.constant 0 : i32
        %dma_wait3A_97 = tpu.memref_slice %arg11[%dma_wait3A_95, %dma_wait3A_96] : memref<10008x128xf32, #tpu.memory_space<vmem_shared>> -> memref<10008x128xf32, #tpu.memory_space<vmem_shared>>
        tpu.wait_indirect_dma semaphore(%run_scoped3A_85 : memref<!tpu.dma_semaphore, #tpu.memory_space<semaphore_mem>>) src(%arg9 : memref<128x128xf32, #tpu.memory_space<vmem>>) dst(%dma_wait3A_97 : memref<10008x128xf32, #tpu.memory_space<vmem_shared>>)
        tpu.yield
      }) : () -> ()
      %add3A_71 = arith.constant 1 : i32
      %add3A_72 = arith.addi %add3A_58, %add3A_71 : i32
      %lt3A_73 = arith.constant 40 : i32
      %lt3A_74 = arith.cmpi slt, %add3A_72, %lt3A_73 : i32
      %convert_element_type3A_75 = arith.extui %lt3A_74 : i1 to i32
      %cond3A_76 = arith.constant 0 : i32
      %cond3A_77 = arith.cmpi ne, %convert_element_type3A_75, %cond3A_76 : i32
      scf.if %cond3A_77 {
        %add3A_85 = arith.constant 1 : i32
        %add3A_86 = arith.addi %add3A_58, %add3A_85 : i32
        %dma_start3A_87 = arith.constant 0 : i32
        %dma_start3A_88 = arith.constant 0 : i32
        %dma_start3A_89 = tpu.memref_slice %arg7[%add3A_86, %dma_start3A_87, %dma_start3A_88] : memref<40x1x128xi32, #tpu.memory_space<vmem>> -> memref<1x1x128xi32, #tpu.memory_space<vmem>>
        %dma_start3A_90 = tpu.memref_squeeze %dma_start3A_89 : memref<1x1x128xi32, #tpu.memory_space<vmem>> -> memref<128xi32, #tpu.memory_space<vmem>>
        %dma_start3A_91 = arith.constant 0 : i32
        %dma_start3A_92 = arith.constant 0 : i32
        %dma_start3A_93 = tpu.memref_slice %arg2[%dma_start3A_91, %dma_start3A_92] : memref<10000x128xf32, #tpu.memory_space<hbm>> -> memref<10000x128xf32, #tpu.memory_space<hbm>>
        tpu.enqueue_indirect_dma source(%dma_start3A_93 : memref<10000x128xf32, #tpu.memory_space<hbm>>) target(%arg9 : memref<128x128xf32, #tpu.memory_space<vmem>>) offsets(%dma_start3A_90 : memref<128xi32, #tpu.memory_space<vmem>>) semaphore(%arg12 : memref<!tpu.dma_semaphore, #tpu.memory_space<semaphore_mem>>)
      } else {
      }
      %dma_wait3A_78 = arith.constant 0 : i32
      %dma_wait3A_79 = arith.constant 0 : i32
      %dma_wait3A_80 = tpu.memref_slice %arg2[%dma_wait3A_78, %dma_wait3A_79] : memref<10000x128xf32, #tpu.memory_space<hbm>> -> memref<128x128xf32, #tpu.memory_space<hbm>>
      %dma_wait3A_81 = arith.constant 0 : i32
      %dma_wait3A_82 = arith.constant 0 : i32
      %dma_wait3A_83 = tpu.memref_slice %arg2[%dma_wait3A_81, %dma_wait3A_82] : memref<10000x128xf32, #tpu.memory_space<hbm>> -> memref<128x128xf32, #tpu.memory_space<hbm>>
      tpu.wait_dma2 semaphore(%arg13 : memref<!tpu.dma_semaphore, #tpu.memory_space<semaphore_mem>>) src(%dma_wait3A_83 : memref<128x128xf32, #tpu.memory_space<hbm>>) dst(%arg10 : memref<128x128xf32, #tpu.memory_space<vmem>>)
      %run_scoped3A_84 = arith.constant 0 : i32
      "tpu.region"() ({
        %run_scoped3A_85 = tpu.sem_alloc : memref<!tpu.dma_semaphore, #tpu.memory_space<semaphore_mem>>
        %dma_start3A_86 = arith.constant 0 : i32
        %dma_start3A_87 = tpu.memref_slice %arg8[%add3A_58, %run_scoped3A_84, %dma_start3A_86] : memref<40x1x128xi32, #tpu.memory_space<vmem>> -> memref<1x1x128xi32, #tpu.memory_space<vmem>>
        %dma_start3A_88 = tpu.memref_squeeze %dma_start3A_87 : memref<1x1x128xi32, #tpu.memory_space<vmem>> -> memref<128xi32, #tpu.memory_space<vmem>>
        %dma_start3A_89 = arith.constant 0 : i32
        %dma_start3A_90 = arith.constant 0 : i32
        %dma_start3A_91 = tpu.memref_slice %arg11[%dma_start3A_89, %dma_start3A_90] : memref<10008x128xf32, #tpu.memory_space<vmem_shared>> -> memref<10008x128xf32, #tpu.memory_space<vmem_shared>>
        tpu.enqueue_indirect_dma source(%arg10 : memref<128x128xf32, #tpu.memory_space<vmem>>) target(%dma_start3A_91 : memref<10008x128xf32, #tpu.memory_space<vmem_shared>>) offsets(%dma_start3A_88 : memref<128xi32, #tpu.memory_space<vmem>>) semaphore(%run_scoped3A_85 : memref<!tpu.dma_semaphore, #tpu.memory_space<semaphore_mem>>) {add = true}
        %dma_wait3A_92 = arith.constant 0 : i32
        %dma_wait3A_93 = tpu.memref_slice %arg8[%add3A_58, %run_scoped3A_84, %dma_wait3A_92] : memref<40x1x128xi32, #tpu.memory_space<vmem>> -> memref<1x1x128xi32, #tpu.memory_space<vmem>>
        %dma_wait3A_94 = tpu.memref_squeeze %dma_wait3A_93 : memref<1x1x128xi32, #tpu.memory_space<vmem>> -> memref<128xi32, #tpu.memory_space<vmem>>
        %dma_wait3A_95 = arith.constant 0 : i32
        %dma_wait3A_96 = arith.constant 0 : i32
        %dma_wait3A_97 = tpu.memref_slice %arg11[%dma_wait3A_95, %dma_wait3A_96] : memref<10008x128xf32, #tpu.memory_space<vmem_shared>> -> memref<10008x128xf32, #tpu.memory_space<vmem_shared>>
        tpu.wait_indirect_dma semaphore(%run_scoped3A_85 : memref<!tpu.dma_semaphore, #tpu.memory_space<semaphore_mem>>) src(%arg10 : memref<128x128xf32, #tpu.memory_space<vmem>>) dst(%dma_wait3A_97 : memref<10008x128xf32, #tpu.memory_space<vmem_shared>>)
        tpu.yield
      }) : () -> ()
    }
    %scan3A_42 = arith.constant 20 : i32
    %barrier3A_43 = arith.constant 0 : index
    tpu.barrier barrier_id(%barrier3A_43)
    %lt3A_44 = arith.constant 15 : i32
    %lt3A_45 = arith.cmpi slt, %arg1, %lt3A_44 : i32
    %convert_element_type3A_46 = arith.extui %lt3A_45 : i1 to i32
    %cond3A_47 = arith.constant 0 : i32
    %cond3A_48 = arith.cmpi ne, %convert_element_type3A_46, %cond3A_47 : i32
    scf.if %cond3A_48 {
      %mul3A_54 = arith.constant 632 : i32
      %mul3A_55 = arith.muli %arg1, %mul3A_54 : i32
      %mul3A_56 = arith.constant 632 : i32
      %mul3A_57 = arith.muli %arg1, %mul3A_56 : i32
      "tpu.region"() ({
        %run_scoped3A = tpu.sem_alloc : memref<!tpu.dma_semaphore, #tpu.memory_space<semaphore_mem>>
        %dma_start3A_58 = arith.constant 0 : i32
        %dma_start3A_59 = tpu.memref_slice %arg6[%arg0, %mul3A_57, %dma_start3A_58] : memref<2x10000x128xf32, #tpu.memory_space<hbm>> -> memref<1x632x128xf32, #tpu.memory_space<hbm>>
        %dma_start3A_60 = tpu.memref_squeeze %dma_start3A_59 : memref<1x632x128xf32, #tpu.memory_space<hbm>> -> memref<632x128xf32, #tpu.memory_space<hbm>>
        %dma_start3A_61 = arith.constant 0 : i32
        %dma_start3A_62 = tpu.memref_slice %arg11[%mul3A_55, %dma_start3A_61] : memref<10008x128xf32, #tpu.memory_space<vmem_shared>> -> memref<632x128xf32, #tpu.memory_space<vmem_shared>>
        tpu.enqueue_dma source(%dma_start3A_62 : memref<632x128xf32, #tpu.memory_space<vmem_shared>>) target(%dma_start3A_60 : memref<632x128xf32, #tpu.memory_space<hbm>>) target_semaphore(%run_scoped3A : memref<!tpu.dma_semaphore, #tpu.memory_space<semaphore_mem>>)
        %dma_wait3A = arith.constant 0 : i32
        %dma_wait3A_63 = tpu.memref_slice %arg6[%arg0, %mul3A_57, %dma_wait3A] : memref<2x10000x128xf32, #tpu.memory_space<hbm>> -> memref<1x632x128xf32, #tpu.memory_space<hbm>>
        %dma_wait3A_64 = tpu.memref_squeeze %dma_wait3A_63 : memref<1x632x128xf32, #tpu.memory_space<hbm>> -> memref<632x128xf32, #tpu.memory_space<hbm>>
        %dma_wait3A_65 = arith.constant 0 : i32
        %dma_wait3A_66 = tpu.memref_slice %arg11[%mul3A_55, %dma_wait3A_65] : memref<10008x128xf32, #tpu.memory_space<vmem_shared>> -> memref<632x128xf32, #tpu.memory_space<vmem_shared>>
        tpu.wait_dma2 semaphore(%run_scoped3A : memref<!tpu.dma_semaphore, #tpu.memory_space<semaphore_mem>>) src(%dma_wait3A_66 : memref<632x128xf32, #tpu.memory_space<vmem_shared>>) dst(%dma_wait3A_64 : memref<632x128xf32, #tpu.memory_space<hbm>>)
        tpu.yield
      }) : () -> ()
    } else {
    }
    %eq3A_49 = arith.constant 15 : i32
    %eq3A_50 = arith.cmpi eq, %arg1, %eq3A_49 : i32
    %convert_element_type3A_51 = arith.extui %eq3A_50 : i1 to i32
    %cond3A_52 = arith.constant 0 : i32
    %cond3A_53 = arith.cmpi ne, %convert_element_type3A_51, %cond3A_52 : i32
    scf.if %cond3A_53 {
      "tpu.region"() ({
        %run_scoped3A = tpu.sem_alloc : memref<!tpu.dma_semaphore, #tpu.memory_space<semaphore_mem>>
        %dma_start3A_54 = arith.constant 9480 : i32
        %dma_start3A_55 = arith.constant 0 : i32
        %dma_start3A_56 = tpu.memref_slice %arg6[%arg0, %dma_start3A_54, %dma_start3A_55] : memref<2x10000x128xf32, #tpu.memory_space<hbm>> -> memref<1x520x128xf32, #tpu.memory_space<hbm>>
        %dma_start3A_57 = tpu.memref_squeeze %dma_start3A_56 : memref<1x520x128xf32, #tpu.memory_space<hbm>> -> memref<520x128xf32, #tpu.memory_space<hbm>>
        %dma_start3A_58 = arith.constant 9480 : i32
        %dma_start3A_59 = arith.constant 0 : i32
        %dma_start3A_60 = tpu.memref_slice %arg11[%dma_start3A_58, %dma_start3A_59] : memref<10008x128xf32, #tpu.memory_space<vmem_shared>> -> memref<520x128xf32, #tpu.memory_space<vmem_shared>>
        tpu.enqueue_dma source(%dma_start3A_60 : memref<520x128xf32, #tpu.memory_space<vmem_shared>>) target(%dma_start3A_57 : memref<520x128xf32, #tpu.memory_space<hbm>>) target_semaphore(%run_scoped3A : memref<!tpu.dma_semaphore, #tpu.memory_space<semaphore_mem>>)
        %dma_wait3A = arith.constant 9480 : i32
        %dma_wait3A_61 = arith.constant 0 : i32
        %dma_wait3A_62 = tpu.memref_slice %arg6[%arg0, %dma_wait3A, %dma_wait3A_61] : memref<2x10000x128xf32, #tpu.memory_space<hbm>> -> memref<1x520x128xf32, #tpu.memory_space<hbm>>
        %dma_wait3A_63 = tpu.memref_squeeze %dma_wait3A_62 : memref<1x520x128xf32, #tpu.memory_space<hbm>> -> memref<520x128xf32, #tpu.memory_space<hbm>>
        %dma_wait3A_64 = arith.constant 9480 : i32
        %dma_wait3A_65 = arith.constant 0 : i32
        %dma_wait3A_66 = tpu.memref_slice %arg11[%dma_wait3A_64, %dma_wait3A_65] : memref<10008x128xf32, #tpu.memory_space<vmem_shared>> -> memref<520x128xf32, #tpu.memory_space<vmem_shared>>
        tpu.wait_dma2 semaphore(%run_scoped3A : memref<!tpu.dma_semaphore, #tpu.memory_space<semaphore_mem>>) src(%dma_wait3A_66 : memref<520x128xf32, #tpu.memory_space<vmem_shared>>) dst(%dma_wait3A_63 : memref<520x128xf32, #tpu.memory_space<hbm>>)
        tpu.yield
      }) : () -> ()
    } else {
    }
    return
  }
}

#map = affine_map<(d0, d1) -> (0, 0)>
#map1 = affine_map<(d0, d1) -> (0, 0, 0, 0)>
#map2 = affine_map<(d0, d1) -> (0, 0, 0)>
module attributes {stable_mosaic.version = 14 : i64} {
  func.func @agg_kernel(%arg0: i32, %arg1: i32, %arg2: memref<10000x128xf32, #tpu.memory_space<hbm>>, %arg3: memref<632x128xf32, #tpu.memory_space<hbm>>, %arg4: memref<32x80x1x128xi32, #tpu.memory_space<hbm>>, %arg5: memref<32x80x1x128xi32, #tpu.memory_space<hbm>>, %arg6: memref<2x10000x128xf32, #tpu.memory_space<hbm>>, %arg7: memref<40x1x128xi32, #tpu.memory_space<vmem>>, %arg8: memref<40x1x128xi32, #tpu.memory_space<vmem>>, %arg9: memref<128x128xf32, #tpu.memory_space<vmem>>, %arg10: memref<128x128xf32, #tpu.memory_space<vmem>>, %arg11: memref<10008x128xf32, #tpu.memory_space<vmem_shared>>, %arg12: memref<!tpu.dma_semaphore, #tpu.memory_space<semaphore_mem>>, %arg13: memref<!tpu.dma_semaphore, #tpu.memory_space<semaphore_mem>>, %arg14: memref<!tpu.dma_semaphore, #tpu.memory_space<semaphore_mem>>) attributes {dimension_semantics = [#tpu.dimension_semantics<core_parallel>, #tpu.dimension_semantics<subcore_parallel>], iteration_bounds = array<i64: 2, 16>, scalar_prefetch = 0 : i64, scratch_operands = 8 : i64, tpu.core_type = #tpu.core_type<sc_vector_subcore>, window_params = [{transform_indices = #map}, {transform_indices = #map}, {transform_indices = #map1}, {transform_indices = #map1}, {transform_indices = #map2}]} {
    %mul3A = arith.constant 2 : i32
    %mul3A_0 = arith.muli %arg1, %mul3A : i32
    %add3A = arith.addi %mul3A_0, %arg0 : i32
    %lt3A = arith.constant 15 : i32
    %lt3A_1 = arith.cmpi slt, %arg1, %lt3A : i32
    %convert_element_type3A = arith.extui %lt3A_1 : i1 to i32
    %cond3A = arith.constant 0 : i32
    %cond3A_2 = arith.cmpi ne, %convert_element_type3A, %cond3A : i32
    scf.if %cond3A_2 {
      %mul3A_54 = arith.constant 632 : i32
      %mul3A_55 = arith.muli %arg1, %mul3A_54 : i32
      %dma_start3A_56 = arith.constant 0 : i32
      %dma_start3A_57 = tpu.memref_slice %arg11[%mul3A_55, %dma_start3A_56] : memref<10008x128xf32, #tpu.memory_space<vmem_shared>> -> memref<632x128xf32, #tpu.memory_space<vmem_shared>>
      tpu.enqueue_dma source(%arg3 : memref<632x128xf32, #tpu.memory_space<hbm>>) target(%dma_start3A_57 : memref<632x128xf32, #tpu.memory_space<vmem_shared>>) target_semaphore(%arg14 : memref<!tpu.dma_semaphore, #tpu.memory_space<semaphore_mem>>)
    } else {
    }
    %eq3A = arith.constant 15 : i32
    %eq3A_3 = arith.cmpi eq, %arg1, %eq3A : i32
    %convert_element_type3A_4 = arith.extui %eq3A_3 : i1 to i32
    %cond3A_5 = arith.constant 0 : i32
    %cond3A_6 = arith.cmpi ne, %convert_element_type3A_4, %cond3A_5 : i32
    scf.if %cond3A_6 {
      %dma_start3A_54 = arith.constant 9480 : i32
      %dma_start3A_55 = arith.constant 0 : i32
      %dma_start3A_56 = tpu.memref_slice %arg11[%dma_start3A_54, %dma_start3A_55] : memref<10008x128xf32, #tpu.memory_space<vmem_shared>> -> memref<520x128xf32, #tpu.memory_space<vmem_shared>>
      %dma_start3A_57 = arith.constant 0 : i32
      %dma_start3A_58 = arith.constant 0 : i32
      %dma_start3A_59 = tpu.memref_slice %arg3[%dma_start3A_57, %dma_start3A_58] : memref<632x128xf32, #tpu.memory_space<hbm>> -> memref<520x128xf32, #tpu.memory_space<hbm>>
      tpu.enqueue_dma source(%dma_start3A_59 : memref<520x128xf32, #tpu.memory_space<hbm>>) target(%dma_start3A_56 : memref<520x128xf32, #tpu.memory_space<vmem_shared>>) target_semaphore(%arg14 : memref<!tpu.dma_semaphore, #tpu.memory_space<semaphore_mem>>)
    } else {
    }
    "tpu.region"() ({
      %run_scoped3A = tpu.sem_alloc : memref<!tpu.dma_semaphore, #tpu.memory_space<semaphore_mem>>
      %dma_start3A_54 = arith.constant 0 : i32
      %dma_start3A_55 = arith.constant 0 : i32
      %dma_start3A_56 = arith.constant 0 : i32
      %dma_start3A_57 = tpu.memref_slice %arg4[%add3A, %dma_start3A_54, %dma_start3A_55, %dma_start3A_56] : memref<32x80x1x128xi32, #tpu.memory_space<hbm>> -> memref<1x40x1x128xi32, #tpu.memory_space<hbm>>
      %dma_start3A_58 = tpu.memref_squeeze %dma_start3A_57 : memref<1x40x1x128xi32, #tpu.memory_space<hbm>> -> memref<40x1x128xi32, #tpu.memory_space<hbm>>
      %dma_start3A_59 = arith.constant 0 : i32
      %dma_start3A_60 = arith.constant 0 : i32
      %dma_start3A_61 = arith.constant 0 : i32
      %dma_start3A_62 = tpu.memref_slice %arg4[%add3A, %dma_start3A_59, %dma_start3A_60, %dma_start3A_61] : memref<32x80x1x128xi32, #tpu.memory_space<hbm>> -> memref<1x40x1x128xi32, #tpu.memory_space<hbm>>
      %dma_start3A_63 = tpu.memref_squeeze %dma_start3A_62 : memref<1x40x1x128xi32, #tpu.memory_space<hbm>> -> memref<40x1x128xi32, #tpu.memory_space<hbm>>
      tpu.enqueue_dma source(%dma_start3A_63 : memref<40x1x128xi32, #tpu.memory_space<hbm>>) target(%arg7 : memref<40x1x128xi32, #tpu.memory_space<vmem>>) target_semaphore(%run_scoped3A : memref<!tpu.dma_semaphore, #tpu.memory_space<semaphore_mem>>)
      %dma_wait3A = arith.constant 0 : i32
      %dma_wait3A_64 = arith.constant 0 : i32
      %dma_wait3A_65 = arith.constant 0 : i32
      %dma_wait3A_66 = tpu.memref_slice %arg4[%add3A, %dma_wait3A, %dma_wait3A_64, %dma_wait3A_65] : memref<32x80x1x128xi32, #tpu.memory_space<hbm>> -> memref<1x40x1x128xi32, #tpu.memory_space<hbm>>
      %dma_wait3A_67 = tpu.memref_squeeze %dma_wait3A_66 : memref<1x40x1x128xi32, #tpu.memory_space<hbm>> -> memref<40x1x128xi32, #tpu.memory_space<hbm>>
      %dma_wait3A_68 = arith.constant 0 : i32
      %dma_wait3A_69 = arith.constant 0 : i32
      %dma_wait3A_70 = arith.constant 0 : i32
      %dma_wait3A_71 = tpu.memref_slice %arg4[%add3A, %dma_wait3A_68, %dma_wait3A_69, %dma_wait3A_70] : memref<32x80x1x128xi32, #tpu.memory_space<hbm>> -> memref<1x40x1x128xi32, #tpu.memory_space<hbm>>
      %dma_wait3A_72 = tpu.memref_squeeze %dma_wait3A_71 : memref<1x40x1x128xi32, #tpu.memory_space<hbm>> -> memref<40x1x128xi32, #tpu.memory_space<hbm>>
      tpu.wait_dma2 semaphore(%run_scoped3A : memref<!tpu.dma_semaphore, #tpu.memory_space<semaphore_mem>>) src(%dma_wait3A_72 : memref<40x1x128xi32, #tpu.memory_space<hbm>>) dst(%arg7 : memref<40x1x128xi32, #tpu.memory_space<vmem>>)
      tpu.yield
    }) : () -> ()
    "tpu.region"() ({
      %run_scoped3A = tpu.sem_alloc : memref<!tpu.dma_semaphore, #tpu.memory_space<semaphore_mem>>
      %dma_start3A_54 = arith.constant 0 : i32
      %dma_start3A_55 = arith.constant 0 : i32
      %dma_start3A_56 = arith.constant 0 : i32
      %dma_start3A_57 = tpu.memref_slice %arg5[%add3A, %dma_start3A_54, %dma_start3A_55, %dma_start3A_56] : memref<32x80x1x128xi32, #tpu.memory_space<hbm>> -> memref<1x40x1x128xi32, #tpu.memory_space<hbm>>
      %dma_start3A_58 = tpu.memref_squeeze %dma_start3A_57 : memref<1x40x1x128xi32, #tpu.memory_space<hbm>> -> memref<40x1x128xi32, #tpu.memory_space<hbm>>
      %dma_start3A_59 = arith.constant 0 : i32
      %dma_start3A_60 = arith.constant 0 : i32
      %dma_start3A_61 = arith.constant 0 : i32
      %dma_start3A_62 = tpu.memref_slice %arg5[%add3A, %dma_start3A_59, %dma_start3A_60, %dma_start3A_61] : memref<32x80x1x128xi32, #tpu.memory_space<hbm>> -> memref<1x40x1x128xi32, #tpu.memory_space<hbm>>
      %dma_start3A_63 = tpu.memref_squeeze %dma_start3A_62 : memref<1x40x1x128xi32, #tpu.memory_space<hbm>> -> memref<40x1x128xi32, #tpu.memory_space<hbm>>
      tpu.enqueue_dma source(%dma_start3A_63 : memref<40x1x128xi32, #tpu.memory_space<hbm>>) target(%arg8 : memref<40x1x128xi32, #tpu.memory_space<vmem>>) target_semaphore(%run_scoped3A : memref<!tpu.dma_semaphore, #tpu.memory_space<semaphore_mem>>)
      %dma_wait3A = arith.constant 0 : i32
      %dma_wait3A_64 = arith.constant 0 : i32
      %dma_wait3A_65 = arith.constant 0 : i32
      %dma_wait3A_66 = tpu.memref_slice %arg5[%add3A, %dma_wait3A, %dma_wait3A_64, %dma_wait3A_65] : memref<32x80x1x128xi32, #tpu.memory_space<hbm>> -> memref<1x40x1x128xi32, #tpu.memory_space<hbm>>
      %dma_wait3A_67 = tpu.memref_squeeze %dma_wait3A_66 : memref<1x40x1x128xi32, #tpu.memory_space<hbm>> -> memref<40x1x128xi32, #tpu.memory_space<hbm>>
      %dma_wait3A_68 = arith.constant 0 : i32
      %dma_wait3A_69 = arith.constant 0 : i32
      %dma_wait3A_70 = arith.constant 0 : i32
      %dma_wait3A_71 = tpu.memref_slice %arg5[%add3A, %dma_wait3A_68, %dma_wait3A_69, %dma_wait3A_70] : memref<32x80x1x128xi32, #tpu.memory_space<hbm>> -> memref<1x40x1x128xi32, #tpu.memory_space<hbm>>
      %dma_wait3A_72 = tpu.memref_squeeze %dma_wait3A_71 : memref<1x40x1x128xi32, #tpu.memory_space<hbm>> -> memref<40x1x128xi32, #tpu.memory_space<hbm>>
      tpu.wait_dma2 semaphore(%run_scoped3A : memref<!tpu.dma_semaphore, #tpu.memory_space<semaphore_mem>>) src(%dma_wait3A_72 : memref<40x1x128xi32, #tpu.memory_space<hbm>>) dst(%arg8 : memref<40x1x128xi32, #tpu.memory_space<vmem>>)
      tpu.yield
    }) : () -> ()
    %dma_start3A = arith.constant 0 : i32
    %dma_start3A_7 = arith.constant 0 : i32
    %dma_start3A_8 = arith.constant 0 : i32
    %dma_start3A_9 = tpu.memref_slice %arg7[%dma_start3A, %dma_start3A_7, %dma_start3A_8] : memref<40x1x128xi32, #tpu.memory_space<vmem>> -> memref<1x1x128xi32, #tpu.memory_space<vmem>>
    %dma_start3A_10 = tpu.memref_squeeze %dma_start3A_9 : memref<1x1x128xi32, #tpu.memory_space<vmem>> -> memref<128xi32, #tpu.memory_space<vmem>>
    %dma_start3A_11 = arith.constant 0 : i32
    %dma_start3A_12 = arith.constant 0 : i32
    %dma_start3A_13 = tpu.memref_slice %arg2[%dma_start3A_11, %dma_start3A_12] : memref<10000x128xf32, #tpu.memory_space<hbm>> -> memref<10000x128xf32, #tpu.memory_space<hbm>>
    tpu.enqueue_indirect_dma source(%dma_start3A_13 : memref<10000x128xf32, #tpu.memory_space<hbm>>) target(%arg9 : memref<128x128xf32, #tpu.memory_space<vmem>>) offsets(%dma_start3A_10 : memref<128xi32, #tpu.memory_space<vmem>>) semaphore(%arg12 : memref<!tpu.dma_semaphore, #tpu.memory_space<semaphore_mem>>)
    %lt3A_14 = arith.constant 15 : i32
    %lt3A_15 = arith.cmpi slt, %arg1, %lt3A_14 : i32
    %convert_element_type3A_16 = arith.extui %lt3A_15 : i1 to i32
    %cond3A_17 = arith.constant 0 : i32
    %cond3A_18 = arith.cmpi ne, %convert_element_type3A_16, %cond3A_17 : i32
    scf.if %cond3A_18 {
      %mul3A_54 = arith.constant 632 : i32
      %mul3A_55 = arith.muli %arg1, %mul3A_54 : i32
      %dma_wait3A = arith.constant 0 : i32
      %dma_wait3A_56 = tpu.memref_slice %arg11[%mul3A_55, %dma_wait3A] : memref<10008x128xf32, #tpu.memory_space<vmem_shared>> -> memref<632x128xf32, #tpu.memory_space<vmem_shared>>
      tpu.wait_dma2 semaphore(%arg14 : memref<!tpu.dma_semaphore, #tpu.memory_space<semaphore_mem>>) src(%arg3 : memref<632x128xf32, #tpu.memory_space<hbm>>) dst(%dma_wait3A_56 : memref<632x128xf32, #tpu.memory_space<vmem_shared>>)
    } else {
    }
    %eq3A_19 = arith.constant 15 : i32
    %eq3A_20 = arith.cmpi eq, %arg1, %eq3A_19 : i32
    %convert_element_type3A_21 = arith.extui %eq3A_20 : i1 to i32
    %cond3A_22 = arith.constant 0 : i32
    %cond3A_23 = arith.cmpi ne, %convert_element_type3A_21, %cond3A_22 : i32
    scf.if %cond3A_23 {
      %dma_wait3A = arith.constant 9480 : i32
      %dma_wait3A_54 = arith.constant 0 : i32
      %dma_wait3A_55 = tpu.memref_slice %arg11[%dma_wait3A, %dma_wait3A_54] : memref<10008x128xf32, #tpu.memory_space<vmem_shared>> -> memref<520x128xf32, #tpu.memory_space<vmem_shared>>
      %dma_wait3A_56 = arith.constant 0 : i32
      %dma_wait3A_57 = arith.constant 0 : i32
      %dma_wait3A_58 = tpu.memref_slice %arg3[%dma_wait3A_56, %dma_wait3A_57] : memref<632x128xf32, #tpu.memory_space<hbm>> -> memref<520x128xf32, #tpu.memory_space<hbm>>
      tpu.wait_dma2 semaphore(%arg14 : memref<!tpu.dma_semaphore, #tpu.memory_space<semaphore_mem>>) src(%dma_wait3A_58 : memref<520x128xf32, #tpu.memory_space<hbm>>) dst(%dma_wait3A_55 : memref<520x128xf32, #tpu.memory_space<vmem_shared>>)
    } else {
    }
    %barrier3A = arith.constant 0 : index
    tpu.barrier barrier_id(%barrier3A)
    %scan3A = arith.constant 0 : i32
    %scan3A_24 = arith.constant 0 : i32
    %scan3A_25 = arith.constant 20 : i32
    %scan3A_26 = arith.addi %scan3A_24, %scan3A_25 : i32
    %scan3A_27 = arith.constant 1 : i32
    scf.for %scan3A_54 = %scan3A_24 to %scan3A_26 step %scan3A_27  : i32 {
      %mul3A_55 = arith.constant 2 : i32
      %mul3A_56 = arith.muli %mul3A_55, %scan3A_54 : i32
      %add3A_57 = arith.constant 1 : i32
      %add3A_58 = arith.addi %mul3A_56, %add3A_57 : i32
      %dma_start3A_59 = arith.constant 0 : i32
      %dma_start3A_60 = arith.constant 0 : i32
      %dma_start3A_61 = tpu.memref_slice %arg7[%add3A_58, %dma_start3A_59, %dma_start3A_60] : memref<40x1x128xi32, #tpu.memory_space<vmem>> -> memref<1x1x128xi32, #tpu.memory_space<vmem>>
      %dma_start3A_62 = tpu.memref_squeeze %dma_start3A_61 : memref<1x1x128xi32, #tpu.memory_space<vmem>> -> memref<128xi32, #tpu.memory_space<vmem>>
      %dma_start3A_63 = arith.constant 0 : i32
      %dma_start3A_64 = arith.constant 0 : i32
      %dma_start3A_65 = tpu.memref_slice %arg2[%dma_start3A_63, %dma_start3A_64] : memref<10000x128xf32, #tpu.memory_space<hbm>> -> memref<10000x128xf32, #tpu.memory_space<hbm>>
      tpu.enqueue_indirect_dma source(%dma_start3A_65 : memref<10000x128xf32, #tpu.memory_space<hbm>>) target(%arg10 : memref<128x128xf32, #tpu.memory_space<vmem>>) offsets(%dma_start3A_62 : memref<128xi32, #tpu.memory_space<vmem>>) semaphore(%arg13 : memref<!tpu.dma_semaphore, #tpu.memory_space<semaphore_mem>>)
      %dma_wait3A = arith.constant 0 : i32
      %dma_wait3A_66 = arith.constant 0 : i32
      %dma_wait3A_67 = tpu.memref_slice %arg2[%dma_wait3A, %dma_wait3A_66] : memref<10000x128xf32, #tpu.memory_space<hbm>> -> memref<128x128xf32, #tpu.memory_space<hbm>>
      %dma_wait3A_68 = arith.constant 0 : i32
      %dma_wait3A_69 = arith.constant 0 : i32
      %dma_wait3A_70 = tpu.memref_slice %arg2[%dma_wait3A_68, %dma_wait3A_69] : memref<10000x128xf32, #tpu.memory_space<hbm>> -> memref<128x128xf32, #tpu.memory_space<hbm>>
      tpu.wait_dma2 semaphore(%arg12 : memref<!tpu.dma_semaphore, #tpu.memory_space<semaphore_mem>>) src(%dma_wait3A_70 : memref<128x128xf32, #tpu.memory_space<hbm>>) dst(%arg9 : memref<128x128xf32, #tpu.memory_space<vmem>>)
      %run_scoped3A = arith.constant 0 : i32
      "tpu.region"() ({
        %run_scoped3A_85 = tpu.sem_alloc : memref<!tpu.dma_semaphore, #tpu.memory_space<semaphore_mem>>
        %dma_start3A_86 = arith.constant 0 : i32
        %dma_start3A_87 = tpu.memref_slice %arg8[%mul3A_56, %run_scoped3A, %dma_start3A_86] : memref<40x1x128xi32, #tpu.memory_space<vmem>> -> memref<1x1x128xi32, #tpu.memory_space<vmem>>
        %dma_start3A_88 = tpu.memref_squeeze %dma_start3A_87 : memref<1x1x128xi32, #tpu.memory_space<vmem>> -> memref<128xi32, #tpu.memory_space<vmem>>
        %dma_start3A_89 = arith.constant 0 : i32
        %dma_start3A_90 = arith.constant 0 : i32
        %dma_start3A_91 = tpu.memref_slice %arg11[%dma_start3A_89, %dma_start3A_90] : memref<10008x128xf32, #tpu.memory_space<vmem_shared>> -> memref<10008x128xf32, #tpu.memory_space<vmem_shared>>
        tpu.enqueue_indirect_dma source(%arg9 : memref<128x128xf32, #tpu.memory_space<vmem>>) target(%dma_start3A_91 : memref<10008x128xf32, #tpu.memory_space<vmem_shared>>) offsets(%dma_start3A_88 : memref<128xi32, #tpu.memory_space<vmem>>) semaphore(%run_scoped3A_85 : memref<!tpu.dma_semaphore, #tpu.memory_space<semaphore_mem>>) {add = true}
        %dma_wait3A_92 = arith.constant 0 : i32
        %dma_wait3A_93 = tpu.memref_slice %arg8[%mul3A_56, %run_scoped3A, %dma_wait3A_92] : memref<40x1x128xi32, #tpu.memory_space<vmem>> -> memref<1x1x128xi32, #tpu.memory_space<vmem>>
        %dma_wait3A_94 = tpu.memref_squeeze %dma_wait3A_93 : memref<1x1x128xi32, #tpu.memory_space<vmem>> -> memref<128xi32, #tpu.memory_space<vmem>>
        %dma_wait3A_95 = arith.constant 0 : i32
        %dma_wait3A_96 = arith.constant 0 : i32
        %dma_wait3A_97 = tpu.memref_slice %arg11[%dma_wait3A_95, %dma_wait3A_96] : memref<10008x128xf32, #tpu.memory_space<vmem_shared>> -> memref<10008x128xf32, #tpu.memory_space<vmem_shared>>
        tpu.wait_indirect_dma semaphore(%run_scoped3A_85 : memref<!tpu.dma_semaphore, #tpu.memory_space<semaphore_mem>>) src(%arg9 : memref<128x128xf32, #tpu.memory_space<vmem>>) dst(%dma_wait3A_97 : memref<10008x128xf32, #tpu.memory_space<vmem_shared>>)
        tpu.yield
      }) : () -> ()
      %add3A_71 = arith.constant 1 : i32
      %add3A_72 = arith.addi %add3A_58, %add3A_71 : i32
      %lt3A_73 = arith.constant 40 : i32
      %lt3A_74 = arith.cmpi slt, %add3A_72, %lt3A_73 : i32
      %convert_element_type3A_75 = arith.extui %lt3A_74 : i1 to i32
      %cond3A_76 = arith.constant 0 : i32
      %cond3A_77 = arith.cmpi ne, %convert_element_type3A_75, %cond3A_76 : i32
      scf.if %cond3A_77 {
        %add3A_85 = arith.constant 1 : i32
        %add3A_86 = arith.addi %add3A_58, %add3A_85 : i32
        %dma_start3A_87 = arith.constant 0 : i32
        %dma_start3A_88 = arith.constant 0 : i32
        %dma_start3A_89 = tpu.memref_slice %arg7[%add3A_86, %dma_start3A_87, %dma_start3A_88] : memref<40x1x128xi32, #tpu.memory_space<vmem>> -> memref<1x1x128xi32, #tpu.memory_space<vmem>>
        %dma_start3A_90 = tpu.memref_squeeze %dma_start3A_89 : memref<1x1x128xi32, #tpu.memory_space<vmem>> -> memref<128xi32, #tpu.memory_space<vmem>>
        %dma_start3A_91 = arith.constant 0 : i32
        %dma_start3A_92 = arith.constant 0 : i32
        %dma_start3A_93 = tpu.memref_slice %arg2[%dma_start3A_91, %dma_start3A_92] : memref<10000x128xf32, #tpu.memory_space<hbm>> -> memref<10000x128xf32, #tpu.memory_space<hbm>>
        tpu.enqueue_indirect_dma source(%dma_start3A_93 : memref<10000x128xf32, #tpu.memory_space<hbm>>) target(%arg9 : memref<128x128xf32, #tpu.memory_space<vmem>>) offsets(%dma_start3A_90 : memref<128xi32, #tpu.memory_space<vmem>>) semaphore(%arg12 : memref<!tpu.dma_semaphore, #tpu.memory_space<semaphore_mem>>)
      } else {
      }
      %dma_wait3A_78 = arith.constant 0 : i32
      %dma_wait3A_79 = arith.constant 0 : i32
      %dma_wait3A_80 = tpu.memref_slice %arg2[%dma_wait3A_78, %dma_wait3A_79] : memref<10000x128xf32, #tpu.memory_space<hbm>> -> memref<128x128xf32, #tpu.memory_space<hbm>>
      %dma_wait3A_81 = arith.constant 0 : i32
      %dma_wait3A_82 = arith.constant 0 : i32
      %dma_wait3A_83 = tpu.memref_slice %arg2[%dma_wait3A_81, %dma_wait3A_82] : memref<10000x128xf32, #tpu.memory_space<hbm>> -> memref<128x128xf32, #tpu.memory_space<hbm>>
      tpu.wait_dma2 semaphore(%arg13 : memref<!tpu.dma_semaphore, #tpu.memory_space<semaphore_mem>>) src(%dma_wait3A_83 : memref<128x128xf32, #tpu.memory_space<hbm>>) dst(%arg10 : memref<128x128xf32, #tpu.memory_space<vmem>>)
      %run_scoped3A_84 = arith.constant 0 : i32
      "tpu.region"() ({
        %run_scoped3A_85 = tpu.sem_alloc : memref<!tpu.dma_semaphore, #tpu.memory_space<semaphore_mem>>
        %dma_start3A_86 = arith.constant 0 : i32
        %dma_start3A_87 = tpu.memref_slice %arg8[%add3A_58, %run_scoped3A_84, %dma_start3A_86] : memref<40x1x128xi32, #tpu.memory_space<vmem>> -> memref<1x1x128xi32, #tpu.memory_space<vmem>>
        %dma_start3A_88 = tpu.memref_squeeze %dma_start3A_87 : memref<1x1x128xi32, #tpu.memory_space<vmem>> -> memref<128xi32, #tpu.memory_space<vmem>>
        %dma_start3A_89 = arith.constant 0 : i32
        %dma_start3A_90 = arith.constant 0 : i32
        %dma_start3A_91 = tpu.memref_slice %arg11[%dma_start3A_89, %dma_start3A_90] : memref<10008x128xf32, #tpu.memory_space<vmem_shared>> -> memref<10008x128xf32, #tpu.memory_space<vmem_shared>>
        tpu.enqueue_indirect_dma source(%arg10 : memref<128x128xf32, #tpu.memory_space<vmem>>) target(%dma_start3A_91 : memref<10008x128xf32, #tpu.memory_space<vmem_shared>>) offsets(%dma_start3A_88 : memref<128xi32, #tpu.memory_space<vmem>>) semaphore(%run_scoped3A_85 : memref<!tpu.dma_semaphore, #tpu.memory_space<semaphore_mem>>) {add = true}
        %dma_wait3A_92 = arith.constant 0 : i32
        %dma_wait3A_93 = tpu.memref_slice %arg8[%add3A_58, %run_scoped3A_84, %dma_wait3A_92] : memref<40x1x128xi32, #tpu.memory_space<vmem>> -> memref<1x1x128xi32, #tpu.memory_space<vmem>>
        %dma_wait3A_94 = tpu.memref_squeeze %dma_wait3A_93 : memref<1x1x128xi32, #tpu.memory_space<vmem>> -> memref<128xi32, #tpu.memory_space<vmem>>
        %dma_wait3A_95 = arith.constant 0 : i32
        %dma_wait3A_96 = arith.constant 0 : i32
        %dma_wait3A_97 = tpu.memref_slice %arg11[%dma_wait3A_95, %dma_wait3A_96] : memref<10008x128xf32, #tpu.memory_space<vmem_shared>> -> memref<10008x128xf32, #tpu.memory_space<vmem_shared>>
        tpu.wait_indirect_dma semaphore(%run_scoped3A_85 : memref<!tpu.dma_semaphore, #tpu.memory_space<semaphore_mem>>) src(%arg10 : memref<128x128xf32, #tpu.memory_space<vmem>>) dst(%dma_wait3A_97 : memref<10008x128xf32, #tpu.memory_space<vmem_shared>>)
        tpu.yield
      }) : () -> ()
    }
    %scan3A_28 = arith.constant 20 : i32
    "tpu.region"() ({
      %run_scoped3A = tpu.sem_alloc : memref<!tpu.dma_semaphore, #tpu.memory_space<semaphore_mem>>
      %dma_start3A_54 = arith.constant 40 : i32
      %dma_start3A_55 = arith.constant 0 : i32
      %dma_start3A_56 = arith.constant 0 : i32
      %dma_start3A_57 = tpu.memref_slice %arg4[%add3A, %dma_start3A_54, %dma_start3A_55, %dma_start3A_56] : memref<32x80x1x128xi32, #tpu.memory_space<hbm>> -> memref<1x40x1x128xi32, #tpu.memory_space<hbm>>
      %dma_start3A_58 = tpu.memref_squeeze %dma_start3A_57 : memref<1x40x1x128xi32, #tpu.memory_space<hbm>> -> memref<40x1x128xi32, #tpu.memory_space<hbm>>
      %dma_start3A_59 = arith.constant 40 : i32
      %dma_start3A_60 = arith.constant 0 : i32
      %dma_start3A_61 = arith.constant 0 : i32
      %dma_start3A_62 = tpu.memref_slice %arg4[%add3A, %dma_start3A_59, %dma_start3A_60, %dma_start3A_61] : memref<32x80x1x128xi32, #tpu.memory_space<hbm>> -> memref<1x40x1x128xi32, #tpu.memory_space<hbm>>
      %dma_start3A_63 = tpu.memref_squeeze %dma_start3A_62 : memref<1x40x1x128xi32, #tpu.memory_space<hbm>> -> memref<40x1x128xi32, #tpu.memory_space<hbm>>
      tpu.enqueue_dma source(%dma_start3A_63 : memref<40x1x128xi32, #tpu.memory_space<hbm>>) target(%arg7 : memref<40x1x128xi32, #tpu.memory_space<vmem>>) target_semaphore(%run_scoped3A : memref<!tpu.dma_semaphore, #tpu.memory_space<semaphore_mem>>)
      %dma_wait3A = arith.constant 40 : i32
      %dma_wait3A_64 = arith.constant 0 : i32
      %dma_wait3A_65 = arith.constant 0 : i32
      %dma_wait3A_66 = tpu.memref_slice %arg4[%add3A, %dma_wait3A, %dma_wait3A_64, %dma_wait3A_65] : memref<32x80x1x128xi32, #tpu.memory_space<hbm>> -> memref<1x40x1x128xi32, #tpu.memory_space<hbm>>
      %dma_wait3A_67 = tpu.memref_squeeze %dma_wait3A_66 : memref<1x40x1x128xi32, #tpu.memory_space<hbm>> -> memref<40x1x128xi32, #tpu.memory_space<hbm>>
      %dma_wait3A_68 = arith.constant 40 : i32
      %dma_wait3A_69 = arith.constant 0 : i32
      %dma_wait3A_70 = arith.constant 0 : i32
      %dma_wait3A_71 = tpu.memref_slice %arg4[%add3A, %dma_wait3A_68, %dma_wait3A_69, %dma_wait3A_70] : memref<32x80x1x128xi32, #tpu.memory_space<hbm>> -> memref<1x40x1x128xi32, #tpu.memory_space<hbm>>
      %dma_wait3A_72 = tpu.memref_squeeze %dma_wait3A_71 : memref<1x40x1x128xi32, #tpu.memory_space<hbm>> -> memref<40x1x128xi32, #tpu.memory_space<hbm>>
      tpu.wait_dma2 semaphore(%run_scoped3A : memref<!tpu.dma_semaphore, #tpu.memory_space<semaphore_mem>>) src(%dma_wait3A_72 : memref<40x1x128xi32, #tpu.memory_space<hbm>>) dst(%arg7 : memref<40x1x128xi32, #tpu.memory_space<vmem>>)
      tpu.yield
    }) : () -> ()
    "tpu.region"() ({
      %run_scoped3A = tpu.sem_alloc : memref<!tpu.dma_semaphore, #tpu.memory_space<semaphore_mem>>
      %dma_start3A_54 = arith.constant 40 : i32
      %dma_start3A_55 = arith.constant 0 : i32
      %dma_start3A_56 = arith.constant 0 : i32
      %dma_start3A_57 = tpu.memref_slice %arg5[%add3A, %dma_start3A_54, %dma_start3A_55, %dma_start3A_56] : memref<32x80x1x128xi32, #tpu.memory_space<hbm>> -> memref<1x40x1x128xi32, #tpu.memory_space<hbm>>
      %dma_start3A_58 = tpu.memref_squeeze %dma_start3A_57 : memref<1x40x1x128xi32, #tpu.memory_space<hbm>> -> memref<40x1x128xi32, #tpu.memory_space<hbm>>
      %dma_start3A_59 = arith.constant 40 : i32
      %dma_start3A_60 = arith.constant 0 : i32
      %dma_start3A_61 = arith.constant 0 : i32
      %dma_start3A_62 = tpu.memref_slice %arg5[%add3A, %dma_start3A_59, %dma_start3A_60, %dma_start3A_61] : memref<32x80x1x128xi32, #tpu.memory_space<hbm>> -> memref<1x40x1x128xi32, #tpu.memory_space<hbm>>
      %dma_start3A_63 = tpu.memref_squeeze %dma_start3A_62 : memref<1x40x1x128xi32, #tpu.memory_space<hbm>> -> memref<40x1x128xi32, #tpu.memory_space<hbm>>
      tpu.enqueue_dma source(%dma_start3A_63 : memref<40x1x128xi32, #tpu.memory_space<hbm>>) target(%arg8 : memref<40x1x128xi32, #tpu.memory_space<vmem>>) target_semaphore(%run_scoped3A : memref<!tpu.dma_semaphore, #tpu.memory_space<semaphore_mem>>)
      %dma_wait3A = arith.constant 40 : i32
      %dma_wait3A_64 = arith.constant 0 : i32
      %dma_wait3A_65 = arith.constant 0 : i32
      %dma_wait3A_66 = tpu.memref_slice %arg5[%add3A, %dma_wait3A, %dma_wait3A_64, %dma_wait3A_65] : memref<32x80x1x128xi32, #tpu.memory_space<hbm>> -> memref<1x40x1x128xi32, #tpu.memory_space<hbm>>
      %dma_wait3A_67 = tpu.memref_squeeze %dma_wait3A_66 : memref<1x40x1x128xi32, #tpu.memory_space<hbm>> -> memref<40x1x128xi32, #tpu.memory_space<hbm>>
      %dma_wait3A_68 = arith.constant 40 : i32
      %dma_wait3A_69 = arith.constant 0 : i32
      %dma_wait3A_70 = arith.constant 0 : i32
      %dma_wait3A_71 = tpu.memref_slice %arg5[%add3A, %dma_wait3A_68, %dma_wait3A_69, %dma_wait3A_70] : memref<32x80x1x128xi32, #tpu.memory_space<hbm>> -> memref<1x40x1x128xi32, #tpu.memory_space<hbm>>
      %dma_wait3A_72 = tpu.memref_squeeze %dma_wait3A_71 : memref<1x40x1x128xi32, #tpu.memory_space<hbm>> -> memref<40x1x128xi32, #tpu.memory_space<hbm>>
      tpu.wait_dma2 semaphore(%run_scoped3A : memref<!tpu.dma_semaphore, #tpu.memory_space<semaphore_mem>>) src(%dma_wait3A_72 : memref<40x1x128xi32, #tpu.memory_space<hbm>>) dst(%arg8 : memref<40x1x128xi32, #tpu.memory_space<vmem>>)
      tpu.yield
    }) : () -> ()
    %dma_start3A_29 = arith.constant 0 : i32
    %dma_start3A_30 = arith.constant 0 : i32
    %dma_start3A_31 = arith.constant 0 : i32
    %dma_start3A_32 = tpu.memref_slice %arg7[%dma_start3A_29, %dma_start3A_30, %dma_start3A_31] : memref<40x1x128xi32, #tpu.memory_space<vmem>> -> memref<1x1x128xi32, #tpu.memory_space<vmem>>
    %dma_start3A_33 = tpu.memref_squeeze %dma_start3A_32 : memref<1x1x128xi32, #tpu.memory_space<vmem>> -> memref<128xi32, #tpu.memory_space<vmem>>
    %dma_start3A_34 = arith.constant 0 : i32
    %dma_start3A_35 = arith.constant 0 : i32
    %dma_start3A_36 = tpu.memref_slice %arg2[%dma_start3A_34, %dma_start3A_35] : memref<10000x128xf32, #tpu.memory_space<hbm>> -> memref<10000x128xf32, #tpu.memory_space<hbm>>
    tpu.enqueue_indirect_dma source(%dma_start3A_36 : memref<10000x128xf32, #tpu.memory_space<hbm>>) target(%arg9 : memref<128x128xf32, #tpu.memory_space<vmem>>) offsets(%dma_start3A_33 : memref<128xi32, #tpu.memory_space<vmem>>) semaphore(%arg12 : memref<!tpu.dma_semaphore, #tpu.memory_space<semaphore_mem>>)
    %scan3A_37 = arith.constant 0 : i32
    %scan3A_38 = arith.constant 0 : i32
    %scan3A_39 = arith.constant 20 : i32
    %scan3A_40 = arith.addi %scan3A_38, %scan3A_39 : i32
    %scan3A_41 = arith.constant 1 : i32
    scf.for %scan3A_54 = %scan3A_38 to %scan3A_40 step %scan3A_41  : i32 {
      %mul3A_55 = arith.constant 2 : i32
      %mul3A_56 = arith.muli %mul3A_55, %scan3A_54 : i32
      %add3A_57 = arith.constant 1 : i32
      %add3A_58 = arith.addi %mul3A_56, %add3A_57 : i32
      %dma_start3A_59 = arith.constant 0 : i32
      %dma_start3A_60 = arith.constant 0 : i32
      %dma_start3A_61 = tpu.memref_slice %arg7[%add3A_58, %dma_start3A_59, %dma_start3A_60] : memref<40x1x128xi32, #tpu.memory_space<vmem>> -> memref<1x1x128xi32, #tpu.memory_space<vmem>>
      %dma_start3A_62 = tpu.memref_squeeze %dma_start3A_61 : memref<1x1x128xi32, #tpu.memory_space<vmem>> -> memref<128xi32, #tpu.memory_space<vmem>>
      %dma_start3A_63 = arith.constant 0 : i32
      %dma_start3A_64 = arith.constant 0 : i32
      %dma_start3A_65 = tpu.memref_slice %arg2[%dma_start3A_63, %dma_start3A_64] : memref<10000x128xf32, #tpu.memory_space<hbm>> -> memref<10000x128xf32, #tpu.memory_space<hbm>>
      tpu.enqueue_indirect_dma source(%dma_start3A_65 : memref<10000x128xf32, #tpu.memory_space<hbm>>) target(%arg10 : memref<128x128xf32, #tpu.memory_space<vmem>>) offsets(%dma_start3A_62 : memref<128xi32, #tpu.memory_space<vmem>>) semaphore(%arg13 : memref<!tpu.dma_semaphore, #tpu.memory_space<semaphore_mem>>)
      %dma_wait3A = arith.constant 0 : i32
      %dma_wait3A_66 = arith.constant 0 : i32
      %dma_wait3A_67 = tpu.memref_slice %arg2[%dma_wait3A, %dma_wait3A_66] : memref<10000x128xf32, #tpu.memory_space<hbm>> -> memref<128x128xf32, #tpu.memory_space<hbm>>
      %dma_wait3A_68 = arith.constant 0 : i32
      %dma_wait3A_69 = arith.constant 0 : i32
      %dma_wait3A_70 = tpu.memref_slice %arg2[%dma_wait3A_68, %dma_wait3A_69] : memref<10000x128xf32, #tpu.memory_space<hbm>> -> memref<128x128xf32, #tpu.memory_space<hbm>>
      tpu.wait_dma2 semaphore(%arg12 : memref<!tpu.dma_semaphore, #tpu.memory_space<semaphore_mem>>) src(%dma_wait3A_70 : memref<128x128xf32, #tpu.memory_space<hbm>>) dst(%arg9 : memref<128x128xf32, #tpu.memory_space<vmem>>)
      %run_scoped3A = arith.constant 0 : i32
      "tpu.region"() ({
        %run_scoped3A_85 = tpu.sem_alloc : memref<!tpu.dma_semaphore, #tpu.memory_space<semaphore_mem>>
        %dma_start3A_86 = arith.constant 0 : i32
        %dma_start3A_87 = tpu.memref_slice %arg8[%mul3A_56, %run_scoped3A, %dma_start3A_86] : memref<40x1x128xi32, #tpu.memory_space<vmem>> -> memref<1x1x128xi32, #tpu.memory_space<vmem>>
        %dma_start3A_88 = tpu.memref_squeeze %dma_start3A_87 : memref<1x1x128xi32, #tpu.memory_space<vmem>> -> memref<128xi32, #tpu.memory_space<vmem>>
        %dma_start3A_89 = arith.constant 0 : i32
        %dma_start3A_90 = arith.constant 0 : i32
        %dma_start3A_91 = tpu.memref_slice %arg11[%dma_start3A_89, %dma_start3A_90] : memref<10008x128xf32, #tpu.memory_space<vmem_shared>> -> memref<10008x128xf32, #tpu.memory_space<vmem_shared>>
        tpu.enqueue_indirect_dma source(%arg9 : memref<128x128xf32, #tpu.memory_space<vmem>>) target(%dma_start3A_91 : memref<10008x128xf32, #tpu.memory_space<vmem_shared>>) offsets(%dma_start3A_88 : memref<128xi32, #tpu.memory_space<vmem>>) semaphore(%run_scoped3A_85 : memref<!tpu.dma_semaphore, #tpu.memory_space<semaphore_mem>>) {add = true}
        %dma_wait3A_92 = arith.constant 0 : i32
        %dma_wait3A_93 = tpu.memref_slice %arg8[%mul3A_56, %run_scoped3A, %dma_wait3A_92] : memref<40x1x128xi32, #tpu.memory_space<vmem>> -> memref<1x1x128xi32, #tpu.memory_space<vmem>>
        %dma_wait3A_94 = tpu.memref_squeeze %dma_wait3A_93 : memref<1x1x128xi32, #tpu.memory_space<vmem>> -> memref<128xi32, #tpu.memory_space<vmem>>
        %dma_wait3A_95 = arith.constant 0 : i32
        %dma_wait3A_96 = arith.constant 0 : i32
        %dma_wait3A_97 = tpu.memref_slice %arg11[%dma_wait3A_95, %dma_wait3A_96] : memref<10008x128xf32, #tpu.memory_space<vmem_shared>> -> memref<10008x128xf32, #tpu.memory_space<vmem_shared>>
        tpu.wait_indirect_dma semaphore(%run_scoped3A_85 : memref<!tpu.dma_semaphore, #tpu.memory_space<semaphore_mem>>) src(%arg9 : memref<128x128xf32, #tpu.memory_space<vmem>>) dst(%dma_wait3A_97 : memref<10008x128xf32, #tpu.memory_space<vmem_shared>>)
        tpu.yield
      }) : () -> ()
      %add3A_71 = arith.constant 1 : i32
      %add3A_72 = arith.addi %add3A_58, %add3A_71 : i32
      %lt3A_73 = arith.constant 40 : i32
      %lt3A_74 = arith.cmpi slt, %add3A_72, %lt3A_73 : i32
      %convert_element_type3A_75 = arith.extui %lt3A_74 : i1 to i32
      %cond3A_76 = arith.constant 0 : i32
      %cond3A_77 = arith.cmpi ne, %convert_element_type3A_75, %cond3A_76 : i32
      scf.if %cond3A_77 {
        %add3A_85 = arith.constant 1 : i32
        %add3A_86 = arith.addi %add3A_58, %add3A_85 : i32
        %dma_start3A_87 = arith.constant 0 : i32
        %dma_start3A_88 = arith.constant 0 : i32
        %dma_start3A_89 = tpu.memref_slice %arg7[%add3A_86, %dma_start3A_87, %dma_start3A_88] : memref<40x1x128xi32, #tpu.memory_space<vmem>> -> memref<1x1x128xi32, #tpu.memory_space<vmem>>
        %dma_start3A_90 = tpu.memref_squeeze %dma_start3A_89 : memref<1x1x128xi32, #tpu.memory_space<vmem>> -> memref<128xi32, #tpu.memory_space<vmem>>
        %dma_start3A_91 = arith.constant 0 : i32
        %dma_start3A_92 = arith.constant 0 : i32
        %dma_start3A_93 = tpu.memref_slice %arg2[%dma_start3A_91, %dma_start3A_92] : memref<10000x128xf32, #tpu.memory_space<hbm>> -> memref<10000x128xf32, #tpu.memory_space<hbm>>
        tpu.enqueue_indirect_dma source(%dma_start3A_93 : memref<10000x128xf32, #tpu.memory_space<hbm>>) target(%arg9 : memref<128x128xf32, #tpu.memory_space<vmem>>) offsets(%dma_start3A_90 : memref<128xi32, #tpu.memory_space<vmem>>) semaphore(%arg12 : memref<!tpu.dma_semaphore, #tpu.memory_space<semaphore_mem>>)
      } else {
      }
      %dma_wait3A_78 = arith.constant 0 : i32
      %dma_wait3A_79 = arith.constant 0 : i32
      %dma_wait3A_80 = tpu.memref_slice %arg2[%dma_wait3A_78, %dma_wait3A_79] : memref<10000x128xf32, #tpu.memory_space<hbm>> -> memref<128x128xf32, #tpu.memory_space<hbm>>
      %dma_wait3A_81 = arith.constant 0 : i32
      %dma_wait3A_82 = arith.constant 0 : i32
      %dma_wait3A_83 = tpu.memref_slice %arg2[%dma_wait3A_81, %dma_wait3A_82] : memref<10000x128xf32, #tpu.memory_space<hbm>> -> memref<128x128xf32, #tpu.memory_space<hbm>>
      tpu.wait_dma2 semaphore(%arg13 : memref<!tpu.dma_semaphore, #tpu.memory_space<semaphore_mem>>) src(%dma_wait3A_83 : memref<128x128xf32, #tpu.memory_space<hbm>>) dst(%arg10 : memref<128x128xf32, #tpu.memory_space<vmem>>)
      %run_scoped3A_84 = arith.constant 0 : i32
      "tpu.region"() ({
        %run_scoped3A_85 = tpu.sem_alloc : memref<!tpu.dma_semaphore, #tpu.memory_space<semaphore_mem>>
        %dma_start3A_86 = arith.constant 0 : i32
        %dma_start3A_87 = tpu.memref_slice %arg8[%add3A_58, %run_scoped3A_84, %dma_start3A_86] : memref<40x1x128xi32, #tpu.memory_space<vmem>> -> memref<1x1x128xi32, #tpu.memory_space<vmem>>
        %dma_start3A_88 = tpu.memref_squeeze %dma_start3A_87 : memref<1x1x128xi32, #tpu.memory_space<vmem>> -> memref<128xi32, #tpu.memory_space<vmem>>
        %dma_start3A_89 = arith.constant 0 : i32
        %dma_start3A_90 = arith.constant 0 : i32
        %dma_start3A_91 = tpu.memref_slice %arg11[%dma_start3A_89, %dma_start3A_90] : memref<10008x128xf32, #tpu.memory_space<vmem_shared>> -> memref<10008x128xf32, #tpu.memory_space<vmem_shared>>
        tpu.enqueue_indirect_dma source(%arg10 : memref<128x128xf32, #tpu.memory_space<vmem>>) target(%dma_start3A_91 : memref<10008x128xf32, #tpu.memory_space<vmem_shared>>) offsets(%dma_start3A_88 : memref<128xi32, #tpu.memory_space<vmem>>) semaphore(%run_scoped3A_85 : memref<!tpu.dma_semaphore, #tpu.memory_space<semaphore_mem>>) {add = true}
        %dma_wait3A_92 = arith.constant 0 : i32
        %dma_wait3A_93 = tpu.memref_slice %arg8[%add3A_58, %run_scoped3A_84, %dma_wait3A_92] : memref<40x1x128xi32, #tpu.memory_space<vmem>> -> memref<1x1x128xi32, #tpu.memory_space<vmem>>
        %dma_wait3A_94 = tpu.memref_squeeze %dma_wait3A_93 : memref<1x1x128xi32, #tpu.memory_space<vmem>> -> memref<128xi32, #tpu.memory_space<vmem>>
        %dma_wait3A_95 = arith.constant 0 : i32
        %dma_wait3A_96 = arith.constant 0 : i32
        %dma_wait3A_97 = tpu.memref_slice %arg11[%dma_wait3A_95, %dma_wait3A_96] : memref<10008x128xf32, #tpu.memory_space<vmem_shared>> -> memref<10008x128xf32, #tpu.memory_space<vmem_shared>>
        tpu.wait_indirect_dma semaphore(%run_scoped3A_85 : memref<!tpu.dma_semaphore, #tpu.memory_space<semaphore_mem>>) src(%arg10 : memref<128x128xf32, #tpu.memory_space<vmem>>) dst(%dma_wait3A_97 : memref<10008x128xf32, #tpu.memory_space<vmem_shared>>)
        tpu.yield
      }) : () -> ()
    }
    %scan3A_42 = arith.constant 20 : i32
    %barrier3A_43 = arith.constant 0 : index
    tpu.barrier barrier_id(%barrier3A_43)
    %lt3A_44 = arith.constant 15 : i32
    %lt3A_45 = arith.cmpi slt, %arg1, %lt3A_44 : i32
    %convert_element_type3A_46 = arith.extui %lt3A_45 : i1 to i32
    %cond3A_47 = arith.constant 0 : i32
    %cond3A_48 = arith.cmpi ne, %convert_element_type3A_46, %cond3A_47 : i32
    scf.if %cond3A_48 {
      %mul3A_54 = arith.constant 632 : i32
      %mul3A_55 = arith.muli %arg1, %mul3A_54 : i32
      %mul3A_56 = arith.constant 632 : i32
      %mul3A_57 = arith.muli %arg1, %mul3A_56 : i32
      "tpu.region"() ({
        %run_scoped3A = tpu.sem_alloc : memref<!tpu.dma_semaphore, #tpu.memory_space<semaphore_mem>>
        %dma_start3A_58 = arith.constant 0 : i32
        %dma_start3A_59 = tpu.memref_slice %arg6[%arg0, %mul3A_57, %dma_start3A_58] : memref<2x10000x128xf32, #tpu.memory_space<hbm>> -> memref<1x632x128xf32, #tpu.memory_space<hbm>>
        %dma_start3A_60 = tpu.memref_squeeze %dma_start3A_59 : memref<1x632x128xf32, #tpu.memory_space<hbm>> -> memref<632x128xf32, #tpu.memory_space<hbm>>
        %dma_start3A_61 = arith.constant 0 : i32
        %dma_start3A_62 = tpu.memref_slice %arg11[%mul3A_55, %dma_start3A_61] : memref<10008x128xf32, #tpu.memory_space<vmem_shared>> -> memref<632x128xf32, #tpu.memory_space<vmem_shared>>
        tpu.enqueue_dma source(%dma_start3A_62 : memref<632x128xf32, #tpu.memory_space<vmem_shared>>) target(%dma_start3A_60 : memref<632x128xf32, #tpu.memory_space<hbm>>) target_semaphore(%run_scoped3A : memref<!tpu.dma_semaphore, #tpu.memory_space<semaphore_mem>>)
        %dma_wait3A = arith.constant 0 : i32
        %dma_wait3A_63 = tpu.memref_slice %arg6[%arg0, %mul3A_57, %dma_wait3A] : memref<2x10000x128xf32, #tpu.memory_space<hbm>> -> memref<1x632x128xf32, #tpu.memory_space<hbm>>
        %dma_wait3A_64 = tpu.memref_squeeze %dma_wait3A_63 : memref<1x632x128xf32, #tpu.memory_space<hbm>> -> memref<632x128xf32, #tpu.memory_space<hbm>>
        %dma_wait3A_65 = arith.constant 0 : i32
        %dma_wait3A_66 = tpu.memref_slice %arg11[%mul3A_55, %dma_wait3A_65] : memref<10008x128xf32, #tpu.memory_space<vmem_shared>> -> memref<632x128xf32, #tpu.memory_space<vmem_shared>>
        tpu.wait_dma2 semaphore(%run_scoped3A : memref<!tpu.dma_semaphore, #tpu.memory_space<semaphore_mem>>) src(%dma_wait3A_66 : memref<632x128xf32, #tpu.memory_space<vmem_shared>>) dst(%dma_wait3A_64 : memref<632x128xf32, #tpu.memory_space<hbm>>)
        tpu.yield
      }) : () -> ()
    } else {
    }
    %eq3A_49 = arith.constant 15 : i32
    %eq3A_50 = arith.cmpi eq, %arg1, %eq3A_49 : i32
    %convert_element_type3A_51 = arith.extui %eq3A_50 : i1 to i32
    %cond3A_52 = arith.constant 0 : i32
    %cond3A_53 = arith.cmpi ne, %convert_element_type3A_51, %cond3A_52 : i32
    scf.if %cond3A_53 {
      "tpu.region"() ({
        %run_scoped3A = tpu.sem_alloc : memref<!tpu.dma_semaphore, #tpu.memory_space<semaphore_mem>>
        %dma_start3A_54 = arith.constant 9480 : i32
        %dma_start3A_55 = arith.constant 0 : i32
        %dma_start3A_56 = tpu.memref_slice %arg6[%arg0, %dma_start3A_54, %dma_start3A_55] : memref<2x10000x128xf32, #tpu.memory_space<hbm>> -> memref<1x520x128xf32, #tpu.memory_space<hbm>>
        %dma_start3A_57 = tpu.memref_squeeze %dma_start3A_56 : memref<1x520x128xf32, #tpu.memory_space<hbm>> -> memref<520x128xf32, #tpu.memory_space<hbm>>
        %dma_start3A_58 = arith.constant 9480 : i32
        %dma_start3A_59 = arith.constant 0 : i32
        %dma_start3A_60 = tpu.memref_slice %arg11[%dma_start3A_58, %dma_start3A_59] : memref<10008x128xf32, #tpu.memory_space<vmem_shared>> -> memref<520x128xf32, #tpu.memory_space<vmem_shared>>
        tpu.enqueue_dma source(%dma_start3A_60 : memref<520x128xf32, #tpu.memory_space<vmem_shared>>) target(%dma_start3A_57 : memref<520x128xf32, #tpu.memory_space<hbm>>) target_semaphore(%run_scoped3A : memref<!tpu.dma_semaphore, #tpu.memory_space<semaphore_mem>>)
        %dma_wait3A = arith.constant 9480 : i32
        %dma_wait3A_61 = arith.constant 0 : i32
        %dma_wait3A_62 = tpu.memref_slice %arg6[%arg0, %dma_wait3A, %dma_wait3A_61] : memref<2x10000x128xf32, #tpu.memory_space<hbm>> -> memref<1x520x128xf32, #tpu.memory_space<hbm>>
        %dma_wait3A_63 = tpu.memref_squeeze %dma_wait3A_62 : memref<1x520x128xf32, #tpu.memory_space<hbm>> -> memref<520x128xf32, #tpu.memory_space<hbm>>
        %dma_wait3A_64 = arith.constant 9480 : i32
        %dma_wait3A_65 = arith.constant 0 : i32
        %dma_wait3A_66 = tpu.memref_slice %arg11[%dma_wait3A_64, %dma_wait3A_65] : memref<10008x128xf32, #tpu.memory_space<vmem_shared>> -> memref<520x128xf32, #tpu.memory_space<vmem_shared>>
        tpu.wait_dma2 semaphore(%run_scoped3A : memref<!tpu.dma_semaphore, #tpu.memory_space<semaphore_mem>>) src(%dma_wait3A_66 : memref<520x128xf32, #tpu.memory_space<vmem_shared>>) dst(%dma_wait3A_63 : memref<520x128xf32, #tpu.memory_space<hbm>>)
        tpu.yield
      }) : () -> ()
    } else {
    }
    return
  }
}

module attributes {stable_mosaic.version = 14 : i64} {
  func.func @body(%arg0: i32, %arg1: memref<5000x128xf32, #tpu.memory_space<vmem>>, %arg2: memref<128x128xf32, #tpu.memory_space<vmem>>, %arg3: memref<1x128xf32, #tpu.memory_space<vmem>>, %arg4: memref<5000x128xf32, #tpu.memory_space<vmem>>) attributes {dimension_semantics = [#tpu.dimension_semantics<arbitrary>], iteration_bounds = array<i64: 2>, scalar_prefetch = 0 : i64, scratch_operands = 0 : i64, tpu.core_type = #tpu.core_type<tc>, window_params = [{transform_indices = @transform_0, window_bounds = array<i64: 5000, 128>}, {pipeline_mode = #tpu.pipeline_mode<synchronous>, transform_indices = @transform_1, window_bounds = array<i64: 128, 128>}, {pipeline_mode = #tpu.pipeline_mode<synchronous>, transform_indices = @transform_2, window_bounds = array<i64: 1, 128>}, {transform_indices = @transform_3, window_bounds = array<i64: 5000, 128>}]} {
    %get3A = arith.constant 0 : index
    %get3A_0 = arith.constant 0 : index
    %get3A_1 = vector.load %arg1[%get3A, %get3A_0] : memref<5000x128xf32, #tpu.memory_space<vmem>>, vector<5000x128xf32>
    %get3A_2 = arith.constant 0 : index
    %get3A_3 = arith.constant 0 : index
    %get3A_4 = vector.load %arg2[%get3A_2, %get3A_3] : memref<128x128xf32, #tpu.memory_space<vmem>>, vector<128x128xf32>
    %dot_general3A = arith.constant dense<0.000000e+00> : vector<5000x128xf32>
    %dot_general3A_5 = tpu.matmul %get3A_1, %get3A_4, %dot_general3A {dimension_numbers = #tpu.dot_dimension_numbers<[1], [0], [0], [1], [0, 0, 1, 1], [], []>, transpose_lhs_hint = false} : vector<5000x128xf32>, vector<128x128xf32>, vector<5000x128xf32> -> vector<5000x128xf32>
    %get3A_6 = arith.constant 0 : index
    %get3A_7 = arith.constant 0 : index
    %get3A_8 = vector.load %arg3[%get3A_6, %get3A_7] : memref<1x128xf32, #tpu.memory_space<vmem>>, vector<1x128xf32>
    %add3A = vector.broadcast %get3A_8 : vector<1x128xf32> to vector<5000x128xf32>
    %add3A_9 = arith.addf %dot_general3A_5, %add3A : vector<5000x128xf32>
    %swap3A = arith.constant 0 : index
    %swap3A_10 = arith.constant 0 : index
    %swap3A_11 = vector.load %arg4[%swap3A, %swap3A_10] : memref<5000x128xf32, #tpu.memory_space<vmem>>, vector<5000x128xf32>
    tpu.vector_store %arg4[%swap3A, %swap3A_10], %add3A_9 {strides = array<i32>} : memref<5000x128xf32, #tpu.memory_space<vmem>>, vector<5000x128xf32>,
    return
  }
  func.func @transform_0(%arg0: i32) -> (i32, i32) {
    %c0_i32 = arith.constant 0 : i32
    %c0_i32_0 = arith.constant 0 : i32
    return %arg0, %c0_i32 : i32, i32
  }
  func.func @transform_1(%arg0: i32) -> (i32, i32) {
    %c0_i32 = arith.constant 0 : i32
    %c0_i32_0 = arith.constant 0 : i32
    %c0_i32_1 = arith.constant 0 : i32
    return %c0_i32, %c0_i32_0 : i32, i32
  }
  func.func @transform_2(%arg0: i32) -> (i32, i32) {
    %c0_i32 = arith.constant 0 : i32
    %c0_i32_0 = arith.constant 0 : i32
    %c0_i32_1 = arith.constant 0 : i32
    return %c0_i32, %c0_i32_0 : i32, i32
  }
  func.func @transform_3(%arg0: i32) -> (i32, i32) {
    %c0_i32 = arith.constant 0 : i32
    %c0_i32_0 = arith.constant 0 : i32
    return %arg0, %c0_i32 : i32, i32
  }
}

module attributes {stable_mosaic.version = 14 : i64} {
  func.func @body(%arg0: i32, %arg1: memref<5000x128xf32, #tpu.memory_space<vmem>>, %arg2: memref<128x128xf32, #tpu.memory_space<vmem>>, %arg3: memref<2x5000x1xf32, #tpu.memory_space<vmem>>, %arg4: memref<5000x1xf32, #tpu.memory_space<vmem>>, %arg5: memref<5000x128xf32, #tpu.memory_space<vmem>>) attributes {dimension_semantics = [#tpu.dimension_semantics<arbitrary>], iteration_bounds = array<i64: 2>, scalar_prefetch = 0 : i64, scratch_operands = 0 : i64, tpu.core_type = #tpu.core_type<tc>, window_params = [{transform_indices = @transform_0, window_bounds = array<i64: 5000, 128>}, {pipeline_mode = #tpu.pipeline_mode<synchronous>, transform_indices = @transform_1, window_bounds = array<i64: 128, 128>}, {transform_indices = @transform_2, window_bounds = array<i64: 2, 5000, 1>}, {transform_indices = @transform_3, window_bounds = array<i64: 5000, 1>}, {transform_indices = @transform_4, window_bounds = array<i64: 5000, 128>}]} {
    %get3A = arith.constant 0 : index
    %get3A_0 = arith.constant 0 : index
    %get3A_1 = arith.constant 0 : index
    %get3A_2 = vector.load %arg3[%get3A, %get3A_0, %get3A_1] : memref<2x5000x1xf32, #tpu.memory_space<vmem>>, vector<1x5000x1xf32>
    %get3A_3 = vector.shape_cast %get3A_2 : vector<1x5000x1xf32> to vector<5000x1xf32>
    %get3A_4 = arith.constant 1 : index
    %get3A_5 = arith.constant 0 : index
    %get3A_6 = arith.constant 0 : index
    %get3A_7 = vector.load %arg3[%get3A_4, %get3A_5, %get3A_6] : memref<2x5000x1xf32, #tpu.memory_space<vmem>>, vector<1x5000x1xf32>
    %get3A_8 = vector.shape_cast %get3A_7 : vector<1x5000x1xf32> to vector<5000x1xf32>
    %add3A = arith.addf %get3A_3, %get3A_8 : vector<5000x1xf32>
    %add3A_9 = arith.constant 1.000000e+00 : f32
    %add3A_10 = vector.broadcast %add3A_9 : f32 to vector<5000x1xf32>
    %add3A_11 = arith.addf %add3A, %add3A_10 : vector<5000x1xf32>
    %max3A = arith.constant 9.99999996E-13 : f32
    %max3A_12 = vector.broadcast %max3A : f32 to vector<5000x1xf32>
    %max3A_13 = arith.maximumf %add3A_11, %max3A_12 : vector<5000x1xf32>
    %rsqrt3A = math.rsqrt %max3A_13 : vector<5000x1xf32>
    %swap3A = arith.constant 0 : index
    %swap3A_14 = arith.constant 0 : index
    %swap3A_15 = vector.load %arg4[%swap3A, %swap3A_14] : memref<5000x1xf32, #tpu.memory_space<vmem>>, vector<5000x1xf32>
    tpu.vector_store %arg4[%swap3A, %swap3A_14], %rsqrt3A {strides = array<i32>} : memref<5000x1xf32, #tpu.memory_space<vmem>>, vector<5000x1xf32>,
    %get3A_16 = arith.constant 0 : index
    %get3A_17 = arith.constant 0 : index
    %get3A_18 = vector.load %arg1[%get3A_16, %get3A_17] : memref<5000x128xf32, #tpu.memory_space<vmem>>, vector<5000x128xf32>
    %get3A_19 = arith.constant 0 : index
    %get3A_20 = arith.constant 0 : index
    %get3A_21 = vector.load %arg2[%get3A_19, %get3A_20] : memref<128x128xf32, #tpu.memory_space<vmem>>, vector<128x128xf32>
    %dot_general3A = arith.constant dense<0.000000e+00> : vector<5000x128xf32>
    %dot_general3A_22 = tpu.matmul %get3A_18, %get3A_21, %dot_general3A {dimension_numbers = #tpu.dot_dimension_numbers<[1], [0], [0], [1], [0, 0, 1, 1], [], []>, transpose_lhs_hint = false} : vector<5000x128xf32>, vector<128x128xf32>, vector<5000x128xf32> -> vector<5000x128xf32>
    %mul3A = vector.broadcast %rsqrt3A : vector<5000x1xf32> to vector<5000x128xf32>
    %mul3A_23 = arith.mulf %dot_general3A_22, %mul3A : vector<5000x128xf32>
    %swap3A_24 = arith.constant 0 : index
    %swap3A_25 = arith.constant 0 : index
    %swap3A_26 = vector.load %arg5[%swap3A_24, %swap3A_25] : memref<5000x128xf32, #tpu.memory_space<vmem>>, vector<5000x128xf32>
    tpu.vector_store %arg5[%swap3A_24, %swap3A_25], %mul3A_23 {strides = array<i32>} : memref<5000x128xf32, #tpu.memory_space<vmem>>, vector<5000x128xf32>,
    return
  }
  func.func @transform_0(%arg0: i32) -> (i32, i32) {
    %c0_i32 = arith.constant 0 : i32
    %c0_i32_0 = arith.constant 0 : i32
    return %arg0, %c0_i32 : i32, i32
  }
  func.func @transform_1(%arg0: i32) -> (i32, i32) {
    %c0_i32 = arith.constant 0 : i32
    %c0_i32_0 = arith.constant 0 : i32
    %c0_i32_1 = arith.constant 0 : i32
    return %c0_i32, %c0_i32_0 : i32, i32
  }
  func.func @transform_2(%arg0: i32) -> (i32, i32, i32) {
    %c0_i32 = arith.constant 0 : i32
    %c0_i32_0 = arith.constant 0 : i32
    %c0_i32_1 = arith.constant 0 : i32
    return %c0_i32, %arg0, %c0_i32_0 : i32, i32, i32
  }
  func.func @transform_3(%arg0: i32) -> (i32, i32) {
    %c0_i32 = arith.constant 0 : i32
    %c0_i32_0 = arith.constant 0 : i32
    return %arg0, %c0_i32 : i32, i32
  }
  func.func @transform_4(%arg0: i32) -> (i32, i32) {
    %c0_i32 = arith.constant 0 : i32
    %c0_i32_0 = arith.constant 0 : i32
    return %arg0, %c0_i32 : i32, i32
  }
}

module attributes {stable_mosaic.version = 14 : i64} {
  func.func @body(%arg0: i32, %arg1: memref<2x5000x128xf32, #tpu.memory_space<vmem>>, %arg2: memref<5000x128xf32, #tpu.memory_space<vmem>>, %arg3: memref<5000x1xf32, #tpu.memory_space<vmem>>, %arg4: memref<1x128xf32, #tpu.memory_space<vmem>>, %arg5: memref<5000x128xf32, #tpu.memory_space<vmem>>, %arg6: memref<128x128xf32, #tpu.memory_space<vmem>>, %arg7: memref<5000x128xf32, #tpu.memory_space<vmem>>, %arg8: memref<5000x128xf32, #tpu.memory_space<vmem>>) attributes {dimension_semantics = [#tpu.dimension_semantics<arbitrary>], iteration_bounds = array<i64: 2>, scalar_prefetch = 0 : i64, scratch_operands = 0 : i64, tpu.core_type = #tpu.core_type<tc>, window_params = [{transform_indices = @transform_0, window_bounds = array<i64: 2, 5000, 128>}, {transform_indices = @transform_1, window_bounds = array<i64: 5000, 128>}, {transform_indices = @transform_2, window_bounds = array<i64: 5000, 1>}, {pipeline_mode = #tpu.pipeline_mode<synchronous>, transform_indices = @transform_3, window_bounds = array<i64: 1, 128>}, {transform_indices = @transform_4, window_bounds = array<i64: 5000, 128>}, {pipeline_mode = #tpu.pipeline_mode<synchronous>, transform_indices = @transform_5, window_bounds = array<i64: 128, 128>}, {transform_indices = @transform_6, window_bounds = array<i64: 5000, 128>}, {transform_indices = @transform_7, window_bounds = array<i64: 5000, 128>}]} {
    %get3A = arith.constant 0 : index
    %get3A_0 = arith.constant 0 : index
    %get3A_1 = vector.load %arg3[%get3A, %get3A_0] : memref<5000x1xf32, #tpu.memory_space<vmem>>, vector<5000x1xf32>
    %get3A_2 = arith.constant 0 : index
    %get3A_3 = arith.constant 0 : index
    %get3A_4 = arith.constant 0 : index
    %get3A_5 = vector.load %arg1[%get3A_2, %get3A_3, %get3A_4] : memref<2x5000x128xf32, #tpu.memory_space<vmem>>, vector<1x5000x128xf32>
    %get3A_6 = vector.shape_cast %get3A_5 : vector<1x5000x128xf32> to vector<5000x128xf32>
    %get3A_7 = arith.constant 1 : index
    %get3A_8 = arith.constant 0 : index
    %get3A_9 = arith.constant 0 : index
    %get3A_10 = vector.load %arg1[%get3A_7, %get3A_8, %get3A_9] : memref<2x5000x128xf32, #tpu.memory_space<vmem>>, vector<1x5000x128xf32>
    %get3A_11 = vector.shape_cast %get3A_10 : vector<1x5000x128xf32> to vector<5000x128xf32>
    %add3A = arith.addf %get3A_6, %get3A_11 : vector<5000x128xf32>
    %get3A_12 = arith.constant 0 : index
    %get3A_13 = arith.constant 0 : index
    %get3A_14 = vector.load %arg2[%get3A_12, %get3A_13] : memref<5000x128xf32, #tpu.memory_space<vmem>>, vector<5000x128xf32>
    %add3A_15 = arith.addf %add3A, %get3A_14 : vector<5000x128xf32>
    %mul3A = vector.broadcast %get3A_1 : vector<5000x1xf32> to vector<5000x128xf32>
    %mul3A_16 = arith.mulf %mul3A, %add3A_15 : vector<5000x128xf32>
    %get3A_17 = arith.constant 0 : index
    %get3A_18 = arith.constant 0 : index
    %get3A_19 = vector.load %arg4[%get3A_17, %get3A_18] : memref<1x128xf32, #tpu.memory_space<vmem>>, vector<1x128xf32>
    %add3A_20 = vector.broadcast %get3A_19 : vector<1x128xf32> to vector<5000x128xf32>
    %add3A_21 = arith.addf %mul3A_16, %add3A_20 : vector<5000x128xf32>
    %tanh3A = math.tanh %add3A_21 : vector<5000x128xf32>
    %get3A_22 = arith.constant 0 : index
    %get3A_23 = arith.constant 0 : index
    %get3A_24 = vector.load %arg5[%get3A_22, %get3A_23] : memref<5000x128xf32, #tpu.memory_space<vmem>>, vector<5000x128xf32>
    %add3A_25 = arith.addf %tanh3A, %get3A_24 : vector<5000x128xf32>
    %swap3A = arith.constant 0 : index
    %swap3A_26 = arith.constant 0 : index
    %swap3A_27 = vector.load %arg7[%swap3A, %swap3A_26] : memref<5000x128xf32, #tpu.memory_space<vmem>>, vector<5000x128xf32>
    tpu.vector_store %arg7[%swap3A, %swap3A_26], %add3A_25 {strides = array<i32>} : memref<5000x128xf32, #tpu.memory_space<vmem>>, vector<5000x128xf32>,
    %get3A_28 = arith.constant 0 : index
    %get3A_29 = arith.constant 0 : index
    %get3A_30 = vector.load %arg6[%get3A_28, %get3A_29] : memref<128x128xf32, #tpu.memory_space<vmem>>, vector<128x128xf32>
    %dot_general3A = arith.constant dense<0.000000e+00> : vector<5000x128xf32>
    %dot_general3A_31 = tpu.matmul %add3A_25, %get3A_30, %dot_general3A {dimension_numbers = #tpu.dot_dimension_numbers<[1], [0], [0], [1], [0, 0, 1, 1], [], []>, transpose_lhs_hint = false} : vector<5000x128xf32>, vector<128x128xf32>, vector<5000x128xf32> -> vector<5000x128xf32>
    %mul3A_32 = vector.broadcast %get3A_1 : vector<5000x1xf32> to vector<5000x128xf32>
    %mul3A_33 = arith.mulf %dot_general3A_31, %mul3A_32 : vector<5000x128xf32>
    %swap3A_34 = arith.constant 0 : index
    %swap3A_35 = arith.constant 0 : index
    %swap3A_36 = vector.load %arg8[%swap3A_34, %swap3A_35] : memref<5000x128xf32, #tpu.memory_space<vmem>>, vector<5000x128xf32>
    tpu.vector_store %arg8[%swap3A_34, %swap3A_35], %mul3A_33 {strides = array<i32>} : memref<5000x128xf32, #tpu.memory_space<vmem>>, vector<5000x128xf32>,
    return
  }
  func.func @transform_0(%arg0: i32) -> (i32, i32, i32) {
    %c0_i32 = arith.constant 0 : i32
    %c0_i32_0 = arith.constant 0 : i32
    %c0_i32_1 = arith.constant 0 : i32
    return %c0_i32, %arg0, %c0_i32_0 : i32, i32, i32
  }
  func.func @transform_1(%arg0: i32) -> (i32, i32) {
    %c0_i32 = arith.constant 0 : i32
    %c0_i32_0 = arith.constant 0 : i32
    return %arg0, %c0_i32 : i32, i32
  }
  func.func @transform_2(%arg0: i32) -> (i32, i32) {
    %c0_i32 = arith.constant 0 : i32
    %c0_i32_0 = arith.constant 0 : i32
    return %arg0, %c0_i32 : i32, i32
  }
  func.func @transform_3(%arg0: i32) -> (i32, i32) {
    %c0_i32 = arith.constant 0 : i32
    %c0_i32_0 = arith.constant 0 : i32
    %c0_i32_1 = arith.constant 0 : i32
    return %c0_i32, %c0_i32_0 : i32, i32
  }
  func.func @transform_4(%arg0: i32) -> (i32, i32) {
    %c0_i32 = arith.constant 0 : i32
    %c0_i32_0 = arith.constant 0 : i32
    return %arg0, %c0_i32 : i32, i32
  }
  func.func @transform_5(%arg0: i32) -> (i32, i32) {
    %c0_i32 = arith.constant 0 : i32
    %c0_i32_0 = arith.constant 0 : i32
    %c0_i32_1 = arith.constant 0 : i32
    return %c0_i32, %c0_i32_0 : i32, i32
  }
  func.func @transform_6(%arg0: i32) -> (i32, i32) {
    %c0_i32 = arith.constant 0 : i32
    %c0_i32_0 = arith.constant 0 : i32
    return %arg0, %c0_i32 : i32, i32
  }
  func.func @transform_7(%arg0: i32) -> (i32, i32) {
    %c0_i32 = arith.constant 0 : i32
    %c0_i32_0 = arith.constant 0 : i32
    return %arg0, %c0_i32 : i32, i32
  }
}

module attributes {stable_mosaic.version = 14 : i64} {
  func.func @body(%arg0: i32, %arg1: memref<2x5000x128xf32, #tpu.memory_space<vmem>>, %arg2: memref<5000x128xf32, #tpu.memory_space<vmem>>, %arg3: memref<5000x1xf32, #tpu.memory_space<vmem>>, %arg4: memref<1x128xf32, #tpu.memory_space<vmem>>, %arg5: memref<5000x128xf32, #tpu.memory_space<vmem>>, %arg6: memref<128x128xf32, #tpu.memory_space<vmem>>, %arg7: memref<1x128xf32, #tpu.memory_space<vmem>>, %arg8: memref<5000x128xf32, #tpu.memory_space<vmem>>) attributes {dimension_semantics = [#tpu.dimension_semantics<arbitrary>], iteration_bounds = array<i64: 2>, scalar_prefetch = 0 : i64, scratch_operands = 0 : i64, tpu.core_type = #tpu.core_type<tc>, window_params = [{transform_indices = @transform_0, window_bounds = array<i64: 2, 5000, 128>}, {transform_indices = @transform_1, window_bounds = array<i64: 5000, 128>}, {transform_indices = @transform_2, window_bounds = array<i64: 5000, 1>}, {pipeline_mode = #tpu.pipeline_mode<synchronous>, transform_indices = @transform_3, window_bounds = array<i64: 1, 128>}, {transform_indices = @transform_4, window_bounds = array<i64: 5000, 128>}, {pipeline_mode = #tpu.pipeline_mode<synchronous>, transform_indices = @transform_5, window_bounds = array<i64: 128, 128>}, {pipeline_mode = #tpu.pipeline_mode<synchronous>, transform_indices = @transform_6, window_bounds = array<i64: 1, 128>}, {transform_indices = @transform_7, window_bounds = array<i64: 5000, 128>}]} {
    %get3A = arith.constant 0 : index
    %get3A_0 = arith.constant 0 : index
    %get3A_1 = vector.load %arg3[%get3A, %get3A_0] : memref<5000x1xf32, #tpu.memory_space<vmem>>, vector<5000x1xf32>
    %get3A_2 = arith.constant 0 : index
    %get3A_3 = arith.constant 0 : index
    %get3A_4 = arith.constant 0 : index
    %get3A_5 = vector.load %arg1[%get3A_2, %get3A_3, %get3A_4] : memref<2x5000x128xf32, #tpu.memory_space<vmem>>, vector<1x5000x128xf32>
    %get3A_6 = vector.shape_cast %get3A_5 : vector<1x5000x128xf32> to vector<5000x128xf32>
    %get3A_7 = arith.constant 1 : index
    %get3A_8 = arith.constant 0 : index
    %get3A_9 = arith.constant 0 : index
    %get3A_10 = vector.load %arg1[%get3A_7, %get3A_8, %get3A_9] : memref<2x5000x128xf32, #tpu.memory_space<vmem>>, vector<1x5000x128xf32>
    %get3A_11 = vector.shape_cast %get3A_10 : vector<1x5000x128xf32> to vector<5000x128xf32>
    %add3A = arith.addf %get3A_6, %get3A_11 : vector<5000x128xf32>
    %get3A_12 = arith.constant 0 : index
    %get3A_13 = arith.constant 0 : index
    %get3A_14 = vector.load %arg2[%get3A_12, %get3A_13] : memref<5000x128xf32, #tpu.memory_space<vmem>>, vector<5000x128xf32>
    %add3A_15 = arith.addf %add3A, %get3A_14 : vector<5000x128xf32>
    %mul3A = vector.broadcast %get3A_1 : vector<5000x1xf32> to vector<5000x128xf32>
    %mul3A_16 = arith.mulf %mul3A, %add3A_15 : vector<5000x128xf32>
    %get3A_17 = arith.constant 0 : index
    %get3A_18 = arith.constant 0 : index
    %get3A_19 = vector.load %arg4[%get3A_17, %get3A_18] : memref<1x128xf32, #tpu.memory_space<vmem>>, vector<1x128xf32>
    %add3A_20 = vector.broadcast %get3A_19 : vector<1x128xf32> to vector<5000x128xf32>
    %add3A_21 = arith.addf %mul3A_16, %add3A_20 : vector<5000x128xf32>
    %tanh3A = math.tanh %add3A_21 : vector<5000x128xf32>
    %get3A_22 = arith.constant 0 : index
    %get3A_23 = arith.constant 0 : index
    %get3A_24 = vector.load %arg5[%get3A_22, %get3A_23] : memref<5000x128xf32, #tpu.memory_space<vmem>>, vector<5000x128xf32>
    %add3A_25 = arith.addf %tanh3A, %get3A_24 : vector<5000x128xf32>
    %get3A_26 = arith.constant 0 : index
    %get3A_27 = arith.constant 0 : index
    %get3A_28 = vector.load %arg6[%get3A_26, %get3A_27] : memref<128x128xf32, #tpu.memory_space<vmem>>, vector<128x128xf32>
    %dot_general3A = arith.constant dense<0.000000e+00> : vector<5000x128xf32>
    %dot_general3A_29 = tpu.matmul %add3A_25, %get3A_28, %dot_general3A {dimension_numbers = #tpu.dot_dimension_numbers<[1], [0], [0], [1], [0, 0, 1, 1], [], []>, transpose_lhs_hint = false} : vector<5000x128xf32>, vector<128x128xf32>, vector<5000x128xf32> -> vector<5000x128xf32>
    %get3A_30 = arith.constant 0 : index
    %get3A_31 = arith.constant 0 : index
    %get3A_32 = vector.load %arg7[%get3A_30, %get3A_31] : memref<1x128xf32, #tpu.memory_space<vmem>>, vector<1x128xf32>
    %add3A_33 = vector.broadcast %get3A_32 : vector<1x128xf32> to vector<5000x128xf32>
    %add3A_34 = arith.addf %dot_general3A_29, %add3A_33 : vector<5000x128xf32>
    %reduce_max3A = arith.constant dense<0xFF800000> : vector<5000xf32>
    %reduce_max3A_35 = vector.multi_reduction <maximumf>, %add3A_34, %reduce_max3A [1] : vector<5000x128xf32> to vector<5000xf32>
    %broadcast_in_dim3A = vector.shape_cast %reduce_max3A_35 : vector<5000xf32> to vector<5000x1xf32>
    %sub3A = vector.broadcast %broadcast_in_dim3A : vector<5000x1xf32> to vector<5000x128xf32>
    %sub3A_36 = arith.subf %add3A_34, %sub3A : vector<5000x128xf32>
    %exp3A = math.exp %sub3A_36 : vector<5000x128xf32>
    %reduce_sum3A = arith.constant dense<0.000000e+00> : vector<5000xf32>
    %reduce_sum3A_37 = vector.multi_reduction <add>, %exp3A, %reduce_sum3A [1] : vector<5000x128xf32> to vector<5000xf32>
    %broadcast_in_dim3A_38 = vector.shape_cast %reduce_sum3A_37 : vector<5000xf32> to vector<5000x1xf32>
    %log3A = math.log %broadcast_in_dim3A_38 : vector<5000x1xf32>
    %sub3A_39 = vector.broadcast %log3A : vector<5000x1xf32> to vector<5000x128xf32>
    %sub3A_40 = arith.subf %sub3A_36, %sub3A_39 : vector<5000x128xf32>
    %swap3A = arith.constant 0 : index
    %swap3A_41 = arith.constant 0 : index
    %swap3A_42 = vector.load %arg8[%swap3A, %swap3A_41] : memref<5000x128xf32, #tpu.memory_space<vmem>>, vector<5000x128xf32>
    tpu.vector_store %arg8[%swap3A, %swap3A_41], %sub3A_40 {strides = array<i32>} : memref<5000x128xf32, #tpu.memory_space<vmem>>, vector<5000x128xf32>,
    return
  }
  func.func @transform_0(%arg0: i32) -> (i32, i32, i32) {
    %c0_i32 = arith.constant 0 : i32
    %c0_i32_0 = arith.constant 0 : i32
    %c0_i32_1 = arith.constant 0 : i32
    return %c0_i32, %arg0, %c0_i32_0 : i32, i32, i32
  }
  func.func @transform_1(%arg0: i32) -> (i32, i32) {
    %c0_i32 = arith.constant 0 : i32
    %c0_i32_0 = arith.constant 0 : i32
    return %arg0, %c0_i32 : i32, i32
  }
  func.func @transform_2(%arg0: i32) -> (i32, i32) {
    %c0_i32 = arith.constant 0 : i32
    %c0_i32_0 = arith.constant 0 : i32
    return %arg0, %c0_i32 : i32, i32
  }
  func.func @transform_3(%arg0: i32) -> (i32, i32) {
    %c0_i32 = arith.constant 0 : i32
    %c0_i32_0 = arith.constant 0 : i32
    %c0_i32_1 = arith.constant 0 : i32
    return %c0_i32, %c0_i32_0 : i32, i32
  }
  func.func @transform_4(%arg0: i32) -> (i32, i32) {
    %c0_i32 = arith.constant 0 : i32
    %c0_i32_0 = arith.constant 0 : i32
    return %arg0, %c0_i32 : i32, i32
  }
  func.func @transform_5(%arg0: i32) -> (i32, i32) {
    %c0_i32 = arith.constant 0 : i32
    %c0_i32_0 = arith.constant 0 : i32
    %c0_i32_1 = arith.constant 0 : i32
    return %c0_i32, %c0_i32_0 : i32, i32
  }
  func.func @transform_6(%arg0: i32) -> (i32, i32) {
    %c0_i32 = arith.constant 0 : i32
    %c0_i32_0 = arith.constant 0 : i32
    %c0_i32_1 = arith.constant 0 : i32
    return %c0_i32, %c0_i32_0 : i32, i32
  }
  func.func @transform_7(%arg0: i32) -> (i32, i32) {
    %c0_i32 = arith.constant 0 : i32
    %c0_i32_0 = arith.constant 0 : i32
    return %arg0, %c0_i32 : i32, i32
  }
}

</mosaic_0001>

<sc_bundles>
// kernel: kernel.13.cloned.1.call-start
scs
__scs_entry_jumppad:
0x0: {  	(pc) =	sbr.rel $0x88, $3  }
0x1: {  	(tag) =	ssettag $0x0;
	lr =	simm.s32 $0x1  }
0x2: {  	[smem:$0x3F99] =	sst lr;
	_ =	strace $0xD0000000  }
0x3: {  	_ = 	snop  }
0x4: {  	_ = 	snop  }
0x5: {  	_ = 	snop  }
0x6: {  	_ = 	snop  }
0x7: {  	_ = 	snop  }
__scs_overlays_trampoline_lowered:
0x8: {  	[smem:$0x3FA8] =	sst s0  }
0x9: {  	[smem:$0x3FA9] =	sst s1  }
0xa: {  	[smem:$0x3FAA] =	sst s2  }
0xb: {  	[smem:$0x3FAB] =	sst s3  }
0xc: {  	[smem:$0x3FAC] =	sst s4  }
0xd: {  	[smem:$0x3FAD] =	sst s5  }
0xe: {  	[smem:$0x3FAE] =	sst s6  }
0xf: {  	[smem:$0x3FAF] =	sst s7  }
0x10: {  	[smem:$0x3FB0] =	sst s8  }
0x11: {  	[smem:$0x3FB1] =	sst s9;
	s0 =	simm.s32 @!p0 $0x0  }
0x12: {  	s1 =	sld [smem:$0x3F97];
	s0 =	simm.s32 @p0 $0x1  }
0x13: {  	[smem:$0x3FB2] =	sst s0;
	s0 =	simm.s32 @!p1 $0x0  }
0x14: {  	s2 =	sld [smem:$0x3F96];
	s0 =	simm.s32 @p1 $0x1  }
0x15: {  	[smem:$0x3FB3] =	sst s0;
	s0 =	simm.s32 @!p2 $0x0  }
0x16: {  	s3 =	sld [smem:$0x3FDB];
	s0 =	simm.s32 @p2 $0x1  }
0x17: {  	s4 =	simm.s32 $0x1BF5;
	[smem:$0x3FB5] =	sst s0  }
0x18: {  	s0 =	sld [smem:$0x3F98];
	_ =	swait.ge [sflag:s4], $0x0  }
0x19: {  	s7 =	sld [smem:$0x3F99]  }
0x1a: {  	s8 =	sadd.s32 $0xFFFFE003, lr  }
0x1b: {  	s9 =	sadd.s32 $0xFFFFFEF7, lr;
	s5 =	simm.s32 $0xFFFFFFFF;
	p2 =	slt.u32 s8, $0xFFFFF086  }
0x1c: {  	p1 =	slt.u32 s9, $0xF7A;
	s5 =	simm.s32 @!p2 $0x0  }
0x1d: {  	s5 =	simm.s32 @p1 $0x1;
	p0 =	seq.s32 s7, s2  }
0x1e: {  	s7 =	smul.u32 @!p0 $0xF7A, s2;
	p2 =	seq.s32 @!p0 s5, $0x0  }
0x1f: {  	s9 =	smul.u32 $0xF7A, s1;
	s8 =	simm.s32 @!p0 $0x1BF5;
	p2 =	por !p2, p0  }
0x20: {  	[sflag:s8] =	ssyncset.s32 @!p0 $0xFFFFF086;
	s6 =	sadd.s32 @!p0 s3, s7;
	s7 =	simm.s32 @!p0 $0x108  }
0x21: {  	s3 =	sadd.s32 s3, s9;
	s6 =	sadd.s32 @!p0 $0x88, s6;
	s7 =	simm.s32 @p2 $0x1082  }
0x22: {  	[simem:s7], [sflag:s8] =	dma.local @!p0 [hbm:s6], $0xF7A  }
0x23: {  	s9 =	sor.u32 $0xD0000000, s2;
	s6 =	simm.s32 $0x108;
	_ =	swait.ge @!p0 [sflag:s8], $0x0  }
0x24: {  	s3 =	sadd.s32 $0x88, s3;
	s6 =	simm.s32 @!p1 $0x1082;
	[sflag:s4] =	ssyncset.s32 $0xFFFFF086  }
0x25: {  	[simem:s6], [sflag:s4] =	dma.local [hbm:s3], $0xF7A  }
0x26: {  	[smem:$0x3F99] =	sst s1;
	(tag) =	ssettag s2;
	_ =	strace s9  }
0x27: {  	s1 =	sld [smem:$0x3FA9]  }
0x28: {  	s2 =	sld [smem:$0x3FAA]  }
0x29: {  	s4 =	sld [smem:$0x3FAC]  }
0x2a: {  	p0 =	seq.s32 s5, $0x0;
	s5 =	sld [smem:$0x3FAD]  }
0x2b: {  	s6 =	sld [smem:$0x3FAE]  }
0x2c: {  	s7 =	sld [smem:$0x3FAF]  }
0x2d: {  	s3 =	simm.s32 $0x108;
	s8 =	sld [smem:$0x3FB0]  }
0x2e: {  	s3 =	simm.s32 @!p0 $0x1082;
	s9 =	sld [smem:$0x3FB1]  }
0x2f: {  	lr =	sadd.s32 s0, s3;
	s0 =	sld [smem:$0x3FA8]  }
0x30: {  	s3 =	sld [smem:$0x3FAB]  }
0x31: {  	[smem:$0x3FB4] =	sst s10  }
0x32: {  	s10 =	sld [smem:$0x3FB2];
	_ =	sdelay $0x3  }
0x33: {  	p0 =	seq.s32 s10, $0x1;
	s10 =	sld [smem:$0x3FB4];
	_ =	sdelay $0x3  }
0x34: {  	[smem:$0x3FB4] =	sst s10  }
0x35: {  	s10 =	sld [smem:$0x3FB3];
	_ =	sdelay $0x3  }
0x36: {  	p1 =	seq.s32 s10, $0x1;
	s10 =	sld [smem:$0x3FB4];
	_ =	sdelay $0x3  }
0x37: {  	[smem:$0x3FB4] =	sst s10  }
0x38: {  	s10 =	sld [smem:$0x3FB5]  }
0x39: {  	_ = 	snop;
	(pc) =	sbr.ind lr, $3  }
0x3a: {  	_ = 	snop  }
0x3b: {  	_ = 	snop  }
0x3c: {  	p2 =	seq.s32 s10, $0x1;
	s10 =	sld [smem:$0x3FB4]  }
0x3d: {  	_ =	shalt  }
0x3e: {  	_ =	shalt  }
0x3f: {  	_ =	shalt  }
0x40: {  	_ =	shalt  }
0x41: {  	_ =	shalt  }
0x42: {  	_ =	shalt  }
0x43: {  	_ =	shalt  }
0x44: {  	_ =	shalt  }
0x45: {  	_ =	shalt  }
0x46: {  	_ =	shalt  }
0x47: {  	_ =	shalt  }
0x48: {  	_ =	shalt  }
0x49: {  	_ =	shalt  }
0x4a: {  	_ =	shalt  }
0x4b: {  	_ =	shalt  }
0x4c: {  	_ =	shalt  }
0x4d: {  	_ =	shalt  }
0x4e: {  	_ =	shalt  }
0x4f: {  	_ =	shalt  }
0x50: {  	_ =	shalt  }
0x51: {  	_ =	shalt  }
0x52: {  	_ =	shalt  }
0x53: {  	_ =	shalt  }
0x54: {  	_ =	shalt  }
0x55: {  	_ =	shalt  }
0x56: {  	_ =	shalt  }
0x57: {  	_ =	shalt  }
0x58: {  	_ =	shalt  }
0x59: {  	_ =	shalt  }
0x5a: {  	_ =	shalt  }
0x5b: {  	_ =	shalt  }
0x5c: {  	_ =	shalt  }
0x5d: {  	_ =	shalt  }
0x5e: {  	_ =	shalt  }
0x5f: {  	_ =	shalt  }
0x60: {  	_ =	shalt  }
0x61: {  	_ =	shalt  }
0x62: {  	_ =	shalt  }
0x63: {  	_ =	shalt  }
0x64: {  	_ =	shalt  }
0x65: {  	_ =	shalt  }
0x66: {  	_ =	shalt  }
0x67: {  	_ =	shalt  }
0x68: {  	_ =	shalt  }
0x69: {  	_ =	shalt  }
0x6a: {  	_ =	shalt  }
0x6b: {  	_ =	shalt  }
0x6c: {  	_ =	shalt  }
0x6d: {  	_ =	shalt  }
0x6e: {  	_ =	shalt  }
0x6f: {  	_ =	shalt  }
0x70: {  	_ =	shalt  }
0x71: {  	_ =	shalt  }
0x72: {  	_ =	shalt  }
0x73: {  	_ =	shalt  }
0x74: {  	_ =	shalt  }
0x75: {  	_ =	shalt  }
0x76: {  	_ =	shalt  }
0x77: {  	_ =	shalt  }
0x78: {  	_ =	shalt  }
0x79: {  	_ =	shalt  }
0x7a: {  	_ =	shalt  }
0x7b: {  	_ =	shalt  }
0x7c: {  	_ =	shalt  }
0x7d: {  	_ =	shalt  }
0x7e: {  	_ =	shalt  }
0x7f: {  	_ =	shalt  }
0x80: {  	_ =	shalt  }
0x81: {  	_ =	shalt  }
0x82: {  	_ =	shalt  }
0x83: {  	_ =	shalt  }
0x84: {  	_ =	shalt  }
0x85: {  	_ =	shalt  }
0x86: {  	_ =	shalt  }
0x87: {  	_ =	shalt  }
.Lfunc_end0:
.L_simem_size_0:
called_computation_lowered:
.L_overlay_start_0:
0x88: {  	s2 =	sld [smem:$0x3FD9]  }
0x89: {  	s3 =	sld [smem:$0x3FFE];
	_ =	sdelay $0x1  }
0x8a: {  	s1 =	srdreg.scid  }
0x8b: {  	s0 =	sand.u32 $0x1, s1  }
0x8c: {  	s17 =	sshll.u32 s0, $0xA;
	s2 =	sadd.s32 s3, s2  }
0x8d: {  	s2 =	sadd.s32 s2, s17  }
0x8e: {  	[smem:$0x3FC0] =	sst s2  }
0x8f: {  	_ = 	snop  }
0x90: {  	s2 =	sld [smem:$0x3FD0];
	(tm) =	ssettm $0x1  }
0x91: {  	s18 =	sld [smem:$0x3FFB];
	_ =	sdelay $0x3  }
0x92: {  	_ =	strace s18  }
0x93: {  	s3 =	sld [smem:$0x3FFC];
	_ =	sdelay $0x3  }
0x94: {  	_ =	strace s3  }
0x95: {  	s3 =	sld [smem:$0x3FFD];
	_ =	sdelay $0x3  }
0x96: {  	_ =	strace s3  }
0x97: {  	_ =	strace $0x8FFFFFFF  }
0x98: {  	s19 =	sld [smem:$0x3FDB];
	_ =	sdelay $0x1  }
0x99: {  	s4 =	simm.s32 $_scs_section_size  }
0x9a: {  	s5 =	simm.s32 $_size__tile_overlayer_lowered;
	s6 =	simm.s32 $_tile_overlayer_lowered  }
0x9b: {  	s22 =	simm.s32 $0x1BFF;
	s21 =	sshll.u32 s6, $0x1;
	s3 =	sadd.s32 s4, s19  }
0x9c: {  	s7 =	simm.s32 $0x0;
	s20 =	sshll.u32 s5, $0x1;
	s5 =	sadd.s32 s21, s3  }
0x9d: {  	[timem:s7], [sflag:s22] =	dma.local [hbm:s5], s20  }
0x9e: {  	_ =	swait.ge [sflag:s22], s20  }
0x9f: {  	s4 =	ssub.s32 $0x0, s20;
	[sflag:s22] =	ssyncset.done $0x0  }
0xa0: {  	[sflag:s22] =	ssyncadd.s32 s4;
	_ =	sdelay $0x1  }
0xa1: {  	s23 =	simm.s32 $0x1B8B  }
0xa2: {  	_ =	swait.ge [sflag:s23], $0x1  }
0xa3: {  	[sflag:s23] =	ssyncset.done $0x0  }
0xa4: {  	s25 =	simm.s32 $0x1B8E;
	s24 =	sld [smem:$0x3FFE];
	[sflag:s23] =	ssyncadd.s32 $0xFFFFFFFF  }
0xa5: {  	s26 =	simm.s32 $execute0_lowered;
	[smem:$0x3FD2] =	sst s25  }
0xa6: {  	s5 =	sshll.u32 s26, $0x1;
	_ =	strace $0x80000046;
	[dreg:$0x1] =	wrdreg $0xFFFFFFFF  }
0xa7: {  	s28 =	simm.s32 $_size_execute0_lowered;
	s3 =	sadd.s32 s3, s5;
	[dreg:$0x0] =	wrdreg $0x0  }
0xa8: {  	s5 =	sshll.u32 s28, $0x1;
	[dreg:$0x2] =	wrdreg s3  }
0xa9: {  	[dreg:$0x3] =	wrdreg s5  }
0xaa: {  	[dreg:$0x4] =	wrdreg $0xC0  }
0xab: {  	_ =	task [dreg:s7], $0x5FFFF  }
0xac: {  	[dreg:$0x1] =	wrdreg $0xFFFFFFFF  }
0xad: {  	[dreg:$0x0] =	wrdreg $0x60  }
0xae: {  	[dreg:$0x2] =	wrdreg s24  }
0xaf: {  	[dreg:$0x3] =	wrdreg s2  }
0xb0: {  	[dreg:$0x4] =	wrdreg $0x2B000  }
0xb1: {  	[dreg:$0x5] =	wrdreg $0x9  }
0xb2: {  	_ =	task.clear_ibuf [dreg:s7], $0x6FFFF;
	_ =	strace $0x90000046  }
0xb3: {  	s29 =	simm.s32 $0x9;
	_ =	strace $0x80000048  }
0xb4: {  	_ =	swait.ge [sflag:s29], $0x1  }
0xb5: {  	[sflag:s29] =	ssyncadd.s32 $0xFFFFFFFF  }
0xb6: {  	_ =	strace $0x90000048  }
0xb7: {  	_ =	sfence  }
0xb8: {  	s30 =	sld [smem:$0x0];
	_ =	sdelay $0x2  }
0xb9: {  	s31 =	sshll.u32 s1, $0xD;
	s1 =	sshrl.u32 s1, $0x2  }
0xba: {  	s3 =	sand.u32 $0x4000, s31;
	s1 =	sadd.s32 s1, s30  }
0xbb: {  	s0 =	sor.u32 s3, s0;
	s1 =	sshll.u32 s1, $0x11  }
0xbc: {  	s0 =	sor.u32 s1, s0  }
0xbd: {  	s0 =	sadd.s32 $0x8F2B, s0  }
0xbe: {  	[sflag:s0] =	ssyncadd.remote.s32 $0x1  }
0xbf: {  	_ =	sfence.sel $0xFFFF  }
0xc0: {  	[dreg:$0x0] =	wrdreg $0xFFFFFFFF;
	(pc) =	sbr.abs _section_cstart, $3  }
0xc1: {  	[dreg:$0x1] =	wrdreg $0xFFFFFFFF  }
0xc2: {  	_ =	task.clear_ibuf [dreg:s7], $0x2FFFF;
	_ =	strace $0x9FFFFFFF  }
0xc3: {  	(tm) =	ssettm $0x7FFFFFFF  }
tec
execute0_lowered:
.L_overlay_start_1:
0x0: {  	(tag) =	ssettag $0x1  }
0x1: {  	s1 =	srdreg.scid;
	s4 =	rddreg [dreg:$0x0]  }
0x2: {  	s0 =	stileid.u32;
	s6 =	rddreg [dreg:$0x1]  }
0x3: {  	s2 =	rddreg [dreg:$0x2];
	s3 =	simm.s32 $0x0;
	s10 =	simm.s32 $0x80  }
0x4: {  	s11 =	simm.s32 $0x2800;
	s12 =	simm.s32 $0x100;
	s13 =	simm.s32 $0x180  }
0x5: {  	s14 =	simm.s32 $0x200;
	s15 =	simm.s32 $0x280;
	s16 =	simm.s32 $0x300  }
0x6: {  	s17 =	simm.s32 $0x380;
	s18 =	simm.s32 $0x1;
	s21 =	simm.s32 $0x0  }
0x7: {  	s5 =	sand.u32 $0x1, s1;
	s30 =	sshll.u32 s0, $0x1;
	s8 =	smul.u32 $0x280, s0  }
0x8: {  	[smem:$0x7FF] =	sst s3;
	s1 =	sor.u32 s5, s30;
	s9 =	smul.u32 $0x2800, s5  }
0x9: {  	s19 =	sshll.u32 s0, $0x6;
	s5 =	ssub.s32 $0x2, s5;
	s7 =	smul.u32 $0x500, s1  }
0xa: {  	s19 =	sor.u32 $0x1C02, s19;
	s1 =	rddreg [dreg:$0x3];
	_ =	strace $0x80000047  }
0xb: {  	s31 =	sshrl.u32 s5, $0x1;
	s9 =	sadd.s32 s8, s9;
	s4 =	sadd.s32 s7, s4  }
0xc: {  	s7 =	ssub.s32 s5, s31;
	s9 =	sshrl.u32 s9, $0x3;
	s5 =	sadd.s32 s8, s2  }
0xd: {  	s8 =	simm.s32 $0x2;
	s4 =	sadd.s32 $0x5600, s4;
	s6 =	sadd.s32 s6, s9  }
0xe: {  	v0 =	vimm.f32 $1.000000000e+00;
	v1 =	vimm.f32 $0.0e+00;
	s7 =	smax.u32 s7, $0x1;
	s9 =	simm.s32 $0x2880;
	s20 =	sshrl.u32 s5, $0x3  }
.LBB2_1:
0xf: {  	[tilespmem:s3], [sflag:$0x2] =	stream.linear.gather [hbm4b:s4+s3], $0x2800, $0x38;
	[tilespmem:$0x2D80] =	vst v63  }
0x10: {  	_ =	swait.ge [sflag:s8], $0x2800  }
0x11: {  	[sflag:s8] =	ssyncset.done $0x0  }
0x12: {  	[sflag:s8] =	ssyncadd.s32 $0xFFFFD800  }
0x13: {  	[tilespmem:$0x2800] =	vst v0  }
0x14: {  	[tilespmem:$0x2810] =	vst v0  }
0x15: {  	[tilespmem:$0x2820] =	vst v0  }
0x16: {  	[tilespmem:$0x2830] =	vst v0  }
0x17: {  	[tilespmem:$0x2840] =	vst v0  }
0x18: {  	[tilespmem:$0x2850] =	vst v0  }
0x19: {  	[tilespmem:$0x2860] =	vst v0  }
0x1a: {  	[tilespmem:$0x2870] =	vst v0  }
0x1b: {  	[tilespmem:$0x2880] =	vst v1  }
0x1c: {  	[tilespmem:$0x2890] =	vst v1  }
0x1d: {  	[tilespmem:$0x28A0] =	vst v1  }
0x1e: {  	[tilespmem:$0x28B0] =	vst v1  }
0x1f: {  	[tilespmem:$0x28C0] =	vst v1  }
0x20: {  	[tilespmem:$0x28D0] =	vst v1  }
0x21: {  	[tilespmem:$0x28E0] =	vst v1  }
0x22: {  	[tilespmem:$0x28F0] =	vst v1  }
0x23: {  	[tilespmem:$0x2900] =	vst v1  }
0x24: {  	[tilespmem:$0x2910] =	vst v1  }
0x25: {  	[tilespmem:$0x2920] =	vst v1  }
0x26: {  	[tilespmem:$0x2930] =	vst v1  }
0x27: {  	[tilespmem:$0x2940] =	vst v1  }
0x28: {  	[tilespmem:$0x2950] =	vst v1  }
0x29: {  	[tilespmem:$0x2960] =	vst v1  }
0x2a: {  	[tilespmem:$0x2970] =	vst v1  }
0x2b: {  	[tilespmem:$0x2980] =	vst v1  }
0x2c: {  	[tilespmem:$0x2990] =	vst v1  }
0x2d: {  	[tilespmem:$0x29A0] =	vst v1  }
0x2e: {  	[tilespmem:$0x29B0] =	vst v1  }
0x2f: {  	[tilespmem:$0x29C0] =	vst v1  }
0x30: {  	[tilespmem:$0x29D0] =	vst v1  }
0x31: {  	[tilespmem:$0x29E0] =	vst v1  }
0x32: {  	[tilespmem:$0x29F0] =	vst v1  }
0x33: {  	[tilespmem:$0x2A00] =	vst v1  }
0x34: {  	[tilespmem:$0x2A10] =	vst v1  }
0x35: {  	[tilespmem:$0x2A20] =	vst v1  }
0x36: {  	[tilespmem:$0x2A30] =	vst v1  }
0x37: {  	[tilespmem:$0x2A40] =	vst v1  }
0x38: {  	[tilespmem:$0x2A50] =	vst v1  }
0x39: {  	[tilespmem:$0x2A60] =	vst v1  }
0x3a: {  	[tilespmem:$0x2A70] =	vst v1  }
0x3b: {  	[tilespmem:$0x2A80] =	vst v1  }
0x3c: {  	[tilespmem:$0x2A90] =	vst v1  }
0x3d: {  	[tilespmem:$0x2AA0] =	vst v1  }
0x3e: {  	[tilespmem:$0x2AB0] =	vst v1  }
0x3f: {  	[tilespmem:$0x2AC0] =	vst v1  }
0x40: {  	[tilespmem:$0x2AD0] =	vst v1  }
0x41: {  	[tilespmem:$0x2AE0] =	vst v1  }
0x42: {  	[tilespmem:$0x2AF0] =	vst v1  }
0x43: {  	[spmem:s5] =	stream.linear.scatter [tilespmem:s9], [sflag:$0x2], $0x280, $0x38;
	[tilespmem:$0x2D80] =	vst v63  }
0x44: {  	_ =	swait.ge [sflag:s8], $0x280  }
0x45: {  	[sflag:s8] =	ssyncset.done $0x0  }
0x46: {  	[sflag:s8] =	ssyncadd.s32 $0xFFFFFD80  }
0x47: {  	[bflag:$0x0] =	sbarrier.arrive $0xFFFF  }
0x48: {  	[spmem:s2] =	stream.indirect.scatter.add.f32 [tilespmem:s11], [sflag:$0x1], $0x1, s3, s10, $0xb8;
	[tilespmem:$0x2D80] =	vst v63  }
0x49: {  	_ = 	snop  }
0x4a: {  	[spmem:s2] =	stream.indirect.scatter.add.f32 [tilespmem:s11], [sflag:$0x1], $0x1, s10, s10, $0xb8;
	[tilespmem:$0x2D80] =	vst v63  }
0x4b: {  	_ = 	snop  }
0x4c: {  	[spmem:s2] =	stream.indirect.scatter.add.f32 [tilespmem:s11], [sflag:$0x1], $0x1, s12, s10, $0xb8;
	[tilespmem:$0x2D80] =	vst v63  }
0x4d: {  	_ = 	snop  }
0x4e: {  	[spmem:s2] =	stream.indirect.scatter.add.f32 [tilespmem:s11], [sflag:$0x1], $0x1, s13, s10, $0xb8;
	[tilespmem:$0x2D80] =	vst v63  }
0x4f: {  	_ = 	snop  }
0x50: {  	[spmem:s2] =	stream.indirect.scatter.add.f32 [tilespmem:s11], [sflag:$0x1], $0x1, s14, s10, $0xb8;
	[tilespmem:$0x2D80] =	vst v63  }
0x51: {  	_ = 	snop  }
0x52: {  	[spmem:s2] =	stream.indirect.scatter.add.f32 [tilespmem:s11], [sflag:$0x1], $0x1, s15, s10, $0xb8;
	[tilespmem:$0x2D80] =	vst v63  }
0x53: {  	_ = 	snop  }
0x54: {  	[spmem:s2] =	stream.indirect.scatter.add.f32 [tilespmem:s11], [sflag:$0x1], $0x1, s16, s10, $0xb8;
	[tilespmem:$0x2D80] =	vst v63  }
0x55: {  	p0 =	por $0x0, $0x0  }
0x56: {  	[spmem:s2] =	stream.indirect.scatter.add.f32 [tilespmem:s11], [sflag:$0x1], $0x1, s17, s10, $0xb8;
	[tilespmem:$0x2D80] =	vst v63  }
0x57: {  	s22 =	simm.s32 $0x400;
	s23 =	simm.s32 @!p0 $0x80;
	s24 =	simm.s32 @!p0 $0x2800  }
0x58: {  	[spmem:s2] =	stream.indirect.scatter.add.f32 @!p0 [tilespmem:s24], [sflag:$0x1], $0x1, s22, s23, $0xb8;
	[tilespmem:$0x2D80] =	vst v63  }
0x59: {  	_ =	swait.ge [sflag:s18], $0x80  }
0x5a: {  	s23 =	simm.s32 $0x1;
	[sflag:s18] =	ssyncset.done $0x0  }
.LBB2_2:
0x5b: {  	s24 =	smov.u32 s23;
	s23 =	sadd.s32 $0x1, s23  }
0x5c: {  	[sflag:s18] =	ssyncadd.s32 $0xFFFFFF80;
	s22 =	sadd.s32 $0x80, s22;
	p1 =	sne.s32 s23, $0x50  }
.Ltmp0:
0x5d: {  	p0 =	sgt.u32 s24, $0x47;
	(pc) =	sbr.rel @p1 .LBB2_2-.Ltmp0, $4  }
0x5e: {  	s24 =	simm.s32 @!p0 $0x80;
	s25 =	simm.s32 @!p0 $0x2800  }
0x5f: {  	[spmem:s2] =	stream.indirect.scatter.add.f32 @!p0 [tilespmem:s25], [sflag:$0x1], $0x1, s22, s24, $0xb8;
	[tilespmem:$0x2D80] =	vst v63  }
0x60: {  	_ =	swait.ge [sflag:s18], $0x80  }
0x61: {  	[sflag:s18] =	ssyncset.done $0x0  }
0x62: {  	s21 =	sadd.s32 $0x1, s21  }
0x63: {  	[sflag:s18] =	ssyncadd.s32 $0xFFFFFF80;
	p0 =	sne.s32 s21, s7  }
.Ltmp1:
0x64: {  	[bflag:$0x0] =	sbarrier.arrive $0xFFFF;
	(pc) =	sbr.rel @p0 .LBB2_1-.Ltmp1, $4  }
0x65: {  	[hbm:s6], [sflag:s19] =	dma.local [spmem:s20], $0x50  }
0x66: {  	_ =	swait.ge [sflag:s8], $0x50  }
0x67: {  	[sflag:s8] =	ssyncset.done $0x0  }
0x68: {  	[sflag:s8] =	ssyncadd.s32 $0xFFFFFFB0  }
0x69: {  	_ =	sfence.sel $0x180000  }
0x6a: {  	[bflag:$0x0] =	sbarrier.arrive $0xFFFF  }
0x6b: {  	p0 =	sne.s32 s0, $0x0;
	_ =	strace $0x90000047  }
0x6c: {  	s0 =	sadd.s32 @!p0 $0x100000, s1;
	[bflag:$0x2] =	sbarrier.arrive $0xFFFF  }
0x6d: {  	[sflag:s0] =	ssyncadd.tile.s32 @!p0 $0x1;
	_ =	shalt  }
.Lfunc_end2:
_tile_overlayer_lowered:
.L_overlay_start_2:
0x6e: {  	(tag) =	ssettag $0x2  }
0x6f: {  	s0 =	rddreg [dreg:$0x0];
	s2 =	stileid.u32  }
0x70: {  	s1 =	rddreg [dreg:$0x1];
	p0 =	sne.s32 s2, $0x0  }
0x71: {  	s3 =	rddreg [dreg:$0x2];
	[bflag:$0x3] =	sbarrier.arrive $0xFFFF;
	s2 =	simm.s32 @!p0 $0x1C02  }
0x72: {  	[timem:s3], [sflag:s2] =	dma.local @!p0 [hbm:s0], s1  }
0x73: {  	s0 =	simm.s32 @!p0 $0x2  }
0x74: {  	_ =	swait.ge @!p0 [sflag:s0], s1  }
0x75: {  	s1 =	ssub.s32 @!p0 $0x0, s1;
	[sflag:s0] =	ssyncset.done @!p0 $0x0  }
0x76: {  	[sflag:s0] =	ssyncadd.s32 @!p0 s1  }
0x77: {  	[bflag:$0x3] =	sbarrier.arrive $0xFFFF  }
0x78: {  	_ =	shalt  }

// kernel: kernel.16.cloned.1.call-start
scs
__scs_entry_jumppad:
0x0: {  	(pc) =	sbr.rel $0x88, $3  }
0x1: {  	(tag) =	ssettag $0x0;
	lr =	simm.s32 $0x1  }
0x2: {  	[smem:$0x3F99] =	sst lr;
	_ =	strace $0xD0000000  }
0x3: {  	_ = 	snop  }
0x4: {  	_ = 	snop  }
0x5: {  	_ = 	snop  }
0x6: {  	_ = 	snop  }
0x7: {  	_ = 	snop  }
__scs_overlays_trampoline_lowered:
0x8: {  	[smem:$0x3FA8] =	sst s0  }
0x9: {  	[smem:$0x3FA9] =	sst s1  }
0xa: {  	[smem:$0x3FAA] =	sst s2  }
0xb: {  	[smem:$0x3FAB] =	sst s3  }
0xc: {  	[smem:$0x3FAC] =	sst s4  }
0xd: {  	[smem:$0x3FAD] =	sst s5  }
0xe: {  	[smem:$0x3FAE] =	sst s6  }
0xf: {  	[smem:$0x3FAF] =	sst s7  }
0x10: {  	[smem:$0x3FB0] =	sst s8  }
0x11: {  	[smem:$0x3FB1] =	sst s9;
	s0 =	simm.s32 @!p0 $0x0  }
0x12: {  	s1 =	sld [smem:$0x3F97];
	s0 =	simm.s32 @p0 $0x1  }
0x13: {  	[smem:$0x3FB2] =	sst s0;
	s0 =	simm.s32 @!p1 $0x0  }
0x14: {  	s2 =	sld [smem:$0x3F96];
	s0 =	simm.s32 @p1 $0x1  }
0x15: {  	[smem:$0x3FB3] =	sst s0;
	s0 =	simm.s32 @!p2 $0x0  }
0x16: {  	s3 =	sld [smem:$0x3FDB];
	s0 =	simm.s32 @p2 $0x1  }
0x17: {  	s4 =	simm.s32 $0x1BF5;
	[smem:$0x3FB5] =	sst s0  }
0x18: {  	s0 =	sld [smem:$0x3F98];
	_ =	swait.ge [sflag:s4], $0x0  }
0x19: {  	s7 =	sld [smem:$0x3F99]  }
0x1a: {  	s8 =	sadd.s32 $0xFFFFE003, lr  }
0x1b: {  	s9 =	sadd.s32 $0xFFFFFEF7, lr;
	s5 =	simm.s32 $0xFFFFFFFF;
	p2 =	slt.u32 s8, $0xFFFFF086  }
0x1c: {  	p1 =	slt.u32 s9, $0xF7A;
	s5 =	simm.s32 @!p2 $0x0  }
0x1d: {  	s5 =	simm.s32 @p1 $0x1;
	p0 =	seq.s32 s7, s2  }
0x1e: {  	s7 =	smul.u32 @!p0 $0xF7A, s2;
	p2 =	seq.s32 @!p0 s5, $0x0  }
0x1f: {  	s9 =	smul.u32 $0xF7A, s1;
	s8 =	simm.s32 @!p0 $0x1BF5;
	p2 =	por !p2, p0  }
0x20: {  	[sflag:s8] =	ssyncset.s32 @!p0 $0xFFFFF086;
	s6 =	sadd.s32 @!p0 s3, s7;
	s7 =	simm.s32 @!p0 $0x108  }
0x21: {  	s3 =	sadd.s32 s3, s9;
	s6 =	sadd.s32 @!p0 $0x88, s6;
	s7 =	simm.s32 @p2 $0x1082  }
0x22: {  	[simem:s7], [sflag:s8] =	dma.local @!p0 [hbm:s6], $0xF7A  }
0x23: {  	s9 =	sor.u32 $0xD0000000, s2;
	s6 =	simm.s32 $0x108;
	_ =	swait.ge @!p0 [sflag:s8], $0x0  }
0x24: {  	s3 =	sadd.s32 $0x88, s3;
	s6 =	simm.s32 @!p1 $0x1082;
	[sflag:s4] =	ssyncset.s32 $0xFFFFF086  }
0x25: {  	[simem:s6], [sflag:s4] =	dma.local [hbm:s3], $0xF7A  }
0x26: {  	[smem:$0x3F99] =	sst s1;
	(tag) =	ssettag s2;
	_ =	strace s9  }
0x27: {  	s1 =	sld [smem:$0x3FA9]  }
0x28: {  	s2 =	sld [smem:$0x3FAA]  }
0x29: {  	s4 =	sld [smem:$0x3FAC]  }
0x2a: {  	p0 =	seq.s32 s5, $0x0;
	s5 =	sld [smem:$0x3FAD]  }
0x2b: {  	s6 =	sld [smem:$0x3FAE]  }
0x2c: {  	s7 =	sld [smem:$0x3FAF]  }
0x2d: {  	s3 =	simm.s32 $0x108;
	s8 =	sld [smem:$0x3FB0]  }
0x2e: {  	s3 =	simm.s32 @!p0 $0x1082;
	s9 =	sld [smem:$0x3FB1]  }
0x2f: {  	lr =	sadd.s32 s0, s3;
	s0 =	sld [smem:$0x3FA8]  }
0x30: {  	s3 =	sld [smem:$0x3FAB]  }
0x31: {  	[smem:$0x3FB4] =	sst s10  }
0x32: {  	s10 =	sld [smem:$0x3FB2];
	_ =	sdelay $0x3  }
0x33: {  	p0 =	seq.s32 s10, $0x1;
	s10 =	sld [smem:$0x3FB4];
	_ =	sdelay $0x3  }
0x34: {  	[smem:$0x3FB4] =	sst s10  }
0x35: {  	s10 =	sld [smem:$0x3FB3];
	_ =	sdelay $0x3  }
0x36: {  	p1 =	seq.s32 s10, $0x1;
	s10 =	sld [smem:$0x3FB4];
	_ =	sdelay $0x3  }
0x37: {  	[smem:$0x3FB4] =	sst s10  }
0x38: {  	s10 =	sld [smem:$0x3FB5]  }
0x39: {  	_ = 	snop;
	(pc) =	sbr.ind lr, $3  }
0x3a: {  	_ = 	snop  }
0x3b: {  	_ = 	snop  }
0x3c: {  	p2 =	seq.s32 s10, $0x1;
	s10 =	sld [smem:$0x3FB4]  }
0x3d: {  	_ =	shalt  }
0x3e: {  	_ =	shalt  }
0x3f: {  	_ =	shalt  }
0x40: {  	_ =	shalt  }
0x41: {  	_ =	shalt  }
0x42: {  	_ =	shalt  }
0x43: {  	_ =	shalt  }
0x44: {  	_ =	shalt  }
0x45: {  	_ =	shalt  }
0x46: {  	_ =	shalt  }
0x47: {  	_ =	shalt  }
0x48: {  	_ =	shalt  }
0x49: {  	_ =	shalt  }
0x4a: {  	_ =	shalt  }
0x4b: {  	_ =	shalt  }
0x4c: {  	_ =	shalt  }
0x4d: {  	_ =	shalt  }
0x4e: {  	_ =	shalt  }
0x4f: {  	_ =	shalt  }
0x50: {  	_ =	shalt  }
0x51: {  	_ =	shalt  }
0x52: {  	_ =	shalt  }
0x53: {  	_ =	shalt  }
0x54: {  	_ =	shalt  }
0x55: {  	_ =	shalt  }
0x56: {  	_ =	shalt  }
0x57: {  	_ =	shalt  }
0x58: {  	_ =	shalt  }
0x59: {  	_ =	shalt  }
0x5a: {  	_ =	shalt  }
0x5b: {  	_ =	shalt  }
0x5c: {  	_ =	shalt  }
0x5d: {  	_ =	shalt  }
0x5e: {  	_ =	shalt  }
0x5f: {  	_ =	shalt  }
0x60: {  	_ =	shalt  }
0x61: {  	_ =	shalt  }
0x62: {  	_ =	shalt  }
0x63: {  	_ =	shalt  }
0x64: {  	_ =	shalt  }
0x65: {  	_ =	shalt  }
0x66: {  	_ =	shalt  }
0x67: {  	_ =	shalt  }
0x68: {  	_ =	shalt  }
0x69: {  	_ =	shalt  }
0x6a: {  	_ =	shalt  }
0x6b: {  	_ =	shalt  }
0x6c: {  	_ =	shalt  }
0x6d: {  	_ =	shalt  }
0x6e: {  	_ =	shalt  }
0x6f: {  	_ =	shalt  }
0x70: {  	_ =	shalt  }
0x71: {  	_ =	shalt  }
0x72: {  	_ =	shalt  }
0x73: {  	_ =	shalt  }
0x74: {  	_ =	shalt  }
0x75: {  	_ =	shalt  }
0x76: {  	_ =	shalt  }
0x77: {  	_ =	shalt  }
0x78: {  	_ =	shalt  }
0x79: {  	_ =	shalt  }
0x7a: {  	_ =	shalt  }
0x7b: {  	_ =	shalt  }
0x7c: {  	_ =	shalt  }
0x7d: {  	_ =	shalt  }
0x7e: {  	_ =	shalt  }
0x7f: {  	_ =	shalt  }
0x80: {  	_ =	shalt  }
0x81: {  	_ =	shalt  }
0x82: {  	_ =	shalt  }
0x83: {  	_ =	shalt  }
0x84: {  	_ =	shalt  }
0x85: {  	_ =	shalt  }
0x86: {  	_ =	shalt  }
0x87: {  	_ =	shalt  }
.Lfunc_end0:
.L_simem_size_0:
called_computation.1_lowered:
.L_overlay_start_0:
0x88: {  	s2 =	sld [smem:$0x3FD9]  }
0x89: {  	s3 =	sld [smem:$0x3FFE];
	_ =	sdelay $0x1  }
0x8a: {  	s1 =	srdreg.scid  }
0x8b: {  	s0 =	sand.u32 $0x1, s1  }
0x8c: {  	s17 =	sshll.u32 s0, $0xA;
	s2 =	sadd.s32 s3, s2  }
0x8d: {  	s2 =	sadd.s32 s2, s17  }
0x8e: {  	[smem:$0x3FC0] =	sst s2  }
0x8f: {  	_ = 	snop  }
0x90: {  	s2 =	sld [smem:$0x3FD0];
	(tm) =	ssettm $0x1  }
0x91: {  	s18 =	sld [smem:$0x3FFB];
	_ =	sdelay $0x3  }
0x92: {  	_ =	strace s18  }
0x93: {  	s3 =	sld [smem:$0x3FFC];
	_ =	sdelay $0x3  }
0x94: {  	_ =	strace s3  }
0x95: {  	s3 =	sld [smem:$0x3FFD];
	_ =	sdelay $0x3  }
0x96: {  	_ =	strace s3  }
0x97: {  	_ =	strace $0x8FFFFFFF  }
0x98: {  	s19 =	sld [smem:$0x3FDB];
	_ =	sdelay $0x1  }
0x99: {  	s4 =	simm.s32 $_scs_section_size  }
0x9a: {  	s5 =	simm.s32 $_size__tile_overlayer_lowered;
	s6 =	simm.s32 $_tile_overlayer_lowered  }
0x9b: {  	s22 =	simm.s32 $0x1BFF;
	s21 =	sshll.u32 s6, $0x1;
	s3 =	sadd.s32 s4, s19  }
0x9c: {  	s7 =	simm.s32 $0x0;
	s20 =	sshll.u32 s5, $0x1;
	s5 =	sadd.s32 s21, s3  }
0x9d: {  	[timem:s7], [sflag:s22] =	dma.local [hbm:s5], s20  }
0x9e: {  	_ =	swait.ge [sflag:s22], s20  }
0x9f: {  	s4 =	ssub.s32 $0x0, s20;
	[sflag:s22] =	ssyncset.done $0x0  }
0xa0: {  	[sflag:s22] =	ssyncadd.s32 s4;
	_ =	sdelay $0x1  }
0xa1: {  	s23 =	simm.s32 $0x1B8B  }
0xa2: {  	_ =	swait.ge [sflag:s23], $0x1  }
0xa3: {  	[sflag:s23] =	ssyncset.done $0x0  }
0xa4: {  	s25 =	simm.s32 $0x1B8E;
	s24 =	sld [smem:$0x3FFE];
	[sflag:s23] =	ssyncadd.s32 $0xFFFFFFFF  }
0xa5: {  	s26 =	simm.s32 $execute0_lowered;
	[smem:$0x3FD2] =	sst s25  }
0xa6: {  	s5 =	sshll.u32 s26, $0x1;
	_ =	strace $0x80000049;
	[dreg:$0x1] =	wrdreg $0xFFFFFFFF  }
0xa7: {  	s28 =	simm.s32 $_size_execute0_lowered;
	s3 =	sadd.s32 s3, s5;
	[dreg:$0x0] =	wrdreg $0x0  }
0xa8: {  	s5 =	sshll.u32 s28, $0x1;
	[dreg:$0x2] =	wrdreg s3  }
0xa9: {  	[dreg:$0x3] =	wrdreg s5  }
0xaa: {  	[dreg:$0x4] =	wrdreg $0xC0  }
0xab: {  	_ =	task [dreg:s7], $0x5FFFF  }
0xac: {  	[dreg:$0x1] =	wrdreg $0xFFFFFFFF  }
0xad: {  	[dreg:$0x0] =	wrdreg $0x60  }
0xae: {  	[dreg:$0x2] =	wrdreg s2  }
0xaf: {  	[dreg:$0x3] =	wrdreg s24  }
0xb0: {  	[dreg:$0x4] =	wrdreg $0xA8000  }
0xb1: {  	[dreg:$0x5] =	wrdreg $0x9  }
0xb2: {  	_ =	task.clear_ibuf [dreg:s7], $0x6FFFF;
	_ =	strace $0x90000049  }
0xb3: {  	s29 =	simm.s32 $0x9;
	_ =	strace $0x8000004B  }
0xb4: {  	_ =	swait.ge [sflag:s29], $0x1  }
0xb5: {  	[sflag:s29] =	ssyncadd.s32 $0xFFFFFFFF  }
0xb6: {  	_ =	strace $0x9000004B  }
0xb7: {  	_ =	sfence  }
0xb8: {  	s30 =	sld [smem:$0x0];
	_ =	sdelay $0x2  }
0xb9: {  	s31 =	sshll.u32 s1, $0xD;
	s1 =	sshrl.u32 s1, $0x2  }
0xba: {  	s3 =	sand.u32 $0x4000, s31;
	s1 =	sadd.s32 s1, s30  }
0xbb: {  	s0 =	sor.u32 s3, s0;
	s1 =	sshll.u32 s1, $0x11  }
0xbc: {  	s0 =	sor.u32 s1, s0  }
0xbd: {  	s0 =	sadd.s32 $0x8F2B, s0  }
0xbe: {  	[sflag:s0] =	ssyncadd.remote.s32 $0x1  }
0xbf: {  	_ =	sfence.sel $0xFFFF  }
0xc0: {  	[dreg:$0x0] =	wrdreg $0xFFFFFFFF;
	(pc) =	sbr.abs _section_cstart, $3  }
0xc1: {  	[dreg:$0x1] =	wrdreg $0xFFFFFFFF  }
0xc2: {  	_ =	task.clear_ibuf [dreg:s7], $0x2FFFF;
	_ =	strace $0x9FFFFFFF  }
0xc3: {  	(tm) =	ssettm $0x7FFFFFFF  }
tec
execute0_lowered:
.L_overlay_start_1:
0x0: {  	(tag) =	ssettag $0x1  }
0x1: {  	s1 =	rddreg [dreg:$0x0]  }
0x2: {  	s6 =	rddreg [dreg:$0x1]  }
0x3: {  	s2 =	rddreg [dreg:$0x2]  }
0x4: {  	s3 =	simm.s32 $0x0;
	s7 =	srdreg.scid;
	s0 =	stileid.u32  }
0x5: {  	s18 =	simm.s32 $0x1400;
	s19 =	simm.s32 $0x80;
	s20 =	simm.s32 $0x2800  }
0x6: {  	s21 =	simm.s32 $0x6800;
	s22 =	simm.s32 $0x1;
	s23 =	simm.s32 $0x2  }
0x7: {  	s24 =	simm.s32 $0x1380;
	s28 =	simm.s32 $0x0;
	[smem:$0x7FF] =	sst s3  }
0x8: {  	s5 =	sadd.s32 $0x40800, s6;
	s8 =	sadd.s32 $0xF600, s6;
	s7 =	sand.u32 $0x1, s7  }
0x9: {  	s9 =	sshll.u32 s0, $0x1;
	s11 =	smul.u32 $0x4F000, s0;
	s12 =	sadd.s32 $0x5600, s6  }
0xa: {  	s14 =	sadd.s32 $0x43000, s6;
	s15 =	sadd.s32 $0x128400, s2;
	s17 =	smul.u32 $0x13C00, s0  }
0xb: {  	p0 =	seq.s32 s0, $0xF;
	_ =	strace $0x8000004A;
	s10 =	ssub.s32 $0x2, s7  }
0xc: {  	s9 =	sor.u32 s7, s9;
	s26 =	smul.u32 $0x138800, s7;
	s13 =	sshrl.u32 s10, $0x1  }
0xd: {  	s9 =	smul.u32 $0x2800, s9;
	s25 =	sshrl.u32 s11, $0x2;
	s13 =	ssub.s32 s10, s13  }
0xe: {  	s16 =	sadd.s32 s25, s2;
	s30 =	sadd.s32 s17, s26;
	s10 =	sshrl.u32 s26, $0x3  }
0xf: {  	s17 =	simm.s32 $0x4;
	s25 =	simm.s32 $0x2700;
	s26 =	simm.s32 $0x2780  }
0x10: {  	s9 =	sshrl.u32 s9, $0x3;
	s11 =	sshrl.u32 s30, $0x3;
	s31 =	sadd.s32 s14, s10  }
0x11: {  	s13 =	smax.u32 s13, $0x1;
	s16 =	sshrl.u32 @!p0 s16, $0x3;
	s29 =	sadd.s32 $0x280, s9  }
0x12: {  	s6 =	sadd.s32 s8, s9;
	s7 =	sadd.s32 s12, s9;
	s10 =	sadd.s32 s14, s11  }
0x13: {  	s11 =	sadd.s32 $0x25080, s31;
	s9 =	sadd.s32 s12, s29;
	s12 =	sshll.u32 @!p0 s0, $0x6  }
0x14: {  	s14 =	sshrl.u32 @p0 s15, $0x3;
	s8 =	sadd.s32 s8, s29;
	s15 =	sor.u32 @!p0 $0x1C03, s12  }
.LBB2_1:
0x15: {  	s29 =	simm.s32 @p0 $0x1FC3  }
0x16: {  	[spmem:s14], [sflag:s29] =	dma.local @p0 [hbm:s5], $0x2080  }
0x17: {  	[spmem:s16], [sflag:s15] =	dma.local @!p0 [hbm:s5], $0x2780  }
0x18: {  	[tilespmem:s3], [sflag:$0x4] =	stream.linear.gather [hbm4b:s6+s3], $0x1400, $0x38;
	[tilespmem:$0x1E0C0] =	vst v63  }
0x19: {  	_ =	swait.ge [sflag:s17], $0x1400  }
0x1a: {  	[sflag:s17] =	ssyncset.done $0x0  }
0x1b: {  	[sflag:s17] =	ssyncadd.s32 $0xFFFFEC00  }
0x1c: {  	[tilespmem:s18], [sflag:$0x4] =	stream.linear.gather [hbm4b:s7+s3], $0x1400, $0x38;
	[tilespmem:$0x1E0C0] =	vst v63  }
0x1d: {  	_ =	swait.ge [sflag:s17], $0x1400  }
0x1e: {  	[sflag:s17] =	ssyncset.done $0x0  }
0x1f: {  	s29 =	simm.s32 @p0 $0x3;
	[sflag:s17] =	ssyncadd.s32 $0xFFFFEC00  }
0x20: {  	[tilespmem:s20], [sflag:$0x1] =	stream.indirect.gather [hbm4b:s1+s19], $0x80, s3, s19, $0xb8;
	[tilespmem:$0x1E0C0] =	vst v63  }
0x21: {  	_ =	swait.ge @p0 [sflag:s29], $0x2080  }
0x22: {  	[sflag:s29] =	ssyncset.done @p0 $0x0  }
0x23: {  	[sflag:s29] =	ssyncadd.s32 @p0 $0xFFFFDF80;
	s29 =	simm.s32 @!p0 $0x3  }
0x24: {  	_ =	swait.ge @!p0 [sflag:s29], $0x2780  }
0x25: {  	[sflag:s29] =	ssyncset.done @!p0 $0x0  }
0x26: {  	[sflag:s29] =	ssyncadd.s32 @!p0 $0xFFFFD880  }
0x27: {  	s29 =	simm.s32 $0x80;
	[bflag:$0x0] =	sbarrier.arrive $0xFFFF  }
0x28: {  	[tilespmem:s21], [sflag:$0x2] =	stream.indirect.gather [hbm4b:s1+s19], $0x80, s29, s19, $0xb8;
	[tilespmem:$0x1E0C0] =	vst v63  }
0x29: {  	_ =	swait.ge [sflag:s22], $0x4000  }
0x2a: {  	[sflag:s22] =	ssyncset.done $0x0  }
0x2b: {  	s29 =	simm.s32 $0x1400;
	[sflag:s22] =	ssyncadd.s32 $0xFFFFC000  }
0x2c: {  	[spmem:s2] =	stream.indirect.scatter.add.f32 [tilespmem:s20], [sflag:$0x4], $0x80, s29, s19, $0xb8;
	[tilespmem:$0x1E0C0] =	vst v63  }
0x2d: {  	_ =	swait.ge [sflag:s17], $0x4000  }
0x2e: {  	[sflag:s17] =	ssyncset.done $0x0  }
0x2f: {  	s29 =	simm.s32 $0x100;
	[sflag:s17] =	ssyncadd.s32 $0xFFFFC000  }
0x30: {  	[tilespmem:s20], [sflag:$0x1] =	stream.indirect.gather [hbm4b:s1+s19], $0x80, s29, s19, $0xb8;
	[tilespmem:$0x1E0C0] =	vst v63  }
0x31: {  	_ =	swait.ge [sflag:s23], $0x4000  }
0x32: {  	[sflag:s23] =	ssyncset.done $0x0  }
0x33: {  	s29 =	simm.s32 $0x1480;
	[sflag:s23] =	ssyncadd.s32 $0xFFFFC000  }
0x34: {  	[spmem:s2] =	stream.indirect.scatter.add.f32 [tilespmem:s21], [sflag:$0x4], $0x80, s29, s19, $0xb8;
	[tilespmem:$0x1E0C0] =	vst v63  }
0x35: {  	_ =	swait.ge [sflag:s17], $0x4000  }
0x36: {  	s30 =	simm.s32 $0x800;
	s29 =	simm.s32 $0x100;
	[sflag:s17] =	ssyncset.done $0x0  }
.LBB2_2:
0x37: {  	s31 =	sadd.s32 $0x80, s29  }
0x38: {  	[sflag:s17] =	ssyncadd.s32 $0xFFFFC000;
	s0 =	smov.u32 s30;
	s4 =	sadd.s32 $0x400, s30  }
0x39: {  	[tilespmem:s21], [sflag:$0x2] =	stream.indirect.gather [hbm4b:s1+s19], $0x80, s31, s19, $0xb8;
	[tilespmem:$0x1E0C0] =	vst v63  }
0x3a: {  	p1 =	sne.s32 s30, $0x4800;
	_ =	swait.ge [sflag:s22], $0x4000  }
0x3b: {  	[sflag:s22] =	ssyncset.done $0x0  }
0x3c: {  	s30 =	sadd.s32 $0x1400, s29;
	[sflag:s22] =	ssyncadd.s32 $0xFFFFC000  }
0x3d: {  	[spmem:s2] =	stream.indirect.scatter.add.f32 [tilespmem:s20], [sflag:$0x4], $0x80, s30, s19, $0xb8;
	[tilespmem:$0x1E0C0] =	vst v63  }
0x3e: {  	_ =	swait.ge [sflag:s17], $0x4000  }
0x3f: {  	[sflag:s17] =	ssyncset.done $0x0  }
0x40: {  	s30 =	sadd.s32 $0x100, s29;
	[sflag:s17] =	ssyncadd.s32 $0xFFFFC000  }
0x41: {  	[tilespmem:s20], [sflag:$0x1] =	stream.indirect.gather [hbm4b:s1+s19], $0x80, s30, s19, $0xb8;
	[tilespmem:$0x1E0C0] =	vst v63  }
0x42: {  	_ =	swait.ge [sflag:s23], $0x4000  }
.Ltmp0:
0x43: {  	[sflag:s23] =	ssyncset.done $0x0;
	(pc) =	sbr.rel @p1 .LBB2_2-.Ltmp0, $4  }
0x44: {  	s29 =	sadd.s32 $0x1480, s29;
	[sflag:s23] =	ssyncadd.s32 $0xFFFFC000  }
0x45: {  	[spmem:s2] =	stream.indirect.scatter.add.f32 [tilespmem:s21], [sflag:$0x4], $0x80, s29, s19, $0xb8;
	[tilespmem:$0x1E0C0] =	vst v63  }
0x46: {  	_ =	swait.ge [sflag:s17], $0x4000  }
0x47: {  	s30 =	smov.u32 s4;
	s29 =	sshra.s32 s0, $0x2;
	[sflag:s17] =	ssyncset.done $0x0  }
0x48: {  	s0 =	sadd.s32 $0x80, s29;
	[sflag:s17] =	ssyncadd.s32 $0xFFFFC000  }
0x49: {  	[tilespmem:s21], [sflag:$0x2] =	stream.indirect.gather [hbm4b:s1+s19], $0x80, s0, s19, $0xb8;
	[tilespmem:$0x1E0C0] =	vst v63  }
0x4a: {  	_ =	swait.ge [sflag:s22], $0x4000  }
0x4b: {  	[sflag:s22] =	ssyncset.done $0x0  }
0x4c: {  	s4 =	sadd.s32 $0x1400, s29;
	[sflag:s22] =	ssyncadd.s32 $0xFFFFC000  }
0x4d: {  	[spmem:s2] =	stream.indirect.scatter.add.f32 [tilespmem:s20], [sflag:$0x4], $0x80, s4, s19, $0xb8;
	[tilespmem:$0x1E0C0] =	vst v63  }
0x4e: {  	_ =	swait.ge [sflag:s17], $0x4000  }
0x4f: {  	[sflag:s17] =	ssyncset.done $0x0  }
0x50: {  	s31 =	sadd.s32 $0x100, s29;
	[sflag:s17] =	ssyncadd.s32 $0xFFFFC000  }
0x51: {  	[tilespmem:s20], [sflag:$0x1] =	stream.indirect.gather [hbm4b:s1+s19], $0x80, s31, s19, $0xb8;
	[tilespmem:$0x1E0C0] =	vst v63  }
0x52: {  	_ =	swait.ge [sflag:s23], $0x4000  }
0x53: {  	[sflag:s23] =	ssyncset.done $0x0  }
0x54: {  	s4 =	sadd.s32 $0x1480, s29;
	[sflag:s23] =	ssyncadd.s32 $0xFFFFC000  }
0x55: {  	[spmem:s2] =	stream.indirect.scatter.add.f32 [tilespmem:s21], [sflag:$0x4], $0x80, s4, s19, $0xb8;
	[tilespmem:$0x1E0C0] =	vst v63  }
0x56: {  	_ =	swait.ge [sflag:s17], $0x4000  }
0x57: {  	[sflag:s17] =	ssyncset.done $0x0  }
0x58: {  	[sflag:s17] =	ssyncadd.s32 $0xFFFFC000  }
0x59: {  	[tilespmem:s21], [sflag:$0x2] =	stream.indirect.gather [hbm4b:s1+s19], $0x80, s24, s19, $0xb8;
	[tilespmem:$0x1E0C0] =	vst v63  }
0x5a: {  	_ =	swait.ge [sflag:s22], $0x4000  }
0x5b: {  	[sflag:s22] =	ssyncset.done $0x0  }
0x5c: {  	[sflag:s22] =	ssyncadd.s32 $0xFFFFC000  }
0x5d: {  	[spmem:s2] =	stream.indirect.scatter.add.f32 [tilespmem:s20], [sflag:$0x4], $0x80, s25, s19, $0xb8;
	[tilespmem:$0x1E0C0] =	vst v63  }
0x5e: {  	_ =	swait.ge [sflag:s17], $0x4000  }
0x5f: {  	[sflag:s17] =	ssyncset.done $0x0  }
0x60: {  	[sflag:s17] =	ssyncadd.s32 $0xFFFFC000  }
0x61: {  	_ =	swait.ge [sflag:s23], $0x4000  }
0x62: {  	[sflag:s23] =	ssyncset.done $0x0  }
0x63: {  	[sflag:s23] =	ssyncadd.s32 $0xFFFFC000  }
0x64: {  	[spmem:s2] =	stream.indirect.scatter.add.f32 [tilespmem:s21], [sflag:$0x4], $0x80, s26, s19, $0xb8;
	[tilespmem:$0x1E0C0] =	vst v63  }
0x65: {  	_ =	swait.ge [sflag:s17], $0x4000  }
0x66: {  	[sflag:s17] =	ssyncset.done $0x0  }
0x67: {  	s31 =	simm.s32 $0x0;
	[sflag:s17] =	ssyncadd.s32 $0xFFFFC000  }
0x68: {  	[tilespmem:s31], [sflag:$0x4] =	stream.linear.gather [hbm4b:s8+s31], $0x1400, $0x38;
	[tilespmem:$0x1E0C0] =	vst v63  }
0x69: {  	_ =	swait.ge [sflag:s17], $0x1400  }
0x6a: {  	[sflag:s17] =	ssyncset.done $0x0  }
0x6b: {  	[sflag:s17] =	ssyncadd.s32 $0xFFFFEC00  }
0x6c: {  	[tilespmem:s18], [sflag:$0x4] =	stream.linear.gather [hbm4b:s9+s31], $0x1400, $0x38;
	[tilespmem:$0x1E0C0] =	vst v63  }
0x6d: {  	_ =	swait.ge [sflag:s17], $0x1400  }
0x6e: {  	[sflag:s17] =	ssyncset.done $0x0  }
0x6f: {  	[sflag:s17] =	ssyncadd.s32 $0xFFFFEC00  }
0x70: {  	[tilespmem:s20], [sflag:$0x1] =	stream.indirect.gather [hbm4b:s1+s19], $0x80, s31, s19, $0xb8;
	[tilespmem:$0x1E0C0] =	vst v63  }
0x71: {  	s4 =	simm.s32 $0x80  }
0x72: {  	[tilespmem:s21], [sflag:$0x2] =	stream.indirect.gather [hbm4b:s1+s19], $0x80, s4, s19, $0xb8;
	[tilespmem:$0x1E0C0] =	vst v63  }
0x73: {  	_ =	swait.ge [sflag:s22], $0x4000  }
0x74: {  	[sflag:s22] =	ssyncset.done $0x0  }
0x75: {  	s31 =	simm.s32 $0x1400;
	[sflag:s22] =	ssyncadd.s32 $0xFFFFC000  }
0x76: {  	[spmem:s2] =	stream.indirect.scatter.add.f32 [tilespmem:s20], [sflag:$0x4], $0x80, s31, s19, $0xb8;
	[tilespmem:$0x1E0C0] =	vst v63  }
0x77: {  	_ =	swait.ge [sflag:s17], $0x4000  }
0x78: {  	[sflag:s17] =	ssyncset.done $0x0  }
0x79: {  	s4 =	simm.s32 $0x100;
	[sflag:s17] =	ssyncadd.s32 $0xFFFFC000  }
0x7a: {  	[tilespmem:s20], [sflag:$0x1] =	stream.indirect.gather [hbm4b:s1+s19], $0x80, s4, s19, $0xb8;
	[tilespmem:$0x1E0C0] =	vst v63  }
0x7b: {  	_ =	swait.ge [sflag:s23], $0x4000  }
0x7c: {  	[sflag:s23] =	ssyncset.done $0x0  }
0x7d: {  	s31 =	simm.s32 $0x1480;
	[sflag:s23] =	ssyncadd.s32 $0xFFFFC000  }
0x7e: {  	[spmem:s2] =	stream.indirect.scatter.add.f32 [tilespmem:s21], [sflag:$0x4], $0x80, s31, s19, $0xb8;
	[tilespmem:$0x1E0C0] =	vst v63  }
0x7f: {  	_ =	swait.ge [sflag:s17], $0x4000  }
0x80: {  	s30 =	simm.s32 $0x800;
	s29 =	simm.s32 $0x100;
	[sflag:s17] =	ssyncset.done $0x0  }
.LBB2_4:
0x81: {  	s0 =	sadd.s32 $0x80, s29  }
0x82: {  	[sflag:s17] =	ssyncadd.s32 $0xFFFFC000;
	s4 =	smov.u32 s30;
	s31 =	sadd.s32 $0x400, s30  }
0x83: {  	[tilespmem:s21], [sflag:$0x2] =	stream.indirect.gather [hbm4b:s1+s19], $0x80, s0, s19, $0xb8;
	[tilespmem:$0x1E0C0] =	vst v63  }
0x84: {  	p1 =	sne.s32 s30, $0x4800;
	_ =	swait.ge [sflag:s22], $0x4000  }
0x85: {  	[sflag:s22] =	ssyncset.done $0x0  }
0x86: {  	s0 =	sadd.s32 $0x1400, s29;
	[sflag:s22] =	ssyncadd.s32 $0xFFFFC000  }
0x87: {  	[spmem:s2] =	stream.indirect.scatter.add.f32 [tilespmem:s20], [sflag:$0x4], $0x80, s0, s19, $0xb8;
	[tilespmem:$0x1E0C0] =	vst v63  }
0x88: {  	_ =	swait.ge [sflag:s17], $0x4000  }
0x89: {  	[sflag:s17] =	ssyncset.done $0x0  }
0x8a: {  	s0 =	sadd.s32 $0x100, s29;
	[sflag:s17] =	ssyncadd.s32 $0xFFFFC000  }
0x8b: {  	[tilespmem:s20], [sflag:$0x1] =	stream.indirect.gather [hbm4b:s1+s19], $0x80, s0, s19, $0xb8;
	[tilespmem:$0x1E0C0] =	vst v63  }
0x8c: {  	_ =	swait.ge [sflag:s23], $0x4000  }
.Ltmp1:
0x8d: {  	[sflag:s23] =	ssyncset.done $0x0;
	(pc) =	sbr.rel @p1 .LBB2_4-.Ltmp1, $4  }
0x8e: {  	s0 =	sadd.s32 $0x1480, s29;
	[sflag:s23] =	ssyncadd.s32 $0xFFFFC000  }
0x8f: {  	[spmem:s2] =	stream.indirect.scatter.add.f32 [tilespmem:s21], [sflag:$0x4], $0x80, s0, s19, $0xb8;
	[tilespmem:$0x1E0C0] =	vst v63  }
0x90: {  	_ =	swait.ge [sflag:s17], $0x4000  }
0x91: {  	s30 =	smov.u32 s31;
	s29 =	sshra.s32 s4, $0x2;
	[sflag:s17] =	ssyncset.done $0x0  }
0x92: {  	s0 =	sadd.s32 $0x80, s29;
	[sflag:s17] =	ssyncadd.s32 $0xFFFFC000  }
0x93: {  	[tilespmem:s21], [sflag:$0x2] =	stream.indirect.gather [hbm4b:s1+s19], $0x80, s0, s19, $0xb8;
	[tilespmem:$0x1E0C0] =	vst v63  }
0x94: {  	_ =	swait.ge [sflag:s22], $0x4000  }
0x95: {  	[sflag:s22] =	ssyncset.done $0x0  }
0x96: {  	s4 =	sadd.s32 $0x1400, s29;
	[sflag:s22] =	ssyncadd.s32 $0xFFFFC000  }
0x97: {  	[spmem:s2] =	stream.indirect.scatter.add.f32 [tilespmem:s20], [sflag:$0x4], $0x80, s4, s19, $0xb8;
	[tilespmem:$0x1E0C0] =	vst v63  }
0x98: {  	_ =	swait.ge [sflag:s17], $0x4000  }
0x99: {  	[sflag:s17] =	ssyncset.done $0x0  }
0x9a: {  	s30 =	sadd.s32 $0x100, s29;
	[sflag:s17] =	ssyncadd.s32 $0xFFFFC000  }
0x9b: {  	[tilespmem:s20], [sflag:$0x1] =	stream.indirect.gather [hbm4b:s1+s19], $0x80, s30, s19, $0xb8;
	[tilespmem:$0x1E0C0] =	vst v63  }
0x9c: {  	_ =	swait.ge [sflag:s23], $0x4000  }
0x9d: {  	[sflag:s23] =	ssyncset.done $0x0  }
0x9e: {  	s31 =	sadd.s32 $0x1480, s29;
	[sflag:s23] =	ssyncadd.s32 $0xFFFFC000  }
0x9f: {  	[spmem:s2] =	stream.indirect.scatter.add.f32 [tilespmem:s21], [sflag:$0x4], $0x80, s31, s19, $0xb8;
	[tilespmem:$0x1E0C0] =	vst v63  }
0xa0: {  	_ =	swait.ge [sflag:s17], $0x4000  }
0xa1: {  	[sflag:s17] =	ssyncset.done $0x0  }
0xa2: {  	[sflag:s17] =	ssyncadd.s32 $0xFFFFC000  }
0xa3: {  	[tilespmem:s21], [sflag:$0x2] =	stream.indirect.gather [hbm4b:s1+s19], $0x80, s24, s19, $0xb8;
	[tilespmem:$0x1E0C0] =	vst v63  }
0xa4: {  	_ =	swait.ge [sflag:s22], $0x4000  }
0xa5: {  	[sflag:s22] =	ssyncset.done $0x0  }
0xa6: {  	[sflag:s22] =	ssyncadd.s32 $0xFFFFC000  }
0xa7: {  	[spmem:s2] =	stream.indirect.scatter.add.f32 [tilespmem:s20], [sflag:$0x4], $0x80, s25, s19, $0xb8;
	[tilespmem:$0x1E0C0] =	vst v63  }
0xa8: {  	_ =	swait.ge [sflag:s17], $0x4000  }
0xa9: {  	[sflag:s17] =	ssyncset.done $0x0  }
0xaa: {  	[sflag:s17] =	ssyncadd.s32 $0xFFFFC000  }
0xab: {  	_ =	swait.ge [sflag:s23], $0x4000  }
0xac: {  	[sflag:s23] =	ssyncset.done $0x0  }
0xad: {  	[sflag:s23] =	ssyncadd.s32 $0xFFFFC000  }
0xae: {  	[spmem:s2] =	stream.indirect.scatter.add.f32 [tilespmem:s21], [sflag:$0x4], $0x80, s26, s19, $0xb8;
	[tilespmem:$0x1E0C0] =	vst v63  }
0xaf: {  	_ =	swait.ge [sflag:s17], $0x4000  }
0xb0: {  	[sflag:s17] =	ssyncset.done $0x0  }
0xb1: {  	[sflag:s17] =	ssyncadd.s32 $0xFFFFC000  }
0xb2: {  	s0 =	simm.s32 @p0 $0x1FC4;
	[bflag:$0x0] =	sbarrier.arrive $0xFFFF  }
0xb3: {  	[hbm:s11], [sflag:s0] =	dma.local @p0 [spmem:s14], $0x2080  }
0xb4: {  	s0 =	simm.s32 @p0 $0x4  }
0xb5: {  	_ =	swait.ge @p0 [sflag:s0], $0x2080  }
0xb6: {  	s28 =	sadd.s32 $0x1, s28;
	[sflag:s0] =	ssyncset.done @p0 $0x0  }
0xb7: {  	p1 =	sne.s32 s28, s13;
	[sflag:s0] =	ssyncadd.s32 @p0 $0xFFFFDF80;
	s0 =	sor.u32 @!p0 $0x1C04, s12  }
0xb8: {  	[hbm:s10], [sflag:s0] =	dma.local @!p0 [spmem:s16], $0x2780  }
.Ltmp2:
0xb9: {  	_ = 	snop;
	(pc) =	sbr.rel @p1 .LBB2_1-.Ltmp2, $4  }
0xba: {  	s0 =	simm.s32 @!p0 $0x4  }
0xbb: {  	_ =	swait.ge @!p0 [sflag:s0], $0x2780  }
0xbc: {  	[sflag:s0] =	ssyncset.done @!p0 $0x0  }
0xbd: {  	[sflag:s0] =	ssyncadd.s32 @!p0 $0xFFFFD880  }
0xbe: {  	_ =	sfence.sel $0x180000  }
0xbf: {  	[bflag:$0x0] =	sbarrier.arrive $0xFFFF  }
0xc0: {  	_ =	strace $0x9000004A  }
0xc1: {  	s0 =	stileid.u32;
	[bflag:$0x2] =	sbarrier.arrive $0xFFFF  }
0xc2: {  	p0 =	sne.s32 s0, $0x0;
	s0 =	rddreg [dreg:$0x3]  }
0xc3: {  	s0 =	sadd.s32 @!p0 $0x100000, s0  }
0xc4: {  	[sflag:s0] =	ssyncadd.tile.s32 @!p0 $0x1;
	_ =	shalt  }
.Lfunc_end2:
_tile_overlayer_lowered:
.L_overlay_start_2:
0xc5: {  	(tag) =	ssettag $0x2  }
0xc6: {  	s0 =	rddreg [dreg:$0x0];
	s2 =	stileid.u32  }
0xc7: {  	s1 =	rddreg [dreg:$0x1];
	p0 =	sne.s32 s2, $0x0  }
0xc8: {  	s3 =	rddreg [dreg:$0x2];
	[bflag:$0x3] =	sbarrier.arrive $0xFFFF;
	s2 =	simm.s32 @!p0 $0x1C04  }
0xc9: {  	[timem:s3], [sflag:s2] =	dma.local @!p0 [hbm:s0], s1  }
0xca: {  	s0 =	simm.s32 @!p0 $0x4  }
0xcb: {  	_ =	swait.ge @!p0 [sflag:s0], s1  }
0xcc: {  	s1 =	ssub.s32 @!p0 $0x0, s1;
	[sflag:s0] =	ssyncset.done @!p0 $0x0  }
0xcd: {  	[sflag:s0] =	ssyncadd.s32 @!p0 s1  }
0xce: {  	[bflag:$0x3] =	sbarrier.arrive $0xFFFF  }
0xcf: {  	_ =	shalt  }

// kernel: kernel.19.cloned.1.call-start
scs
__scs_entry_jumppad:
0x0: {  	(pc) =	sbr.rel $0x88, $3  }
0x1: {  	(tag) =	ssettag $0x0;
	lr =	simm.s32 $0x1  }
0x2: {  	[smem:$0x3F99] =	sst lr;
	_ =	strace $0xD0000000  }
0x3: {  	_ = 	snop  }
0x4: {  	_ = 	snop  }
0x5: {  	_ = 	snop  }
0x6: {  	_ = 	snop  }
0x7: {  	_ = 	snop  }
__scs_overlays_trampoline_lowered:
0x8: {  	[smem:$0x3FA8] =	sst s0  }
0x9: {  	[smem:$0x3FA9] =	sst s1  }
0xa: {  	[smem:$0x3FAA] =	sst s2  }
0xb: {  	[smem:$0x3FAB] =	sst s3  }
0xc: {  	[smem:$0x3FAC] =	sst s4  }
0xd: {  	[smem:$0x3FAD] =	sst s5  }
0xe: {  	[smem:$0x3FAE] =	sst s6  }
0xf: {  	[smem:$0x3FAF] =	sst s7  }
0x10: {  	[smem:$0x3FB0] =	sst s8  }
0x11: {  	[smem:$0x3FB1] =	sst s9;
	s0 =	simm.s32 @!p0 $0x0  }
0x12: {  	s1 =	sld [smem:$0x3F97];
	s0 =	simm.s32 @p0 $0x1  }
0x13: {  	[smem:$0x3FB2] =	sst s0;
	s0 =	simm.s32 @!p1 $0x0  }
0x14: {  	s2 =	sld [smem:$0x3F96];
	s0 =	simm.s32 @p1 $0x1  }
0x15: {  	[smem:$0x3FB3] =	sst s0;
	s0 =	simm.s32 @!p2 $0x0  }
0x16: {  	s3 =	sld [smem:$0x3FDB];
	s0 =	simm.s32 @p2 $0x1  }
0x17: {  	s4 =	simm.s32 $0x1BF5;
	[smem:$0x3FB5] =	sst s0  }
0x18: {  	s0 =	sld [smem:$0x3F98];
	_ =	swait.ge [sflag:s4], $0x0  }
0x19: {  	s7 =	sld [smem:$0x3F99]  }
0x1a: {  	s8 =	sadd.s32 $0xFFFFE003, lr  }
0x1b: {  	s9 =	sadd.s32 $0xFFFFFEF7, lr;
	s5 =	simm.s32 $0xFFFFFFFF;
	p2 =	slt.u32 s8, $0xFFFFF086  }
0x1c: {  	p1 =	slt.u32 s9, $0xF7A;
	s5 =	simm.s32 @!p2 $0x0  }
0x1d: {  	s5 =	simm.s32 @p1 $0x1;
	p0 =	seq.s32 s7, s2  }
0x1e: {  	s7 =	smul.u32 @!p0 $0xF7A, s2;
	p2 =	seq.s32 @!p0 s5, $0x0  }
0x1f: {  	s9 =	smul.u32 $0xF7A, s1;
	s8 =	simm.s32 @!p0 $0x1BF5;
	p2 =	por !p2, p0  }
0x20: {  	[sflag:s8] =	ssyncset.s32 @!p0 $0xFFFFF086;
	s6 =	sadd.s32 @!p0 s3, s7;
	s7 =	simm.s32 @!p0 $0x108  }
0x21: {  	s3 =	sadd.s32 s3, s9;
	s6 =	sadd.s32 @!p0 $0x88, s6;
	s7 =	simm.s32 @p2 $0x1082  }
0x22: {  	[simem:s7], [sflag:s8] =	dma.local @!p0 [hbm:s6], $0xF7A  }
0x23: {  	s9 =	sor.u32 $0xD0000000, s2;
	s6 =	simm.s32 $0x108;
	_ =	swait.ge @!p0 [sflag:s8], $0x0  }
0x24: {  	s3 =	sadd.s32 $0x88, s3;
	s6 =	simm.s32 @!p1 $0x1082;
	[sflag:s4] =	ssyncset.s32 $0xFFFFF086  }
0x25: {  	[simem:s6], [sflag:s4] =	dma.local [hbm:s3], $0xF7A  }
0x26: {  	[smem:$0x3F99] =	sst s1;
	(tag) =	ssettag s2;
	_ =	strace s9  }
0x27: {  	s1 =	sld [smem:$0x3FA9]  }
0x28: {  	s2 =	sld [smem:$0x3FAA]  }
0x29: {  	s4 =	sld [smem:$0x3FAC]  }
0x2a: {  	p0 =	seq.s32 s5, $0x0;
	s5 =	sld [smem:$0x3FAD]  }
0x2b: {  	s6 =	sld [smem:$0x3FAE]  }
0x2c: {  	s7 =	sld [smem:$0x3FAF]  }
0x2d: {  	s3 =	simm.s32 $0x108;
	s8 =	sld [smem:$0x3FB0]  }
0x2e: {  	s3 =	simm.s32 @!p0 $0x1082;
	s9 =	sld [smem:$0x3FB1]  }
0x2f: {  	lr =	sadd.s32 s0, s3;
	s0 =	sld [smem:$0x3FA8]  }
0x30: {  	s3 =	sld [smem:$0x3FAB]  }
0x31: {  	[smem:$0x3FB4] =	sst s10  }
0x32: {  	s10 =	sld [smem:$0x3FB2];
	_ =	sdelay $0x3  }
0x33: {  	p0 =	seq.s32 s10, $0x1;
	s10 =	sld [smem:$0x3FB4];
	_ =	sdelay $0x3  }
0x34: {  	[smem:$0x3FB4] =	sst s10  }
0x35: {  	s10 =	sld [smem:$0x3FB3];
	_ =	sdelay $0x3  }
0x36: {  	p1 =	seq.s32 s10, $0x1;
	s10 =	sld [smem:$0x3FB4];
	_ =	sdelay $0x3  }
0x37: {  	[smem:$0x3FB4] =	sst s10  }
0x38: {  	s10 =	sld [smem:$0x3FB5]  }
0x39: {  	_ = 	snop;
	(pc) =	sbr.ind lr, $3  }
0x3a: {  	_ = 	snop  }
0x3b: {  	_ = 	snop  }
0x3c: {  	p2 =	seq.s32 s10, $0x1;
	s10 =	sld [smem:$0x3FB4]  }
0x3d: {  	_ =	shalt  }
0x3e: {  	_ =	shalt  }
0x3f: {  	_ =	shalt  }
0x40: {  	_ =	shalt  }
0x41: {  	_ =	shalt  }
0x42: {  	_ =	shalt  }
0x43: {  	_ =	shalt  }
0x44: {  	_ =	shalt  }
0x45: {  	_ =	shalt  }
0x46: {  	_ =	shalt  }
0x47: {  	_ =	shalt  }
0x48: {  	_ =	shalt  }
0x49: {  	_ =	shalt  }
0x4a: {  	_ =	shalt  }
0x4b: {  	_ =	shalt  }
0x4c: {  	_ =	shalt  }
0x4d: {  	_ =	shalt  }
0x4e: {  	_ =	shalt  }
0x4f: {  	_ =	shalt  }
0x50: {  	_ =	shalt  }
0x51: {  	_ =	shalt  }
0x52: {  	_ =	shalt  }
0x53: {  	_ =	shalt  }
0x54: {  	_ =	shalt  }
0x55: {  	_ =	shalt  }
0x56: {  	_ =	shalt  }
0x57: {  	_ =	shalt  }
0x58: {  	_ =	shalt  }
0x59: {  	_ =	shalt  }
0x5a: {  	_ =	shalt  }
0x5b: {  	_ =	shalt  }
0x5c: {  	_ =	shalt  }
0x5d: {  	_ =	shalt  }
0x5e: {  	_ =	shalt  }
0x5f: {  	_ =	shalt  }
0x60: {  	_ =	shalt  }
0x61: {  	_ =	shalt  }
0x62: {  	_ =	shalt  }
0x63: {  	_ =	shalt  }
0x64: {  	_ =	shalt  }
0x65: {  	_ =	shalt  }
0x66: {  	_ =	shalt  }
0x67: {  	_ =	shalt  }
0x68: {  	_ =	shalt  }
0x69: {  	_ =	shalt  }
0x6a: {  	_ =	shalt  }
0x6b: {  	_ =	shalt  }
0x6c: {  	_ =	shalt  }
0x6d: {  	_ =	shalt  }
0x6e: {  	_ =	shalt  }
0x6f: {  	_ =	shalt  }
0x70: {  	_ =	shalt  }
0x71: {  	_ =	shalt  }
0x72: {  	_ =	shalt  }
0x73: {  	_ =	shalt  }
0x74: {  	_ =	shalt  }
0x75: {  	_ =	shalt  }
0x76: {  	_ =	shalt  }
0x77: {  	_ =	shalt  }
0x78: {  	_ =	shalt  }
0x79: {  	_ =	shalt  }
0x7a: {  	_ =	shalt  }
0x7b: {  	_ =	shalt  }
0x7c: {  	_ =	shalt  }
0x7d: {  	_ =	shalt  }
0x7e: {  	_ =	shalt  }
0x7f: {  	_ =	shalt  }
0x80: {  	_ =	shalt  }
0x81: {  	_ =	shalt  }
0x82: {  	_ =	shalt  }
0x83: {  	_ =	shalt  }
0x84: {  	_ =	shalt  }
0x85: {  	_ =	shalt  }
0x86: {  	_ =	shalt  }
0x87: {  	_ =	shalt  }
.Lfunc_end0:
.L_simem_size_0:
called_computation.2_lowered:
.L_overlay_start_0:
0x88: {  	s2 =	sld [smem:$0x3FD9]  }
0x89: {  	s3 =	sld [smem:$0x3FFE];
	_ =	sdelay $0x1  }
0x8a: {  	s1 =	srdreg.scid  }
0x8b: {  	s0 =	sand.u32 $0x1, s1  }
0x8c: {  	s17 =	sshll.u32 s0, $0xA;
	s2 =	sadd.s32 s3, s2  }
0x8d: {  	s2 =	sadd.s32 s2, s17  }
0x8e: {  	[smem:$0x3FC0] =	sst s2  }
0x8f: {  	_ = 	snop  }
0x90: {  	s2 =	sld [smem:$0x3FD0];
	(tm) =	ssettm $0x1  }
0x91: {  	s18 =	sld [smem:$0x3FFB];
	_ =	sdelay $0x3  }
0x92: {  	_ =	strace s18  }
0x93: {  	s3 =	sld [smem:$0x3FFC];
	_ =	sdelay $0x3  }
0x94: {  	_ =	strace s3  }
0x95: {  	s3 =	sld [smem:$0x3FFD];
	_ =	sdelay $0x3  }
0x96: {  	_ =	strace s3  }
0x97: {  	_ =	strace $0x8FFFFFFF  }
0x98: {  	s19 =	sld [smem:$0x3FDB];
	_ =	sdelay $0x1  }
0x99: {  	s4 =	simm.s32 $_scs_section_size  }
0x9a: {  	s5 =	simm.s32 $_size__tile_overlayer_lowered;
	s6 =	simm.s32 $_tile_overlayer_lowered  }
0x9b: {  	s22 =	simm.s32 $0x1BFF;
	s21 =	sshll.u32 s6, $0x1;
	s3 =	sadd.s32 s4, s19  }
0x9c: {  	s7 =	simm.s32 $0x0;
	s20 =	sshll.u32 s5, $0x1;
	s5 =	sadd.s32 s21, s3  }
0x9d: {  	[timem:s7], [sflag:s22] =	dma.local [hbm:s5], s20  }
0x9e: {  	_ =	swait.ge [sflag:s22], s20  }
0x9f: {  	s4 =	ssub.s32 $0x0, s20;
	[sflag:s22] =	ssyncset.done $0x0  }
0xa0: {  	[sflag:s22] =	ssyncadd.s32 s4;
	_ =	sdelay $0x1  }
0xa1: {  	s23 =	simm.s32 $0x1B8B  }
0xa2: {  	_ =	swait.ge [sflag:s23], $0x1  }
0xa3: {  	[sflag:s23] =	ssyncset.done $0x0  }
0xa4: {  	s25 =	simm.s32 $0x1B8E;
	s24 =	sld [smem:$0x3FFE];
	[sflag:s23] =	ssyncadd.s32 $0xFFFFFFFF  }
0xa5: {  	s26 =	simm.s32 $execute0_lowered;
	[smem:$0x3FD2] =	sst s25  }
0xa6: {  	s5 =	sshll.u32 s26, $0x1;
	_ =	strace $0x8000004C;
	[dreg:$0x1] =	wrdreg $0xFFFFFFFF  }
0xa7: {  	s28 =	simm.s32 $_size_execute0_lowered;
	s3 =	sadd.s32 s3, s5;
	[dreg:$0x0] =	wrdreg $0x0  }
0xa8: {  	s5 =	sshll.u32 s28, $0x1;
	[dreg:$0x2] =	wrdreg s3  }
0xa9: {  	[dreg:$0x3] =	wrdreg s5  }
0xaa: {  	[dreg:$0x4] =	wrdreg $0xC0  }
0xab: {  	_ =	task [dreg:s7], $0x5FFFF  }
0xac: {  	[dreg:$0x1] =	wrdreg $0xFFFFFFFF  }
0xad: {  	[dreg:$0x0] =	wrdreg $0x60  }
0xae: {  	[dreg:$0x2] =	wrdreg s2  }
0xaf: {  	[dreg:$0x3] =	wrdreg s24  }
0xb0: {  	[dreg:$0x4] =	wrdreg $0xA8000  }
0xb1: {  	[dreg:$0x5] =	wrdreg $0x9  }
0xb2: {  	_ =	task.clear_ibuf [dreg:s7], $0x6FFFF;
	_ =	strace $0x9000004C  }
0xb3: {  	s29 =	simm.s32 $0x9;
	_ =	strace $0x8000004E  }
0xb4: {  	_ =	swait.ge [sflag:s29], $0x1  }
0xb5: {  	[sflag:s29] =	ssyncadd.s32 $0xFFFFFFFF  }
0xb6: {  	_ =	strace $0x9000004E  }
0xb7: {  	_ =	sfence  }
0xb8: {  	s30 =	sld [smem:$0x0];
	_ =	sdelay $0x2  }
0xb9: {  	s31 =	sshll.u32 s1, $0xD;
	s1 =	sshrl.u32 s1, $0x2  }
0xba: {  	s3 =	sand.u32 $0x4000, s31;
	s1 =	sadd.s32 s1, s30  }
0xbb: {  	s0 =	sor.u32 s3, s0;
	s1 =	sshll.u32 s1, $0x11  }
0xbc: {  	s0 =	sor.u32 s1, s0  }
0xbd: {  	s0 =	sadd.s32 $0x8F2B, s0  }
0xbe: {  	[sflag:s0] =	ssyncadd.remote.s32 $0x1  }
0xbf: {  	_ =	sfence.sel $0xFFFF  }
0xc0: {  	[dreg:$0x0] =	wrdreg $0xFFFFFFFF;
	(pc) =	sbr.abs _section_cstart, $3  }
0xc1: {  	[dreg:$0x1] =	wrdreg $0xFFFFFFFF  }
0xc2: {  	_ =	task.clear_ibuf [dreg:s7], $0x2FFFF;
	_ =	strace $0x9FFFFFFF  }
0xc3: {  	(tm) =	ssettm $0x7FFFFFFF  }
tec
execute0_lowered:
.L_overlay_start_1:
0x0: {  	(tag) =	ssettag $0x1  }
0x1: {  	s1 =	rddreg [dreg:$0x0]  }
0x2: {  	s6 =	rddreg [dreg:$0x1]  }
0x3: {  	s2 =	rddreg [dreg:$0x2]  }
0x4: {  	s3 =	simm.s32 $0x0;
	s7 =	srdreg.scid;
	s0 =	stileid.u32  }
0x5: {  	s18 =	simm.s32 $0x1400;
	s19 =	simm.s32 $0x80;
	s20 =	simm.s32 $0x2800  }
0x6: {  	s21 =	simm.s32 $0x6800;
	s22 =	simm.s32 $0x1;
	s23 =	simm.s32 $0x2  }
0x7: {  	s24 =	simm.s32 $0x1380;
	s28 =	simm.s32 $0x0;
	[smem:$0x7FF] =	sst s3  }
0x8: {  	s5 =	sadd.s32 $0x40800, s6;
	s8 =	sadd.s32 $0xF600, s6;
	s7 =	sand.u32 $0x1, s7  }
0x9: {  	s9 =	sshll.u32 s0, $0x1;
	s11 =	smul.u32 $0x4F000, s0;
	s12 =	sadd.s32 $0x5600, s6  }
0xa: {  	s14 =	sadd.s32 $0x43000, s6;
	s15 =	sadd.s32 $0x128400, s2;
	s17 =	smul.u32 $0x13C00, s0  }
0xb: {  	p0 =	seq.s32 s0, $0xF;
	_ =	strace $0x8000004D;
	s10 =	ssub.s32 $0x2, s7  }
0xc: {  	s9 =	sor.u32 s7, s9;
	s26 =	smul.u32 $0x138800, s7;
	s13 =	sshrl.u32 s10, $0x1  }
0xd: {  	s9 =	smul.u32 $0x2800, s9;
	s25 =	sshrl.u32 s11, $0x2;
	s13 =	ssub.s32 s10, s13  }
0xe: {  	s16 =	sadd.s32 s25, s2;
	s30 =	sadd.s32 s17, s26;
	s10 =	sshrl.u32 s26, $0x3  }
0xf: {  	s17 =	simm.s32 $0x4;
	s25 =	simm.s32 $0x2700;
	s26 =	simm.s32 $0x2780  }
0x10: {  	s9 =	sshrl.u32 s9, $0x3;
	s11 =	sshrl.u32 s30, $0x3;
	s31 =	sadd.s32 s14, s10  }
0x11: {  	s13 =	smax.u32 s13, $0x1;
	s16 =	sshrl.u32 @!p0 s16, $0x3;
	s29 =	sadd.s32 $0x280, s9  }
0x12: {  	s6 =	sadd.s32 s8, s9;
	s7 =	sadd.s32 s12, s9;
	s10 =	sadd.s32 s14, s11  }
0x13: {  	s11 =	sadd.s32 $0x25080, s31;
	s9 =	sadd.s32 s12, s29;
	s12 =	sshll.u32 @!p0 s0, $0x6  }
0x14: {  	s14 =	sshrl.u32 @p0 s15, $0x3;
	s8 =	sadd.s32 s8, s29;
	s15 =	sor.u32 @!p0 $0x1C03, s12  }
.LBB2_1:
0x15: {  	s29 =	simm.s32 @p0 $0x1FC3  }
0x16: {  	[spmem:s14], [sflag:s29] =	dma.local @p0 [hbm:s5], $0x2080  }
0x17: {  	[spmem:s16], [sflag:s15] =	dma.local @!p0 [hbm:s5], $0x2780  }
0x18: {  	[tilespmem:s3], [sflag:$0x4] =	stream.linear.gather [hbm4b:s6+s3], $0x1400, $0x38;
	[tilespmem:$0x1E0C0] =	vst v63  }
0x19: {  	_ =	swait.ge [sflag:s17], $0x1400  }
0x1a: {  	[sflag:s17] =	ssyncset.done $0x0  }
0x1b: {  	[sflag:s17] =	ssyncadd.s32 $0xFFFFEC00  }
0x1c: {  	[tilespmem:s18], [sflag:$0x4] =	stream.linear.gather [hbm4b:s7+s3], $0x1400, $0x38;
	[tilespmem:$0x1E0C0] =	vst v63  }
0x1d: {  	_ =	swait.ge [sflag:s17], $0x1400  }
0x1e: {  	[sflag:s17] =	ssyncset.done $0x0  }
0x1f: {  	s29 =	simm.s32 @p0 $0x3;
	[sflag:s17] =	ssyncadd.s32 $0xFFFFEC00  }
0x20: {  	[tilespmem:s20], [sflag:$0x1] =	stream.indirect.gather [hbm4b:s1+s19], $0x80, s3, s19, $0xb8;
	[tilespmem:$0x1E0C0] =	vst v63  }
0x21: {  	_ =	swait.ge @p0 [sflag:s29], $0x2080  }
0x22: {  	[sflag:s29] =	ssyncset.done @p0 $0x0  }
0x23: {  	[sflag:s29] =	ssyncadd.s32 @p0 $0xFFFFDF80;
	s29 =	simm.s32 @!p0 $0x3  }
0x24: {  	_ =	swait.ge @!p0 [sflag:s29], $0x2780  }
0x25: {  	[sflag:s29] =	ssyncset.done @!p0 $0x0  }
0x26: {  	[sflag:s29] =	ssyncadd.s32 @!p0 $0xFFFFD880  }
0x27: {  	s29 =	simm.s32 $0x80;
	[bflag:$0x0] =	sbarrier.arrive $0xFFFF  }
0x28: {  	[tilespmem:s21], [sflag:$0x2] =	stream.indirect.gather [hbm4b:s1+s19], $0x80, s29, s19, $0xb8;
	[tilespmem:$0x1E0C0] =	vst v63  }
0x29: {  	_ =	swait.ge [sflag:s22], $0x4000  }
0x2a: {  	[sflag:s22] =	ssyncset.done $0x0  }
0x2b: {  	s29 =	simm.s32 $0x1400;
	[sflag:s22] =	ssyncadd.s32 $0xFFFFC000  }
0x2c: {  	[spmem:s2] =	stream.indirect.scatter.add.f32 [tilespmem:s20], [sflag:$0x4], $0x80, s29, s19, $0xb8;
	[tilespmem:$0x1E0C0] =	vst v63  }
0x2d: {  	_ =	swait.ge [sflag:s17], $0x4000  }
0x2e: {  	[sflag:s17] =	ssyncset.done $0x0  }
0x2f: {  	s29 =	simm.s32 $0x100;
	[sflag:s17] =	ssyncadd.s32 $0xFFFFC000  }
0x30: {  	[tilespmem:s20], [sflag:$0x1] =	stream.indirect.gather [hbm4b:s1+s19], $0x80, s29, s19, $0xb8;
	[tilespmem:$0x1E0C0] =	vst v63  }
0x31: {  	_ =	swait.ge [sflag:s23], $0x4000  }
0x32: {  	[sflag:s23] =	ssyncset.done $0x0  }
0x33: {  	s29 =	simm.s32 $0x1480;
	[sflag:s23] =	ssyncadd.s32 $0xFFFFC000  }
0x34: {  	[spmem:s2] =	stream.indirect.scatter.add.f32 [tilespmem:s21], [sflag:$0x4], $0x80, s29, s19, $0xb8;
	[tilespmem:$0x1E0C0] =	vst v63  }
0x35: {  	_ =	swait.ge [sflag:s17], $0x4000  }
0x36: {  	s30 =	simm.s32 $0x800;
	s29 =	simm.s32 $0x100;
	[sflag:s17] =	ssyncset.done $0x0  }
.LBB2_2:
0x37: {  	s31 =	sadd.s32 $0x80, s29  }
0x38: {  	[sflag:s17] =	ssyncadd.s32 $0xFFFFC000;
	s0 =	smov.u32 s30;
	s4 =	sadd.s32 $0x400, s30  }
0x39: {  	[tilespmem:s21], [sflag:$0x2] =	stream.indirect.gather [hbm4b:s1+s19], $0x80, s31, s19, $0xb8;
	[tilespmem:$0x1E0C0] =	vst v63  }
0x3a: {  	p1 =	sne.s32 s30, $0x4800;
	_ =	swait.ge [sflag:s22], $0x4000  }
0x3b: {  	[sflag:s22] =	ssyncset.done $0x0  }
0x3c: {  	s30 =	sadd.s32 $0x1400, s29;
	[sflag:s22] =	ssyncadd.s32 $0xFFFFC000  }
0x3d: {  	[spmem:s2] =	stream.indirect.scatter.add.f32 [tilespmem:s20], [sflag:$0x4], $0x80, s30, s19, $0xb8;
	[tilespmem:$0x1E0C0] =	vst v63  }
0x3e: {  	_ =	swait.ge [sflag:s17], $0x4000  }
0x3f: {  	[sflag:s17] =	ssyncset.done $0x0  }
0x40: {  	s30 =	sadd.s32 $0x100, s29;
	[sflag:s17] =	ssyncadd.s32 $0xFFFFC000  }
0x41: {  	[tilespmem:s20], [sflag:$0x1] =	stream.indirect.gather [hbm4b:s1+s19], $0x80, s30, s19, $0xb8;
	[tilespmem:$0x1E0C0] =	vst v63  }
0x42: {  	_ =	swait.ge [sflag:s23], $0x4000  }
.Ltmp0:
0x43: {  	[sflag:s23] =	ssyncset.done $0x0;
	(pc) =	sbr.rel @p1 .LBB2_2-.Ltmp0, $4  }
0x44: {  	s29 =	sadd.s32 $0x1480, s29;
	[sflag:s23] =	ssyncadd.s32 $0xFFFFC000  }
0x45: {  	[spmem:s2] =	stream.indirect.scatter.add.f32 [tilespmem:s21], [sflag:$0x4], $0x80, s29, s19, $0xb8;
	[tilespmem:$0x1E0C0] =	vst v63  }
0x46: {  	_ =	swait.ge [sflag:s17], $0x4000  }
0x47: {  	s30 =	smov.u32 s4;
	s29 =	sshra.s32 s0, $0x2;
	[sflag:s17] =	ssyncset.done $0x0  }
0x48: {  	s0 =	sadd.s32 $0x80, s29;
	[sflag:s17] =	ssyncadd.s32 $0xFFFFC000  }
0x49: {  	[tilespmem:s21], [sflag:$0x2] =	stream.indirect.gather [hbm4b:s1+s19], $0x80, s0, s19, $0xb8;
	[tilespmem:$0x1E0C0] =	vst v63  }
0x4a: {  	_ =	swait.ge [sflag:s22], $0x4000  }
0x4b: {  	[sflag:s22] =	ssyncset.done $0x0  }
0x4c: {  	s4 =	sadd.s32 $0x1400, s29;
	[sflag:s22] =	ssyncadd.s32 $0xFFFFC000  }
0x4d: {  	[spmem:s2] =	stream.indirect.scatter.add.f32 [tilespmem:s20], [sflag:$0x4], $0x80, s4, s19, $0xb8;
	[tilespmem:$0x1E0C0] =	vst v63  }
0x4e: {  	_ =	swait.ge [sflag:s17], $0x4000  }
0x4f: {  	[sflag:s17] =	ssyncset.done $0x0  }
0x50: {  	s31 =	sadd.s32 $0x100, s29;
	[sflag:s17] =	ssyncadd.s32 $0xFFFFC000  }
0x51: {  	[tilespmem:s20], [sflag:$0x1] =	stream.indirect.gather [hbm4b:s1+s19], $0x80, s31, s19, $0xb8;
	[tilespmem:$0x1E0C0] =	vst v63  }
0x52: {  	_ =	swait.ge [sflag:s23], $0x4000  }
0x53: {  	[sflag:s23] =	ssyncset.done $0x0  }
0x54: {  	s4 =	sadd.s32 $0x1480, s29;
	[sflag:s23] =	ssyncadd.s32 $0xFFFFC000  }
0x55: {  	[spmem:s2] =	stream.indirect.scatter.add.f32 [tilespmem:s21], [sflag:$0x4], $0x80, s4, s19, $0xb8;
	[tilespmem:$0x1E0C0] =	vst v63  }
0x56: {  	_ =	swait.ge [sflag:s17], $0x4000  }
0x57: {  	[sflag:s17] =	ssyncset.done $0x0  }
0x58: {  	[sflag:s17] =	ssyncadd.s32 $0xFFFFC000  }
0x59: {  	[tilespmem:s21], [sflag:$0x2] =	stream.indirect.gather [hbm4b:s1+s19], $0x80, s24, s19, $0xb8;
	[tilespmem:$0x1E0C0] =	vst v63  }
0x5a: {  	_ =	swait.ge [sflag:s22], $0x4000  }
0x5b: {  	[sflag:s22] =	ssyncset.done $0x0  }
0x5c: {  	[sflag:s22] =	ssyncadd.s32 $0xFFFFC000  }
0x5d: {  	[spmem:s2] =	stream.indirect.scatter.add.f32 [tilespmem:s20], [sflag:$0x4], $0x80, s25, s19, $0xb8;
	[tilespmem:$0x1E0C0] =	vst v63  }
0x5e: {  	_ =	swait.ge [sflag:s17], $0x4000  }
0x5f: {  	[sflag:s17] =	ssyncset.done $0x0  }
0x60: {  	[sflag:s17] =	ssyncadd.s32 $0xFFFFC000  }
0x61: {  	_ =	swait.ge [sflag:s23], $0x4000  }
0x62: {  	[sflag:s23] =	ssyncset.done $0x0  }
0x63: {  	[sflag:s23] =	ssyncadd.s32 $0xFFFFC000  }
0x64: {  	[spmem:s2] =	stream.indirect.scatter.add.f32 [tilespmem:s21], [sflag:$0x4], $0x80, s26, s19, $0xb8;
	[tilespmem:$0x1E0C0] =	vst v63  }
0x65: {  	_ =	swait.ge [sflag:s17], $0x4000  }
0x66: {  	[sflag:s17] =	ssyncset.done $0x0  }
0x67: {  	s31 =	simm.s32 $0x0;
	[sflag:s17] =	ssyncadd.s32 $0xFFFFC000  }
0x68: {  	[tilespmem:s31], [sflag:$0x4] =	stream.linear.gather [hbm4b:s8+s31], $0x1400, $0x38;
	[tilespmem:$0x1E0C0] =	vst v63  }
0x69: {  	_ =	swait.ge [sflag:s17], $0x1400  }
0x6a: {  	[sflag:s17] =	ssyncset.done $0x0  }
0x6b: {  	[sflag:s17] =	ssyncadd.s32 $0xFFFFEC00  }
0x6c: {  	[tilespmem:s18], [sflag:$0x4] =	stream.linear.gather [hbm4b:s9+s31], $0x1400, $0x38;
	[tilespmem:$0x1E0C0] =	vst v63  }
0x6d: {  	_ =	swait.ge [sflag:s17], $0x1400  }
0x6e: {  	[sflag:s17] =	ssyncset.done $0x0  }
0x6f: {  	[sflag:s17] =	ssyncadd.s32 $0xFFFFEC00  }
0x70: {  	[tilespmem:s20], [sflag:$0x1] =	stream.indirect.gather [hbm4b:s1+s19], $0x80, s31, s19, $0xb8;
	[tilespmem:$0x1E0C0] =	vst v63  }
0x71: {  	s4 =	simm.s32 $0x80  }
0x72: {  	[tilespmem:s21], [sflag:$0x2] =	stream.indirect.gather [hbm4b:s1+s19], $0x80, s4, s19, $0xb8;
	[tilespmem:$0x1E0C0] =	vst v63  }
0x73: {  	_ =	swait.ge [sflag:s22], $0x4000  }
0x74: {  	[sflag:s22] =	ssyncset.done $0x0  }
0x75: {  	s31 =	simm.s32 $0x1400;
	[sflag:s22] =	ssyncadd.s32 $0xFFFFC000  }
0x76: {  	[spmem:s2] =	stream.indirect.scatter.add.f32 [tilespmem:s20], [sflag:$0x4], $0x80, s31, s19, $0xb8;
	[tilespmem:$0x1E0C0] =	vst v63  }
0x77: {  	_ =	swait.ge [sflag:s17], $0x4000  }
0x78: {  	[sflag:s17] =	ssyncset.done $0x0  }
0x79: {  	s4 =	simm.s32 $0x100;
	[sflag:s17] =	ssyncadd.s32 $0xFFFFC000  }
0x7a: {  	[tilespmem:s20], [sflag:$0x1] =	stream.indirect.gather [hbm4b:s1+s19], $0x80, s4, s19, $0xb8;
	[tilespmem:$0x1E0C0] =	vst v63  }
0x7b: {  	_ =	swait.ge [sflag:s23], $0x4000  }
0x7c: {  	[sflag:s23] =	ssyncset.done $0x0  }
0x7d: {  	s31 =	simm.s32 $0x1480;
	[sflag:s23] =	ssyncadd.s32 $0xFFFFC000  }
0x7e: {  	[spmem:s2] =	stream.indirect.scatter.add.f32 [tilespmem:s21], [sflag:$0x4], $0x80, s31, s19, $0xb8;
	[tilespmem:$0x1E0C0] =	vst v63  }
0x7f: {  	_ =	swait.ge [sflag:s17], $0x4000  }
0x80: {  	s30 =	simm.s32 $0x800;
	s29 =	simm.s32 $0x100;
	[sflag:s17] =	ssyncset.done $0x0  }
.LBB2_4:
0x81: {  	s0 =	sadd.s32 $0x80, s29  }
0x82: {  	[sflag:s17] =	ssyncadd.s32 $0xFFFFC000;
	s4 =	smov.u32 s30;
	s31 =	sadd.s32 $0x400, s30  }
0x83: {  	[tilespmem:s21], [sflag:$0x2] =	stream.indirect.gather [hbm4b:s1+s19], $0x80, s0, s19, $0xb8;
	[tilespmem:$0x1E0C0] =	vst v63  }
0x84: {  	p1 =	sne.s32 s30, $0x4800;
	_ =	swait.ge [sflag:s22], $0x4000  }
0x85: {  	[sflag:s22] =	ssyncset.done $0x0  }
0x86: {  	s0 =	sadd.s32 $0x1400, s29;
	[sflag:s22] =	ssyncadd.s32 $0xFFFFC000  }
0x87: {  	[spmem:s2] =	stream.indirect.scatter.add.f32 [tilespmem:s20], [sflag:$0x4], $0x80, s0, s19, $0xb8;
	[tilespmem:$0x1E0C0] =	vst v63  }
0x88: {  	_ =	swait.ge [sflag:s17], $0x4000  }
0x89: {  	[sflag:s17] =	ssyncset.done $0x0  }
0x8a: {  	s0 =	sadd.s32 $0x100, s29;
	[sflag:s17] =	ssyncadd.s32 $0xFFFFC000  }
0x8b: {  	[tilespmem:s20], [sflag:$0x1] =	stream.indirect.gather [hbm4b:s1+s19], $0x80, s0, s19, $0xb8;
	[tilespmem:$0x1E0C0] =	vst v63  }
0x8c: {  	_ =	swait.ge [sflag:s23], $0x4000  }
.Ltmp1:
0x8d: {  	[sflag:s23] =	ssyncset.done $0x0;
	(pc) =	sbr.rel @p1 .LBB2_4-.Ltmp1, $4  }
0x8e: {  	s0 =	sadd.s32 $0x1480, s29;
	[sflag:s23] =	ssyncadd.s32 $0xFFFFC000  }
0x8f: {  	[spmem:s2] =	stream.indirect.scatter.add.f32 [tilespmem:s21], [sflag:$0x4], $0x80, s0, s19, $0xb8;
	[tilespmem:$0x1E0C0] =	vst v63  }
0x90: {  	_ =	swait.ge [sflag:s17], $0x4000  }
0x91: {  	s30 =	smov.u32 s31;
	s29 =	sshra.s32 s4, $0x2;
	[sflag:s17] =	ssyncset.done $0x0  }
0x92: {  	s0 =	sadd.s32 $0x80, s29;
	[sflag:s17] =	ssyncadd.s32 $0xFFFFC000  }
0x93: {  	[tilespmem:s21], [sflag:$0x2] =	stream.indirect.gather [hbm4b:s1+s19], $0x80, s0, s19, $0xb8;
	[tilespmem:$0x1E0C0] =	vst v63  }
0x94: {  	_ =	swait.ge [sflag:s22], $0x4000  }
0x95: {  	[sflag:s22] =	ssyncset.done $0x0  }
0x96: {  	s4 =	sadd.s32 $0x1400, s29;
	[sflag:s22] =	ssyncadd.s32 $0xFFFFC000  }
0x97: {  	[spmem:s2] =	stream.indirect.scatter.add.f32 [tilespmem:s20], [sflag:$0x4], $0x80, s4, s19, $0xb8;
	[tilespmem:$0x1E0C0] =	vst v63  }
0x98: {  	_ =	swait.ge [sflag:s17], $0x4000  }
0x99: {  	[sflag:s17] =	ssyncset.done $0x0  }
0x9a: {  	s30 =	sadd.s32 $0x100, s29;
	[sflag:s17] =	ssyncadd.s32 $0xFFFFC000  }
0x9b: {  	[tilespmem:s20], [sflag:$0x1] =	stream.indirect.gather [hbm4b:s1+s19], $0x80, s30, s19, $0xb8;
	[tilespmem:$0x1E0C0] =	vst v63  }
0x9c: {  	_ =	swait.ge [sflag:s23], $0x4000  }
0x9d: {  	[sflag:s23] =	ssyncset.done $0x0  }
0x9e: {  	s31 =	sadd.s32 $0x1480, s29;
	[sflag:s23] =	ssyncadd.s32 $0xFFFFC000  }
0x9f: {  	[spmem:s2] =	stream.indirect.scatter.add.f32 [tilespmem:s21], [sflag:$0x4], $0x80, s31, s19, $0xb8;
	[tilespmem:$0x1E0C0] =	vst v63  }
0xa0: {  	_ =	swait.ge [sflag:s17], $0x4000  }
0xa1: {  	[sflag:s17] =	ssyncset.done $0x0  }
0xa2: {  	[sflag:s17] =	ssyncadd.s32 $0xFFFFC000  }
0xa3: {  	[tilespmem:s21], [sflag:$0x2] =	stream.indirect.gather [hbm4b:s1+s19], $0x80, s24, s19, $0xb8;
	[tilespmem:$0x1E0C0] =	vst v63  }
0xa4: {  	_ =	swait.ge [sflag:s22], $0x4000  }
0xa5: {  	[sflag:s22] =	ssyncset.done $0x0  }
0xa6: {  	[sflag:s22] =	ssyncadd.s32 $0xFFFFC000  }
0xa7: {  	[spmem:s2] =	stream.indirect.scatter.add.f32 [tilespmem:s20], [sflag:$0x4], $0x80, s25, s19, $0xb8;
	[tilespmem:$0x1E0C0] =	vst v63  }
0xa8: {  	_ =	swait.ge [sflag:s17], $0x4000  }
0xa9: {  	[sflag:s17] =	ssyncset.done $0x0  }
0xaa: {  	[sflag:s17] =	ssyncadd.s32 $0xFFFFC000  }
0xab: {  	_ =	swait.ge [sflag:s23], $0x4000  }
0xac: {  	[sflag:s23] =	ssyncset.done $0x0  }
0xad: {  	[sflag:s23] =	ssyncadd.s32 $0xFFFFC000  }
0xae: {  	[spmem:s2] =	stream.indirect.scatter.add.f32 [tilespmem:s21], [sflag:$0x4], $0x80, s26, s19, $0xb8;
	[tilespmem:$0x1E0C0] =	vst v63  }
0xaf: {  	_ =	swait.ge [sflag:s17], $0x4000  }
0xb0: {  	[sflag:s17] =	ssyncset.done $0x0  }
0xb1: {  	[sflag:s17] =	ssyncadd.s32 $0xFFFFC000  }
0xb2: {  	s0 =	simm.s32 @p0 $0x1FC4;
	[bflag:$0x0] =	sbarrier.arrive $0xFFFF  }
0xb3: {  	[hbm:s11], [sflag:s0] =	dma.local @p0 [spmem:s14], $0x2080  }
0xb4: {  	s0 =	simm.s32 @p0 $0x4  }
0xb5: {  	_ =	swait.ge @p0 [sflag:s0], $0x2080  }
0xb6: {  	s28 =	sadd.s32 $0x1, s28;
	[sflag:s0] =	ssyncset.done @p0 $0x0  }
0xb7: {  	p1 =	sne.s32 s28, s13;
	[sflag:s0] =	ssyncadd.s32 @p0 $0xFFFFDF80;
	s0 =	sor.u32 @!p0 $0x1C04, s12  }
0xb8: {  	[hbm:s10], [sflag:s0] =	dma.local @!p0 [spmem:s16], $0x2780  }
.Ltmp2:
0xb9: {  	_ = 	snop;
	(pc) =	sbr.rel @p1 .LBB2_1-.Ltmp2, $4  }
0xba: {  	s0 =	simm.s32 @!p0 $0x4  }
0xbb: {  	_ =	swait.ge @!p0 [sflag:s0], $0x2780  }
0xbc: {  	[sflag:s0] =	ssyncset.done @!p0 $0x0  }
0xbd: {  	[sflag:s0] =	ssyncadd.s32 @!p0 $0xFFFFD880  }
0xbe: {  	_ =	sfence.sel $0x180000  }
0xbf: {  	[bflag:$0x0] =	sbarrier.arrive $0xFFFF  }
0xc0: {  	_ =	strace $0x9000004D  }
0xc1: {  	s0 =	stileid.u32;
	[bflag:$0x2] =	sbarrier.arrive $0xFFFF  }
0xc2: {  	p0 =	sne.s32 s0, $0x0;
	s0 =	rddreg [dreg:$0x3]  }
0xc3: {  	s0 =	sadd.s32 @!p0 $0x100000, s0  }
0xc4: {  	[sflag:s0] =	ssyncadd.tile.s32 @!p0 $0x1;
	_ =	shalt  }
.Lfunc_end2:
_tile_overlayer_lowered:
.L_overlay_start_2:
0xc5: {  	(tag) =	ssettag $0x2  }
0xc6: {  	s0 =	rddreg [dreg:$0x0];
	s2 =	stileid.u32  }
0xc7: {  	s1 =	rddreg [dreg:$0x1];
	p0 =	sne.s32 s2, $0x0  }
0xc8: {  	s3 =	rddreg [dreg:$0x2];
	[bflag:$0x3] =	sbarrier.arrive $0xFFFF;
	s2 =	simm.s32 @!p0 $0x1C04  }
0xc9: {  	[timem:s3], [sflag:s2] =	dma.local @!p0 [hbm:s0], s1  }
0xca: {  	s0 =	simm.s32 @!p0 $0x4  }
0xcb: {  	_ =	swait.ge @!p0 [sflag:s0], s1  }
0xcc: {  	s1 =	ssub.s32 @!p0 $0x0, s1;
	[sflag:s0] =	ssyncset.done @!p0 $0x0  }
0xcd: {  	[sflag:s0] =	ssyncadd.s32 @!p0 s1  }
0xce: {  	[bflag:$0x3] =	sbarrier.arrive $0xFFFF  }
0xcf: {  	_ =	shalt  }

// kernel: kernel.22.cloned.1.call-start
scs
__scs_entry_jumppad:
0x0: {  	(pc) =	sbr.rel $0x88, $3  }
0x1: {  	(tag) =	ssettag $0x0;
	lr =	simm.s32 $0x1  }
0x2: {  	[smem:$0x3F99] =	sst lr;
	_ =	strace $0xD0000000  }
0x3: {  	_ = 	snop  }
0x4: {  	_ = 	snop  }
0x5: {  	_ = 	snop  }
0x6: {  	_ = 	snop  }
0x7: {  	_ = 	snop  }
__scs_overlays_trampoline_lowered:
0x8: {  	[smem:$0x3FA8] =	sst s0  }
0x9: {  	[smem:$0x3FA9] =	sst s1  }
0xa: {  	[smem:$0x3FAA] =	sst s2  }
0xb: {  	[smem:$0x3FAB] =	sst s3  }
0xc: {  	[smem:$0x3FAC] =	sst s4  }
0xd: {  	[smem:$0x3FAD] =	sst s5  }
0xe: {  	[smem:$0x3FAE] =	sst s6  }
0xf: {  	[smem:$0x3FAF] =	sst s7  }
0x10: {  	[smem:$0x3FB0] =	sst s8  }
0x11: {  	[smem:$0x3FB1] =	sst s9;
	s0 =	simm.s32 @!p0 $0x0  }
0x12: {  	s1 =	sld [smem:$0x3F97];
	s0 =	simm.s32 @p0 $0x1  }
0x13: {  	[smem:$0x3FB2] =	sst s0;
	s0 =	simm.s32 @!p1 $0x0  }
0x14: {  	s2 =	sld [smem:$0x3F96];
	s0 =	simm.s32 @p1 $0x1  }
0x15: {  	[smem:$0x3FB3] =	sst s0;
	s0 =	simm.s32 @!p2 $0x0  }
0x16: {  	s3 =	sld [smem:$0x3FDB];
	s0 =	simm.s32 @p2 $0x1  }
0x17: {  	s4 =	simm.s32 $0x1BF5;
	[smem:$0x3FB5] =	sst s0  }
0x18: {  	s0 =	sld [smem:$0x3F98];
	_ =	swait.ge [sflag:s4], $0x0  }
0x19: {  	s7 =	sld [smem:$0x3F99]  }
0x1a: {  	s8 =	sadd.s32 $0xFFFFE003, lr  }
0x1b: {  	s9 =	sadd.s32 $0xFFFFFEF7, lr;
	s5 =	simm.s32 $0xFFFFFFFF;
	p2 =	slt.u32 s8, $0xFFFFF086  }
0x1c: {  	p1 =	slt.u32 s9, $0xF7A;
	s5 =	simm.s32 @!p2 $0x0  }
0x1d: {  	s5 =	simm.s32 @p1 $0x1;
	p0 =	seq.s32 s7, s2  }
0x1e: {  	s7 =	smul.u32 @!p0 $0xF7A, s2;
	p2 =	seq.s32 @!p0 s5, $0x0  }
0x1f: {  	s9 =	smul.u32 $0xF7A, s1;
	s8 =	simm.s32 @!p0 $0x1BF5;
	p2 =	por !p2, p0  }
0x20: {  	[sflag:s8] =	ssyncset.s32 @!p0 $0xFFFFF086;
	s6 =	sadd.s32 @!p0 s3, s7;
	s7 =	simm.s32 @!p0 $0x108  }
0x21: {  	s3 =	sadd.s32 s3, s9;
	s6 =	sadd.s32 @!p0 $0x88, s6;
	s7 =	simm.s32 @p2 $0x1082  }
0x22: {  	[simem:s7], [sflag:s8] =	dma.local @!p0 [hbm:s6], $0xF7A  }
0x23: {  	s9 =	sor.u32 $0xD0000000, s2;
	s6 =	simm.s32 $0x108;
	_ =	swait.ge @!p0 [sflag:s8], $0x0  }
0x24: {  	s3 =	sadd.s32 $0x88, s3;
	s6 =	simm.s32 @!p1 $0x1082;
	[sflag:s4] =	ssyncset.s32 $0xFFFFF086  }
0x25: {  	[simem:s6], [sflag:s4] =	dma.local [hbm:s3], $0xF7A  }
0x26: {  	[smem:$0x3F99] =	sst s1;
	(tag) =	ssettag s2;
	_ =	strace s9  }
0x27: {  	s1 =	sld [smem:$0x3FA9]  }
0x28: {  	s2 =	sld [smem:$0x3FAA]  }
0x29: {  	s4 =	sld [smem:$0x3FAC]  }
0x2a: {  	p0 =	seq.s32 s5, $0x0;
	s5 =	sld [smem:$0x3FAD]  }
0x2b: {  	s6 =	sld [smem:$0x3FAE]  }
0x2c: {  	s7 =	sld [smem:$0x3FAF]  }
0x2d: {  	s3 =	simm.s32 $0x108;
	s8 =	sld [smem:$0x3FB0]  }
0x2e: {  	s3 =	simm.s32 @!p0 $0x1082;
	s9 =	sld [smem:$0x3FB1]  }
0x2f: {  	lr =	sadd.s32 s0, s3;
	s0 =	sld [smem:$0x3FA8]  }
0x30: {  	s3 =	sld [smem:$0x3FAB]  }
0x31: {  	[smem:$0x3FB4] =	sst s10  }
0x32: {  	s10 =	sld [smem:$0x3FB2];
	_ =	sdelay $0x3  }
0x33: {  	p0 =	seq.s32 s10, $0x1;
	s10 =	sld [smem:$0x3FB4];
	_ =	sdelay $0x3  }
0x34: {  	[smem:$0x3FB4] =	sst s10  }
0x35: {  	s10 =	sld [smem:$0x3FB3];
	_ =	sdelay $0x3  }
0x36: {  	p1 =	seq.s32 s10, $0x1;
	s10 =	sld [smem:$0x3FB4];
	_ =	sdelay $0x3  }
0x37: {  	[smem:$0x3FB4] =	sst s10  }
0x38: {  	s10 =	sld [smem:$0x3FB5]  }
0x39: {  	_ = 	snop;
	(pc) =	sbr.ind lr, $3  }
0x3a: {  	_ = 	snop  }
0x3b: {  	_ = 	snop  }
0x3c: {  	p2 =	seq.s32 s10, $0x1;
	s10 =	sld [smem:$0x3FB4]  }
0x3d: {  	_ =	shalt  }
0x3e: {  	_ =	shalt  }
0x3f: {  	_ =	shalt  }
0x40: {  	_ =	shalt  }
0x41: {  	_ =	shalt  }
0x42: {  	_ =	shalt  }
0x43: {  	_ =	shalt  }
0x44: {  	_ =	shalt  }
0x45: {  	_ =	shalt  }
0x46: {  	_ =	shalt  }
0x47: {  	_ =	shalt  }
0x48: {  	_ =	shalt  }
0x49: {  	_ =	shalt  }
0x4a: {  	_ =	shalt  }
0x4b: {  	_ =	shalt  }
0x4c: {  	_ =	shalt  }
0x4d: {  	_ =	shalt  }
0x4e: {  	_ =	shalt  }
0x4f: {  	_ =	shalt  }
0x50: {  	_ =	shalt  }
0x51: {  	_ =	shalt  }
0x52: {  	_ =	shalt  }
0x53: {  	_ =	shalt  }
0x54: {  	_ =	shalt  }
0x55: {  	_ =	shalt  }
0x56: {  	_ =	shalt  }
0x57: {  	_ =	shalt  }
0x58: {  	_ =	shalt  }
0x59: {  	_ =	shalt  }
0x5a: {  	_ =	shalt  }
0x5b: {  	_ =	shalt  }
0x5c: {  	_ =	shalt  }
0x5d: {  	_ =	shalt  }
0x5e: {  	_ =	shalt  }
0x5f: {  	_ =	shalt  }
0x60: {  	_ =	shalt  }
0x61: {  	_ =	shalt  }
0x62: {  	_ =	shalt  }
0x63: {  	_ =	shalt  }
0x64: {  	_ =	shalt  }
0x65: {  	_ =	shalt  }
0x66: {  	_ =	shalt  }
0x67: {  	_ =	shalt  }
0x68: {  	_ =	shalt  }
0x69: {  	_ =	shalt  }
0x6a: {  	_ =	shalt  }
0x6b: {  	_ =	shalt  }
0x6c: {  	_ =	shalt  }
0x6d: {  	_ =	shalt  }
0x6e: {  	_ =	shalt  }
0x6f: {  	_ =	shalt  }
0x70: {  	_ =	shalt  }
0x71: {  	_ =	shalt  }
0x72: {  	_ =	shalt  }
0x73: {  	_ =	shalt  }
0x74: {  	_ =	shalt  }
0x75: {  	_ =	shalt  }
0x76: {  	_ =	shalt  }
0x77: {  	_ =	shalt  }
0x78: {  	_ =	shalt  }
0x79: {  	_ =	shalt  }
0x7a: {  	_ =	shalt  }
0x7b: {  	_ =	shalt  }
0x7c: {  	_ =	shalt  }
0x7d: {  	_ =	shalt  }
0x7e: {  	_ =	shalt  }
0x7f: {  	_ =	shalt  }
0x80: {  	_ =	shalt  }
0x81: {  	_ =	shalt  }
0x82: {  	_ =	shalt  }
0x83: {  	_ =	shalt  }
0x84: {  	_ =	shalt  }
0x85: {  	_ =	shalt  }
0x86: {  	_ =	shalt  }
0x87: {  	_ =	shalt  }
.Lfunc_end0:
.L_simem_size_0:
called_computation.3_lowered:
.L_overlay_start_0:
0x88: {  	s2 =	sld [smem:$0x3FD9]  }
0x89: {  	s3 =	sld [smem:$0x3FFE];
	_ =	sdelay $0x1  }
0x8a: {  	s1 =	srdreg.scid  }
0x8b: {  	s0 =	sand.u32 $0x1, s1  }
0x8c: {  	s17 =	sshll.u32 s0, $0xA;
	s2 =	sadd.s32 s3, s2  }
0x8d: {  	s2 =	sadd.s32 s2, s17  }
0x8e: {  	[smem:$0x3FC0] =	sst s2  }
0x8f: {  	_ = 	snop  }
0x90: {  	s2 =	sld [smem:$0x3FD0];
	(tm) =	ssettm $0x1  }
0x91: {  	s18 =	sld [smem:$0x3FFB];
	_ =	sdelay $0x3  }
0x92: {  	_ =	strace s18  }
0x93: {  	s3 =	sld [smem:$0x3FFC];
	_ =	sdelay $0x3  }
0x94: {  	_ =	strace s3  }
0x95: {  	s3 =	sld [smem:$0x3FFD];
	_ =	sdelay $0x3  }
0x96: {  	_ =	strace s3  }
0x97: {  	_ =	strace $0x8FFFFFFF  }
0x98: {  	s19 =	sld [smem:$0x3FDB];
	_ =	sdelay $0x1  }
0x99: {  	s4 =	simm.s32 $_scs_section_size  }
0x9a: {  	s5 =	simm.s32 $_size__tile_overlayer_lowered;
	s6 =	simm.s32 $_tile_overlayer_lowered  }
0x9b: {  	s22 =	simm.s32 $0x1BFF;
	s21 =	sshll.u32 s6, $0x1;
	s3 =	sadd.s32 s4, s19  }
0x9c: {  	s7 =	simm.s32 $0x0;
	s20 =	sshll.u32 s5, $0x1;
	s5 =	sadd.s32 s21, s3  }
0x9d: {  	[timem:s7], [sflag:s22] =	dma.local [hbm:s5], s20  }
0x9e: {  	_ =	swait.ge [sflag:s22], s20  }
0x9f: {  	s4 =	ssub.s32 $0x0, s20;
	[sflag:s22] =	ssyncset.done $0x0  }
0xa0: {  	[sflag:s22] =	ssyncadd.s32 s4;
	_ =	sdelay $0x1  }
0xa1: {  	s23 =	simm.s32 $0x1B8B  }
0xa2: {  	_ =	swait.ge [sflag:s23], $0x1  }
0xa3: {  	[sflag:s23] =	ssyncset.done $0x0  }
0xa4: {  	s25 =	simm.s32 $0x1B8E;
	s24 =	sld [smem:$0x3FFE];
	[sflag:s23] =	ssyncadd.s32 $0xFFFFFFFF  }
0xa5: {  	s26 =	simm.s32 $execute0_lowered;
	[smem:$0x3FD2] =	sst s25  }
0xa6: {  	s5 =	sshll.u32 s26, $0x1;
	_ =	strace $0x8000004F;
	[dreg:$0x1] =	wrdreg $0xFFFFFFFF  }
0xa7: {  	s28 =	simm.s32 $_size_execute0_lowered;
	s3 =	sadd.s32 s3, s5;
	[dreg:$0x0] =	wrdreg $0x0  }
0xa8: {  	s5 =	sshll.u32 s28, $0x1;
	[dreg:$0x2] =	wrdreg s3  }
0xa9: {  	[dreg:$0x3] =	wrdreg s5  }
0xaa: {  	[dreg:$0x4] =	wrdreg $0xC0  }
0xab: {  	_ =	task [dreg:s7], $0x5FFFF  }
0xac: {  	[dreg:$0x1] =	wrdreg $0xFFFFFFFF  }
0xad: {  	[dreg:$0x0] =	wrdreg $0x60  }
0xae: {  	[dreg:$0x2] =	wrdreg s2  }
0xaf: {  	[dreg:$0x3] =	wrdreg s24  }
0xb0: {  	[dreg:$0x4] =	wrdreg $0xA8000  }
0xb1: {  	[dreg:$0x5] =	wrdreg $0x9  }
0xb2: {  	_ =	task.clear_ibuf [dreg:s7], $0x6FFFF;
	_ =	strace $0x9000004F  }
0xb3: {  	s29 =	simm.s32 $0x9;
	_ =	strace $0x80000051  }
0xb4: {  	_ =	swait.ge [sflag:s29], $0x1  }
0xb5: {  	[sflag:s29] =	ssyncadd.s32 $0xFFFFFFFF  }
0xb6: {  	_ =	strace $0x90000051  }
0xb7: {  	_ =	sfence  }
0xb8: {  	s30 =	sld [smem:$0x0];
	_ =	sdelay $0x2  }
0xb9: {  	s31 =	sshll.u32 s1, $0xD;
	s1 =	sshrl.u32 s1, $0x2  }
0xba: {  	s3 =	sand.u32 $0x4000, s31;
	s1 =	sadd.s32 s1, s30  }
0xbb: {  	s0 =	sor.u32 s3, s0;
	s1 =	sshll.u32 s1, $0x11  }
0xbc: {  	s0 =	sor.u32 s1, s0  }
0xbd: {  	s0 =	sadd.s32 $0x8F2B, s0  }
0xbe: {  	[sflag:s0] =	ssyncadd.remote.s32 $0x1  }
0xbf: {  	_ =	sfence.sel $0xFFFF  }
0xc0: {  	[dreg:$0x0] =	wrdreg $0xFFFFFFFF;
	(pc) =	sbr.abs _section_cstart, $3  }
0xc1: {  	[dreg:$0x1] =	wrdreg $0xFFFFFFFF  }
0xc2: {  	_ =	task.clear_ibuf [dreg:s7], $0x2FFFF;
	_ =	strace $0x9FFFFFFF  }
0xc3: {  	(tm) =	ssettm $0x7FFFFFFF  }
tec
execute0_lowered:
.L_overlay_start_1:
0x0: {  	(tag) =	ssettag $0x1  }
0x1: {  	s1 =	rddreg [dreg:$0x0]  }
0x2: {  	s6 =	rddreg [dreg:$0x1]  }
0x3: {  	s2 =	rddreg [dreg:$0x2]  }
0x4: {  	s3 =	simm.s32 $0x0;
	s7 =	srdreg.scid;
	s0 =	stileid.u32  }
0x5: {  	s18 =	simm.s32 $0x1400;
	s19 =	simm.s32 $0x80;
	s20 =	simm.s32 $0x2800  }
0x6: {  	s21 =	simm.s32 $0x6800;
	s22 =	simm.s32 $0x1;
	s23 =	simm.s32 $0x2  }
0x7: {  	s24 =	simm.s32 $0x1380;
	s28 =	simm.s32 $0x0;
	[smem:$0x7FF] =	sst s3  }
0x8: {  	s5 =	sadd.s32 $0x40800, s6;
	s8 =	sadd.s32 $0xF600, s6;
	s7 =	sand.u32 $0x1, s7  }
0x9: {  	s9 =	sshll.u32 s0, $0x1;
	s11 =	smul.u32 $0x4F000, s0;
	s12 =	sadd.s32 $0x5600, s6  }
0xa: {  	s14 =	sadd.s32 $0x43000, s6;
	s15 =	sadd.s32 $0x128400, s2;
	s17 =	smul.u32 $0x13C00, s0  }
0xb: {  	p0 =	seq.s32 s0, $0xF;
	_ =	strace $0x80000050;
	s10 =	ssub.s32 $0x2, s7  }
0xc: {  	s9 =	sor.u32 s7, s9;
	s26 =	smul.u32 $0x138800, s7;
	s13 =	sshrl.u32 s10, $0x1  }
0xd: {  	s9 =	smul.u32 $0x2800, s9;
	s25 =	sshrl.u32 s11, $0x2;
	s13 =	ssub.s32 s10, s13  }
0xe: {  	s16 =	sadd.s32 s25, s2;
	s30 =	sadd.s32 s17, s26;
	s10 =	sshrl.u32 s26, $0x3  }
0xf: {  	s17 =	simm.s32 $0x4;
	s25 =	simm.s32 $0x2700;
	s26 =	simm.s32 $0x2780  }
0x10: {  	s9 =	sshrl.u32 s9, $0x3;
	s11 =	sshrl.u32 s30, $0x3;
	s31 =	sadd.s32 s14, s10  }
0x11: {  	s13 =	smax.u32 s13, $0x1;
	s16 =	sshrl.u32 @!p0 s16, $0x3;
	s29 =	sadd.s32 $0x280, s9  }
0x12: {  	s6 =	sadd.s32 s8, s9;
	s7 =	sadd.s32 s12, s9;
	s10 =	sadd.s32 s14, s11  }
0x13: {  	s11 =	sadd.s32 $0x25080, s31;
	s9 =	sadd.s32 s12, s29;
	s12 =	sshll.u32 @!p0 s0, $0x6  }
0x14: {  	s14 =	sshrl.u32 @p0 s15, $0x3;
	s8 =	sadd.s32 s8, s29;
	s15 =	sor.u32 @!p0 $0x1C03, s12  }
.LBB2_1:
0x15: {  	s29 =	simm.s32 @p0 $0x1FC3  }
0x16: {  	[spmem:s14], [sflag:s29] =	dma.local @p0 [hbm:s5], $0x2080  }
0x17: {  	[spmem:s16], [sflag:s15] =	dma.local @!p0 [hbm:s5], $0x2780  }
0x18: {  	[tilespmem:s3], [sflag:$0x4] =	stream.linear.gather [hbm4b:s6+s3], $0x1400, $0x38;
	[tilespmem:$0x1E0C0] =	vst v63  }
0x19: {  	_ =	swait.ge [sflag:s17], $0x1400  }
0x1a: {  	[sflag:s17] =	ssyncset.done $0x0  }
0x1b: {  	[sflag:s17] =	ssyncadd.s32 $0xFFFFEC00  }
0x1c: {  	[tilespmem:s18], [sflag:$0x4] =	stream.linear.gather [hbm4b:s7+s3], $0x1400, $0x38;
	[tilespmem:$0x1E0C0] =	vst v63  }
0x1d: {  	_ =	swait.ge [sflag:s17], $0x1400  }
0x1e: {  	[sflag:s17] =	ssyncset.done $0x0  }
0x1f: {  	s29 =	simm.s32 @p0 $0x3;
	[sflag:s17] =	ssyncadd.s32 $0xFFFFEC00  }
0x20: {  	[tilespmem:s20], [sflag:$0x1] =	stream.indirect.gather [hbm4b:s1+s19], $0x80, s3, s19, $0xb8;
	[tilespmem:$0x1E0C0] =	vst v63  }
0x21: {  	_ =	swait.ge @p0 [sflag:s29], $0x2080  }
0x22: {  	[sflag:s29] =	ssyncset.done @p0 $0x0  }
0x23: {  	[sflag:s29] =	ssyncadd.s32 @p0 $0xFFFFDF80;
	s29 =	simm.s32 @!p0 $0x3  }
0x24: {  	_ =	swait.ge @!p0 [sflag:s29], $0x2780  }
0x25: {  	[sflag:s29] =	ssyncset.done @!p0 $0x0  }
0x26: {  	[sflag:s29] =	ssyncadd.s32 @!p0 $0xFFFFD880  }
0x27: {  	s29 =	simm.s32 $0x80;
	[bflag:$0x0] =	sbarrier.arrive $0xFFFF  }
0x28: {  	[tilespmem:s21], [sflag:$0x2] =	stream.indirect.gather [hbm4b:s1+s19], $0x80, s29, s19, $0xb8;
	[tilespmem:$0x1E0C0] =	vst v63  }
0x29: {  	_ =	swait.ge [sflag:s22], $0x4000  }
0x2a: {  	[sflag:s22] =	ssyncset.done $0x0  }
0x2b: {  	s29 =	simm.s32 $0x1400;
	[sflag:s22] =	ssyncadd.s32 $0xFFFFC000  }
0x2c: {  	[spmem:s2] =	stream.indirect.scatter.add.f32 [tilespmem:s20], [sflag:$0x4], $0x80, s29, s19, $0xb8;
	[tilespmem:$0x1E0C0] =	vst v63  }
0x2d: {  	_ =	swait.ge [sflag:s17], $0x4000  }
0x2e: {  	[sflag:s17] =	ssyncset.done $0x0  }
0x2f: {  	s29 =	simm.s32 $0x100;
	[sflag:s17] =	ssyncadd.s32 $0xFFFFC000  }
0x30: {  	[tilespmem:s20], [sflag:$0x1] =	stream.indirect.gather [hbm4b:s1+s19], $0x80, s29, s19, $0xb8;
	[tilespmem:$0x1E0C0] =	vst v63  }
0x31: {  	_ =	swait.ge [sflag:s23], $0x4000  }
0x32: {  	[sflag:s23] =	ssyncset.done $0x0  }
0x33: {  	s29 =	simm.s32 $0x1480;
	[sflag:s23] =	ssyncadd.s32 $0xFFFFC000  }
0x34: {  	[spmem:s2] =	stream.indirect.scatter.add.f32 [tilespmem:s21], [sflag:$0x4], $0x80, s29, s19, $0xb8;
	[tilespmem:$0x1E0C0] =	vst v63  }
0x35: {  	_ =	swait.ge [sflag:s17], $0x4000  }
0x36: {  	s30 =	simm.s32 $0x800;
	s29 =	simm.s32 $0x100;
	[sflag:s17] =	ssyncset.done $0x0  }
.LBB2_2:
0x37: {  	s31 =	sadd.s32 $0x80, s29  }
0x38: {  	[sflag:s17] =	ssyncadd.s32 $0xFFFFC000;
	s0 =	smov.u32 s30;
	s4 =	sadd.s32 $0x400, s30  }
0x39: {  	[tilespmem:s21], [sflag:$0x2] =	stream.indirect.gather [hbm4b:s1+s19], $0x80, s31, s19, $0xb8;
	[tilespmem:$0x1E0C0] =	vst v63  }
0x3a: {  	p1 =	sne.s32 s30, $0x4800;
	_ =	swait.ge [sflag:s22], $0x4000  }
0x3b: {  	[sflag:s22] =	ssyncset.done $0x0  }
0x3c: {  	s30 =	sadd.s32 $0x1400, s29;
	[sflag:s22] =	ssyncadd.s32 $0xFFFFC000  }
0x3d: {  	[spmem:s2] =	stream.indirect.scatter.add.f32 [tilespmem:s20], [sflag:$0x4], $0x80, s30, s19, $0xb8;
	[tilespmem:$0x1E0C0] =	vst v63  }
0x3e: {  	_ =	swait.ge [sflag:s17], $0x4000  }
0x3f: {  	[sflag:s17] =	ssyncset.done $0x0  }
0x40: {  	s30 =	sadd.s32 $0x100, s29;
	[sflag:s17] =	ssyncadd.s32 $0xFFFFC000  }
0x41: {  	[tilespmem:s20], [sflag:$0x1] =	stream.indirect.gather [hbm4b:s1+s19], $0x80, s30, s19, $0xb8;
	[tilespmem:$0x1E0C0] =	vst v63  }
0x42: {  	_ =	swait.ge [sflag:s23], $0x4000  }
.Ltmp0:
0x43: {  	[sflag:s23] =	ssyncset.done $0x0;
	(pc) =	sbr.rel @p1 .LBB2_2-.Ltmp0, $4  }
0x44: {  	s29 =	sadd.s32 $0x1480, s29;
	[sflag:s23] =	ssyncadd.s32 $0xFFFFC000  }
0x45: {  	[spmem:s2] =	stream.indirect.scatter.add.f32 [tilespmem:s21], [sflag:$0x4], $0x80, s29, s19, $0xb8;
	[tilespmem:$0x1E0C0] =	vst v63  }
0x46: {  	_ =	swait.ge [sflag:s17], $0x4000  }
0x47: {  	s30 =	smov.u32 s4;
	s29 =	sshra.s32 s0, $0x2;
	[sflag:s17] =	ssyncset.done $0x0  }
0x48: {  	s0 =	sadd.s32 $0x80, s29;
	[sflag:s17] =	ssyncadd.s32 $0xFFFFC000  }
0x49: {  	[tilespmem:s21], [sflag:$0x2] =	stream.indirect.gather [hbm4b:s1+s19], $0x80, s0, s19, $0xb8;
	[tilespmem:$0x1E0C0] =	vst v63  }
0x4a: {  	_ =	swait.ge [sflag:s22], $0x4000  }
0x4b: {  	[sflag:s22] =	ssyncset.done $0x0  }
0x4c: {  	s4 =	sadd.s32 $0x1400, s29;
	[sflag:s22] =	ssyncadd.s32 $0xFFFFC000  }
0x4d: {  	[spmem:s2] =	stream.indirect.scatter.add.f32 [tilespmem:s20], [sflag:$0x4], $0x80, s4, s19, $0xb8;
	[tilespmem:$0x1E0C0] =	vst v63  }
0x4e: {  	_ =	swait.ge [sflag:s17], $0x4000  }
0x4f: {  	[sflag:s17] =	ssyncset.done $0x0  }
0x50: {  	s31 =	sadd.s32 $0x100, s29;
	[sflag:s17] =	ssyncadd.s32 $0xFFFFC000  }
0x51: {  	[tilespmem:s20], [sflag:$0x1] =	stream.indirect.gather [hbm4b:s1+s19], $0x80, s31, s19, $0xb8;
	[tilespmem:$0x1E0C0] =	vst v63  }
0x52: {  	_ =	swait.ge [sflag:s23], $0x4000  }
0x53: {  	[sflag:s23] =	ssyncset.done $0x0  }
0x54: {  	s4 =	sadd.s32 $0x1480, s29;
	[sflag:s23] =	ssyncadd.s32 $0xFFFFC000  }
0x55: {  	[spmem:s2] =	stream.indirect.scatter.add.f32 [tilespmem:s21], [sflag:$0x4], $0x80, s4, s19, $0xb8;
	[tilespmem:$0x1E0C0] =	vst v63  }
0x56: {  	_ =	swait.ge [sflag:s17], $0x4000  }
0x57: {  	[sflag:s17] =	ssyncset.done $0x0  }
0x58: {  	[sflag:s17] =	ssyncadd.s32 $0xFFFFC000  }
0x59: {  	[tilespmem:s21], [sflag:$0x2] =	stream.indirect.gather [hbm4b:s1+s19], $0x80, s24, s19, $0xb8;
	[tilespmem:$0x1E0C0] =	vst v63  }
0x5a: {  	_ =	swait.ge [sflag:s22], $0x4000  }
0x5b: {  	[sflag:s22] =	ssyncset.done $0x0  }
0x5c: {  	[sflag:s22] =	ssyncadd.s32 $0xFFFFC000  }
0x5d: {  	[spmem:s2] =	stream.indirect.scatter.add.f32 [tilespmem:s20], [sflag:$0x4], $0x80, s25, s19, $0xb8;
	[tilespmem:$0x1E0C0] =	vst v63  }
0x5e: {  	_ =	swait.ge [sflag:s17], $0x4000  }
0x5f: {  	[sflag:s17] =	ssyncset.done $0x0  }
0x60: {  	[sflag:s17] =	ssyncadd.s32 $0xFFFFC000  }
0x61: {  	_ =	swait.ge [sflag:s23], $0x4000  }
0x62: {  	[sflag:s23] =	ssyncset.done $0x0  }
0x63: {  	[sflag:s23] =	ssyncadd.s32 $0xFFFFC000  }
0x64: {  	[spmem:s2] =	stream.indirect.scatter.add.f32 [tilespmem:s21], [sflag:$0x4], $0x80, s26, s19, $0xb8;
	[tilespmem:$0x1E0C0] =	vst v63  }
0x65: {  	_ =	swait.ge [sflag:s17], $0x4000  }
0x66: {  	[sflag:s17] =	ssyncset.done $0x0  }
0x67: {  	s31 =	simm.s32 $0x0;
	[sflag:s17] =	ssyncadd.s32 $0xFFFFC000  }
0x68: {  	[tilespmem:s31], [sflag:$0x4] =	stream.linear.gather [hbm4b:s8+s31], $0x1400, $0x38;
	[tilespmem:$0x1E0C0] =	vst v63  }
0x69: {  	_ =	swait.ge [sflag:s17], $0x1400  }
0x6a: {  	[sflag:s17] =	ssyncset.done $0x0  }
0x6b: {  	[sflag:s17] =	ssyncadd.s32 $0xFFFFEC00  }
0x6c: {  	[tilespmem:s18], [sflag:$0x4] =	stream.linear.gather [hbm4b:s9+s31], $0x1400, $0x38;
	[tilespmem:$0x1E0C0] =	vst v63  }
0x6d: {  	_ =	swait.ge [sflag:s17], $0x1400  }
0x6e: {  	[sflag:s17] =	ssyncset.done $0x0  }
0x6f: {  	[sflag:s17] =	ssyncadd.s32 $0xFFFFEC00  }
0x70: {  	[tilespmem:s20], [sflag:$0x1] =	stream.indirect.gather [hbm4b:s1+s19], $0x80, s31, s19, $0xb8;
	[tilespmem:$0x1E0C0] =	vst v63  }
0x71: {  	s4 =	simm.s32 $0x80  }
0x72: {  	[tilespmem:s21], [sflag:$0x2] =	stream.indirect.gather [hbm4b:s1+s19], $0x80, s4, s19, $0xb8;
	[tilespmem:$0x1E0C0] =	vst v63  }
0x73: {  	_ =	swait.ge [sflag:s22], $0x4000  }
0x74: {  	[sflag:s22] =	ssyncset.done $0x0  }
0x75: {  	s31 =	simm.s32 $0x1400;
	[sflag:s22] =	ssyncadd.s32 $0xFFFFC000  }
0x76: {  	[spmem:s2] =	stream.indirect.scatter.add.f32 [tilespmem:s20], [sflag:$0x4], $0x80, s31, s19, $0xb8;
	[tilespmem:$0x1E0C0] =	vst v63  }
0x77: {  	_ =	swait.ge [sflag:s17], $0x4000  }
0x78: {  	[sflag:s17] =	ssyncset.done $0x0  }
0x79: {  	s4 =	simm.s32 $0x100;
	[sflag:s17] =	ssyncadd.s32 $0xFFFFC000  }
0x7a: {  	[tilespmem:s20], [sflag:$0x1] =	stream.indirect.gather [hbm4b:s1+s19], $0x80, s4, s19, $0xb8;
	[tilespmem:$0x1E0C0] =	vst v63  }
0x7b: {  	_ =	swait.ge [sflag:s23], $0x4000  }
0x7c: {  	[sflag:s23] =	ssyncset.done $0x0  }
0x7d: {  	s31 =	simm.s32 $0x1480;
	[sflag:s23] =	ssyncadd.s32 $0xFFFFC000  }
0x7e: {  	[spmem:s2] =	stream.indirect.scatter.add.f32 [tilespmem:s21], [sflag:$0x4], $0x80, s31, s19, $0xb8;
	[tilespmem:$0x1E0C0] =	vst v63  }
0x7f: {  	_ =	swait.ge [sflag:s17], $0x4000  }
0x80: {  	s30 =	simm.s32 $0x800;
	s29 =	simm.s32 $0x100;
	[sflag:s17] =	ssyncset.done $0x0  }
.LBB2_4:
0x81: {  	s0 =	sadd.s32 $0x80, s29  }
0x82: {  	[sflag:s17] =	ssyncadd.s32 $0xFFFFC000;
	s4 =	smov.u32 s30;
	s31 =	sadd.s32 $0x400, s30  }
0x83: {  	[tilespmem:s21], [sflag:$0x2] =	stream.indirect.gather [hbm4b:s1+s19], $0x80, s0, s19, $0xb8;
	[tilespmem:$0x1E0C0] =	vst v63  }
0x84: {  	p1 =	sne.s32 s30, $0x4800;
	_ =	swait.ge [sflag:s22], $0x4000  }
0x85: {  	[sflag:s22] =	ssyncset.done $0x0  }
0x86: {  	s0 =	sadd.s32 $0x1400, s29;
	[sflag:s22] =	ssyncadd.s32 $0xFFFFC000  }
0x87: {  	[spmem:s2] =	stream.indirect.scatter.add.f32 [tilespmem:s20], [sflag:$0x4], $0x80, s0, s19, $0xb8;
	[tilespmem:$0x1E0C0] =	vst v63  }
0x88: {  	_ =	swait.ge [sflag:s17], $0x4000  }
0x89: {  	[sflag:s17] =	ssyncset.done $0x0  }
0x8a: {  	s0 =	sadd.s32 $0x100, s29;
	[sflag:s17] =	ssyncadd.s32 $0xFFFFC000  }
0x8b: {  	[tilespmem:s20], [sflag:$0x1] =	stream.indirect.gather [hbm4b:s1+s19], $0x80, s0, s19, $0xb8;
	[tilespmem:$0x1E0C0] =	vst v63  }
0x8c: {  	_ =	swait.ge [sflag:s23], $0x4000  }
.Ltmp1:
0x8d: {  	[sflag:s23] =	ssyncset.done $0x0;
	(pc) =	sbr.rel @p1 .LBB2_4-.Ltmp1, $4  }
0x8e: {  	s0 =	sadd.s32 $0x1480, s29;
	[sflag:s23] =	ssyncadd.s32 $0xFFFFC000  }
0x8f: {  	[spmem:s2] =	stream.indirect.scatter.add.f32 [tilespmem:s21], [sflag:$0x4], $0x80, s0, s19, $0xb8;
	[tilespmem:$0x1E0C0] =	vst v63  }
0x90: {  	_ =	swait.ge [sflag:s17], $0x4000  }
0x91: {  	s30 =	smov.u32 s31;
	s29 =	sshra.s32 s4, $0x2;
	[sflag:s17] =	ssyncset.done $0x0  }
0x92: {  	s0 =	sadd.s32 $0x80, s29;
	[sflag:s17] =	ssyncadd.s32 $0xFFFFC000  }
0x93: {  	[tilespmem:s21], [sflag:$0x2] =	stream.indirect.gather [hbm4b:s1+s19], $0x80, s0, s19, $0xb8;
	[tilespmem:$0x1E0C0] =	vst v63  }
0x94: {  	_ =	swait.ge [sflag:s22], $0x4000  }
0x95: {  	[sflag:s22] =	ssyncset.done $0x0  }
0x96: {  	s4 =	sadd.s32 $0x1400, s29;
	[sflag:s22] =	ssyncadd.s32 $0xFFFFC000  }
0x97: {  	[spmem:s2] =	stream.indirect.scatter.add.f32 [tilespmem:s20], [sflag:$0x4], $0x80, s4, s19, $0xb8;
	[tilespmem:$0x1E0C0] =	vst v63  }
0x98: {  	_ =	swait.ge [sflag:s17], $0x4000  }
0x99: {  	[sflag:s17] =	ssyncset.done $0x0  }
0x9a: {  	s30 =	sadd.s32 $0x100, s29;
	[sflag:s17] =	ssyncadd.s32 $0xFFFFC000  }
0x9b: {  	[tilespmem:s20], [sflag:$0x1] =	stream.indirect.gather [hbm4b:s1+s19], $0x80, s30, s19, $0xb8;
	[tilespmem:$0x1E0C0] =	vst v63  }
0x9c: {  	_ =	swait.ge [sflag:s23], $0x4000  }
0x9d: {  	[sflag:s23] =	ssyncset.done $0x0  }
0x9e: {  	s31 =	sadd.s32 $0x1480, s29;
	[sflag:s23] =	ssyncadd.s32 $0xFFFFC000  }
0x9f: {  	[spmem:s2] =	stream.indirect.scatter.add.f32 [tilespmem:s21], [sflag:$0x4], $0x80, s31, s19, $0xb8;
	[tilespmem:$0x1E0C0] =	vst v63  }
0xa0: {  	_ =	swait.ge [sflag:s17], $0x4000  }
0xa1: {  	[sflag:s17] =	ssyncset.done $0x0  }
0xa2: {  	[sflag:s17] =	ssyncadd.s32 $0xFFFFC000  }
0xa3: {  	[tilespmem:s21], [sflag:$0x2] =	stream.indirect.gather [hbm4b:s1+s19], $0x80, s24, s19, $0xb8;
	[tilespmem:$0x1E0C0] =	vst v63  }
0xa4: {  	_ =	swait.ge [sflag:s22], $0x4000  }
0xa5: {  	[sflag:s22] =	ssyncset.done $0x0  }
0xa6: {  	[sflag:s22] =	ssyncadd.s32 $0xFFFFC000  }
0xa7: {  	[spmem:s2] =	stream.indirect.scatter.add.f32 [tilespmem:s20], [sflag:$0x4], $0x80, s25, s19, $0xb8;
	[tilespmem:$0x1E0C0] =	vst v63  }
0xa8: {  	_ =	swait.ge [sflag:s17], $0x4000  }
0xa9: {  	[sflag:s17] =	ssyncset.done $0x0  }
0xaa: {  	[sflag:s17] =	ssyncadd.s32 $0xFFFFC000  }
0xab: {  	_ =	swait.ge [sflag:s23], $0x4000  }
0xac: {  	[sflag:s23] =	ssyncset.done $0x0  }
0xad: {  	[sflag:s23] =	ssyncadd.s32 $0xFFFFC000  }
0xae: {  	[spmem:s2] =	stream.indirect.scatter.add.f32 [tilespmem:s21], [sflag:$0x4], $0x80, s26, s19, $0xb8;
	[tilespmem:$0x1E0C0] =	vst v63  }
0xaf: {  	_ =	swait.ge [sflag:s17], $0x4000  }
0xb0: {  	[sflag:s17] =	ssyncset.done $0x0  }
0xb1: {  	[sflag:s17] =	ssyncadd.s32 $0xFFFFC000  }
0xb2: {  	s0 =	simm.s32 @p0 $0x1FC4;
	[bflag:$0x0] =	sbarrier.arrive $0xFFFF  }
0xb3: {  	[hbm:s11], [sflag:s0] =	dma.local @p0 [spmem:s14], $0x2080  }
0xb4: {  	s0 =	simm.s32 @p0 $0x4  }
0xb5: {  	_ =	swait.ge @p0 [sflag:s0], $0x2080  }
0xb6: {  	s28 =	sadd.s32 $0x1, s28;
	[sflag:s0] =	ssyncset.done @p0 $0x0  }
0xb7: {  	p1 =	sne.s32 s28, s13;
	[sflag:s0] =	ssyncadd.s32 @p0 $0xFFFFDF80;
	s0 =	sor.u32 @!p0 $0x1C04, s12  }
0xb8: {  	[hbm:s10], [sflag:s0] =	dma.local @!p0 [spmem:s16], $0x2780  }
.Ltmp2:
0xb9: {  	_ = 	snop;
	(pc) =	sbr.rel @p1 .LBB2_1-.Ltmp2, $4  }
0xba: {  	s0 =	simm.s32 @!p0 $0x4  }
0xbb: {  	_ =	swait.ge @!p0 [sflag:s0], $0x2780  }
0xbc: {  	[sflag:s0] =	ssyncset.done @!p0 $0x0  }
0xbd: {  	[sflag:s0] =	ssyncadd.s32 @!p0 $0xFFFFD880  }
0xbe: {  	_ =	sfence.sel $0x180000  }
0xbf: {  	[bflag:$0x0] =	sbarrier.arrive $0xFFFF  }
0xc0: {  	_ =	strace $0x90000050  }
0xc1: {  	s0 =	stileid.u32;
	[bflag:$0x2] =	sbarrier.arrive $0xFFFF  }
0xc2: {  	p0 =	sne.s32 s0, $0x0;
	s0 =	rddreg [dreg:$0x3]  }
0xc3: {  	s0 =	sadd.s32 @!p0 $0x100000, s0  }
0xc4: {  	[sflag:s0] =	ssyncadd.tile.s32 @!p0 $0x1;
	_ =	shalt  }
.Lfunc_end2:
_tile_overlayer_lowered:
.L_overlay_start_2:
0xc5: {  	(tag) =	ssettag $0x2  }
0xc6: {  	s0 =	rddreg [dreg:$0x0];
	s2 =	stileid.u32  }
0xc7: {  	s1 =	rddreg [dreg:$0x1];
	p0 =	sne.s32 s2, $0x0  }
0xc8: {  	s3 =	rddreg [dreg:$0x2];
	[bflag:$0x3] =	sbarrier.arrive $0xFFFF;
	s2 =	simm.s32 @!p0 $0x1C04  }
0xc9: {  	[timem:s3], [sflag:s2] =	dma.local @!p0 [hbm:s0], s1  }
0xca: {  	s0 =	simm.s32 @!p0 $0x4  }
0xcb: {  	_ =	swait.ge @!p0 [sflag:s0], s1  }
0xcc: {  	s1 =	ssub.s32 @!p0 $0x0, s1;
	[sflag:s0] =	ssyncset.done @!p0 $0x0  }
0xcd: {  	[sflag:s0] =	ssyncadd.s32 @!p0 s1  }
0xce: {  	[bflag:$0x3] =	sbarrier.arrive $0xFFFF  }
0xcf: {  	_ =	shalt  }

// kernel: kernel.25.cloned.1.call-start
scs
__scs_entry_jumppad:
0x0: {  	(pc) =	sbr.rel $0x88, $3  }
0x1: {  	(tag) =	ssettag $0x0;
	lr =	simm.s32 $0x1  }
0x2: {  	[smem:$0x3F99] =	sst lr;
	_ =	strace $0xD0000000  }
0x3: {  	_ = 	snop  }
0x4: {  	_ = 	snop  }
0x5: {  	_ = 	snop  }
0x6: {  	_ = 	snop  }
0x7: {  	_ = 	snop  }
__scs_overlays_trampoline_lowered:
0x8: {  	[smem:$0x3FA8] =	sst s0  }
0x9: {  	[smem:$0x3FA9] =	sst s1  }
0xa: {  	[smem:$0x3FAA] =	sst s2  }
0xb: {  	[smem:$0x3FAB] =	sst s3  }
0xc: {  	[smem:$0x3FAC] =	sst s4  }
0xd: {  	[smem:$0x3FAD] =	sst s5  }
0xe: {  	[smem:$0x3FAE] =	sst s6  }
0xf: {  	[smem:$0x3FAF] =	sst s7  }
0x10: {  	[smem:$0x3FB0] =	sst s8  }
0x11: {  	[smem:$0x3FB1] =	sst s9;
	s0 =	simm.s32 @!p0 $0x0  }
0x12: {  	s1 =	sld [smem:$0x3F97];
	s0 =	simm.s32 @p0 $0x1  }
0x13: {  	[smem:$0x3FB2] =	sst s0;
	s0 =	simm.s32 @!p1 $0x0  }
0x14: {  	s2 =	sld [smem:$0x3F96];
	s0 =	simm.s32 @p1 $0x1  }
0x15: {  	[smem:$0x3FB3] =	sst s0;
	s0 =	simm.s32 @!p2 $0x0  }
0x16: {  	s3 =	sld [smem:$0x3FDB];
	s0 =	simm.s32 @p2 $0x1  }
0x17: {  	s4 =	simm.s32 $0x1BF5;
	[smem:$0x3FB5] =	sst s0  }
0x18: {  	s0 =	sld [smem:$0x3F98];
	_ =	swait.ge [sflag:s4], $0x0  }
0x19: {  	s7 =	sld [smem:$0x3F99]  }
0x1a: {  	s8 =	sadd.s32 $0xFFFFE003, lr  }
0x1b: {  	s9 =	sadd.s32 $0xFFFFFEF7, lr;
	s5 =	simm.s32 $0xFFFFFFFF;
	p2 =	slt.u32 s8, $0xFFFFF086  }
0x1c: {  	p1 =	slt.u32 s9, $0xF7A;
	s5 =	simm.s32 @!p2 $0x0  }
0x1d: {  	s5 =	simm.s32 @p1 $0x1;
	p0 =	seq.s32 s7, s2  }
0x1e: {  	s7 =	smul.u32 @!p0 $0xF7A, s2;
	p2 =	seq.s32 @!p0 s5, $0x0  }
0x1f: {  	s9 =	smul.u32 $0xF7A, s1;
	s8 =	simm.s32 @!p0 $0x1BF5;
	p2 =	por !p2, p0  }
0x20: {  	[sflag:s8] =	ssyncset.s32 @!p0 $0xFFFFF086;
	s6 =	sadd.s32 @!p0 s3, s7;
	s7 =	simm.s32 @!p0 $0x108  }
0x21: {  	s3 =	sadd.s32 s3, s9;
	s6 =	sadd.s32 @!p0 $0x88, s6;
	s7 =	simm.s32 @p2 $0x1082  }
0x22: {  	[simem:s7], [sflag:s8] =	dma.local @!p0 [hbm:s6], $0xF7A  }
0x23: {  	s9 =	sor.u32 $0xD0000000, s2;
	s6 =	simm.s32 $0x108;
	_ =	swait.ge @!p0 [sflag:s8], $0x0  }
0x24: {  	s3 =	sadd.s32 $0x88, s3;
	s6 =	simm.s32 @!p1 $0x1082;
	[sflag:s4] =	ssyncset.s32 $0xFFFFF086  }
0x25: {  	[simem:s6], [sflag:s4] =	dma.local [hbm:s3], $0xF7A  }
0x26: {  	[smem:$0x3F99] =	sst s1;
	(tag) =	ssettag s2;
	_ =	strace s9  }
0x27: {  	s1 =	sld [smem:$0x3FA9]  }
0x28: {  	s2 =	sld [smem:$0x3FAA]  }
0x29: {  	s4 =	sld [smem:$0x3FAC]  }
0x2a: {  	p0 =	seq.s32 s5, $0x0;
	s5 =	sld [smem:$0x3FAD]  }
0x2b: {  	s6 =	sld [smem:$0x3FAE]  }
0x2c: {  	s7 =	sld [smem:$0x3FAF]  }
0x2d: {  	s3 =	simm.s32 $0x108;
	s8 =	sld [smem:$0x3FB0]  }
0x2e: {  	s3 =	simm.s32 @!p0 $0x1082;
	s9 =	sld [smem:$0x3FB1]  }
0x2f: {  	lr =	sadd.s32 s0, s3;
	s0 =	sld [smem:$0x3FA8]  }
0x30: {  	s3 =	sld [smem:$0x3FAB]  }
0x31: {  	[smem:$0x3FB4] =	sst s10  }
0x32: {  	s10 =	sld [smem:$0x3FB2];
	_ =	sdelay $0x3  }
0x33: {  	p0 =	seq.s32 s10, $0x1;
	s10 =	sld [smem:$0x3FB4];
	_ =	sdelay $0x3  }
0x34: {  	[smem:$0x3FB4] =	sst s10  }
0x35: {  	s10 =	sld [smem:$0x3FB3];
	_ =	sdelay $0x3  }
0x36: {  	p1 =	seq.s32 s10, $0x1;
	s10 =	sld [smem:$0x3FB4];
	_ =	sdelay $0x3  }
0x37: {  	[smem:$0x3FB4] =	sst s10  }
0x38: {  	s10 =	sld [smem:$0x3FB5]  }
0x39: {  	_ = 	snop;
	(pc) =	sbr.ind lr, $3  }
0x3a: {  	_ = 	snop  }
0x3b: {  	_ = 	snop  }
0x3c: {  	p2 =	seq.s32 s10, $0x1;
	s10 =	sld [smem:$0x3FB4]  }
0x3d: {  	_ =	shalt  }
0x3e: {  	_ =	shalt  }
0x3f: {  	_ =	shalt  }
0x40: {  	_ =	shalt  }
0x41: {  	_ =	shalt  }
0x42: {  	_ =	shalt  }
0x43: {  	_ =	shalt  }
0x44: {  	_ =	shalt  }
0x45: {  	_ =	shalt  }
0x46: {  	_ =	shalt  }
0x47: {  	_ =	shalt  }
0x48: {  	_ =	shalt  }
0x49: {  	_ =	shalt  }
0x4a: {  	_ =	shalt  }
0x4b: {  	_ =	shalt  }
0x4c: {  	_ =	shalt  }
0x4d: {  	_ =	shalt  }
0x4e: {  	_ =	shalt  }
0x4f: {  	_ =	shalt  }
0x50: {  	_ =	shalt  }
0x51: {  	_ =	shalt  }
0x52: {  	_ =	shalt  }
0x53: {  	_ =	shalt  }
0x54: {  	_ =	shalt  }
0x55: {  	_ =	shalt  }
0x56: {  	_ =	shalt  }
0x57: {  	_ =	shalt  }
0x58: {  	_ =	shalt  }
0x59: {  	_ =	shalt  }
0x5a: {  	_ =	shalt  }
0x5b: {  	_ =	shalt  }
0x5c: {  	_ =	shalt  }
0x5d: {  	_ =	shalt  }
0x5e: {  	_ =	shalt  }
0x5f: {  	_ =	shalt  }
0x60: {  	_ =	shalt  }
0x61: {  	_ =	shalt  }
0x62: {  	_ =	shalt  }
0x63: {  	_ =	shalt  }
0x64: {  	_ =	shalt  }
0x65: {  	_ =	shalt  }
0x66: {  	_ =	shalt  }
0x67: {  	_ =	shalt  }
0x68: {  	_ =	shalt  }
0x69: {  	_ =	shalt  }
0x6a: {  	_ =	shalt  }
0x6b: {  	_ =	shalt  }
0x6c: {  	_ =	shalt  }
0x6d: {  	_ =	shalt  }
0x6e: {  	_ =	shalt  }
0x6f: {  	_ =	shalt  }
0x70: {  	_ =	shalt  }
0x71: {  	_ =	shalt  }
0x72: {  	_ =	shalt  }
0x73: {  	_ =	shalt  }
0x74: {  	_ =	shalt  }
0x75: {  	_ =	shalt  }
0x76: {  	_ =	shalt  }
0x77: {  	_ =	shalt  }
0x78: {  	_ =	shalt  }
0x79: {  	_ =	shalt  }
0x7a: {  	_ =	shalt  }
0x7b: {  	_ =	shalt  }
0x7c: {  	_ =	shalt  }
0x7d: {  	_ =	shalt  }
0x7e: {  	_ =	shalt  }
0x7f: {  	_ =	shalt  }
0x80: {  	_ =	shalt  }
0x81: {  	_ =	shalt  }
0x82: {  	_ =	shalt  }
0x83: {  	_ =	shalt  }
0x84: {  	_ =	shalt  }
0x85: {  	_ =	shalt  }
0x86: {  	_ =	shalt  }
0x87: {  	_ =	shalt  }
.Lfunc_end0:
.L_simem_size_0:
called_computation.4_lowered:
.L_overlay_start_0:
0x88: {  	s2 =	sld [smem:$0x3FD9]  }
0x89: {  	s3 =	sld [smem:$0x3FFE];
	_ =	sdelay $0x1  }
0x8a: {  	s1 =	srdreg.scid  }
0x8b: {  	s0 =	sand.u32 $0x1, s1  }
0x8c: {  	s17 =	sshll.u32 s0, $0xA;
	s2 =	sadd.s32 s3, s2  }
0x8d: {  	s2 =	sadd.s32 s2, s17  }
0x8e: {  	[smem:$0x3FC0] =	sst s2  }
0x8f: {  	_ = 	snop  }
0x90: {  	s2 =	sld [smem:$0x3FD0];
	(tm) =	ssettm $0x1  }
0x91: {  	s18 =	sld [smem:$0x3FFB];
	_ =	sdelay $0x3  }
0x92: {  	_ =	strace s18  }
0x93: {  	s3 =	sld [smem:$0x3FFC];
	_ =	sdelay $0x3  }
0x94: {  	_ =	strace s3  }
0x95: {  	s3 =	sld [smem:$0x3FFD];
	_ =	sdelay $0x3  }
0x96: {  	_ =	strace s3  }
0x97: {  	_ =	strace $0x8FFFFFFF  }
0x98: {  	s19 =	sld [smem:$0x3FDB];
	_ =	sdelay $0x1  }
0x99: {  	s4 =	simm.s32 $_scs_section_size  }
0x9a: {  	s5 =	simm.s32 $_size__tile_overlayer_lowered;
	s6 =	simm.s32 $_tile_overlayer_lowered  }
0x9b: {  	s22 =	simm.s32 $0x1BFF;
	s21 =	sshll.u32 s6, $0x1;
	s3 =	sadd.s32 s4, s19  }
0x9c: {  	s7 =	simm.s32 $0x0;
	s20 =	sshll.u32 s5, $0x1;
	s5 =	sadd.s32 s21, s3  }
0x9d: {  	[timem:s7], [sflag:s22] =	dma.local [hbm:s5], s20  }
0x9e: {  	_ =	swait.ge [sflag:s22], s20  }
0x9f: {  	s4 =	ssub.s32 $0x0, s20;
	[sflag:s22] =	ssyncset.done $0x0  }
0xa0: {  	[sflag:s22] =	ssyncadd.s32 s4;
	_ =	sdelay $0x1  }
0xa1: {  	s23 =	simm.s32 $0x1B8B  }
0xa2: {  	_ =	swait.ge [sflag:s23], $0x1  }
0xa3: {  	[sflag:s23] =	ssyncset.done $0x0  }
0xa4: {  	s25 =	simm.s32 $0x1B8E;
	s24 =	sld [smem:$0x3FFE];
	[sflag:s23] =	ssyncadd.s32 $0xFFFFFFFF  }
0xa5: {  	s26 =	simm.s32 $execute0_lowered;
	[smem:$0x3FD2] =	sst s25  }
0xa6: {  	s5 =	sshll.u32 s26, $0x1;
	_ =	strace $0x80000052;
	[dreg:$0x1] =	wrdreg $0xFFFFFFFF  }
0xa7: {  	s28 =	simm.s32 $_size_execute0_lowered;
	s3 =	sadd.s32 s3, s5;
	[dreg:$0x0] =	wrdreg $0x0  }
0xa8: {  	s5 =	sshll.u32 s28, $0x1;
	[dreg:$0x2] =	wrdreg s3  }
0xa9: {  	[dreg:$0x3] =	wrdreg s5  }
0xaa: {  	[dreg:$0x4] =	wrdreg $0xC0  }
0xab: {  	_ =	task [dreg:s7], $0x5FFFF  }
0xac: {  	[dreg:$0x1] =	wrdreg $0xFFFFFFFF  }
0xad: {  	[dreg:$0x0] =	wrdreg $0x60  }
0xae: {  	[dreg:$0x2] =	wrdreg s2  }
0xaf: {  	[dreg:$0x3] =	wrdreg s24  }
0xb0: {  	[dreg:$0x4] =	wrdreg $0xA8000  }
0xb1: {  	[dreg:$0x5] =	wrdreg $0x9  }
0xb2: {  	_ =	task.clear_ibuf [dreg:s7], $0x6FFFF;
	_ =	strace $0x90000052  }
0xb3: {  	s29 =	simm.s32 $0x9;
	_ =	strace $0x80000054  }
0xb4: {  	_ =	swait.ge [sflag:s29], $0x1  }
0xb5: {  	[sflag:s29] =	ssyncadd.s32 $0xFFFFFFFF  }
0xb6: {  	_ =	strace $0x90000054  }
0xb7: {  	_ =	sfence  }
0xb8: {  	s30 =	sld [smem:$0x0];
	_ =	sdelay $0x2  }
0xb9: {  	s31 =	sshll.u32 s1, $0xD;
	s1 =	sshrl.u32 s1, $0x2  }
0xba: {  	s3 =	sand.u32 $0x4000, s31;
	s1 =	sadd.s32 s1, s30  }
0xbb: {  	s0 =	sor.u32 s3, s0;
	s1 =	sshll.u32 s1, $0x11  }
0xbc: {  	s0 =	sor.u32 s1, s0  }
0xbd: {  	s0 =	sadd.s32 $0x8F2B, s0  }
0xbe: {  	[sflag:s0] =	ssyncadd.remote.s32 $0x1  }
0xbf: {  	_ =	sfence.sel $0xFFFF  }
0xc0: {  	[dreg:$0x0] =	wrdreg $0xFFFFFFFF;
	(pc) =	sbr.abs _section_cstart, $3  }
0xc1: {  	[dreg:$0x1] =	wrdreg $0xFFFFFFFF  }
0xc2: {  	_ =	task.clear_ibuf [dreg:s7], $0x2FFFF;
	_ =	strace $0x9FFFFFFF  }
0xc3: {  	(tm) =	ssettm $0x7FFFFFFF  }
tec
execute0_lowered:
.L_overlay_start_1:
0x0: {  	(tag) =	ssettag $0x1  }
0x1: {  	s1 =	rddreg [dreg:$0x0]  }
0x2: {  	s6 =	rddreg [dreg:$0x1]  }
0x3: {  	s2 =	rddreg [dreg:$0x2]  }
0x4: {  	s3 =	simm.s32 $0x0;
	s7 =	srdreg.scid;
	s0 =	stileid.u32  }
0x5: {  	s18 =	simm.s32 $0x1400;
	s19 =	simm.s32 $0x80;
	s20 =	simm.s32 $0x2800  }
0x6: {  	s21 =	simm.s32 $0x6800;
	s22 =	simm.s32 $0x1;
	s23 =	simm.s32 $0x2  }
0x7: {  	s24 =	simm.s32 $0x1380;
	s28 =	simm.s32 $0x0;
	[smem:$0x7FF] =	sst s3  }
0x8: {  	s5 =	sadd.s32 $0x40800, s6;
	s8 =	sadd.s32 $0xF600, s6;
	s7 =	sand.u32 $0x1, s7  }
0x9: {  	s9 =	sshll.u32 s0, $0x1;
	s11 =	smul.u32 $0x4F000, s0;
	s12 =	sadd.s32 $0x5600, s6  }
0xa: {  	s14 =	sadd.s32 $0x43000, s6;
	s15 =	sadd.s32 $0x128400, s2;
	s17 =	smul.u32 $0x13C00, s0  }
0xb: {  	p0 =	seq.s32 s0, $0xF;
	_ =	strace $0x80000053;
	s10 =	ssub.s32 $0x2, s7  }
0xc: {  	s9 =	sor.u32 s7, s9;
	s26 =	smul.u32 $0x138800, s7;
	s13 =	sshrl.u32 s10, $0x1  }
0xd: {  	s9 =	smul.u32 $0x2800, s9;
	s25 =	sshrl.u32 s11, $0x2;
	s13 =	ssub.s32 s10, s13  }
0xe: {  	s16 =	sadd.s32 s25, s2;
	s30 =	sadd.s32 s17, s26;
	s10 =	sshrl.u32 s26, $0x3  }
0xf: {  	s17 =	simm.s32 $0x4;
	s25 =	simm.s32 $0x2700;
	s26 =	simm.s32 $0x2780  }
0x10: {  	s9 =	sshrl.u32 s9, $0x3;
	s11 =	sshrl.u32 s30, $0x3;
	s31 =	sadd.s32 s14, s10  }
0x11: {  	s13 =	smax.u32 s13, $0x1;
	s16 =	sshrl.u32 @!p0 s16, $0x3;
	s29 =	sadd.s32 $0x280, s9  }
0x12: {  	s6 =	sadd.s32 s8, s9;
	s7 =	sadd.s32 s12, s9;
	s10 =	sadd.s32 s14, s11  }
0x13: {  	s11 =	sadd.s32 $0x25080, s31;
	s9 =	sadd.s32 s12, s29;
	s12 =	sshll.u32 @!p0 s0, $0x6  }
0x14: {  	s14 =	sshrl.u32 @p0 s15, $0x3;
	s8 =	sadd.s32 s8, s29;
	s15 =	sor.u32 @!p0 $0x1C03, s12  }
.LBB2_1:
0x15: {  	s29 =	simm.s32 @p0 $0x1FC3  }
0x16: {  	[spmem:s14], [sflag:s29] =	dma.local @p0 [hbm:s5], $0x2080  }
0x17: {  	[spmem:s16], [sflag:s15] =	dma.local @!p0 [hbm:s5], $0x2780  }
0x18: {  	[tilespmem:s3], [sflag:$0x4] =	stream.linear.gather [hbm4b:s6+s3], $0x1400, $0x38;
	[tilespmem:$0x1E0C0] =	vst v63  }
0x19: {  	_ =	swait.ge [sflag:s17], $0x1400  }
0x1a: {  	[sflag:s17] =	ssyncset.done $0x0  }
0x1b: {  	[sflag:s17] =	ssyncadd.s32 $0xFFFFEC00  }
0x1c: {  	[tilespmem:s18], [sflag:$0x4] =	stream.linear.gather [hbm4b:s7+s3], $0x1400, $0x38;
	[tilespmem:$0x1E0C0] =	vst v63  }
0x1d: {  	_ =	swait.ge [sflag:s17], $0x1400  }
0x1e: {  	[sflag:s17] =	ssyncset.done $0x0  }
0x1f: {  	s29 =	simm.s32 @p0 $0x3;
	[sflag:s17] =	ssyncadd.s32 $0xFFFFEC00  }
0x20: {  	[tilespmem:s20], [sflag:$0x1] =	stream.indirect.gather [hbm4b:s1+s19], $0x80, s3, s19, $0xb8;
	[tilespmem:$0x1E0C0] =	vst v63  }
0x21: {  	_ =	swait.ge @p0 [sflag:s29], $0x2080  }
0x22: {  	[sflag:s29] =	ssyncset.done @p0 $0x0  }
0x23: {  	[sflag:s29] =	ssyncadd.s32 @p0 $0xFFFFDF80;
	s29 =	simm.s32 @!p0 $0x3  }
0x24: {  	_ =	swait.ge @!p0 [sflag:s29], $0x2780  }
0x25: {  	[sflag:s29] =	ssyncset.done @!p0 $0x0  }
0x26: {  	[sflag:s29] =	ssyncadd.s32 @!p0 $0xFFFFD880  }
0x27: {  	s29 =	simm.s32 $0x80;
	[bflag:$0x0] =	sbarrier.arrive $0xFFFF  }
0x28: {  	[tilespmem:s21], [sflag:$0x2] =	stream.indirect.gather [hbm4b:s1+s19], $0x80, s29, s19, $0xb8;
	[tilespmem:$0x1E0C0] =	vst v63  }
0x29: {  	_ =	swait.ge [sflag:s22], $0x4000  }
0x2a: {  	[sflag:s22] =	ssyncset.done $0x0  }
0x2b: {  	s29 =	simm.s32 $0x1400;
	[sflag:s22] =	ssyncadd.s32 $0xFFFFC000  }
0x2c: {  	[spmem:s2] =	stream.indirect.scatter.add.f32 [tilespmem:s20], [sflag:$0x4], $0x80, s29, s19, $0xb8;
	[tilespmem:$0x1E0C0] =	vst v63  }
0x2d: {  	_ =	swait.ge [sflag:s17], $0x4000  }
0x2e: {  	[sflag:s17] =	ssyncset.done $0x0  }
0x2f: {  	s29 =	simm.s32 $0x100;
	[sflag:s17] =	ssyncadd.s32 $0xFFFFC000  }
0x30: {  	[tilespmem:s20], [sflag:$0x1] =	stream.indirect.gather [hbm4b:s1+s19], $0x80, s29, s19, $0xb8;
	[tilespmem:$0x1E0C0] =	vst v63  }
0x31: {  	_ =	swait.ge [sflag:s23], $0x4000  }
0x32: {  	[sflag:s23] =	ssyncset.done $0x0  }
0x33: {  	s29 =	simm.s32 $0x1480;
	[sflag:s23] =	ssyncadd.s32 $0xFFFFC000  }
0x34: {  	[spmem:s2] =	stream.indirect.scatter.add.f32 [tilespmem:s21], [sflag:$0x4], $0x80, s29, s19, $0xb8;
	[tilespmem:$0x1E0C0] =	vst v63  }
0x35: {  	_ =	swait.ge [sflag:s17], $0x4000  }
0x36: {  	s30 =	simm.s32 $0x800;
	s29 =	simm.s32 $0x100;
	[sflag:s17] =	ssyncset.done $0x0  }
.LBB2_2:
0x37: {  	s31 =	sadd.s32 $0x80, s29  }
0x38: {  	[sflag:s17] =	ssyncadd.s32 $0xFFFFC000;
	s0 =	smov.u32 s30;
	s4 =	sadd.s32 $0x400, s30  }
0x39: {  	[tilespmem:s21], [sflag:$0x2] =	stream.indirect.gather [hbm4b:s1+s19], $0x80, s31, s19, $0xb8;
	[tilespmem:$0x1E0C0] =	vst v63  }
0x3a: {  	p1 =	sne.s32 s30, $0x4800;
	_ =	swait.ge [sflag:s22], $0x4000  }
0x3b: {  	[sflag:s22] =	ssyncset.done $0x0  }
0x3c: {  	s30 =	sadd.s32 $0x1400, s29;
	[sflag:s22] =	ssyncadd.s32 $0xFFFFC000  }
0x3d: {  	[spmem:s2] =	stream.indirect.scatter.add.f32 [tilespmem:s20], [sflag:$0x4], $0x80, s30, s19, $0xb8;
	[tilespmem:$0x1E0C0] =	vst v63  }
0x3e: {  	_ =	swait.ge [sflag:s17], $0x4000  }
0x3f: {  	[sflag:s17] =	ssyncset.done $0x0  }
0x40: {  	s30 =	sadd.s32 $0x100, s29;
	[sflag:s17] =	ssyncadd.s32 $0xFFFFC000  }
0x41: {  	[tilespmem:s20], [sflag:$0x1] =	stream.indirect.gather [hbm4b:s1+s19], $0x80, s30, s19, $0xb8;
	[tilespmem:$0x1E0C0] =	vst v63  }
0x42: {  	_ =	swait.ge [sflag:s23], $0x4000  }
.Ltmp0:
0x43: {  	[sflag:s23] =	ssyncset.done $0x0;
	(pc) =	sbr.rel @p1 .LBB2_2-.Ltmp0, $4  }
0x44: {  	s29 =	sadd.s32 $0x1480, s29;
	[sflag:s23] =	ssyncadd.s32 $0xFFFFC000  }
0x45: {  	[spmem:s2] =	stream.indirect.scatter.add.f32 [tilespmem:s21], [sflag:$0x4], $0x80, s29, s19, $0xb8;
	[tilespmem:$0x1E0C0] =	vst v63  }
0x46: {  	_ =	swait.ge [sflag:s17], $0x4000  }
0x47: {  	s30 =	smov.u32 s4;
	s29 =	sshra.s32 s0, $0x2;
	[sflag:s17] =	ssyncset.done $0x0  }
0x48: {  	s0 =	sadd.s32 $0x80, s29;
	[sflag:s17] =	ssyncadd.s32 $0xFFFFC000  }
0x49: {  	[tilespmem:s21], [sflag:$0x2] =	stream.indirect.gather [hbm4b:s1+s19], $0x80, s0, s19, $0xb8;
	[tilespmem:$0x1E0C0] =	vst v63  }
0x4a: {  	_ =	swait.ge [sflag:s22], $0x4000  }
0x4b: {  	[sflag:s22] =	ssyncset.done $0x0  }
0x4c: {  	s4 =	sadd.s32 $0x1400, s29;
	[sflag:s22] =	ssyncadd.s32 $0xFFFFC000  }
0x4d: {  	[spmem:s2] =	stream.indirect.scatter.add.f32 [tilespmem:s20], [sflag:$0x4], $0x80, s4, s19, $0xb8;
	[tilespmem:$0x1E0C0] =	vst v63  }
0x4e: {  	_ =	swait.ge [sflag:s17], $0x4000  }
0x4f: {  	[sflag:s17] =	ssyncset.done $0x0  }
0x50: {  	s31 =	sadd.s32 $0x100, s29;
	[sflag:s17] =	ssyncadd.s32 $0xFFFFC000  }
0x51: {  	[tilespmem:s20], [sflag:$0x1] =	stream.indirect.gather [hbm4b:s1+s19], $0x80, s31, s19, $0xb8;
	[tilespmem:$0x1E0C0] =	vst v63  }
0x52: {  	_ =	swait.ge [sflag:s23], $0x4000  }
0x53: {  	[sflag:s23] =	ssyncset.done $0x0  }
0x54: {  	s4 =	sadd.s32 $0x1480, s29;
	[sflag:s23] =	ssyncadd.s32 $0xFFFFC000  }
0x55: {  	[spmem:s2] =	stream.indirect.scatter.add.f32 [tilespmem:s21], [sflag:$0x4], $0x80, s4, s19, $0xb8;
	[tilespmem:$0x1E0C0] =	vst v63  }
0x56: {  	_ =	swait.ge [sflag:s17], $0x4000  }
0x57: {  	[sflag:s17] =	ssyncset.done $0x0  }
0x58: {  	[sflag:s17] =	ssyncadd.s32 $0xFFFFC000  }
0x59: {  	[tilespmem:s21], [sflag:$0x2] =	stream.indirect.gather [hbm4b:s1+s19], $0x80, s24, s19, $0xb8;
	[tilespmem:$0x1E0C0] =	vst v63  }
0x5a: {  	_ =	swait.ge [sflag:s22], $0x4000  }
0x5b: {  	[sflag:s22] =	ssyncset.done $0x0  }
0x5c: {  	[sflag:s22] =	ssyncadd.s32 $0xFFFFC000  }
0x5d: {  	[spmem:s2] =	stream.indirect.scatter.add.f32 [tilespmem:s20], [sflag:$0x4], $0x80, s25, s19, $0xb8;
	[tilespmem:$0x1E0C0] =	vst v63  }
0x5e: {  	_ =	swait.ge [sflag:s17], $0x4000  }
0x5f: {  	[sflag:s17] =	ssyncset.done $0x0  }
0x60: {  	[sflag:s17] =	ssyncadd.s32 $0xFFFFC000  }
0x61: {  	_ =	swait.ge [sflag:s23], $0x4000  }
0x62: {  	[sflag:s23] =	ssyncset.done $0x0  }
0x63: {  	[sflag:s23] =	ssyncadd.s32 $0xFFFFC000  }
0x64: {  	[spmem:s2] =	stream.indirect.scatter.add.f32 [tilespmem:s21], [sflag:$0x4], $0x80, s26, s19, $0xb8;
	[tilespmem:$0x1E0C0] =	vst v63  }
0x65: {  	_ =	swait.ge [sflag:s17], $0x4000  }
0x66: {  	[sflag:s17] =	ssyncset.done $0x0  }
0x67: {  	s31 =	simm.s32 $0x0;
	[sflag:s17] =	ssyncadd.s32 $0xFFFFC000  }
0x68: {  	[tilespmem:s31], [sflag:$0x4] =	stream.linear.gather [hbm4b:s8+s31], $0x1400, $0x38;
	[tilespmem:$0x1E0C0] =	vst v63  }
0x69: {  	_ =	swait.ge [sflag:s17], $0x1400  }
0x6a: {  	[sflag:s17] =	ssyncset.done $0x0  }
0x6b: {  	[sflag:s17] =	ssyncadd.s32 $0xFFFFEC00  }
0x6c: {  	[tilespmem:s18], [sflag:$0x4] =	stream.linear.gather [hbm4b:s9+s31], $0x1400, $0x38;
	[tilespmem:$0x1E0C0] =	vst v63  }
0x6d: {  	_ =	swait.ge [sflag:s17], $0x1400  }
0x6e: {  	[sflag:s17] =	ssyncset.done $0x0  }
0x6f: {  	[sflag:s17] =	ssyncadd.s32 $0xFFFFEC00  }
0x70: {  	[tilespmem:s20], [sflag:$0x1] =	stream.indirect.gather [hbm4b:s1+s19], $0x80, s31, s19, $0xb8;
	[tilespmem:$0x1E0C0] =	vst v63  }
0x71: {  	s4 =	simm.s32 $0x80  }
0x72: {  	[tilespmem:s21], [sflag:$0x2] =	stream.indirect.gather [hbm4b:s1+s19], $0x80, s4, s19, $0xb8;
	[tilespmem:$0x1E0C0] =	vst v63  }
0x73: {  	_ =	swait.ge [sflag:s22], $0x4000  }
0x74: {  	[sflag:s22] =	ssyncset.done $0x0  }
0x75: {  	s31 =	simm.s32 $0x1400;
	[sflag:s22] =	ssyncadd.s32 $0xFFFFC000  }
0x76: {  	[spmem:s2] =	stream.indirect.scatter.add.f32 [tilespmem:s20], [sflag:$0x4], $0x80, s31, s19, $0xb8;
	[tilespmem:$0x1E0C0] =	vst v63  }
0x77: {  	_ =	swait.ge [sflag:s17], $0x4000  }
0x78: {  	[sflag:s17] =	ssyncset.done $0x0  }
0x79: {  	s4 =	simm.s32 $0x100;
	[sflag:s17] =	ssyncadd.s32 $0xFFFFC000  }
0x7a: {  	[tilespmem:s20], [sflag:$0x1] =	stream.indirect.gather [hbm4b:s1+s19], $0x80, s4, s19, $0xb8;
	[tilespmem:$0x1E0C0] =	vst v63  }
0x7b: {  	_ =	swait.ge [sflag:s23], $0x4000  }
0x7c: {  	[sflag:s23] =	ssyncset.done $0x0  }
0x7d: {  	s31 =	simm.s32 $0x1480;
	[sflag:s23] =	ssyncadd.s32 $0xFFFFC000  }
0x7e: {  	[spmem:s2] =	stream.indirect.scatter.add.f32 [tilespmem:s21], [sflag:$0x4], $0x80, s31, s19, $0xb8;
	[tilespmem:$0x1E0C0] =	vst v63  }
0x7f: {  	_ =	swait.ge [sflag:s17], $0x4000  }
0x80: {  	s30 =	simm.s32 $0x800;
	s29 =	simm.s32 $0x100;
	[sflag:s17] =	ssyncset.done $0x0  }
.LBB2_4:
0x81: {  	s0 =	sadd.s32 $0x80, s29  }
0x82: {  	[sflag:s17] =	ssyncadd.s32 $0xFFFFC000;
	s4 =	smov.u32 s30;
	s31 =	sadd.s32 $0x400, s30  }
0x83: {  	[tilespmem:s21], [sflag:$0x2] =	stream.indirect.gather [hbm4b:s1+s19], $0x80, s0, s19, $0xb8;
	[tilespmem:$0x1E0C0] =	vst v63  }
0x84: {  	p1 =	sne.s32 s30, $0x4800;
	_ =	swait.ge [sflag:s22], $0x4000  }
0x85: {  	[sflag:s22] =	ssyncset.done $0x0  }
0x86: {  	s0 =	sadd.s32 $0x1400, s29;
	[sflag:s22] =	ssyncadd.s32 $0xFFFFC000  }
0x87: {  	[spmem:s2] =	stream.indirect.scatter.add.f32 [tilespmem:s20], [sflag:$0x4], $0x80, s0, s19, $0xb8;
	[tilespmem:$0x1E0C0] =	vst v63  }
0x88: {  	_ =	swait.ge [sflag:s17], $0x4000  }
0x89: {  	[sflag:s17] =	ssyncset.done $0x0  }
0x8a: {  	s0 =	sadd.s32 $0x100, s29;
	[sflag:s17] =	ssyncadd.s32 $0xFFFFC000  }
0x8b: {  	[tilespmem:s20], [sflag:$0x1] =	stream.indirect.gather [hbm4b:s1+s19], $0x80, s0, s19, $0xb8;
	[tilespmem:$0x1E0C0] =	vst v63  }
0x8c: {  	_ =	swait.ge [sflag:s23], $0x4000  }
.Ltmp1:
0x8d: {  	[sflag:s23] =	ssyncset.done $0x0;
	(pc) =	sbr.rel @p1 .LBB2_4-.Ltmp1, $4  }
0x8e: {  	s0 =	sadd.s32 $0x1480, s29;
	[sflag:s23] =	ssyncadd.s32 $0xFFFFC000  }
0x8f: {  	[spmem:s2] =	stream.indirect.scatter.add.f32 [tilespmem:s21], [sflag:$0x4], $0x80, s0, s19, $0xb8;
	[tilespmem:$0x1E0C0] =	vst v63  }
0x90: {  	_ =	swait.ge [sflag:s17], $0x4000  }
0x91: {  	s30 =	smov.u32 s31;
	s29 =	sshra.s32 s4, $0x2;
	[sflag:s17] =	ssyncset.done $0x0  }
0x92: {  	s0 =	sadd.s32 $0x80, s29;
	[sflag:s17] =	ssyncadd.s32 $0xFFFFC000  }
0x93: {  	[tilespmem:s21], [sflag:$0x2] =	stream.indirect.gather [hbm4b:s1+s19], $0x80, s0, s19, $0xb8;
	[tilespmem:$0x1E0C0] =	vst v63  }
0x94: {  	_ =	swait.ge [sflag:s22], $0x4000  }
0x95: {  	[sflag:s22] =	ssyncset.done $0x0  }
0x96: {  	s4 =	sadd.s32 $0x1400, s29;
	[sflag:s22] =	ssyncadd.s32 $0xFFFFC000  }
0x97: {  	[spmem:s2] =	stream.indirect.scatter.add.f32 [tilespmem:s20], [sflag:$0x4], $0x80, s4, s19, $0xb8;
	[tilespmem:$0x1E0C0] =	vst v63  }
0x98: {  	_ =	swait.ge [sflag:s17], $0x4000  }
0x99: {  	[sflag:s17] =	ssyncset.done $0x0  }
0x9a: {  	s30 =	sadd.s32 $0x100, s29;
	[sflag:s17] =	ssyncadd.s32 $0xFFFFC000  }
0x9b: {  	[tilespmem:s20], [sflag:$0x1] =	stream.indirect.gather [hbm4b:s1+s19], $0x80, s30, s19, $0xb8;
	[tilespmem:$0x1E0C0] =	vst v63  }
0x9c: {  	_ =	swait.ge [sflag:s23], $0x4000  }
0x9d: {  	[sflag:s23] =	ssyncset.done $0x0  }
0x9e: {  	s31 =	sadd.s32 $0x1480, s29;
	[sflag:s23] =	ssyncadd.s32 $0xFFFFC000  }
0x9f: {  	[spmem:s2] =	stream.indirect.scatter.add.f32 [tilespmem:s21], [sflag:$0x4], $0x80, s31, s19, $0xb8;
	[tilespmem:$0x1E0C0] =	vst v63  }
0xa0: {  	_ =	swait.ge [sflag:s17], $0x4000  }
0xa1: {  	[sflag:s17] =	ssyncset.done $0x0  }
0xa2: {  	[sflag:s17] =	ssyncadd.s32 $0xFFFFC000  }
0xa3: {  	[tilespmem:s21], [sflag:$0x2] =	stream.indirect.gather [hbm4b:s1+s19], $0x80, s24, s19, $0xb8;
	[tilespmem:$0x1E0C0] =	vst v63  }
0xa4: {  	_ =	swait.ge [sflag:s22], $0x4000  }
0xa5: {  	[sflag:s22] =	ssyncset.done $0x0  }
0xa6: {  	[sflag:s22] =	ssyncadd.s32 $0xFFFFC000  }
0xa7: {  	[spmem:s2] =	stream.indirect.scatter.add.f32 [tilespmem:s20], [sflag:$0x4], $0x80, s25, s19, $0xb8;
	[tilespmem:$0x1E0C0] =	vst v63  }
0xa8: {  	_ =	swait.ge [sflag:s17], $0x4000  }
0xa9: {  	[sflag:s17] =	ssyncset.done $0x0  }
0xaa: {  	[sflag:s17] =	ssyncadd.s32 $0xFFFFC000  }
0xab: {  	_ =	swait.ge [sflag:s23], $0x4000  }
0xac: {  	[sflag:s23] =	ssyncset.done $0x0  }
0xad: {  	[sflag:s23] =	ssyncadd.s32 $0xFFFFC000  }
0xae: {  	[spmem:s2] =	stream.indirect.scatter.add.f32 [tilespmem:s21], [sflag:$0x4], $0x80, s26, s19, $0xb8;
	[tilespmem:$0x1E0C0] =	vst v63  }
0xaf: {  	_ =	swait.ge [sflag:s17], $0x4000  }
0xb0: {  	[sflag:s17] =	ssyncset.done $0x0  }
0xb1: {  	[sflag:s17] =	ssyncadd.s32 $0xFFFFC000  }
0xb2: {  	s0 =	simm.s32 @p0 $0x1FC4;
	[bflag:$0x0] =	sbarrier.arrive $0xFFFF  }
0xb3: {  	[hbm:s11], [sflag:s0] =	dma.local @p0 [spmem:s14], $0x2080  }
0xb4: {  	s0 =	simm.s32 @p0 $0x4  }
0xb5: {  	_ =	swait.ge @p0 [sflag:s0], $0x2080  }
0xb6: {  	s28 =	sadd.s32 $0x1, s28;
	[sflag:s0] =	ssyncset.done @p0 $0x0  }
0xb7: {  	p1 =	sne.s32 s28, s13;
	[sflag:s0] =	ssyncadd.s32 @p0 $0xFFFFDF80;
	s0 =	sor.u32 @!p0 $0x1C04, s12  }
0xb8: {  	[hbm:s10], [sflag:s0] =	dma.local @!p0 [spmem:s16], $0x2780  }
.Ltmp2:
0xb9: {  	_ = 	snop;
	(pc) =	sbr.rel @p1 .LBB2_1-.Ltmp2, $4  }
0xba: {  	s0 =	simm.s32 @!p0 $0x4  }
0xbb: {  	_ =	swait.ge @!p0 [sflag:s0], $0x2780  }
0xbc: {  	[sflag:s0] =	ssyncset.done @!p0 $0x0  }
0xbd: {  	[sflag:s0] =	ssyncadd.s32 @!p0 $0xFFFFD880  }
0xbe: {  	_ =	sfence.sel $0x180000  }
0xbf: {  	[bflag:$0x0] =	sbarrier.arrive $0xFFFF  }
0xc0: {  	_ =	strace $0x90000053  }
0xc1: {  	s0 =	stileid.u32;
	[bflag:$0x2] =	sbarrier.arrive $0xFFFF  }
0xc2: {  	p0 =	sne.s32 s0, $0x0;
	s0 =	rddreg [dreg:$0x3]  }
0xc3: {  	s0 =	sadd.s32 @!p0 $0x100000, s0  }
0xc4: {  	[sflag:s0] =	ssyncadd.tile.s32 @!p0 $0x1;
	_ =	shalt  }
.Lfunc_end2:
_tile_overlayer_lowered:
.L_overlay_start_2:
0xc5: {  	(tag) =	ssettag $0x2  }
0xc6: {  	s0 =	rddreg [dreg:$0x0];
	s2 =	stileid.u32  }
0xc7: {  	s1 =	rddreg [dreg:$0x1];
	p0 =	sne.s32 s2, $0x0  }
0xc8: {  	s3 =	rddreg [dreg:$0x2];
	[bflag:$0x3] =	sbarrier.arrive $0xFFFF;
	s2 =	simm.s32 @!p0 $0x1C04  }
0xc9: {  	[timem:s3], [sflag:s2] =	dma.local @!p0 [hbm:s0], s1  }
0xca: {  	s0 =	simm.s32 @!p0 $0x4  }
0xcb: {  	_ =	swait.ge @!p0 [sflag:s0], s1  }
0xcc: {  	s1 =	ssub.s32 @!p0 $0x0, s1;
	[sflag:s0] =	ssyncset.done @!p0 $0x0  }
0xcd: {  	[sflag:s0] =	ssyncadd.s32 @!p0 s1  }
0xce: {  	[bflag:$0x3] =	sbarrier.arrive $0xFFFF  }
0xcf: {  	_ =	shalt  }

</sc_bundles>
